<compile_context>
chip_gen: v7x
topology: tpu7x:2x2x1
jax: 0.10.2.dev20260603
libtpu: 0.0.44.dev20260713+nightly
codegen_flags: <defaults>
</compile_context>

<pallas_src>
import functools

import jax
import jax.numpy as jnp
from jax import lax
from jax.experimental import pallas as pl
from jax.experimental.pallas import tpu as pltpu
from jax.experimental.pallas import tpu_sc as plsc

N = 10000
E = 320000
D = 128
BN_EPS = 1e-5

NC = 2
NS = 16
NW = NC * NS
CHUNK = 128
NCK = 80
EPAD = NW * NCK * CHUNK
NR = N + CHUNK
RPS = N // NS
DEG_W = 16
NPAD = 10240
DROWS = NPAD // NS
NSLOT = 8

_mesh = plsc.VectorSubcoreMesh(core_axis_name="c", subcore_axis_name="s")
_sc_params = pltpu.CompilerParams(use_tc_tiling_on_sc=False)



@functools.partial(
    pl.kernel,
    out_type=jax.ShapeDtypeStruct((NC, NPAD, DEG_W), jnp.float32),
    mesh=_mesh,
    scratch_types=[
        pltpu.VMEM((NCK, CHUNK), jnp.int32),
        pltpu.VMEM((CHUNK, DEG_W), jnp.float32),
        pltpu.VMEM_SHARED((NPAD, DEG_W), jnp.float32),
        pltpu.SemaphoreType.DMA,
    ],
    compiler_params=_sc_params,
)
def _deg_kernel(dstR_hbm, ones_hbm, zeros_hbm, out_hbm, dst_v, ones_v, acc,
                sem):
    c = lax.axis_index("c")
    s = lax.axis_index("s")
    wid = c * NS + s

    pltpu.sync_copy(ones_hbm, ones_v)
    pltpu.sync_copy(dstR_hbm.at[wid], dst_v)
    r0 = s * DROWS
    pltpu.sync_copy(zeros_hbm.at[pl.ds(r0, DROWS)], acc.at[pl.ds(r0, DROWS)])
    plsc.subcore_barrier()

    @pl.loop(0, NCK // 8)
    def _wave(w):
        i0 = w * 8
        for k in range(8):
            pltpu.async_copy(ones_v, acc.at[dst_v.at[i0 + k]], sem, add=True)
        for k in range(8):
            pltpu.make_async_copy(ones_v, acc.at[dst_v.at[i0 + k]], sem).wait()

    plsc.subcore_barrier()
    pltpu.sync_copy(acc.at[pl.ds(r0, DROWS)], out_hbm.at[c, pl.ds(r0, DROWS)])


@functools.partial(
    pl.kernel,
    out_type=jax.ShapeDtypeStruct((NC, N, D), jnp.bfloat16),
    mesh=_mesh,
    scratch_types=[
        pltpu.VMEM((NCK, CHUNK), jnp.int32),
        pltpu.VMEM((NCK, CHUNK), jnp.int32),
        [pltpu.VMEM((CHUNK, D), jnp.bfloat16) for _ in range(NSLOT)],
        pltpu.VMEM_SHARED((NR, D), jnp.bfloat16),
        [pltpu.SemaphoreType.DMA for _ in range(NSLOT)],
        [pltpu.SemaphoreType.DMA for _ in range(NSLOT)],
    ],
    compiler_params=_sc_params,
)
def _agg_kernel(srcR_hbm, dstR_hbm, hp_hbm, out_hbm,
                src_v, dst_v, rows, acc, gsem, ssem):
    c = lax.axis_index("c")
    s = lax.axis_index("s")
    wid = c * NS + s

    zero32 = jnp.zeros((32,), jnp.bfloat16)

    @pl.loop(0, CHUNK)
    def _zfill(r):
        for k in range(D // 32):
            rows[0][r, pl.ds(k * 32, 32)] = zero32

    r0 = s * RPS
    for k in range(4):
        pltpu.sync_copy(rows[0], acc.at[pl.ds(r0 + k * CHUNK, CHUNK)])
    pltpu.sync_copy(rows[0].at[pl.ds(0, RPS - 4 * CHUNK)],
                    acc.at[pl.ds(r0 + 4 * CHUNK, RPS - 4 * CHUNK)])

    pltpu.sync_copy(srcR_hbm.at[wid], src_v)
    pltpu.sync_copy(dstR_hbm.at[wid], dst_v)

    for b in range(NSLOT - 1):
        pltpu.async_copy(hp_hbm.at[src_v.at[b]], rows[b], gsem[b])
    plsc.subcore_barrier()

    def _prepare(i_next, b_next, wait_prev):
        if wait_prev:
            pltpu.make_async_copy(rows[b_next],
                                  acc.at[dst_v.at[i_next]],
                                  ssem[b_next]).wait()
        pltpu.async_copy(hp_hbm.at[src_v.at[i_next]], rows[b_next],
                         gsem[b_next])

    @pl.loop(0, NCK // NSLOT)
    def _group(j):
        base = j * NSLOT
        for b in range(NSLOT):
            i = base + b
            pltpu.make_async_copy(hp_hbm.at[src_v.at[i]], rows[b],
                                  gsem[b]).wait()
            pltpu.async_copy(rows[b], acc.at[dst_v.at[i]], ssem[b], add=True)
            nb = (b + NSLOT - 1) % NSLOT
            if b == 0:
                @pl.when(j == 0)
                def _():
                    _prepare(i + NSLOT - 1, nb, False)

                @pl.when(jnp.logical_and(j > 0, i + NSLOT - 1 < NCK))
                def _():
                    _prepare(i + NSLOT - 1, nb, True)
            else:
                @pl.when(i + NSLOT - 1 < NCK)
                def _():
                    _prepare(i + NSLOT - 1, nb, True)

    for b in range(NSLOT):
        pltpu.make_async_copy(rows[b], acc.at[dst_v.at[b]], ssem[b]).wait()

    plsc.subcore_barrier()
    pltpu.sync_copy(acc.at[pl.ds(r0, RPS)], out_hbm.at[c, pl.ds(r0, RPS)])



_RB = 2000


def _mm_body(x_ref, w_ref, o_ref):
    o_ref[...] = jnp.dot(x_ref[...], w_ref[...],
                         preferred_element_type=jnp.float32)


def _matmul(x, w):
    return pl.pallas_call(
        _mm_body,
        out_shape=jax.ShapeDtypeStruct((N, D), jnp.float32),
        grid=(N // _RB,),
        in_specs=[
            pl.BlockSpec((_RB, D), lambda i: (i, 0)),
            pl.BlockSpec((D, D), lambda i: (0, 0)),
        ],
        out_specs=pl.BlockSpec((_RB, D), lambda i: (i, 0)),
    )(x, w)


def _prep_body(deg_ref, h0_ref, dis_ref, hp_ref):
    dblk = deg_ref[...]
    total = dblk[0, :, 0:1] + dblk[1, :, 0:1] + 1.0
    dis = lax.rsqrt(total)
    dis_ref[...] = jnp.broadcast_to(dis, (_RB, D))
    hp_ref[...] = (h0_ref[...] * dis).astype(jnp.bfloat16)


def _prep(deg, h0):
    return pl.pallas_call(
        _prep_body,
        out_shape=(
            jax.ShapeDtypeStruct((N, D), jnp.float32),
            jax.ShapeDtypeStruct((N, D), jnp.bfloat16),
        ),
        grid=(N // _RB,),
        in_specs=[
            pl.BlockSpec((NC, _RB, DEG_W), lambda i: (0, i, 0)),
            pl.BlockSpec((_RB, D), lambda i: (i, 0)),
        ],
        out_specs=(
            pl.BlockSpec((_RB, D), lambda i: (i, 0)),
            pl.BlockSpec((_RB, D), lambda i: (i, 0)),
        ),
    )(deg, h0)


def _mid_body(agg_ref, hp_ref, res_ref, dis_ref, b_ref, g_ref, be_ref, w_ref,
              y_ref, hpn_ref):
    inv = 1.0 / (1.0 + BN_EPS) ** 0.5
    ablk = agg_ref[...]
    dis = dis_ref[...]
    a = ablk[0].astype(jnp.float32) + ablk[1].astype(jnp.float32)
    z = dis * (a + hp_ref[...].astype(jnp.float32)) + b_ref[...]
    z = z * (g_ref[...] * inv) + be_ref[...]
    y = jnp.maximum(z, 0.0) + res_ref[...]
    y_ref[...] = y
    h = jnp.dot(y, w_ref[...], preferred_element_type=jnp.float32)
    hpn_ref[...] = (dis * h).astype(jnp.bfloat16)


def _mid(agg, hp, res, dis, b, g, be, w):
    return pl.pallas_call(
        _mid_body,
        out_shape=(
            jax.ShapeDtypeStruct((N, D), jnp.float32),
            jax.ShapeDtypeStruct((N, D), jnp.bfloat16),
        ),
        grid=(N // _RB,),
        in_specs=[
            pl.BlockSpec((NC, _RB, D), lambda i: (0, i, 0)),
            pl.BlockSpec((_RB, D), lambda i: (i, 0)),
            pl.BlockSpec((_RB, D), lambda i: (i, 0)),
            pl.BlockSpec((_RB, D), lambda i: (i, 0)),
            pl.BlockSpec((1, D), lambda i: (0, 0)),
            pl.BlockSpec((1, D), lambda i: (0, 0)),
            pl.BlockSpec((1, D), lambda i: (0, 0)),
            pl.BlockSpec((D, D), lambda i: (0, 0)),
        ],
        out_specs=(
            pl.BlockSpec((_RB, D), lambda i: (i, 0)),
            pl.BlockSpec((_RB, D), lambda i: (i, 0)),
        ),
    )(agg, hp, res, dis, b, g, be, w)


def _final_body(agg_ref, hp_ref, dis_ref, b_ref, o_ref):
    ablk = agg_ref[...]
    a = ablk[0].astype(jnp.float32) + ablk[1].astype(jnp.float32)
    o_ref[...] = (dis_ref[...] * (a + hp_ref[...].astype(jnp.float32))
                  + b_ref[...])


def _final(agg, hp, dis, b):
    return pl.pallas_call(
        _final_body,
        out_shape=jax.ShapeDtypeStruct((N, D), jnp.float32),
        grid=(N // _RB,),
        in_specs=[
            pl.BlockSpec((NC, _RB, D), lambda i: (0, i, 0)),
            pl.BlockSpec((_RB, D), lambda i: (i, 0)),
            pl.BlockSpec((_RB, D), lambda i: (i, 0)),
            pl.BlockSpec((1, D), lambda i: (0, 0)),
        ],
        out_specs=pl.BlockSpec((_RB, D), lambda i: (i, 0)),
    )(agg, hp, dis, b)



def kernel(x, edge_index, W0, b0, W1, b1, W2, b2, g0, be0, g1, be1):
    edge_index = edge_index.astype(jnp.int32)
    src = edge_index[0]
    dst = edge_index[1]
    npad = EPAD - E
    pad_iota = jnp.arange(npad, dtype=jnp.int32) % CHUNK
    srcR = jnp.concatenate([src, pad_iota]).reshape(NW, NCK, CHUNK)
    dstR = jnp.concatenate([dst, N + pad_iota]).reshape(NW, NCK, CHUNK)

    zeros_deg = jnp.zeros((NPAD, DEG_W), jnp.float32)
    ones_rows = jnp.ones((CHUNK, DEG_W), jnp.float32)
    b0r = b0.reshape(1, D)
    b1r = b1.reshape(1, D)
    b2r = b2.reshape(1, D)
    g0r = g0.reshape(1, D)
    g1r = g1.reshape(1, D)
    be0r = be0.reshape(1, D)
    be1r = be1.reshape(1, D)

    deg = _deg_kernel(dstR, ones_rows, zeros_deg)
    h0 = _matmul(x, W0)
    dis, hp0 = _prep(deg, h0)

    agg0 = _agg_kernel(srcR, dstR, hp0)
    y1, hp1 = _mid(agg0, hp0, x, dis, b0r, g0r, be0r, W1)

    agg1 = _agg_kernel(srcR, dstR, hp1)
    y2, hp2 = _mid(agg1, hp1, y1, dis, b1r, g1r, be1r, W2)

    agg2 = _agg_kernel(srcR, dstR, hp2)
    return _final(agg2, hp2, dis, b2r)

# --- scband reference (transcript-rebuilt; emitter-appended) ---
"""Pipeline reference for scband-advanced-gcn-17231408792366 (READ-ONLY COPY).

The authoritative reference and input builder live on the scoring server;
editing this copy changes nothing except your own understanding.
"""

import jax, jax.numpy as jnp
import numpy as np

N = 10000
E = 320000
D = 128
BN_EPS = 1e-5


def gcn_conv(x, edge_index, W, b):
    # torch_geometric GCNConv: add self-loops, symmetric normalization,
    # h = D^{-1/2} (A+I) D^{-1/2} X W + b
    n = x.shape[0]
    loop = jnp.arange(n, dtype=edge_index.dtype)
    src = jnp.concatenate([edge_index[0], loop])
    dst = jnp.concatenate([edge_index[1], loop])
    deg = jnp.zeros((n,), x.dtype).at[dst].add(jnp.ones_like(dst, dtype=x.dtype))
    deg_inv_sqrt = jnp.where(deg > 0, deg ** -0.5, 0.0)
    norm = deg_inv_sqrt[src] * deg_inv_sqrt[dst]
    h = x @ W
    msg = h[src] * norm[:, None]
    out = jnp.zeros((n, W.shape[1]), x.dtype).at[dst].add(msg)
    return out + b


def batch_norm_eval(x, gamma, beta):
    # BatchNorm1d in eval mode with default running stats (mean=0, var=1)
    return x / jnp.sqrt(1.0 + BN_EPS) * gamma + beta


def setup_inputs(seed: int = 0) -> dict:
    key = jax.random.key(seed)
    ks = jax.random.split(key, 12)
    x = jax.random.normal(ks[0], (N, D), dtype=jnp.float32)
    edge_index = jax.random.randint(ks[1], (2, E), 0, N)
    s = 1.0 / np.sqrt(D)
    W0 = jax.random.normal(ks[2], (D, D), dtype=jnp.float32) * s
    b0 = jnp.zeros((D,), jnp.float32)
    W1 = jax.random.normal(ks[3], (D, D), dtype=jnp.float32) * s
    b1 = jnp.zeros((D,), jnp.float32)
    W2 = jax.random.normal(ks[4], (D, D), dtype=jnp.float32) * s
    b2 = jnp.zeros((D,), jnp.float32)
    g0 = jnp.ones((D,), jnp.float32)
    be0 = jnp.zeros((D,), jnp.float32)
    g1 = jnp.ones((D,), jnp.float32)
    be1 = jnp.zeros((D,), jnp.float32)
    return {"x": x, "edge_index": edge_index, "W0": W0, "b0": b0, "W1": W1, "b1": b1, "W2": W2, "b2": b2, "g0": g0, "be0": be0, "g1": g1, "be1": be1}


def reference(x, edge_index, W0, b0, W1, b1, W2, b2, g0, be0, g1, be1):
    # AdvancedGCN forward, eval mode (dropout is a no-op), use_attention=False,
    # use_residual=True, input_dim == hidden_dim so residual = x directly.
    residual = x
    h = gcn_conv(x, edge_index, W0, b0)
    h = batch_norm_eval(h, g0, be0)
    h = jax.nn.relu(h)
    h = h + residual
    # middle layers: num_layers=3 -> one middle layer (index 1)
    residual = h
    h = gcn_conv(h, edge_index, W1, b1)
    h = batch_norm_eval(h, g1, be1)
    h = jax.nn.relu(h)
    h = h + residual
    # final layer
    h = gcn_conv(h, edge_index, W2, b2)
    return h

if __name__ == "__main__":
    import jax
    _d = setup_inputs()
    print(jax.jit(kernel)(*tuple(_d.values())))

</pallas_src>

<mosaic_0001>
#map = affine_map<(d0, d1) -> (0, 0, 0)>
#map1 = affine_map<(d0, d1) -> (0, 0)>
module attributes {stable_mosaic.version = 14 : i64} {
  func.func @_agg_kernel(%arg0: i32, %arg1: i32, %arg2: memref<32x80x128xi32, #tpu.memory_space<hbm>>, %arg3: memref<32x80x128xi32, #tpu.memory_space<hbm>>, %arg4: memref<10000x128xbf16, #tpu.memory_space<hbm>>, %arg5: memref<2x10000x128xbf16, #tpu.memory_space<hbm>>, %arg6: memref<80x128xi32, #tpu.memory_space<vmem>>, %arg7: memref<80x128xi32, #tpu.memory_space<vmem>>, %arg8: memref<128x128xbf16, #tpu.memory_space<vmem>>, %arg9: memref<128x128xbf16, #tpu.memory_space<vmem>>, %arg10: memref<128x128xbf16, #tpu.memory_space<vmem>>, %arg11: memref<128x128xbf16, #tpu.memory_space<vmem>>, %arg12: memref<128x128xbf16, #tpu.memory_space<vmem>>, %arg13: memref<128x128xbf16, #tpu.memory_space<vmem>>, %arg14: memref<128x128xbf16, #tpu.memory_space<vmem>>, %arg15: memref<128x128xbf16, #tpu.memory_space<vmem>>, %arg16: memref<10128x128xbf16, #tpu.memory_space<vmem_shared>>, %arg17: memref<!tpu.dma_semaphore, #tpu.memory_space<semaphore_mem>>, %arg18: memref<!tpu.dma_semaphore, #tpu.memory_space<semaphore_mem>>, %arg19: memref<!tpu.dma_semaphore, #tpu.memory_space<semaphore_mem>>, %arg20: memref<!tpu.dma_semaphore, #tpu.memory_space<semaphore_mem>>, %arg21: memref<!tpu.dma_semaphore, #tpu.memory_space<semaphore_mem>>, %arg22: memref<!tpu.dma_semaphore, #tpu.memory_space<semaphore_mem>>, %arg23: memref<!tpu.dma_semaphore, #tpu.memory_space<semaphore_mem>>, %arg24: memref<!tpu.dma_semaphore, #tpu.memory_space<semaphore_mem>>, %arg25: memref<!tpu.dma_semaphore, #tpu.memory_space<semaphore_mem>>, %arg26: memref<!tpu.dma_semaphore, #tpu.memory_space<semaphore_mem>>, %arg27: memref<!tpu.dma_semaphore, #tpu.memory_space<semaphore_mem>>, %arg28: memref<!tpu.dma_semaphore, #tpu.memory_space<semaphore_mem>>, %arg29: memref<!tpu.dma_semaphore, #tpu.memory_space<semaphore_mem>>, %arg30: memref<!tpu.dma_semaphore, #tpu.memory_space<semaphore_mem>>, %arg31: memref<!tpu.dma_semaphore, #tpu.memory_space<semaphore_mem>>, %arg32: memref<!tpu.dma_semaphore, #tpu.memory_space<semaphore_mem>>) attributes {dimension_semantics = [#tpu.dimension_semantics<core_parallel>, #tpu.dimension_semantics<subcore_parallel>], iteration_bounds = array<i64: 2, 16>, scalar_prefetch = 0 : i64, scratch_operands = 27 : i64, tpu.core_type = #tpu.core_type<sc_vector_subcore>, window_params = [{transform_indices = #map}, {transform_indices = #map}, {transform_indices = #map1}, {transform_indices = #map}]} {
    %mul3A = arith.constant 16 : i32
    %mul3A_0 = arith.muli %arg0, %mul3A : i32
    %add3A = arith.addi %mul3A_0, %arg1 : i32
    %broadcast_in_dim3A = arith.constant 0.000000e+00 : bf16
    %broadcast_in_dim3A_1 = vector.broadcast %broadcast_in_dim3A : bf16 to vector<32xbf16>
    %scan3A = arith.constant 0 : i32
    %scan3A_2 = arith.constant 128 : i32
    %scan3A_3 = arith.addi %scan3A, %scan3A_2 : i32
    %scan3A_4 = arith.constant 1 : i32
    scf.for %scan3A_127 = %scan3A to %scan3A_3 step %scan3A_4  : i32 {
      %mul3A_128 = arith.constant 1 : i32
      %mul3A_129 = arith.muli %scan3A_127, %mul3A_128 : i32
      %add3A_130 = arith.constant 0 : i32
      %add3A_131 = arith.addi %add3A_130, %mul3A_129 : i32
      %swap3A = arith.index_cast %add3A_131 : i32 to index
      %swap3A_132 = arith.constant 0 : index
      %swap3A_133 = tpu.vector_load %arg8[%swap3A, %swap3A_132] {strides = array<i32>} : memref<128x128xbf16, #tpu.memory_space<vmem>>, vector<1x32xbf16>,
      %swap3A_134 = vector.shape_cast %swap3A_133 : vector<1x32xbf16> to vector<32xbf16>
      %swap3A_135 = vector.shape_cast %broadcast_in_dim3A_1 : vector<32xbf16> to vector<1x32xbf16>
      tpu.vector_store %arg8[%swap3A, %swap3A_132], %swap3A_135 {strides = array<i32>} : memref<128x128xbf16, #tpu.memory_space<vmem>>, vector<1x32xbf16>,
      %swap3A_136 = arith.index_cast %add3A_131 : i32 to index
      %swap3A_137 = arith.constant 32 : index
      %swap3A_138 = tpu.vector_load %arg8[%swap3A_136, %swap3A_137] {strides = array<i32>} : memref<128x128xbf16, #tpu.memory_space<vmem>>, vector<1x32xbf16>,
      %swap3A_139 = vector.shape_cast %swap3A_138 : vector<1x32xbf16> to vector<32xbf16>
      %swap3A_140 = vector.shape_cast %broadcast_in_dim3A_1 : vector<32xbf16> to vector<1x32xbf16>
      tpu.vector_store %arg8[%swap3A_136, %swap3A_137], %swap3A_140 {strides = array<i32>} : memref<128x128xbf16, #tpu.memory_space<vmem>>, vector<1x32xbf16>,
      %swap3A_141 = arith.index_cast %add3A_131 : i32 to index
      %swap3A_142 = arith.constant 64 : index
      %swap3A_143 = tpu.vector_load %arg8[%swap3A_141, %swap3A_142] {strides = array<i32>} : memref<128x128xbf16, #tpu.memory_space<vmem>>, vector<1x32xbf16>,
      %swap3A_144 = vector.shape_cast %swap3A_143 : vector<1x32xbf16> to vector<32xbf16>
      %swap3A_145 = vector.shape_cast %broadcast_in_dim3A_1 : vector<32xbf16> to vector<1x32xbf16>
      tpu.vector_store %arg8[%swap3A_141, %swap3A_142], %swap3A_145 {strides = array<i32>} : memref<128x128xbf16, #tpu.memory_space<vmem>>, vector<1x32xbf16>,
      %swap3A_146 = arith.index_cast %add3A_131 : i32 to index
      %swap3A_147 = arith.constant 96 : index
      %swap3A_148 = tpu.vector_load %arg8[%swap3A_146, %swap3A_147] {strides = array<i32>} : memref<128x128xbf16, #tpu.memory_space<vmem>>, vector<1x32xbf16>,
      %swap3A_149 = vector.shape_cast %swap3A_148 : vector<1x32xbf16> to vector<32xbf16>
      %swap3A_150 = vector.shape_cast %broadcast_in_dim3A_1 : vector<32xbf16> to vector<1x32xbf16>
      tpu.vector_store %arg8[%swap3A_146, %swap3A_147], %swap3A_150 {strides = array<i32>} : memref<128x128xbf16, #tpu.memory_space<vmem>>, vector<1x32xbf16>,
    }
    %scan3A_5 = arith.constant 128 : i32
    %mul3A_6 = arith.constant 625 : i32
    %mul3A_7 = arith.muli %arg1, %mul3A_6 : i32
    %add3A_8 = arith.constant 0 : i32
    %add3A_9 = arith.addi %mul3A_7, %add3A_8 : i32
    "tpu.region"() ({
      %run_scoped3A = tpu.sem_alloc : memref<!tpu.dma_semaphore, #tpu.memory_space<semaphore_mem>>
      %dma_start3A_127 = arith.constant 0 : i32
      %dma_start3A_128 = tpu.memref_slice %arg16[%add3A_9, %dma_start3A_127] : memref<10128x128xbf16, #tpu.memory_space<vmem_shared>> -> memref<128x128xbf16, #tpu.memory_space<vmem_shared>>
      %dma_start3A_129 = arith.constant 0 : i32
      %dma_start3A_130 = tpu.memref_slice %arg16[%add3A_9, %dma_start3A_129] : memref<10128x128xbf16, #tpu.memory_space<vmem_shared>> -> memref<128x128xbf16, #tpu.memory_space<vmem_shared>>
      tpu.enqueue_dma source(%arg8 : memref<128x128xbf16, #tpu.memory_space<vmem>>) target(%dma_start3A_130 : memref<128x128xbf16, #tpu.memory_space<vmem_shared>>) target_semaphore(%run_scoped3A : memref<!tpu.dma_semaphore, #tpu.memory_space<semaphore_mem>>)
      %dma_wait3A_131 = arith.constant 0 : i32
      %dma_wait3A_132 = tpu.memref_slice %arg16[%add3A_9, %dma_wait3A_131] : memref<10128x128xbf16, #tpu.memory_space<vmem_shared>> -> memref<128x128xbf16, #tpu.memory_space<vmem_shared>>
      %dma_wait3A_133 = arith.constant 0 : i32
      %dma_wait3A_134 = tpu.memref_slice %arg16[%add3A_9, %dma_wait3A_133] : memref<10128x128xbf16, #tpu.memory_space<vmem_shared>> -> memref<128x128xbf16, #tpu.memory_space<vmem_shared>>
      tpu.wait_dma2 semaphore(%run_scoped3A : memref<!tpu.dma_semaphore, #tpu.memory_space<semaphore_mem>>) src(%arg8 : memref<128x128xbf16, #tpu.memory_space<vmem>>) dst(%dma_wait3A_134 : memref<128x128xbf16, #tpu.memory_space<vmem_shared>>)
      tpu.yield
    }) : () -> ()
    %add3A_10 = arith.constant 128 : i32
    %add3A_11 = arith.addi %mul3A_7, %add3A_10 : i32
    "tpu.region"() ({
      %run_scoped3A = tpu.sem_alloc : memref<!tpu.dma_semaphore, #tpu.memory_space<semaphore_mem>>
      %dma_start3A_127 = arith.constant 0 : i32
      %dma_start3A_128 = tpu.memref_slice %arg16[%add3A_11, %dma_start3A_127] : memref<10128x128xbf16, #tpu.memory_space<vmem_shared>> -> memref<128x128xbf16, #tpu.memory_space<vmem_shared>>
      %dma_start3A_129 = arith.constant 0 : i32
      %dma_start3A_130 = tpu.memref_slice %arg16[%add3A_11, %dma_start3A_129] : memref<10128x128xbf16, #tpu.memory_space<vmem_shared>> -> memref<128x128xbf16, #tpu.memory_space<vmem_shared>>
      tpu.enqueue_dma source(%arg8 : memref<128x128xbf16, #tpu.memory_space<vmem>>) target(%dma_start3A_130 : memref<128x128xbf16, #tpu.memory_space<vmem_shared>>) target_semaphore(%run_scoped3A : memref<!tpu.dma_semaphore, #tpu.memory_space<semaphore_mem>>)
      %dma_wait3A_131 = arith.constant 0 : i32
      %dma_wait3A_132 = tpu.memref_slice %arg16[%add3A_11, %dma_wait3A_131] : memref<10128x128xbf16, #tpu.memory_space<vmem_shared>> -> memref<128x128xbf16, #tpu.memory_space<vmem_shared>>
      %dma_wait3A_133 = arith.constant 0 : i32
      %dma_wait3A_134 = tpu.memref_slice %arg16[%add3A_11, %dma_wait3A_133] : memref<10128x128xbf16, #tpu.memory_space<vmem_shared>> -> memref<128x128xbf16, #tpu.memory_space<vmem_shared>>
      tpu.wait_dma2 semaphore(%run_scoped3A : memref<!tpu.dma_semaphore, #tpu.memory_space<semaphore_mem>>) src(%arg8 : memref<128x128xbf16, #tpu.memory_space<vmem>>) dst(%dma_wait3A_134 : memref<128x128xbf16, #tpu.memory_space<vmem_shared>>)
      tpu.yield
    }) : () -> ()
    %add3A_12 = arith.constant 256 : i32
    %add3A_13 = arith.addi %mul3A_7, %add3A_12 : i32
    "tpu.region"() ({
      %run_scoped3A = tpu.sem_alloc : memref<!tpu.dma_semaphore, #tpu.memory_space<semaphore_mem>>
      %dma_start3A_127 = arith.constant 0 : i32
      %dma_start3A_128 = tpu.memref_slice %arg16[%add3A_13, %dma_start3A_127] : memref<10128x128xbf16, #tpu.memory_space<vmem_shared>> -> memref<128x128xbf16, #tpu.memory_space<vmem_shared>>
      %dma_start3A_129 = arith.constant 0 : i32
      %dma_start3A_130 = tpu.memref_slice %arg16[%add3A_13, %dma_start3A_129] : memref<10128x128xbf16, #tpu.memory_space<vmem_shared>> -> memref<128x128xbf16, #tpu.memory_space<vmem_shared>>
      tpu.enqueue_dma source(%arg8 : memref<128x128xbf16, #tpu.memory_space<vmem>>) target(%dma_start3A_130 : memref<128x128xbf16, #tpu.memory_space<vmem_shared>>) target_semaphore(%run_scoped3A : memref<!tpu.dma_semaphore, #tpu.memory_space<semaphore_mem>>)
      %dma_wait3A_131 = arith.constant 0 : i32
      %dma_wait3A_132 = tpu.memref_slice %arg16[%add3A_13, %dma_wait3A_131] : memref<10128x128xbf16, #tpu.memory_space<vmem_shared>> -> memref<128x128xbf16, #tpu.memory_space<vmem_shared>>
      %dma_wait3A_133 = arith.constant 0 : i32
      %dma_wait3A_134 = tpu.memref_slice %arg16[%add3A_13, %dma_wait3A_133] : memref<10128x128xbf16, #tpu.memory_space<vmem_shared>> -> memref<128x128xbf16, #tpu.memory_space<vmem_shared>>
      tpu.wait_dma2 semaphore(%run_scoped3A : memref<!tpu.dma_semaphore, #tpu.memory_space<semaphore_mem>>) src(%arg8 : memref<128x128xbf16, #tpu.memory_space<vmem>>) dst(%dma_wait3A_134 : memref<128x128xbf16, #tpu.memory_space<vmem_shared>>)
      tpu.yield
    }) : () -> ()
    %add3A_14 = arith.constant 384 : i32
    %add3A_15 = arith.addi %mul3A_7, %add3A_14 : i32
    "tpu.region"() ({
      %run_scoped3A = tpu.sem_alloc : memref<!tpu.dma_semaphore, #tpu.memory_space<semaphore_mem>>
      %dma_start3A_127 = arith.constant 0 : i32
      %dma_start3A_128 = tpu.memref_slice %arg16[%add3A_15, %dma_start3A_127] : memref<10128x128xbf16, #tpu.memory_space<vmem_shared>> -> memref<128x128xbf16, #tpu.memory_space<vmem_shared>>
      %dma_start3A_129 = arith.constant 0 : i32
      %dma_start3A_130 = tpu.memref_slice %arg16[%add3A_15, %dma_start3A_129] : memref<10128x128xbf16, #tpu.memory_space<vmem_shared>> -> memref<128x128xbf16, #tpu.memory_space<vmem_shared>>
      tpu.enqueue_dma source(%arg8 : memref<128x128xbf16, #tpu.memory_space<vmem>>) target(%dma_start3A_130 : memref<128x128xbf16, #tpu.memory_space<vmem_shared>>) target_semaphore(%run_scoped3A : memref<!tpu.dma_semaphore, #tpu.memory_space<semaphore_mem>>)
      %dma_wait3A_131 = arith.constant 0 : i32
      %dma_wait3A_132 = tpu.memref_slice %arg16[%add3A_15, %dma_wait3A_131] : memref<10128x128xbf16, #tpu.memory_space<vmem_shared>> -> memref<128x128xbf16, #tpu.memory_space<vmem_shared>>
      %dma_wait3A_133 = arith.constant 0 : i32
      %dma_wait3A_134 = tpu.memref_slice %arg16[%add3A_15, %dma_wait3A_133] : memref<10128x128xbf16, #tpu.memory_space<vmem_shared>> -> memref<128x128xbf16, #tpu.memory_space<vmem_shared>>
      tpu.wait_dma2 semaphore(%run_scoped3A : memref<!tpu.dma_semaphore, #tpu.memory_space<semaphore_mem>>) src(%arg8 : memref<128x128xbf16, #tpu.memory_space<vmem>>) dst(%dma_wait3A_134 : memref<128x128xbf16, #tpu.memory_space<vmem_shared>>)
      tpu.yield
    }) : () -> ()
    %add3A_16 = arith.constant 512 : i32
    %add3A_17 = arith.addi %mul3A_7, %add3A_16 : i32
    "tpu.region"() ({
      %run_scoped3A = tpu.sem_alloc : memref<!tpu.dma_semaphore, #tpu.memory_space<semaphore_mem>>
      %dma_start3A_127 = arith.constant 0 : i32
      %dma_start3A_128 = arith.constant 0 : i32
      %dma_start3A_129 = tpu.memref_slice %arg8[%dma_start3A_127, %dma_start3A_128] : memref<128x128xbf16, #tpu.memory_space<vmem>> -> memref<113x128xbf16, #tpu.memory_space<vmem>>
      %dma_start3A_130 = arith.constant 0 : i32
      %dma_start3A_131 = tpu.memref_slice %arg16[%add3A_17, %dma_start3A_130] : memref<10128x128xbf16, #tpu.memory_space<vmem_shared>> -> memref<113x128xbf16, #tpu.memory_space<vmem_shared>>
      %dma_start3A_132 = arith.constant 0 : i32
      %dma_start3A_133 = tpu.memref_slice %arg16[%add3A_17, %dma_start3A_132] : memref<10128x128xbf16, #tpu.memory_space<vmem_shared>> -> memref<113x128xbf16, #tpu.memory_space<vmem_shared>>
      %dma_start3A_134 = arith.constant 0 : i32
      %dma_start3A_135 = arith.constant 0 : i32
      %dma_start3A_136 = tpu.memref_slice %arg8[%dma_start3A_134, %dma_start3A_135] : memref<128x128xbf16, #tpu.memory_space<vmem>> -> memref<113x128xbf16, #tpu.memory_space<vmem>>
      tpu.enqueue_dma source(%dma_start3A_136 : memref<113x128xbf16, #tpu.memory_space<vmem>>) target(%dma_start3A_133 : memref<113x128xbf16, #tpu.memory_space<vmem_shared>>) target_semaphore(%run_scoped3A : memref<!tpu.dma_semaphore, #tpu.memory_space<semaphore_mem>>)
      %dma_wait3A_137 = arith.constant 0 : i32
      %dma_wait3A_138 = arith.constant 0 : i32
      %dma_wait3A_139 = tpu.memref_slice %arg8[%dma_wait3A_137, %dma_wait3A_138] : memref<128x128xbf16, #tpu.memory_space<vmem>> -> memref<113x128xbf16, #tpu.memory_space<vmem>>
      %dma_wait3A_140 = arith.constant 0 : i32
      %dma_wait3A_141 = tpu.memref_slice %arg16[%add3A_17, %dma_wait3A_140] : memref<10128x128xbf16, #tpu.memory_space<vmem_shared>> -> memref<113x128xbf16, #tpu.memory_space<vmem_shared>>
      %dma_wait3A_142 = arith.constant 0 : i32
      %dma_wait3A_143 = tpu.memref_slice %arg16[%add3A_17, %dma_wait3A_142] : memref<10128x128xbf16, #tpu.memory_space<vmem_shared>> -> memref<113x128xbf16, #tpu.memory_space<vmem_shared>>
      %dma_wait3A_144 = arith.constant 0 : i32
      %dma_wait3A_145 = arith.constant 0 : i32
      %dma_wait3A_146 = tpu.memref_slice %arg8[%dma_wait3A_144, %dma_wait3A_145] : memref<128x128xbf16, #tpu.memory_space<vmem>> -> memref<113x128xbf16, #tpu.memory_space<vmem>>
      tpu.wait_dma2 semaphore(%run_scoped3A : memref<!tpu.dma_semaphore, #tpu.memory_space<semaphore_mem>>) src(%dma_wait3A_146 : memref<113x128xbf16, #tpu.memory_space<vmem>>) dst(%dma_wait3A_143 : memref<113x128xbf16, #tpu.memory_space<vmem_shared>>)
      tpu.yield
    }) : () -> ()
    "tpu.region"() ({
      %run_scoped3A = tpu.sem_alloc : memref<!tpu.dma_semaphore, #tpu.memory_space<semaphore_mem>>
      %dma_start3A_127 = arith.constant 0 : i32
      %dma_start3A_128 = arith.constant 0 : i32
      %dma_start3A_129 = tpu.memref_slice %arg2[%add3A, %dma_start3A_127, %dma_start3A_128] : memref<32x80x128xi32, #tpu.memory_space<hbm>> -> memref<1x80x128xi32, #tpu.memory_space<hbm>>
      %dma_start3A_130 = tpu.memref_squeeze %dma_start3A_129 : memref<1x80x128xi32, #tpu.memory_space<hbm>> -> memref<80x128xi32, #tpu.memory_space<hbm>>
      %dma_start3A_131 = arith.constant 0 : i32
      %dma_start3A_132 = arith.constant 0 : i32
      %dma_start3A_133 = tpu.memref_slice %arg2[%add3A, %dma_start3A_131, %dma_start3A_132] : memref<32x80x128xi32, #tpu.memory_space<hbm>> -> memref<1x80x128xi32, #tpu.memory_space<hbm>>
      %dma_start3A_134 = tpu.memref_squeeze %dma_start3A_133 : memref<1x80x128xi32, #tpu.memory_space<hbm>> -> memref<80x128xi32, #tpu.memory_space<hbm>>
      tpu.enqueue_dma source(%dma_start3A_134 : memref<80x128xi32, #tpu.memory_space<hbm>>) target(%arg6 : memref<80x128xi32, #tpu.memory_space<vmem>>) target_semaphore(%run_scoped3A : memref<!tpu.dma_semaphore, #tpu.memory_space<semaphore_mem>>)
      %dma_wait3A_135 = arith.constant 0 : i32
      %dma_wait3A_136 = arith.constant 0 : i32
      %dma_wait3A_137 = tpu.memref_slice %arg2[%add3A, %dma_wait3A_135, %dma_wait3A_136] : memref<32x80x128xi32, #tpu.memory_space<hbm>> -> memref<1x80x128xi32, #tpu.memory_space<hbm>>
      %dma_wait3A_138 = tpu.memref_squeeze %dma_wait3A_137 : memref<1x80x128xi32, #tpu.memory_space<hbm>> -> memref<80x128xi32, #tpu.memory_space<hbm>>
      %dma_wait3A_139 = arith.constant 0 : i32
      %dma_wait3A_140 = arith.constant 0 : i32
      %dma_wait3A_141 = tpu.memref_slice %arg2[%add3A, %dma_wait3A_139, %dma_wait3A_140] : memref<32x80x128xi32, #tpu.memory_space<hbm>> -> memref<1x80x128xi32, #tpu.memory_space<hbm>>
      %dma_wait3A_142 = tpu.memref_squeeze %dma_wait3A_141 : memref<1x80x128xi32, #tpu.memory_space<hbm>> -> memref<80x128xi32, #tpu.memory_space<hbm>>
      tpu.wait_dma2 semaphore(%run_scoped3A : memref<!tpu.dma_semaphore, #tpu.memory_space<semaphore_mem>>) src(%dma_wait3A_142 : memref<80x128xi32, #tpu.memory_space<hbm>>) dst(%arg6 : memref<80x128xi32, #tpu.memory_space<vmem>>)
      tpu.yield
    }) : () -> ()
    "tpu.region"() ({
      %run_scoped3A = tpu.sem_alloc : memref<!tpu.dma_semaphore, #tpu.memory_space<semaphore_mem>>
      %dma_start3A_127 = arith.constant 0 : i32
      %dma_start3A_128 = arith.constant 0 : i32
      %dma_start3A_129 = tpu.memref_slice %arg3[%add3A, %dma_start3A_127, %dma_start3A_128] : memref<32x80x128xi32, #tpu.memory_space<hbm>> -> memref<1x80x128xi32, #tpu.memory_space<hbm>>
      %dma_start3A_130 = tpu.memref_squeeze %dma_start3A_129 : memref<1x80x128xi32, #tpu.memory_space<hbm>> -> memref<80x128xi32, #tpu.memory_space<hbm>>
      %dma_start3A_131 = arith.constant 0 : i32
      %dma_start3A_132 = arith.constant 0 : i32
      %dma_start3A_133 = tpu.memref_slice %arg3[%add3A, %dma_start3A_131, %dma_start3A_132] : memref<32x80x128xi32, #tpu.memory_space<hbm>> -> memref<1x80x128xi32, #tpu.memory_space<hbm>>
      %dma_start3A_134 = tpu.memref_squeeze %dma_start3A_133 : memref<1x80x128xi32, #tpu.memory_space<hbm>> -> memref<80x128xi32, #tpu.memory_space<hbm>>
      tpu.enqueue_dma source(%dma_start3A_134 : memref<80x128xi32, #tpu.memory_space<hbm>>) target(%arg7 : memref<80x128xi32, #tpu.memory_space<vmem>>) target_semaphore(%run_scoped3A : memref<!tpu.dma_semaphore, #tpu.memory_space<semaphore_mem>>)
      %dma_wait3A_135 = arith.constant 0 : i32
      %dma_wait3A_136 = arith.constant 0 : i32
      %dma_wait3A_137 = tpu.memref_slice %arg3[%add3A, %dma_wait3A_135, %dma_wait3A_136] : memref<32x80x128xi32, #tpu.memory_space<hbm>> -> memref<1x80x128xi32, #tpu.memory_space<hbm>>
      %dma_wait3A_138 = tpu.memref_squeeze %dma_wait3A_137 : memref<1x80x128xi32, #tpu.memory_space<hbm>> -> memref<80x128xi32, #tpu.memory_space<hbm>>
      %dma_wait3A_139 = arith.constant 0 : i32
      %dma_wait3A_140 = arith.constant 0 : i32
      %dma_wait3A_141 = tpu.memref_slice %arg3[%add3A, %dma_wait3A_139, %dma_wait3A_140] : memref<32x80x128xi32, #tpu.memory_space<hbm>> -> memref<1x80x128xi32, #tpu.memory_space<hbm>>
      %dma_wait3A_142 = tpu.memref_squeeze %dma_wait3A_141 : memref<1x80x128xi32, #tpu.memory_space<hbm>> -> memref<80x128xi32, #tpu.memory_space<hbm>>
      tpu.wait_dma2 semaphore(%run_scoped3A : memref<!tpu.dma_semaphore, #tpu.memory_space<semaphore_mem>>) src(%dma_wait3A_142 : memref<80x128xi32, #tpu.memory_space<hbm>>) dst(%arg7 : memref<80x128xi32, #tpu.memory_space<vmem>>)
      tpu.yield
    }) : () -> ()
    %dma_start3A = arith.constant 0 : i32
    %dma_start3A_18 = arith.constant 0 : i32
    %dma_start3A_19 = tpu.memref_slice %arg6[%dma_start3A, %dma_start3A_18] : memref<80x128xi32, #tpu.memory_space<vmem>> -> memref<1x128xi32, #tpu.memory_space<vmem>>
    %dma_start3A_20 = tpu.memref_squeeze %dma_start3A_19 : memref<1x128xi32, #tpu.memory_space<vmem>> -> memref<128xi32, #tpu.memory_space<vmem>>
    %dma_start3A_21 = arith.constant 0 : i32
    %dma_start3A_22 = arith.constant 0 : i32
    %dma_start3A_23 = tpu.memref_slice %arg4[%dma_start3A_21, %dma_start3A_22] : memref<10000x128xbf16, #tpu.memory_space<hbm>> -> memref<10000x128xbf16, #tpu.memory_space<hbm>>
    tpu.enqueue_indirect_dma source(%dma_start3A_23 : memref<10000x128xbf16, #tpu.memory_space<hbm>>) target(%arg8 : memref<128x128xbf16, #tpu.memory_space<vmem>>) offsets(%dma_start3A_20 : memref<128xi32, #tpu.memory_space<vmem>>) semaphore(%arg17 : memref<!tpu.dma_semaphore, #tpu.memory_space<semaphore_mem>>)
    %dma_start3A_24 = arith.constant 1 : i32
    %dma_start3A_25 = arith.constant 0 : i32
    %dma_start3A_26 = tpu.memref_slice %arg6[%dma_start3A_24, %dma_start3A_25] : memref<80x128xi32, #tpu.memory_space<vmem>> -> memref<1x128xi32, #tpu.memory_space<vmem>>
    %dma_start3A_27 = tpu.memref_squeeze %dma_start3A_26 : memref<1x128xi32, #tpu.memory_space<vmem>> -> memref<128xi32, #tpu.memory_space<vmem>>
    %dma_start3A_28 = arith.constant 0 : i32
    %dma_start3A_29 = arith.constant 0 : i32
    %dma_start3A_30 = tpu.memref_slice %arg4[%dma_start3A_28, %dma_start3A_29] : memref<10000x128xbf16, #tpu.memory_space<hbm>> -> memref<10000x128xbf16, #tpu.memory_space<hbm>>
    tpu.enqueue_indirect_dma source(%dma_start3A_30 : memref<10000x128xbf16, #tpu.memory_space<hbm>>) target(%arg9 : memref<128x128xbf16, #tpu.memory_space<vmem>>) offsets(%dma_start3A_27 : memref<128xi32, #tpu.memory_space<vmem>>) semaphore(%arg18 : memref<!tpu.dma_semaphore, #tpu.memory_space<semaphore_mem>>)
    %dma_start3A_31 = arith.constant 2 : i32
    %dma_start3A_32 = arith.constant 0 : i32
    %dma_start3A_33 = tpu.memref_slice %arg6[%dma_start3A_31, %dma_start3A_32] : memref<80x128xi32, #tpu.memory_space<vmem>> -> memref<1x128xi32, #tpu.memory_space<vmem>>
    %dma_start3A_34 = tpu.memref_squeeze %dma_start3A_33 : memref<1x128xi32, #tpu.memory_space<vmem>> -> memref<128xi32, #tpu.memory_space<vmem>>
    %dma_start3A_35 = arith.constant 0 : i32
    %dma_start3A_36 = arith.constant 0 : i32
    %dma_start3A_37 = tpu.memref_slice %arg4[%dma_start3A_35, %dma_start3A_36] : memref<10000x128xbf16, #tpu.memory_space<hbm>> -> memref<10000x128xbf16, #tpu.memory_space<hbm>>
    tpu.enqueue_indirect_dma source(%dma_start3A_37 : memref<10000x128xbf16, #tpu.memory_space<hbm>>) target(%arg10 : memref<128x128xbf16, #tpu.memory_space<vmem>>) offsets(%dma_start3A_34 : memref<128xi32, #tpu.memory_space<vmem>>) semaphore(%arg19 : memref<!tpu.dma_semaphore, #tpu.memory_space<semaphore_mem>>)
    %dma_start3A_38 = arith.constant 3 : i32
    %dma_start3A_39 = arith.constant 0 : i32
    %dma_start3A_40 = tpu.memref_slice %arg6[%dma_start3A_38, %dma_start3A_39] : memref<80x128xi32, #tpu.memory_space<vmem>> -> memref<1x128xi32, #tpu.memory_space<vmem>>
    %dma_start3A_41 = tpu.memref_squeeze %dma_start3A_40 : memref<1x128xi32, #tpu.memory_space<vmem>> -> memref<128xi32, #tpu.memory_space<vmem>>
    %dma_start3A_42 = arith.constant 0 : i32
    %dma_start3A_43 = arith.constant 0 : i32
    %dma_start3A_44 = tpu.memref_slice %arg4[%dma_start3A_42, %dma_start3A_43] : memref<10000x128xbf16, #tpu.memory_space<hbm>> -> memref<10000x128xbf16, #tpu.memory_space<hbm>>
    tpu.enqueue_indirect_dma source(%dma_start3A_44 : memref<10000x128xbf16, #tpu.memory_space<hbm>>) target(%arg11 : memref<128x128xbf16, #tpu.memory_space<vmem>>) offsets(%dma_start3A_41 : memref<128xi32, #tpu.memory_space<vmem>>) semaphore(%arg20 : memref<!tpu.dma_semaphore, #tpu.memory_space<semaphore_mem>>)
    %dma_start3A_45 = arith.constant 4 : i32
    %dma_start3A_46 = arith.constant 0 : i32
    %dma_start3A_47 = tpu.memref_slice %arg6[%dma_start3A_45, %dma_start3A_46] : memref<80x128xi32, #tpu.memory_space<vmem>> -> memref<1x128xi32, #tpu.memory_space<vmem>>
    %dma_start3A_48 = tpu.memref_squeeze %dma_start3A_47 : memref<1x128xi32, #tpu.memory_space<vmem>> -> memref<128xi32, #tpu.memory_space<vmem>>
    %dma_start3A_49 = arith.constant 0 : i32
    %dma_start3A_50 = arith.constant 0 : i32
    %dma_start3A_51 = tpu.memref_slice %arg4[%dma_start3A_49, %dma_start3A_50] : memref<10000x128xbf16, #tpu.memory_space<hbm>> -> memref<10000x128xbf16, #tpu.memory_space<hbm>>
    tpu.enqueue_indirect_dma source(%dma_start3A_51 : memref<10000x128xbf16, #tpu.memory_space<hbm>>) target(%arg12 : memref<128x128xbf16, #tpu.memory_space<vmem>>) offsets(%dma_start3A_48 : memref<128xi32, #tpu.memory_space<vmem>>) semaphore(%arg21 : memref<!tpu.dma_semaphore, #tpu.memory_space<semaphore_mem>>)
    %dma_start3A_52 = arith.constant 5 : i32
    %dma_start3A_53 = arith.constant 0 : i32
    %dma_start3A_54 = tpu.memref_slice %arg6[%dma_start3A_52, %dma_start3A_53] : memref<80x128xi32, #tpu.memory_space<vmem>> -> memref<1x128xi32, #tpu.memory_space<vmem>>
    %dma_start3A_55 = tpu.memref_squeeze %dma_start3A_54 : memref<1x128xi32, #tpu.memory_space<vmem>> -> memref<128xi32, #tpu.memory_space<vmem>>
    %dma_start3A_56 = arith.constant 0 : i32
    %dma_start3A_57 = arith.constant 0 : i32
    %dma_start3A_58 = tpu.memref_slice %arg4[%dma_start3A_56, %dma_start3A_57] : memref<10000x128xbf16, #tpu.memory_space<hbm>> -> memref<10000x128xbf16, #tpu.memory_space<hbm>>
    tpu.enqueue_indirect_dma source(%dma_start3A_58 : memref<10000x128xbf16, #tpu.memory_space<hbm>>) target(%arg13 : memref<128x128xbf16, #tpu.memory_space<vmem>>) offsets(%dma_start3A_55 : memref<128xi32, #tpu.memory_space<vmem>>) semaphore(%arg22 : memref<!tpu.dma_semaphore, #tpu.memory_space<semaphore_mem>>)
    %dma_start3A_59 = arith.constant 6 : i32
    %dma_start3A_60 = arith.constant 0 : i32
    %dma_start3A_61 = tpu.memref_slice %arg6[%dma_start3A_59, %dma_start3A_60] : memref<80x128xi32, #tpu.memory_space<vmem>> -> memref<1x128xi32, #tpu.memory_space<vmem>>
    %dma_start3A_62 = tpu.memref_squeeze %dma_start3A_61 : memref<1x128xi32, #tpu.memory_space<vmem>> -> memref<128xi32, #tpu.memory_space<vmem>>
    %dma_start3A_63 = arith.constant 0 : i32
    %dma_start3A_64 = arith.constant 0 : i32
    %dma_start3A_65 = tpu.memref_slice %arg4[%dma_start3A_63, %dma_start3A_64] : memref<10000x128xbf16, #tpu.memory_space<hbm>> -> memref<10000x128xbf16, #tpu.memory_space<hbm>>
    tpu.enqueue_indirect_dma source(%dma_start3A_65 : memref<10000x128xbf16, #tpu.memory_space<hbm>>) target(%arg14 : memref<128x128xbf16, #tpu.memory_space<vmem>>) offsets(%dma_start3A_62 : memref<128xi32, #tpu.memory_space<vmem>>) semaphore(%arg23 : memref<!tpu.dma_semaphore, #tpu.memory_space<semaphore_mem>>)
    %barrier3A = arith.constant 0 : index
    tpu.barrier barrier_id(%barrier3A)
    %scan3A_66 = arith.constant 0 : i32
    %scan3A_67 = arith.constant 10 : i32
    %scan3A_68 = arith.addi %scan3A_66, %scan3A_67 : i32
    %scan3A_69 = arith.constant 1 : i32
    scf.for %scan3A_127 = %scan3A_66 to %scan3A_68 step %scan3A_69  : i32 {
      %mul3A_128 = arith.constant 1 : i32
      %mul3A_129 = arith.muli %scan3A_127, %mul3A_128 : i32
      %add3A_130 = arith.constant 0 : i32
      %add3A_131 = arith.addi %add3A_130, %mul3A_129 : i32
      %mul3A_132 = arith.constant 8 : i32
      %mul3A_133 = arith.muli %add3A_131, %mul3A_132 : i32
      %add3A_134 = arith.constant 0 : i32
      %add3A_135 = arith.addi %mul3A_133, %add3A_134 : i32
      %dma_wait3A_136 = arith.constant 0 : i32
      %dma_wait3A_137 = tpu.memref_slice %arg6[%add3A_135, %dma_wait3A_136] : memref<80x128xi32, #tpu.memory_space<vmem>> -> memref<1x128xi32, #tpu.memory_space<vmem>>
      %dma_wait3A_138 = tpu.memref_squeeze %dma_wait3A_137 : memref<1x128xi32, #tpu.memory_space<vmem>> -> memref<128xi32, #tpu.memory_space<vmem>>
      %dma_wait3A_139 = arith.constant 0 : i32
      %dma_wait3A_140 = arith.constant 0 : i32
      %dma_wait3A_141 = tpu.memref_slice %arg4[%dma_wait3A_139, %dma_wait3A_140] : memref<10000x128xbf16, #tpu.memory_space<hbm>> -> memref<10000x128xbf16, #tpu.memory_space<hbm>>
      tpu.wait_indirect_dma semaphore(%arg17 : memref<!tpu.dma_semaphore, #tpu.memory_space<semaphore_mem>>) src(%dma_wait3A_141 : memref<10000x128xbf16, #tpu.memory_space<hbm>>) dst(%arg8 : memref<128x128xbf16, #tpu.memory_space<vmem>>)
      %dma_start3A_142 = arith.constant 0 : i32
      %dma_start3A_143 = tpu.memref_slice %arg7[%add3A_135, %dma_start3A_142] : memref<80x128xi32, #tpu.memory_space<vmem>> -> memref<1x128xi32, #tpu.memory_space<vmem>>
      %dma_start3A_144 = tpu.memref_squeeze %dma_start3A_143 : memref<1x128xi32, #tpu.memory_space<vmem>> -> memref<128xi32, #tpu.memory_space<vmem>>
      %dma_start3A_145 = arith.constant 0 : i32
      %dma_start3A_146 = arith.constant 0 : i32
      %dma_start3A_147 = tpu.memref_slice %arg16[%dma_start3A_145, %dma_start3A_146] : memref<10128x128xbf16, #tpu.memory_space<vmem_shared>> -> memref<10128x128xbf16, #tpu.memory_space<vmem_shared>>
      tpu.enqueue_indirect_dma source(%arg8 : memref<128x128xbf16, #tpu.memory_space<vmem>>) target(%dma_start3A_147 : memref<10128x128xbf16, #tpu.memory_space<vmem_shared>>) offsets(%dma_start3A_144 : memref<128xi32, #tpu.memory_space<vmem>>) semaphore(%arg25 : memref<!tpu.dma_semaphore, #tpu.memory_space<semaphore_mem>>) {add = true}
      %eq3A = arith.constant 0 : i32
      %eq3A_148 = arith.cmpi eq, %add3A_131, %eq3A : i32
      %convert_element_type3A = arith.extui %eq3A_148 : i1 to i32
      %cond3A = arith.constant 0 : i32
      %cond3A_149 = arith.cmpi ne, %convert_element_type3A, %cond3A : i32
      scf.if %cond3A_149 {
        %add3A_319 = arith.constant 8 : i32
        %add3A_320 = arith.addi %add3A_135, %add3A_319 : i32
        %sub3A_321 = arith.constant 1 : i32
        %sub3A_322 = arith.subi %add3A_320, %sub3A_321 : i32
        %dma_start3A_323 = arith.constant 0 : i32
        %dma_start3A_324 = tpu.memref_slice %arg6[%sub3A_322, %dma_start3A_323] : memref<80x128xi32, #tpu.memory_space<vmem>> -> memref<1x128xi32, #tpu.memory_space<vmem>>
        %dma_start3A_325 = tpu.memref_squeeze %dma_start3A_324 : memref<1x128xi32, #tpu.memory_space<vmem>> -> memref<128xi32, #tpu.memory_space<vmem>>
        %dma_start3A_326 = arith.constant 0 : i32
        %dma_start3A_327 = arith.constant 0 : i32
        %dma_start3A_328 = tpu.memref_slice %arg4[%dma_start3A_326, %dma_start3A_327] : memref<10000x128xbf16, #tpu.memory_space<hbm>> -> memref<10000x128xbf16, #tpu.memory_space<hbm>>
        tpu.enqueue_indirect_dma source(%dma_start3A_328 : memref<10000x128xbf16, #tpu.memory_space<hbm>>) target(%arg15 : memref<128x128xbf16, #tpu.memory_space<vmem>>) offsets(%dma_start3A_325 : memref<128xi32, #tpu.memory_space<vmem>>) semaphore(%arg24 : memref<!tpu.dma_semaphore, #tpu.memory_space<semaphore_mem>>)
      } else {
      }
      %gt3A = arith.constant 0 : i32
      %gt3A_150 = arith.cmpi sgt, %add3A_131, %gt3A : i32
      %add3A_151 = arith.constant 8 : i32
      %add3A_152 = arith.addi %add3A_135, %add3A_151 : i32
      %sub3A = arith.constant 1 : i32
      %sub3A_153 = arith.subi %add3A_152, %sub3A : i32
      %lt3A = arith.constant 80 : i32
      %lt3A_154 = arith.cmpi slt, %sub3A_153, %lt3A : i32
      %and3A = arith.andi %gt3A_150, %lt3A_154 : i1
      %convert_element_type3A_155 = arith.extui %and3A : i1 to i32
      %cond3A_156 = arith.constant 0 : i32
      %cond3A_157 = arith.cmpi ne, %convert_element_type3A_155, %cond3A_156 : i32
      scf.if %cond3A_157 {
        %add3A_319 = arith.constant 8 : i32
        %add3A_320 = arith.addi %add3A_135, %add3A_319 : i32
        %sub3A_321 = arith.constant 1 : i32
        %sub3A_322 = arith.subi %add3A_320, %sub3A_321 : i32
        %dma_wait3A_323 = arith.constant 0 : i32
        %dma_wait3A_324 = tpu.memref_slice %arg7[%sub3A_322, %dma_wait3A_323] : memref<80x128xi32, #tpu.memory_space<vmem>> -> memref<1x128xi32, #tpu.memory_space<vmem>>
        %dma_wait3A_325 = tpu.memref_squeeze %dma_wait3A_324 : memref<1x128xi32, #tpu.memory_space<vmem>> -> memref<128xi32, #tpu.memory_space<vmem>>
        %dma_wait3A_326 = arith.constant 0 : i32
        %dma_wait3A_327 = arith.constant 0 : i32
        %dma_wait3A_328 = tpu.memref_slice %arg16[%dma_wait3A_326, %dma_wait3A_327] : memref<10128x128xbf16, #tpu.memory_space<vmem_shared>> -> memref<10128x128xbf16, #tpu.memory_space<vmem_shared>>
        tpu.wait_indirect_dma semaphore(%arg32 : memref<!tpu.dma_semaphore, #tpu.memory_space<semaphore_mem>>) src(%arg15 : memref<128x128xbf16, #tpu.memory_space<vmem>>) dst(%dma_wait3A_328 : memref<10128x128xbf16, #tpu.memory_space<vmem_shared>>)
        %dma_start3A_329 = arith.constant 0 : i32
        %dma_start3A_330 = tpu.memref_slice %arg6[%sub3A_322, %dma_start3A_329] : memref<80x128xi32, #tpu.memory_space<vmem>> -> memref<1x128xi32, #tpu.memory_space<vmem>>
        %dma_start3A_331 = tpu.memref_squeeze %dma_start3A_330 : memref<1x128xi32, #tpu.memory_space<vmem>> -> memref<128xi32, #tpu.memory_space<vmem>>
        %dma_start3A_332 = arith.constant 0 : i32
        %dma_start3A_333 = arith.constant 0 : i32
        %dma_start3A_334 = tpu.memref_slice %arg4[%dma_start3A_332, %dma_start3A_333] : memref<10000x128xbf16, #tpu.memory_space<hbm>> -> memref<10000x128xbf16, #tpu.memory_space<hbm>>
        tpu.enqueue_indirect_dma source(%dma_start3A_334 : memref<10000x128xbf16, #tpu.memory_space<hbm>>) target(%arg15 : memref<128x128xbf16, #tpu.memory_space<vmem>>) offsets(%dma_start3A_331 : memref<128xi32, #tpu.memory_space<vmem>>) semaphore(%arg24 : memref<!tpu.dma_semaphore, #tpu.memory_space<semaphore_mem>>)
      } else {
      }
      %add3A_158 = arith.constant 1 : i32
      %add3A_159 = arith.addi %mul3A_133, %add3A_158 : i32
      %dma_wait3A_160 = arith.constant 0 : i32
      %dma_wait3A_161 = tpu.memref_slice %arg6[%add3A_159, %dma_wait3A_160] : memref<80x128xi32, #tpu.memory_space<vmem>> -> memref<1x128xi32, #tpu.memory_space<vmem>>
      %dma_wait3A_162 = tpu.memref_squeeze %dma_wait3A_161 : memref<1x128xi32, #tpu.memory_space<vmem>> -> memref<128xi32, #tpu.memory_space<vmem>>
      %dma_wait3A_163 = arith.constant 0 : i32
      %dma_wait3A_164 = arith.constant 0 : i32
      %dma_wait3A_165 = tpu.memref_slice %arg4[%dma_wait3A_163, %dma_wait3A_164] : memref<10000x128xbf16, #tpu.memory_space<hbm>> -> memref<10000x128xbf16, #tpu.memory_space<hbm>>
      tpu.wait_indirect_dma semaphore(%arg18 : memref<!tpu.dma_semaphore, #tpu.memory_space<semaphore_mem>>) src(%dma_wait3A_165 : memref<10000x128xbf16, #tpu.memory_space<hbm>>) dst(%arg9 : memref<128x128xbf16, #tpu.memory_space<vmem>>)
      %dma_start3A_166 = arith.constant 0 : i32
      %dma_start3A_167 = tpu.memref_slice %arg7[%add3A_159, %dma_start3A_166] : memref<80x128xi32, #tpu.memory_space<vmem>> -> memref<1x128xi32, #tpu.memory_space<vmem>>
      %dma_start3A_168 = tpu.memref_squeeze %dma_start3A_167 : memref<1x128xi32, #tpu.memory_space<vmem>> -> memref<128xi32, #tpu.memory_space<vmem>>
      %dma_start3A_169 = arith.constant 0 : i32
      %dma_start3A_170 = arith.constant 0 : i32
      %dma_start3A_171 = tpu.memref_slice %arg16[%dma_start3A_169, %dma_start3A_170] : memref<10128x128xbf16, #tpu.memory_space<vmem_shared>> -> memref<10128x128xbf16, #tpu.memory_space<vmem_shared>>
      tpu.enqueue_indirect_dma source(%arg9 : memref<128x128xbf16, #tpu.memory_space<vmem>>) target(%dma_start3A_171 : memref<10128x128xbf16, #tpu.memory_space<vmem_shared>>) offsets(%dma_start3A_168 : memref<128xi32, #tpu.memory_space<vmem>>) semaphore(%arg26 : memref<!tpu.dma_semaphore, #tpu.memory_space<semaphore_mem>>) {add = true}
      %add3A_172 = arith.constant 8 : i32
      %add3A_173 = arith.addi %add3A_159, %add3A_172 : i32
      %sub3A_174 = arith.constant 1 : i32
      %sub3A_175 = arith.subi %add3A_173, %sub3A_174 : i32
      %lt3A_176 = arith.constant 80 : i32
      %lt3A_177 = arith.cmpi slt, %sub3A_175, %lt3A_176 : i32
      %convert_element_type3A_178 = arith.extui %lt3A_177 : i1 to i32
      %cond3A_179 = arith.constant 0 : i32
      %cond3A_180 = arith.cmpi ne, %convert_element_type3A_178, %cond3A_179 : i32
      scf.if %cond3A_180 {
        %add3A_319 = arith.constant 8 : i32
        %add3A_320 = arith.addi %add3A_159, %add3A_319 : i32
        %sub3A_321 = arith.constant 1 : i32
        %sub3A_322 = arith.subi %add3A_320, %sub3A_321 : i32
        %dma_wait3A_323 = arith.constant 0 : i32
        %dma_wait3A_324 = tpu.memref_slice %arg7[%sub3A_322, %dma_wait3A_323] : memref<80x128xi32, #tpu.memory_space<vmem>> -> memref<1x128xi32, #tpu.memory_space<vmem>>
        %dma_wait3A_325 = tpu.memref_squeeze %dma_wait3A_324 : memref<1x128xi32, #tpu.memory_space<vmem>> -> memref<128xi32, #tpu.memory_space<vmem>>
        %dma_wait3A_326 = arith.constant 0 : i32
        %dma_wait3A_327 = arith.constant 0 : i32
        %dma_wait3A_328 = tpu.memref_slice %arg16[%dma_wait3A_326, %dma_wait3A_327] : memref<10128x128xbf16, #tpu.memory_space<vmem_shared>> -> memref<10128x128xbf16, #tpu.memory_space<vmem_shared>>
        tpu.wait_indirect_dma semaphore(%arg25 : memref<!tpu.dma_semaphore, #tpu.memory_space<semaphore_mem>>) src(%arg8 : memref<128x128xbf16, #tpu.memory_space<vmem>>) dst(%dma_wait3A_328 : memref<10128x128xbf16, #tpu.memory_space<vmem_shared>>)
        %dma_start3A_329 = arith.constant 0 : i32
        %dma_start3A_330 = tpu.memref_slice %arg6[%sub3A_322, %dma_start3A_329] : memref<80x128xi32, #tpu.memory_space<vmem>> -> memref<1x128xi32, #tpu.memory_space<vmem>>
        %dma_start3A_331 = tpu.memref_squeeze %dma_start3A_330 : memref<1x128xi32, #tpu.memory_space<vmem>> -> memref<128xi32, #tpu.memory_space<vmem>>
        %dma_start3A_332 = arith.constant 0 : i32
        %dma_start3A_333 = arith.constant 0 : i32
        %dma_start3A_334 = tpu.memref_slice %arg4[%dma_start3A_332, %dma_start3A_333] : memref<10000x128xbf16, #tpu.memory_space<hbm>> -> memref<10000x128xbf16, #tpu.memory_space<hbm>>
        tpu.enqueue_indirect_dma source(%dma_start3A_334 : memref<10000x128xbf16, #tpu.memory_space<hbm>>) target(%arg8 : memref<128x128xbf16, #tpu.memory_space<vmem>>) offsets(%dma_start3A_331 : memref<128xi32, #tpu.memory_space<vmem>>) semaphore(%arg17 : memref<!tpu.dma_semaphore, #tpu.memory_space<semaphore_mem>>)
      } else {
      }
      %add3A_181 = arith.constant 2 : i32
      %add3A_182 = arith.addi %mul3A_133, %add3A_181 : i32
      %dma_wait3A_183 = arith.constant 0 : i32
      %dma_wait3A_184 = tpu.memref_slice %arg6[%add3A_182, %dma_wait3A_183] : memref<80x128xi32, #tpu.memory_space<vmem>> -> memref<1x128xi32, #tpu.memory_space<vmem>>
      %dma_wait3A_185 = tpu.memref_squeeze %dma_wait3A_184 : memref<1x128xi32, #tpu.memory_space<vmem>> -> memref<128xi32, #tpu.memory_space<vmem>>
      %dma_wait3A_186 = arith.constant 0 : i32
      %dma_wait3A_187 = arith.constant 0 : i32
      %dma_wait3A_188 = tpu.memref_slice %arg4[%dma_wait3A_186, %dma_wait3A_187] : memref<10000x128xbf16, #tpu.memory_space<hbm>> -> memref<10000x128xbf16, #tpu.memory_space<hbm>>
      tpu.wait_indirect_dma semaphore(%arg19 : memref<!tpu.dma_semaphore, #tpu.memory_space<semaphore_mem>>) src(%dma_wait3A_188 : memref<10000x128xbf16, #tpu.memory_space<hbm>>) dst(%arg10 : memref<128x128xbf16, #tpu.memory_space<vmem>>)
      %dma_start3A_189 = arith.constant 0 : i32
      %dma_start3A_190 = tpu.memref_slice %arg7[%add3A_182, %dma_start3A_189] : memref<80x128xi32, #tpu.memory_space<vmem>> -> memref<1x128xi32, #tpu.memory_space<vmem>>
      %dma_start3A_191 = tpu.memref_squeeze %dma_start3A_190 : memref<1x128xi32, #tpu.memory_space<vmem>> -> memref<128xi32, #tpu.memory_space<vmem>>
      %dma_start3A_192 = arith.constant 0 : i32
      %dma_start3A_193 = arith.constant 0 : i32
      %dma_start3A_194 = tpu.memref_slice %arg16[%dma_start3A_192, %dma_start3A_193] : memref<10128x128xbf16, #tpu.memory_space<vmem_shared>> -> memref<10128x128xbf16, #tpu.memory_space<vmem_shared>>
      tpu.enqueue_indirect_dma source(%arg10 : memref<128x128xbf16, #tpu.memory_space<vmem>>) target(%dma_start3A_194 : memref<10128x128xbf16, #tpu.memory_space<vmem_shared>>) offsets(%dma_start3A_191 : memref<128xi32, #tpu.memory_space<vmem>>) semaphore(%arg27 : memref<!tpu.dma_semaphore, #tpu.memory_space<semaphore_mem>>) {add = true}
      %add3A_195 = arith.constant 8 : i32
      %add3A_196 = arith.addi %add3A_182, %add3A_195 : i32
      %sub3A_197 = arith.constant 1 : i32
      %sub3A_198 = arith.subi %add3A_196, %sub3A_197 : i32
      %lt3A_199 = arith.constant 80 : i32
      %lt3A_200 = arith.cmpi slt, %sub3A_198, %lt3A_199 : i32
      %convert_element_type3A_201 = arith.extui %lt3A_200 : i1 to i32
      %cond3A_202 = arith.constant 0 : i32
      %cond3A_203 = arith.cmpi ne, %convert_element_type3A_201, %cond3A_202 : i32
      scf.if %cond3A_203 {
        %add3A_319 = arith.constant 8 : i32
        %add3A_320 = arith.addi %add3A_182, %add3A_319 : i32
        %sub3A_321 = arith.constant 1 : i32
        %sub3A_322 = arith.subi %add3A_320, %sub3A_321 : i32
        %dma_wait3A_323 = arith.constant 0 : i32
        %dma_wait3A_324 = tpu.memref_slice %arg7[%sub3A_322, %dma_wait3A_323] : memref<80x128xi32, #tpu.memory_space<vmem>> -> memref<1x128xi32, #tpu.memory_space<vmem>>
        %dma_wait3A_325 = tpu.memref_squeeze %dma_wait3A_324 : memref<1x128xi32, #tpu.memory_space<vmem>> -> memref<128xi32, #tpu.memory_space<vmem>>
        %dma_wait3A_326 = arith.constant 0 : i32
        %dma_wait3A_327 = arith.constant 0 : i32
        %dma_wait3A_328 = tpu.memref_slice %arg16[%dma_wait3A_326, %dma_wait3A_327] : memref<10128x128xbf16, #tpu.memory_space<vmem_shared>> -> memref<10128x128xbf16, #tpu.memory_space<vmem_shared>>
        tpu.wait_indirect_dma semaphore(%arg26 : memref<!tpu.dma_semaphore, #tpu.memory_space<semaphore_mem>>) src(%arg9 : memref<128x128xbf16, #tpu.memory_space<vmem>>) dst(%dma_wait3A_328 : memref<10128x128xbf16, #tpu.memory_space<vmem_shared>>)
        %dma_start3A_329 = arith.constant 0 : i32
        %dma_start3A_330 = tpu.memref_slice %arg6[%sub3A_322, %dma_start3A_329] : memref<80x128xi32, #tpu.memory_space<vmem>> -> memref<1x128xi32, #tpu.memory_space<vmem>>
        %dma_start3A_331 = tpu.memref_squeeze %dma_start3A_330 : memref<1x128xi32, #tpu.memory_space<vmem>> -> memref<128xi32, #tpu.memory_space<vmem>>
        %dma_start3A_332 = arith.constant 0 : i32
        %dma_start3A_333 = arith.constant 0 : i32
        %dma_start3A_334 = tpu.memref_slice %arg4[%dma_start3A_332, %dma_start3A_333] : memref<10000x128xbf16, #tpu.memory_space<hbm>> -> memref<10000x128xbf16, #tpu.memory_space<hbm>>
        tpu.enqueue_indirect_dma source(%dma_start3A_334 : memref<10000x128xbf16, #tpu.memory_space<hbm>>) target(%arg9 : memref<128x128xbf16, #tpu.memory_space<vmem>>) offsets(%dma_start3A_331 : memref<128xi32, #tpu.memory_space<vmem>>) semaphore(%arg18 : memref<!tpu.dma_semaphore, #tpu.memory_space<semaphore_mem>>)
      } else {
      }
      %add3A_204 = arith.constant 3 : i32
      %add3A_205 = arith.addi %mul3A_133, %add3A_204 : i32
      %dma_wait3A_206 = arith.constant 0 : i32
      %dma_wait3A_207 = tpu.memref_slice %arg6[%add3A_205, %dma_wait3A_206] : memref<80x128xi32, #tpu.memory_space<vmem>> -> memref<1x128xi32, #tpu.memory_space<vmem>>
      %dma_wait3A_208 = tpu.memref_squeeze %dma_wait3A_207 : memref<1x128xi32, #tpu.memory_space<vmem>> -> memref<128xi32, #tpu.memory_space<vmem>>
      %dma_wait3A_209 = arith.constant 0 : i32
      %dma_wait3A_210 = arith.constant 0 : i32
      %dma_wait3A_211 = tpu.memref_slice %arg4[%dma_wait3A_209, %dma_wait3A_210] : memref<10000x128xbf16, #tpu.memory_space<hbm>> -> memref<10000x128xbf16, #tpu.memory_space<hbm>>
      tpu.wait_indirect_dma semaphore(%arg20 : memref<!tpu.dma_semaphore, #tpu.memory_space<semaphore_mem>>) src(%dma_wait3A_211 : memref<10000x128xbf16, #tpu.memory_space<hbm>>) dst(%arg11 : memref<128x128xbf16, #tpu.memory_space<vmem>>)
      %dma_start3A_212 = arith.constant 0 : i32
      %dma_start3A_213 = tpu.memref_slice %arg7[%add3A_205, %dma_start3A_212] : memref<80x128xi32, #tpu.memory_space<vmem>> -> memref<1x128xi32, #tpu.memory_space<vmem>>
      %dma_start3A_214 = tpu.memref_squeeze %dma_start3A_213 : memref<1x128xi32, #tpu.memory_space<vmem>> -> memref<128xi32, #tpu.memory_space<vmem>>
      %dma_start3A_215 = arith.constant 0 : i32
      %dma_start3A_216 = arith.constant 0 : i32
      %dma_start3A_217 = tpu.memref_slice %arg16[%dma_start3A_215, %dma_start3A_216] : memref<10128x128xbf16, #tpu.memory_space<vmem_shared>> -> memref<10128x128xbf16, #tpu.memory_space<vmem_shared>>
      tpu.enqueue_indirect_dma source(%arg11 : memref<128x128xbf16, #tpu.memory_space<vmem>>) target(%dma_start3A_217 : memref<10128x128xbf16, #tpu.memory_space<vmem_shared>>) offsets(%dma_start3A_214 : memref<128xi32, #tpu.memory_space<vmem>>) semaphore(%arg28 : memref<!tpu.dma_semaphore, #tpu.memory_space<semaphore_mem>>) {add = true}
      %add3A_218 = arith.constant 8 : i32
      %add3A_219 = arith.addi %add3A_205, %add3A_218 : i32
      %sub3A_220 = arith.constant 1 : i32
      %sub3A_221 = arith.subi %add3A_219, %sub3A_220 : i32
      %lt3A_222 = arith.constant 80 : i32
      %lt3A_223 = arith.cmpi slt, %sub3A_221, %lt3A_222 : i32
      %convert_element_type3A_224 = arith.extui %lt3A_223 : i1 to i32
      %cond3A_225 = arith.constant 0 : i32
      %cond3A_226 = arith.cmpi ne, %convert_element_type3A_224, %cond3A_225 : i32
      scf.if %cond3A_226 {
        %add3A_319 = arith.constant 8 : i32
        %add3A_320 = arith.addi %add3A_205, %add3A_319 : i32
        %sub3A_321 = arith.constant 1 : i32
        %sub3A_322 = arith.subi %add3A_320, %sub3A_321 : i32
        %dma_wait3A_323 = arith.constant 0 : i32
        %dma_wait3A_324 = tpu.memref_slice %arg7[%sub3A_322, %dma_wait3A_323] : memref<80x128xi32, #tpu.memory_space<vmem>> -> memref<1x128xi32, #tpu.memory_space<vmem>>
        %dma_wait3A_325 = tpu.memref_squeeze %dma_wait3A_324 : memref<1x128xi32, #tpu.memory_space<vmem>> -> memref<128xi32, #tpu.memory_space<vmem>>
        %dma_wait3A_326 = arith.constant 0 : i32
        %dma_wait3A_327 = arith.constant 0 : i32
        %dma_wait3A_328 = tpu.memref_slice %arg16[%dma_wait3A_326, %dma_wait3A_327] : memref<10128x128xbf16, #tpu.memory_space<vmem_shared>> -> memref<10128x128xbf16, #tpu.memory_space<vmem_shared>>
        tpu.wait_indirect_dma semaphore(%arg27 : memref<!tpu.dma_semaphore, #tpu.memory_space<semaphore_mem>>) src(%arg10 : memref<128x128xbf16, #tpu.memory_space<vmem>>) dst(%dma_wait3A_328 : memref<10128x128xbf16, #tpu.memory_space<vmem_shared>>)
        %dma_start3A_329 = arith.constant 0 : i32
        %dma_start3A_330 = tpu.memref_slice %arg6[%sub3A_322, %dma_start3A_329] : memref<80x128xi32, #tpu.memory_space<vmem>> -> memref<1x128xi32, #tpu.memory_space<vmem>>
        %dma_start3A_331 = tpu.memref_squeeze %dma_start3A_330 : memref<1x128xi32, #tpu.memory_space<vmem>> -> memref<128xi32, #tpu.memory_space<vmem>>
        %dma_start3A_332 = arith.constant 0 : i32
        %dma_start3A_333 = arith.constant 0 : i32
        %dma_start3A_334 = tpu.memref_slice %arg4[%dma_start3A_332, %dma_start3A_333] : memref<10000x128xbf16, #tpu.memory_space<hbm>> -> memref<10000x128xbf16, #tpu.memory_space<hbm>>
        tpu.enqueue_indirect_dma source(%dma_start3A_334 : memref<10000x128xbf16, #tpu.memory_space<hbm>>) target(%arg10 : memref<128x128xbf16, #tpu.memory_space<vmem>>) offsets(%dma_start3A_331 : memref<128xi32, #tpu.memory_space<vmem>>) semaphore(%arg19 : memref<!tpu.dma_semaphore, #tpu.memory_space<semaphore_mem>>)
      } else {
      }
      %add3A_227 = arith.constant 4 : i32
      %add3A_228 = arith.addi %mul3A_133, %add3A_227 : i32
      %dma_wait3A_229 = arith.constant 0 : i32
      %dma_wait3A_230 = tpu.memref_slice %arg6[%add3A_228, %dma_wait3A_229] : memref<80x128xi32, #tpu.memory_space<vmem>> -> memref<1x128xi32, #tpu.memory_space<vmem>>
      %dma_wait3A_231 = tpu.memref_squeeze %dma_wait3A_230 : memref<1x128xi32, #tpu.memory_space<vmem>> -> memref<128xi32, #tpu.memory_space<vmem>>
      %dma_wait3A_232 = arith.constant 0 : i32
      %dma_wait3A_233 = arith.constant 0 : i32
      %dma_wait3A_234 = tpu.memref_slice %arg4[%dma_wait3A_232, %dma_wait3A_233] : memref<10000x128xbf16, #tpu.memory_space<hbm>> -> memref<10000x128xbf16, #tpu.memory_space<hbm>>
      tpu.wait_indirect_dma semaphore(%arg21 : memref<!tpu.dma_semaphore, #tpu.memory_space<semaphore_mem>>) src(%dma_wait3A_234 : memref<10000x128xbf16, #tpu.memory_space<hbm>>) dst(%arg12 : memref<128x128xbf16, #tpu.memory_space<vmem>>)
      %dma_start3A_235 = arith.constant 0 : i32
      %dma_start3A_236 = tpu.memref_slice %arg7[%add3A_228, %dma_start3A_235] : memref<80x128xi32, #tpu.memory_space<vmem>> -> memref<1x128xi32, #tpu.memory_space<vmem>>
      %dma_start3A_237 = tpu.memref_squeeze %dma_start3A_236 : memref<1x128xi32, #tpu.memory_space<vmem>> -> memref<128xi32, #tpu.memory_space<vmem>>
      %dma_start3A_238 = arith.constant 0 : i32
      %dma_start3A_239 = arith.constant 0 : i32
      %dma_start3A_240 = tpu.memref_slice %arg16[%dma_start3A_238, %dma_start3A_239] : memref<10128x128xbf16, #tpu.memory_space<vmem_shared>> -> memref<10128x128xbf16, #tpu.memory_space<vmem_shared>>
      tpu.enqueue_indirect_dma source(%arg12 : memref<128x128xbf16, #tpu.memory_space<vmem>>) target(%dma_start3A_240 : memref<10128x128xbf16, #tpu.memory_space<vmem_shared>>) offsets(%dma_start3A_237 : memref<128xi32, #tpu.memory_space<vmem>>) semaphore(%arg29 : memref<!tpu.dma_semaphore, #tpu.memory_space<semaphore_mem>>) {add = true}
      %add3A_241 = arith.constant 8 : i32
      %add3A_242 = arith.addi %add3A_228, %add3A_241 : i32
      %sub3A_243 = arith.constant 1 : i32
      %sub3A_244 = arith.subi %add3A_242, %sub3A_243 : i32
      %lt3A_245 = arith.constant 80 : i32
      %lt3A_246 = arith.cmpi slt, %sub3A_244, %lt3A_245 : i32
      %convert_element_type3A_247 = arith.extui %lt3A_246 : i1 to i32
      %cond3A_248 = arith.constant 0 : i32
      %cond3A_249 = arith.cmpi ne, %convert_element_type3A_247, %cond3A_248 : i32
      scf.if %cond3A_249 {
        %add3A_319 = arith.constant 8 : i32
        %add3A_320 = arith.addi %add3A_228, %add3A_319 : i32
        %sub3A_321 = arith.constant 1 : i32
        %sub3A_322 = arith.subi %add3A_320, %sub3A_321 : i32
        %dma_wait3A_323 = arith.constant 0 : i32
        %dma_wait3A_324 = tpu.memref_slice %arg7[%sub3A_322, %dma_wait3A_323] : memref<80x128xi32, #tpu.memory_space<vmem>> -> memref<1x128xi32, #tpu.memory_space<vmem>>
        %dma_wait3A_325 = tpu.memref_squeeze %dma_wait3A_324 : memref<1x128xi32, #tpu.memory_space<vmem>> -> memref<128xi32, #tpu.memory_space<vmem>>
        %dma_wait3A_326 = arith.constant 0 : i32
        %dma_wait3A_327 = arith.constant 0 : i32
        %dma_wait3A_328 = tpu.memref_slice %arg16[%dma_wait3A_326, %dma_wait3A_327] : memref<10128x128xbf16, #tpu.memory_space<vmem_shared>> -> memref<10128x128xbf16, #tpu.memory_space<vmem_shared>>
        tpu.wait_indirect_dma semaphore(%arg28 : memref<!tpu.dma_semaphore, #tpu.memory_space<semaphore_mem>>) src(%arg11 : memref<128x128xbf16, #tpu.memory_space<vmem>>) dst(%dma_wait3A_328 : memref<10128x128xbf16, #tpu.memory_space<vmem_shared>>)
        %dma_start3A_329 = arith.constant 0 : i32
        %dma_start3A_330 = tpu.memref_slice %arg6[%sub3A_322, %dma_start3A_329] : memref<80x128xi32, #tpu.memory_space<vmem>> -> memref<1x128xi32, #tpu.memory_space<vmem>>
        %dma_start3A_331 = tpu.memref_squeeze %dma_start3A_330 : memref<1x128xi32, #tpu.memory_space<vmem>> -> memref<128xi32, #tpu.memory_space<vmem>>
        %dma_start3A_332 = arith.constant 0 : i32
        %dma_start3A_333 = arith.constant 0 : i32
        %dma_start3A_334 = tpu.memref_slice %arg4[%dma_start3A_332, %dma_start3A_333] : memref<10000x128xbf16, #tpu.memory_space<hbm>> -> memref<10000x128xbf16, #tpu.memory_space<hbm>>
        tpu.enqueue_indirect_dma source(%dma_start3A_334 : memref<10000x128xbf16, #tpu.memory_space<hbm>>) target(%arg11 : memref<128x128xbf16, #tpu.memory_space<vmem>>) offsets(%dma_start3A_331 : memref<128xi32, #tpu.memory_space<vmem>>) semaphore(%arg20 : memref<!tpu.dma_semaphore, #tpu.memory_space<semaphore_mem>>)
      } else {
      }
      %add3A_250 = arith.constant 5 : i32
      %add3A_251 = arith.addi %mul3A_133, %add3A_250 : i32
      %dma_wait3A_252 = arith.constant 0 : i32
      %dma_wait3A_253 = tpu.memref_slice %arg6[%add3A_251, %dma_wait3A_252] : memref<80x128xi32, #tpu.memory_space<vmem>> -> memref<1x128xi32, #tpu.memory_space<vmem>>
      %dma_wait3A_254 = tpu.memref_squeeze %dma_wait3A_253 : memref<1x128xi32, #tpu.memory_space<vmem>> -> memref<128xi32, #tpu.memory_space<vmem>>
      %dma_wait3A_255 = arith.constant 0 : i32
      %dma_wait3A_256 = arith.constant 0 : i32
      %dma_wait3A_257 = tpu.memref_slice %arg4[%dma_wait3A_255, %dma_wait3A_256] : memref<10000x128xbf16, #tpu.memory_space<hbm>> -> memref<10000x128xbf16, #tpu.memory_space<hbm>>
      tpu.wait_indirect_dma semaphore(%arg22 : memref<!tpu.dma_semaphore, #tpu.memory_space<semaphore_mem>>) src(%dma_wait3A_257 : memref<10000x128xbf16, #tpu.memory_space<hbm>>) dst(%arg13 : memref<128x128xbf16, #tpu.memory_space<vmem>>)
      %dma_start3A_258 = arith.constant 0 : i32
      %dma_start3A_259 = tpu.memref_slice %arg7[%add3A_251, %dma_start3A_258] : memref<80x128xi32, #tpu.memory_space<vmem>> -> memref<1x128xi32, #tpu.memory_space<vmem>>
      %dma_start3A_260 = tpu.memref_squeeze %dma_start3A_259 : memref<1x128xi32, #tpu.memory_space<vmem>> -> memref<128xi32, #tpu.memory_space<vmem>>
      %dma_start3A_261 = arith.constant 0 : i32
      %dma_start3A_262 = arith.constant 0 : i32
      %dma_start3A_263 = tpu.memref_slice %arg16[%dma_start3A_261, %dma_start3A_262] : memref<10128x128xbf16, #tpu.memory_space<vmem_shared>> -> memref<10128x128xbf16, #tpu.memory_space<vmem_shared>>
      tpu.enqueue_indirect_dma source(%arg13 : memref<128x128xbf16, #tpu.memory_space<vmem>>) target(%dma_start3A_263 : memref<10128x128xbf16, #tpu.memory_space<vmem_shared>>) offsets(%dma_start3A_260 : memref<128xi32, #tpu.memory_space<vmem>>) semaphore(%arg30 : memref<!tpu.dma_semaphore, #tpu.memory_space<semaphore_mem>>) {add = true}
      %add3A_264 = arith.constant 8 : i32
      %add3A_265 = arith.addi %add3A_251, %add3A_264 : i32
      %sub3A_266 = arith.constant 1 : i32
      %sub3A_267 = arith.subi %add3A_265, %sub3A_266 : i32
      %lt3A_268 = arith.constant 80 : i32
      %lt3A_269 = arith.cmpi slt, %sub3A_267, %lt3A_268 : i32
      %convert_element_type3A_270 = arith.extui %lt3A_269 : i1 to i32
      %cond3A_271 = arith.constant 0 : i32
      %cond3A_272 = arith.cmpi ne, %convert_element_type3A_270, %cond3A_271 : i32
      scf.if %cond3A_272 {
        %add3A_319 = arith.constant 8 : i32
        %add3A_320 = arith.addi %add3A_251, %add3A_319 : i32
        %sub3A_321 = arith.constant 1 : i32
        %sub3A_322 = arith.subi %add3A_320, %sub3A_321 : i32
        %dma_wait3A_323 = arith.constant 0 : i32
        %dma_wait3A_324 = tpu.memref_slice %arg7[%sub3A_322, %dma_wait3A_323] : memref<80x128xi32, #tpu.memory_space<vmem>> -> memref<1x128xi32, #tpu.memory_space<vmem>>
        %dma_wait3A_325 = tpu.memref_squeeze %dma_wait3A_324 : memref<1x128xi32, #tpu.memory_space<vmem>> -> memref<128xi32, #tpu.memory_space<vmem>>
        %dma_wait3A_326 = arith.constant 0 : i32
        %dma_wait3A_327 = arith.constant 0 : i32
        %dma_wait3A_328 = tpu.memref_slice %arg16[%dma_wait3A_326, %dma_wait3A_327] : memref<10128x128xbf16, #tpu.memory_space<vmem_shared>> -> memref<10128x128xbf16, #tpu.memory_space<vmem_shared>>
        tpu.wait_indirect_dma semaphore(%arg29 : memref<!tpu.dma_semaphore, #tpu.memory_space<semaphore_mem>>) src(%arg12 : memref<128x128xbf16, #tpu.memory_space<vmem>>) dst(%dma_wait3A_328 : memref<10128x128xbf16, #tpu.memory_space<vmem_shared>>)
        %dma_start3A_329 = arith.constant 0 : i32
        %dma_start3A_330 = tpu.memref_slice %arg6[%sub3A_322, %dma_start3A_329] : memref<80x128xi32, #tpu.memory_space<vmem>> -> memref<1x128xi32, #tpu.memory_space<vmem>>
        %dma_start3A_331 = tpu.memref_squeeze %dma_start3A_330 : memref<1x128xi32, #tpu.memory_space<vmem>> -> memref<128xi32, #tpu.memory_space<vmem>>
        %dma_start3A_332 = arith.constant 0 : i32
        %dma_start3A_333 = arith.constant 0 : i32
        %dma_start3A_334 = tpu.memref_slice %arg4[%dma_start3A_332, %dma_start3A_333] : memref<10000x128xbf16, #tpu.memory_space<hbm>> -> memref<10000x128xbf16, #tpu.memory_space<hbm>>
        tpu.enqueue_indirect_dma source(%dma_start3A_334 : memref<10000x128xbf16, #tpu.memory_space<hbm>>) target(%arg12 : memref<128x128xbf16, #tpu.memory_space<vmem>>) offsets(%dma_start3A_331 : memref<128xi32, #tpu.memory_space<vmem>>) semaphore(%arg21 : memref<!tpu.dma_semaphore, #tpu.memory_space<semaphore_mem>>)
      } else {
      }
      %add3A_273 = arith.constant 6 : i32
      %add3A_274 = arith.addi %mul3A_133, %add3A_273 : i32
      %dma_wait3A_275 = arith.constant 0 : i32
      %dma_wait3A_276 = tpu.memref_slice %arg6[%add3A_274, %dma_wait3A_275] : memref<80x128xi32, #tpu.memory_space<vmem>> -> memref<1x128xi32, #tpu.memory_space<vmem>>
      %dma_wait3A_277 = tpu.memref_squeeze %dma_wait3A_276 : memref<1x128xi32, #tpu.memory_space<vmem>> -> memref<128xi32, #tpu.memory_space<vmem>>
      %dma_wait3A_278 = arith.constant 0 : i32
      %dma_wait3A_279 = arith.constant 0 : i32
      %dma_wait3A_280 = tpu.memref_slice %arg4[%dma_wait3A_278, %dma_wait3A_279] : memref<10000x128xbf16, #tpu.memory_space<hbm>> -> memref<10000x128xbf16, #tpu.memory_space<hbm>>
      tpu.wait_indirect_dma semaphore(%arg23 : memref<!tpu.dma_semaphore, #tpu.memory_space<semaphore_mem>>) src(%dma_wait3A_280 : memref<10000x128xbf16, #tpu.memory_space<hbm>>) dst(%arg14 : memref<128x128xbf16, #tpu.memory_space<vmem>>)
      %dma_start3A_281 = arith.constant 0 : i32
      %dma_start3A_282 = tpu.memref_slice %arg7[%add3A_274, %dma_start3A_281] : memref<80x128xi32, #tpu.memory_space<vmem>> -> memref<1x128xi32, #tpu.memory_space<vmem>>
      %dma_start3A_283 = tpu.memref_squeeze %dma_start3A_282 : memref<1x128xi32, #tpu.memory_space<vmem>> -> memref<128xi32, #tpu.memory_space<vmem>>
      %dma_start3A_284 = arith.constant 0 : i32
      %dma_start3A_285 = arith.constant 0 : i32
      %dma_start3A_286 = tpu.memref_slice %arg16[%dma_start3A_284, %dma_start3A_285] : memref<10128x128xbf16, #tpu.memory_space<vmem_shared>> -> memref<10128x128xbf16, #tpu.memory_space<vmem_shared>>
      tpu.enqueue_indirect_dma source(%arg14 : memref<128x128xbf16, #tpu.memory_space<vmem>>) target(%dma_start3A_286 : memref<10128x128xbf16, #tpu.memory_space<vmem_shared>>) offsets(%dma_start3A_283 : memref<128xi32, #tpu.memory_space<vmem>>) semaphore(%arg31 : memref<!tpu.dma_semaphore, #tpu.memory_space<semaphore_mem>>) {add = true}
      %add3A_287 = arith.constant 8 : i32
      %add3A_288 = arith.addi %add3A_274, %add3A_287 : i32
      %sub3A_289 = arith.constant 1 : i32
      %sub3A_290 = arith.subi %add3A_288, %sub3A_289 : i32
      %lt3A_291 = arith.constant 80 : i32
      %lt3A_292 = arith.cmpi slt, %sub3A_290, %lt3A_291 : i32
      %convert_element_type3A_293 = arith.extui %lt3A_292 : i1 to i32
      %cond3A_294 = arith.constant 0 : i32
      %cond3A_295 = arith.cmpi ne, %convert_element_type3A_293, %cond3A_294 : i32
      scf.if %cond3A_295 {
        %add3A_319 = arith.constant 8 : i32
        %add3A_320 = arith.addi %add3A_274, %add3A_319 : i32
        %sub3A_321 = arith.constant 1 : i32
        %sub3A_322 = arith.subi %add3A_320, %sub3A_321 : i32
        %dma_wait3A_323 = arith.constant 0 : i32
        %dma_wait3A_324 = tpu.memref_slice %arg7[%sub3A_322, %dma_wait3A_323] : memref<80x128xi32, #tpu.memory_space<vmem>> -> memref<1x128xi32, #tpu.memory_space<vmem>>
        %dma_wait3A_325 = tpu.memref_squeeze %dma_wait3A_324 : memref<1x128xi32, #tpu.memory_space<vmem>> -> memref<128xi32, #tpu.memory_space<vmem>>
        %dma_wait3A_326 = arith.constant 0 : i32
        %dma_wait3A_327 = arith.constant 0 : i32
        %dma_wait3A_328 = tpu.memref_slice %arg16[%dma_wait3A_326, %dma_wait3A_327] : memref<10128x128xbf16, #tpu.memory_space<vmem_shared>> -> memref<10128x128xbf16, #tpu.memory_space<vmem_shared>>
        tpu.wait_indirect_dma semaphore(%arg30 : memref<!tpu.dma_semaphore, #tpu.memory_space<semaphore_mem>>) src(%arg13 : memref<128x128xbf16, #tpu.memory_space<vmem>>) dst(%dma_wait3A_328 : memref<10128x128xbf16, #tpu.memory_space<vmem_shared>>)
        %dma_start3A_329 = arith.constant 0 : i32
        %dma_start3A_330 = tpu.memref_slice %arg6[%sub3A_322, %dma_start3A_329] : memref<80x128xi32, #tpu.memory_space<vmem>> -> memref<1x128xi32, #tpu.memory_space<vmem>>
        %dma_start3A_331 = tpu.memref_squeeze %dma_start3A_330 : memref<1x128xi32, #tpu.memory_space<vmem>> -> memref<128xi32, #tpu.memory_space<vmem>>
        %dma_start3A_332 = arith.constant 0 : i32
        %dma_start3A_333 = arith.constant 0 : i32
        %dma_start3A_334 = tpu.memref_slice %arg4[%dma_start3A_332, %dma_start3A_333] : memref<10000x128xbf16, #tpu.memory_space<hbm>> -> memref<10000x128xbf16, #tpu.memory_space<hbm>>
        tpu.enqueue_indirect_dma source(%dma_start3A_334 : memref<10000x128xbf16, #tpu.memory_space<hbm>>) target(%arg13 : memref<128x128xbf16, #tpu.memory_space<vmem>>) offsets(%dma_start3A_331 : memref<128xi32, #tpu.memory_space<vmem>>) semaphore(%arg22 : memref<!tpu.dma_semaphore, #tpu.memory_space<semaphore_mem>>)
      } else {
      }
      %add3A_296 = arith.constant 7 : i32
      %add3A_297 = arith.addi %mul3A_133, %add3A_296 : i32
      %dma_wait3A_298 = arith.constant 0 : i32
      %dma_wait3A_299 = tpu.memref_slice %arg6[%add3A_297, %dma_wait3A_298] : memref<80x128xi32, #tpu.memory_space<vmem>> -> memref<1x128xi32, #tpu.memory_space<vmem>>
      %dma_wait3A_300 = tpu.memref_squeeze %dma_wait3A_299 : memref<1x128xi32, #tpu.memory_space<vmem>> -> memref<128xi32, #tpu.memory_space<vmem>>
      %dma_wait3A_301 = arith.constant 0 : i32
      %dma_wait3A_302 = arith.constant 0 : i32
      %dma_wait3A_303 = tpu.memref_slice %arg4[%dma_wait3A_301, %dma_wait3A_302] : memref<10000x128xbf16, #tpu.memory_space<hbm>> -> memref<10000x128xbf16, #tpu.memory_space<hbm>>
      tpu.wait_indirect_dma semaphore(%arg24 : memref<!tpu.dma_semaphore, #tpu.memory_space<semaphore_mem>>) src(%dma_wait3A_303 : memref<10000x128xbf16, #tpu.memory_space<hbm>>) dst(%arg15 : memref<128x128xbf16, #tpu.memory_space<vmem>>)
      %dma_start3A_304 = arith.constant 0 : i32
      %dma_start3A_305 = tpu.memref_slice %arg7[%add3A_297, %dma_start3A_304] : memref<80x128xi32, #tpu.memory_space<vmem>> -> memref<1x128xi32, #tpu.memory_space<vmem>>
      %dma_start3A_306 = tpu.memref_squeeze %dma_start3A_305 : memref<1x128xi32, #tpu.memory_space<vmem>> -> memref<128xi32, #tpu.memory_space<vmem>>
      %dma_start3A_307 = arith.constant 0 : i32
      %dma_start3A_308 = arith.constant 0 : i32
      %dma_start3A_309 = tpu.memref_slice %arg16[%dma_start3A_307, %dma_start3A_308] : memref<10128x128xbf16, #tpu.memory_space<vmem_shared>> -> memref<10128x128xbf16, #tpu.memory_space<vmem_shared>>
      tpu.enqueue_indirect_dma source(%arg15 : memref<128x128xbf16, #tpu.memory_space<vmem>>) target(%dma_start3A_309 : memref<10128x128xbf16, #tpu.memory_space<vmem_shared>>) offsets(%dma_start3A_306 : memref<128xi32, #tpu.memory_space<vmem>>) semaphore(%arg32 : memref<!tpu.dma_semaphore, #tpu.memory_space<semaphore_mem>>) {add = true}
      %add3A_310 = arith.constant 8 : i32
      %add3A_311 = arith.addi %add3A_297, %add3A_310 : i32
      %sub3A_312 = arith.constant 1 : i32
      %sub3A_313 = arith.subi %add3A_311, %sub3A_312 : i32
      %lt3A_314 = arith.constant 80 : i32
      %lt3A_315 = arith.cmpi slt, %sub3A_313, %lt3A_314 : i32
      %convert_element_type3A_316 = arith.extui %lt3A_315 : i1 to i32
      %cond3A_317 = arith.constant 0 : i32
      %cond3A_318 = arith.cmpi ne, %convert_element_type3A_316, %cond3A_317 : i32
      scf.if %cond3A_318 {
        %add3A_319 = arith.constant 8 : i32
        %add3A_320 = arith.addi %add3A_297, %add3A_319 : i32
        %sub3A_321 = arith.constant 1 : i32
        %sub3A_322 = arith.subi %add3A_320, %sub3A_321 : i32
        %dma_wait3A_323 = arith.constant 0 : i32
        %dma_wait3A_324 = tpu.memref_slice %arg7[%sub3A_322, %dma_wait3A_323] : memref<80x128xi32, #tpu.memory_space<vmem>> -> memref<1x128xi32, #tpu.memory_space<vmem>>
        %dma_wait3A_325 = tpu.memref_squeeze %dma_wait3A_324 : memref<1x128xi32, #tpu.memory_space<vmem>> -> memref<128xi32, #tpu.memory_space<vmem>>
        %dma_wait3A_326 = arith.constant 0 : i32
        %dma_wait3A_327 = arith.constant 0 : i32
        %dma_wait3A_328 = tpu.memref_slice %arg16[%dma_wait3A_326, %dma_wait3A_327] : memref<10128x128xbf16, #tpu.memory_space<vmem_shared>> -> memref<10128x128xbf16, #tpu.memory_space<vmem_shared>>
        tpu.wait_indirect_dma semaphore(%arg31 : memref<!tpu.dma_semaphore, #tpu.memory_space<semaphore_mem>>) src(%arg14 : memref<128x128xbf16, #tpu.memory_space<vmem>>) dst(%dma_wait3A_328 : memref<10128x128xbf16, #tpu.memory_space<vmem_shared>>)
        %dma_start3A_329 = arith.constant 0 : i32
        %dma_start3A_330 = tpu.memref_slice %arg6[%sub3A_322, %dma_start3A_329] : memref<80x128xi32, #tpu.memory_space<vmem>> -> memref<1x128xi32, #tpu.memory_space<vmem>>
        %dma_start3A_331 = tpu.memref_squeeze %dma_start3A_330 : memref<1x128xi32, #tpu.memory_space<vmem>> -> memref<128xi32, #tpu.memory_space<vmem>>
        %dma_start3A_332 = arith.constant 0 : i32
        %dma_start3A_333 = arith.constant 0 : i32
        %dma_start3A_334 = tpu.memref_slice %arg4[%dma_start3A_332, %dma_start3A_333] : memref<10000x128xbf16, #tpu.memory_space<hbm>> -> memref<10000x128xbf16, #tpu.memory_space<hbm>>
        tpu.enqueue_indirect_dma source(%dma_start3A_334 : memref<10000x128xbf16, #tpu.memory_space<hbm>>) target(%arg14 : memref<128x128xbf16, #tpu.memory_space<vmem>>) offsets(%dma_start3A_331 : memref<128xi32, #tpu.memory_space<vmem>>) semaphore(%arg23 : memref<!tpu.dma_semaphore, #tpu.memory_space<semaphore_mem>>)
      } else {
      }
    }
    %scan3A_70 = arith.constant 10 : i32
    %dma_wait3A = arith.constant 0 : i32
    %dma_wait3A_71 = arith.constant 0 : i32
    %dma_wait3A_72 = tpu.memref_slice %arg7[%dma_wait3A, %dma_wait3A_71] : memref<80x128xi32, #tpu.memory_space<vmem>> -> memref<1x128xi32, #tpu.memory_space<vmem>>
    %dma_wait3A_73 = tpu.memref_squeeze %dma_wait3A_72 : memref<1x128xi32, #tpu.memory_space<vmem>> -> memref<128xi32, #tpu.memory_space<vmem>>
    %dma_wait3A_74 = arith.constant 0 : i32
    %dma_wait3A_75 = arith.constant 0 : i32
    %dma_wait3A_76 = tpu.memref_slice %arg16[%dma_wait3A_74, %dma_wait3A_75] : memref<10128x128xbf16, #tpu.memory_space<vmem_shared>> -> memref<10128x128xbf16, #tpu.memory_space<vmem_shared>>
    tpu.wait_indirect_dma semaphore(%arg25 : memref<!tpu.dma_semaphore, #tpu.memory_space<semaphore_mem>>) src(%arg8 : memref<128x128xbf16, #tpu.memory_space<vmem>>) dst(%dma_wait3A_76 : memref<10128x128xbf16, #tpu.memory_space<vmem_shared>>)
    %dma_wait3A_77 = arith.constant 1 : i32
    %dma_wait3A_78 = arith.constant 0 : i32
    %dma_wait3A_79 = tpu.memref_slice %arg7[%dma_wait3A_77, %dma_wait3A_78] : memref<80x128xi32, #tpu.memory_space<vmem>> -> memref<1x128xi32, #tpu.memory_space<vmem>>
    %dma_wait3A_80 = tpu.memref_squeeze %dma_wait3A_79 : memref<1x128xi32, #tpu.memory_space<vmem>> -> memref<128xi32, #tpu.memory_space<vmem>>
    %dma_wait3A_81 = arith.constant 0 : i32
    %dma_wait3A_82 = arith.constant 0 : i32
    %dma_wait3A_83 = tpu.memref_slice %arg16[%dma_wait3A_81, %dma_wait3A_82] : memref<10128x128xbf16, #tpu.memory_space<vmem_shared>> -> memref<10128x128xbf16, #tpu.memory_space<vmem_shared>>
    tpu.wait_indirect_dma semaphore(%arg26 : memref<!tpu.dma_semaphore, #tpu.memory_space<semaphore_mem>>) src(%arg9 : memref<128x128xbf16, #tpu.memory_space<vmem>>) dst(%dma_wait3A_83 : memref<10128x128xbf16, #tpu.memory_space<vmem_shared>>)
    %dma_wait3A_84 = arith.constant 2 : i32
    %dma_wait3A_85 = arith.constant 0 : i32
    %dma_wait3A_86 = tpu.memref_slice %arg7[%dma_wait3A_84, %dma_wait3A_85] : memref<80x128xi32, #tpu.memory_space<vmem>> -> memref<1x128xi32, #tpu.memory_space<vmem>>
    %dma_wait3A_87 = tpu.memref_squeeze %dma_wait3A_86 : memref<1x128xi32, #tpu.memory_space<vmem>> -> memref<128xi32, #tpu.memory_space<vmem>>
    %dma_wait3A_88 = arith.constant 0 : i32
    %dma_wait3A_89 = arith.constant 0 : i32
    %dma_wait3A_90 = tpu.memref_slice %arg16[%dma_wait3A_88, %dma_wait3A_89] : memref<10128x128xbf16, #tpu.memory_space<vmem_shared>> -> memref<10128x128xbf16, #tpu.memory_space<vmem_shared>>
    tpu.wait_indirect_dma semaphore(%arg27 : memref<!tpu.dma_semaphore, #tpu.memory_space<semaphore_mem>>) src(%arg10 : memref<128x128xbf16, #tpu.memory_space<vmem>>) dst(%dma_wait3A_90 : memref<10128x128xbf16, #tpu.memory_space<vmem_shared>>)
    %dma_wait3A_91 = arith.constant 3 : i32
    %dma_wait3A_92 = arith.constant 0 : i32
    %dma_wait3A_93 = tpu.memref_slice %arg7[%dma_wait3A_91, %dma_wait3A_92] : memref<80x128xi32, #tpu.memory_space<vmem>> -> memref<1x128xi32, #tpu.memory_space<vmem>>
    %dma_wait3A_94 = tpu.memref_squeeze %dma_wait3A_93 : memref<1x128xi32, #tpu.memory_space<vmem>> -> memref<128xi32, #tpu.memory_space<vmem>>
    %dma_wait3A_95 = arith.constant 0 : i32
    %dma_wait3A_96 = arith.constant 0 : i32
    %dma_wait3A_97 = tpu.memref_slice %arg16[%dma_wait3A_95, %dma_wait3A_96] : memref<10128x128xbf16, #tpu.memory_space<vmem_shared>> -> memref<10128x128xbf16, #tpu.memory_space<vmem_shared>>
    tpu.wait_indirect_dma semaphore(%arg28 : memref<!tpu.dma_semaphore, #tpu.memory_space<semaphore_mem>>) src(%arg11 : memref<128x128xbf16, #tpu.memory_space<vmem>>) dst(%dma_wait3A_97 : memref<10128x128xbf16, #tpu.memory_space<vmem_shared>>)
    %dma_wait3A_98 = arith.constant 4 : i32
    %dma_wait3A_99 = arith.constant 0 : i32
    %dma_wait3A_100 = tpu.memref_slice %arg7[%dma_wait3A_98, %dma_wait3A_99] : memref<80x128xi32, #tpu.memory_space<vmem>> -> memref<1x128xi32, #tpu.memory_space<vmem>>
    %dma_wait3A_101 = tpu.memref_squeeze %dma_wait3A_100 : memref<1x128xi32, #tpu.memory_space<vmem>> -> memref<128xi32, #tpu.memory_space<vmem>>
    %dma_wait3A_102 = arith.constant 0 : i32
    %dma_wait3A_103 = arith.constant 0 : i32
    %dma_wait3A_104 = tpu.memref_slice %arg16[%dma_wait3A_102, %dma_wait3A_103] : memref<10128x128xbf16, #tpu.memory_space<vmem_shared>> -> memref<10128x128xbf16, #tpu.memory_space<vmem_shared>>
    tpu.wait_indirect_dma semaphore(%arg29 : memref<!tpu.dma_semaphore, #tpu.memory_space<semaphore_mem>>) src(%arg12 : memref<128x128xbf16, #tpu.memory_space<vmem>>) dst(%dma_wait3A_104 : memref<10128x128xbf16, #tpu.memory_space<vmem_shared>>)
    %dma_wait3A_105 = arith.constant 5 : i32
    %dma_wait3A_106 = arith.constant 0 : i32
    %dma_wait3A_107 = tpu.memref_slice %arg7[%dma_wait3A_105, %dma_wait3A_106] : memref<80x128xi32, #tpu.memory_space<vmem>> -> memref<1x128xi32, #tpu.memory_space<vmem>>
    %dma_wait3A_108 = tpu.memref_squeeze %dma_wait3A_107 : memref<1x128xi32, #tpu.memory_space<vmem>> -> memref<128xi32, #tpu.memory_space<vmem>>
    %dma_wait3A_109 = arith.constant 0 : i32
    %dma_wait3A_110 = arith.constant 0 : i32
    %dma_wait3A_111 = tpu.memref_slice %arg16[%dma_wait3A_109, %dma_wait3A_110] : memref<10128x128xbf16, #tpu.memory_space<vmem_shared>> -> memref<10128x128xbf16, #tpu.memory_space<vmem_shared>>
    tpu.wait_indirect_dma semaphore(%arg30 : memref<!tpu.dma_semaphore, #tpu.memory_space<semaphore_mem>>) src(%arg13 : memref<128x128xbf16, #tpu.memory_space<vmem>>) dst(%dma_wait3A_111 : memref<10128x128xbf16, #tpu.memory_space<vmem_shared>>)
    %dma_wait3A_112 = arith.constant 6 : i32
    %dma_wait3A_113 = arith.constant 0 : i32
    %dma_wait3A_114 = tpu.memref_slice %arg7[%dma_wait3A_112, %dma_wait3A_113] : memref<80x128xi32, #tpu.memory_space<vmem>> -> memref<1x128xi32, #tpu.memory_space<vmem>>
    %dma_wait3A_115 = tpu.memref_squeeze %dma_wait3A_114 : memref<1x128xi32, #tpu.memory_space<vmem>> -> memref<128xi32, #tpu.memory_space<vmem>>
    %dma_wait3A_116 = arith.constant 0 : i32
    %dma_wait3A_117 = arith.constant 0 : i32
    %dma_wait3A_118 = tpu.memref_slice %arg16[%dma_wait3A_116, %dma_wait3A_117] : memref<10128x128xbf16, #tpu.memory_space<vmem_shared>> -> memref<10128x128xbf16, #tpu.memory_space<vmem_shared>>
    tpu.wait_indirect_dma semaphore(%arg31 : memref<!tpu.dma_semaphore, #tpu.memory_space<semaphore_mem>>) src(%arg14 : memref<128x128xbf16, #tpu.memory_space<vmem>>) dst(%dma_wait3A_118 : memref<10128x128xbf16, #tpu.memory_space<vmem_shared>>)
    %dma_wait3A_119 = arith.constant 7 : i32
    %dma_wait3A_120 = arith.constant 0 : i32
    %dma_wait3A_121 = tpu.memref_slice %arg7[%dma_wait3A_119, %dma_wait3A_120] : memref<80x128xi32, #tpu.memory_space<vmem>> -> memref<1x128xi32, #tpu.memory_space<vmem>>
    %dma_wait3A_122 = tpu.memref_squeeze %dma_wait3A_121 : memref<1x128xi32, #tpu.memory_space<vmem>> -> memref<128xi32, #tpu.memory_space<vmem>>
    %dma_wait3A_123 = arith.constant 0 : i32
    %dma_wait3A_124 = arith.constant 0 : i32
    %dma_wait3A_125 = tpu.memref_slice %arg16[%dma_wait3A_123, %dma_wait3A_124] : memref<10128x128xbf16, #tpu.memory_space<vmem_shared>> -> memref<10128x128xbf16, #tpu.memory_space<vmem_shared>>
    tpu.wait_indirect_dma semaphore(%arg32 : memref<!tpu.dma_semaphore, #tpu.memory_space<semaphore_mem>>) src(%arg15 : memref<128x128xbf16, #tpu.memory_space<vmem>>) dst(%dma_wait3A_125 : memref<10128x128xbf16, #tpu.memory_space<vmem_shared>>)
    %barrier3A_126 = arith.constant 0 : index
    tpu.barrier barrier_id(%barrier3A_126)
    "tpu.region"() ({
      %run_scoped3A = tpu.sem_alloc : memref<!tpu.dma_semaphore, #tpu.memory_space<semaphore_mem>>
      %dma_start3A_127 = arith.constant 0 : i32
      %dma_start3A_128 = tpu.memref_slice %arg5[%arg0, %mul3A_7, %dma_start3A_127] : memref<2x10000x128xbf16, #tpu.memory_space<hbm>> -> memref<1x625x128xbf16, #tpu.memory_space<hbm>>
      %dma_start3A_129 = tpu.memref_squeeze %dma_start3A_128 : memref<1x625x128xbf16, #tpu.memory_space<hbm>> -> memref<625x128xbf16, #tpu.memory_space<hbm>>
      %dma_start3A_130 = arith.constant 0 : i32
      %dma_start3A_131 = tpu.memref_slice %arg16[%mul3A_7, %dma_start3A_130] : memref<10128x128xbf16, #tpu.memory_space<vmem_shared>> -> memref<625x128xbf16, #tpu.memory_space<vmem_shared>>
      tpu.enqueue_dma source(%dma_start3A_131 : memref<625x128xbf16, #tpu.memory_space<vmem_shared>>) target(%dma_start3A_129 : memref<625x128xbf16, #tpu.memory_space<hbm>>) target_semaphore(%run_scoped3A : memref<!tpu.dma_semaphore, #tpu.memory_space<semaphore_mem>>)
      %dma_wait3A_132 = arith.constant 0 : i32
      %dma_wait3A_133 = tpu.memref_slice %arg5[%arg0, %mul3A_7, %dma_wait3A_132] : memref<2x10000x128xbf16, #tpu.memory_space<hbm>> -> memref<1x625x128xbf16, #tpu.memory_space<hbm>>
      %dma_wait3A_134 = tpu.memref_squeeze %dma_wait3A_133 : memref<1x625x128xbf16, #tpu.memory_space<hbm>> -> memref<625x128xbf16, #tpu.memory_space<hbm>>
      %dma_wait3A_135 = arith.constant 0 : i32
      %dma_wait3A_136 = tpu.memref_slice %arg16[%mul3A_7, %dma_wait3A_135] : memref<10128x128xbf16, #tpu.memory_space<vmem_shared>> -> memref<625x128xbf16, #tpu.memory_space<vmem_shared>>
      tpu.wait_dma2 semaphore(%run_scoped3A : memref<!tpu.dma_semaphore, #tpu.memory_space<semaphore_mem>>) src(%dma_wait3A_136 : memref<625x128xbf16, #tpu.memory_space<vmem_shared>>) dst(%dma_wait3A_134 : memref<625x128xbf16, #tpu.memory_space<hbm>>)
      tpu.yield
    }) : () -> ()
    return
  }
}

#map = affine_map<(d0, d1) -> (0, 0, 0)>
#map1 = affine_map<(d0, d1) -> (0, 0)>
module attributes {stable_mosaic.version = 14 : i64} {
  func.func @_deg_kernel(%arg0: i32, %arg1: i32, %arg2: memref<32x80x128xi32, #tpu.memory_space<hbm>>, %arg3: memref<128x16xf32, #tpu.memory_space<hbm>>, %arg4: memref<10240x16xf32, #tpu.memory_space<hbm>>, %arg5: memref<2x10240x16xf32, #tpu.memory_space<hbm>>, %arg6: memref<80x128xi32, #tpu.memory_space<vmem>>, %arg7: memref<128x16xf32, #tpu.memory_space<vmem>>, %arg8: memref<10240x16xf32, #tpu.memory_space<vmem_shared>>, %arg9: memref<!tpu.dma_semaphore, #tpu.memory_space<semaphore_mem>>) attributes {dimension_semantics = [#tpu.dimension_semantics<core_parallel>, #tpu.dimension_semantics<subcore_parallel>], iteration_bounds = array<i64: 2, 16>, scalar_prefetch = 0 : i64, scratch_operands = 4 : i64, tpu.core_type = #tpu.core_type<sc_vector_subcore>, window_params = [{transform_indices = #map}, {transform_indices = #map1}, {transform_indices = #map1}, {transform_indices = #map}]} {
    %mul3A = arith.constant 16 : i32
    %mul3A_0 = arith.muli %arg0, %mul3A : i32
    %add3A = arith.addi %mul3A_0, %arg1 : i32
    "tpu.region"() ({
      %run_scoped3A = tpu.sem_alloc : memref<!tpu.dma_semaphore, #tpu.memory_space<semaphore_mem>>
      tpu.enqueue_dma source(%arg3 : memref<128x16xf32, #tpu.memory_space<hbm>>) target(%arg7 : memref<128x16xf32, #tpu.memory_space<vmem>>) target_semaphore(%run_scoped3A : memref<!tpu.dma_semaphore, #tpu.memory_space<semaphore_mem>>)
      tpu.wait_dma2 semaphore(%run_scoped3A : memref<!tpu.dma_semaphore, #tpu.memory_space<semaphore_mem>>) src(%arg3 : memref<128x16xf32, #tpu.memory_space<hbm>>) dst(%arg7 : memref<128x16xf32, #tpu.memory_space<vmem>>)
      tpu.yield
    }) : () -> ()
    "tpu.region"() ({
      %run_scoped3A = tpu.sem_alloc : memref<!tpu.dma_semaphore, #tpu.memory_space<semaphore_mem>>
      %dma_start3A = arith.constant 0 : i32
      %dma_start3A_8 = arith.constant 0 : i32
      %dma_start3A_9 = tpu.memref_slice %arg2[%add3A, %dma_start3A, %dma_start3A_8] : memref<32x80x128xi32, #tpu.memory_space<hbm>> -> memref<1x80x128xi32, #tpu.memory_space<hbm>>
      %dma_start3A_10 = tpu.memref_squeeze %dma_start3A_9 : memref<1x80x128xi32, #tpu.memory_space<hbm>> -> memref<80x128xi32, #tpu.memory_space<hbm>>
      %dma_start3A_11 = arith.constant 0 : i32
      %dma_start3A_12 = arith.constant 0 : i32
      %dma_start3A_13 = tpu.memref_slice %arg2[%add3A, %dma_start3A_11, %dma_start3A_12] : memref<32x80x128xi32, #tpu.memory_space<hbm>> -> memref<1x80x128xi32, #tpu.memory_space<hbm>>
      %dma_start3A_14 = tpu.memref_squeeze %dma_start3A_13 : memref<1x80x128xi32, #tpu.memory_space<hbm>> -> memref<80x128xi32, #tpu.memory_space<hbm>>
      tpu.enqueue_dma source(%dma_start3A_14 : memref<80x128xi32, #tpu.memory_space<hbm>>) target(%arg6 : memref<80x128xi32, #tpu.memory_space<vmem>>) target_semaphore(%run_scoped3A : memref<!tpu.dma_semaphore, #tpu.memory_space<semaphore_mem>>)
      %dma_wait3A = arith.constant 0 : i32
      %dma_wait3A_15 = arith.constant 0 : i32
      %dma_wait3A_16 = tpu.memref_slice %arg2[%add3A, %dma_wait3A, %dma_wait3A_15] : memref<32x80x128xi32, #tpu.memory_space<hbm>> -> memref<1x80x128xi32, #tpu.memory_space<hbm>>
      %dma_wait3A_17 = tpu.memref_squeeze %dma_wait3A_16 : memref<1x80x128xi32, #tpu.memory_space<hbm>> -> memref<80x128xi32, #tpu.memory_space<hbm>>
      %dma_wait3A_18 = arith.constant 0 : i32
      %dma_wait3A_19 = arith.constant 0 : i32
      %dma_wait3A_20 = tpu.memref_slice %arg2[%add3A, %dma_wait3A_18, %dma_wait3A_19] : memref<32x80x128xi32, #tpu.memory_space<hbm>> -> memref<1x80x128xi32, #tpu.memory_space<hbm>>
      %dma_wait3A_21 = tpu.memref_squeeze %dma_wait3A_20 : memref<1x80x128xi32, #tpu.memory_space<hbm>> -> memref<80x128xi32, #tpu.memory_space<hbm>>
      tpu.wait_dma2 semaphore(%run_scoped3A : memref<!tpu.dma_semaphore, #tpu.memory_space<semaphore_mem>>) src(%dma_wait3A_21 : memref<80x128xi32, #tpu.memory_space<hbm>>) dst(%arg6 : memref<80x128xi32, #tpu.memory_space<vmem>>)
      tpu.yield
    }) : () -> ()
    %mul3A_1 = arith.constant 640 : i32
    %mul3A_2 = arith.muli %arg1, %mul3A_1 : i32
    "tpu.region"() ({
      %run_scoped3A = tpu.sem_alloc : memref<!tpu.dma_semaphore, #tpu.memory_space<semaphore_mem>>
      %dma_start3A = arith.constant 0 : i32
      %dma_start3A_8 = tpu.memref_slice %arg8[%mul3A_2, %dma_start3A] : memref<10240x16xf32, #tpu.memory_space<vmem_shared>> -> memref<640x16xf32, #tpu.memory_space<vmem_shared>>
      %dma_start3A_9 = arith.constant 0 : i32
      %dma_start3A_10 = tpu.memref_slice %arg4[%mul3A_2, %dma_start3A_9] : memref<10240x16xf32, #tpu.memory_space<hbm>> -> memref<640x16xf32, #tpu.memory_space<hbm>>
      tpu.enqueue_dma source(%dma_start3A_10 : memref<640x16xf32, #tpu.memory_space<hbm>>) target(%dma_start3A_8 : memref<640x16xf32, #tpu.memory_space<vmem_shared>>) target_semaphore(%run_scoped3A : memref<!tpu.dma_semaphore, #tpu.memory_space<semaphore_mem>>)
      %dma_wait3A = arith.constant 0 : i32
      %dma_wait3A_11 = tpu.memref_slice %arg8[%mul3A_2, %dma_wait3A] : memref<10240x16xf32, #tpu.memory_space<vmem_shared>> -> memref<640x16xf32, #tpu.memory_space<vmem_shared>>
      %dma_wait3A_12 = arith.constant 0 : i32
      %dma_wait3A_13 = tpu.memref_slice %arg4[%mul3A_2, %dma_wait3A_12] : memref<10240x16xf32, #tpu.memory_space<hbm>> -> memref<640x16xf32, #tpu.memory_space<hbm>>
      tpu.wait_dma2 semaphore(%run_scoped3A : memref<!tpu.dma_semaphore, #tpu.memory_space<semaphore_mem>>) src(%dma_wait3A_13 : memref<640x16xf32, #tpu.memory_space<hbm>>) dst(%dma_wait3A_11 : memref<640x16xf32, #tpu.memory_space<vmem_shared>>)
      tpu.yield
    }) : () -> ()
    %barrier3A = arith.constant 0 : index
    tpu.barrier barrier_id(%barrier3A)
    %scan3A = arith.constant 0 : i32
    %scan3A_3 = arith.constant 10 : i32
    %scan3A_4 = arith.addi %scan3A, %scan3A_3 : i32
    %scan3A_5 = arith.constant 1 : i32
    scf.for %scan3A_8 = %scan3A to %scan3A_4 step %scan3A_5  : i32 {
      %mul3A_9 = arith.constant 1 : i32
      %mul3A_10 = arith.muli %scan3A_8, %mul3A_9 : i32
      %add3A_11 = arith.constant 0 : i32
      %add3A_12 = arith.addi %add3A_11, %mul3A_10 : i32
      %mul3A_13 = arith.constant 8 : i32
      %mul3A_14 = arith.muli %add3A_12, %mul3A_13 : i32
      %add3A_15 = arith.constant 0 : i32
      %add3A_16 = arith.addi %mul3A_14, %add3A_15 : i32
      %dma_start3A = arith.constant 0 : i32
      %dma_start3A_17 = tpu.memref_slice %arg6[%add3A_16, %dma_start3A] : memref<80x128xi32, #tpu.memory_space<vmem>> -> memref<1x128xi32, #tpu.memory_space<vmem>>
      %dma_start3A_18 = tpu.memref_squeeze %dma_start3A_17 : memref<1x128xi32, #tpu.memory_space<vmem>> -> memref<128xi32, #tpu.memory_space<vmem>>
      %dma_start3A_19 = arith.constant 0 : i32
      %dma_start3A_20 = arith.constant 0 : i32
      %dma_start3A_21 = tpu.memref_slice %arg8[%dma_start3A_19, %dma_start3A_20] : memref<10240x16xf32, #tpu.memory_space<vmem_shared>> -> memref<10240x16xf32, #tpu.memory_space<vmem_shared>>
      tpu.enqueue_indirect_dma source(%arg7 : memref<128x16xf32, #tpu.memory_space<vmem>>) target(%dma_start3A_21 : memref<10240x16xf32, #tpu.memory_space<vmem_shared>>) offsets(%dma_start3A_18 : memref<128xi32, #tpu.memory_space<vmem>>) semaphore(%arg9 : memref<!tpu.dma_semaphore, #tpu.memory_space<semaphore_mem>>) {add = true}
      %add3A_22 = arith.constant 1 : i32
      %add3A_23 = arith.addi %mul3A_14, %add3A_22 : i32
      %dma_start3A_24 = arith.constant 0 : i32
      %dma_start3A_25 = tpu.memref_slice %arg6[%add3A_23, %dma_start3A_24] : memref<80x128xi32, #tpu.memory_space<vmem>> -> memref<1x128xi32, #tpu.memory_space<vmem>>
      %dma_start3A_26 = tpu.memref_squeeze %dma_start3A_25 : memref<1x128xi32, #tpu.memory_space<vmem>> -> memref<128xi32, #tpu.memory_space<vmem>>
      %dma_start3A_27 = arith.constant 0 : i32
      %dma_start3A_28 = arith.constant 0 : i32
      %dma_start3A_29 = tpu.memref_slice %arg8[%dma_start3A_27, %dma_start3A_28] : memref<10240x16xf32, #tpu.memory_space<vmem_shared>> -> memref<10240x16xf32, #tpu.memory_space<vmem_shared>>
      tpu.enqueue_indirect_dma source(%arg7 : memref<128x16xf32, #tpu.memory_space<vmem>>) target(%dma_start3A_29 : memref<10240x16xf32, #tpu.memory_space<vmem_shared>>) offsets(%dma_start3A_26 : memref<128xi32, #tpu.memory_space<vmem>>) semaphore(%arg9 : memref<!tpu.dma_semaphore, #tpu.memory_space<semaphore_mem>>) {add = true}
      %add3A_30 = arith.constant 2 : i32
      %add3A_31 = arith.addi %mul3A_14, %add3A_30 : i32
      %dma_start3A_32 = arith.constant 0 : i32
      %dma_start3A_33 = tpu.memref_slice %arg6[%add3A_31, %dma_start3A_32] : memref<80x128xi32, #tpu.memory_space<vmem>> -> memref<1x128xi32, #tpu.memory_space<vmem>>
      %dma_start3A_34 = tpu.memref_squeeze %dma_start3A_33 : memref<1x128xi32, #tpu.memory_space<vmem>> -> memref<128xi32, #tpu.memory_space<vmem>>
      %dma_start3A_35 = arith.constant 0 : i32
      %dma_start3A_36 = arith.constant 0 : i32
      %dma_start3A_37 = tpu.memref_slice %arg8[%dma_start3A_35, %dma_start3A_36] : memref<10240x16xf32, #tpu.memory_space<vmem_shared>> -> memref<10240x16xf32, #tpu.memory_space<vmem_shared>>
      tpu.enqueue_indirect_dma source(%arg7 : memref<128x16xf32, #tpu.memory_space<vmem>>) target(%dma_start3A_37 : memref<10240x16xf32, #tpu.memory_space<vmem_shared>>) offsets(%dma_start3A_34 : memref<128xi32, #tpu.memory_space<vmem>>) semaphore(%arg9 : memref<!tpu.dma_semaphore, #tpu.memory_space<semaphore_mem>>) {add = true}
      %add3A_38 = arith.constant 3 : i32
      %add3A_39 = arith.addi %mul3A_14, %add3A_38 : i32
      %dma_start3A_40 = arith.constant 0 : i32
      %dma_start3A_41 = tpu.memref_slice %arg6[%add3A_39, %dma_start3A_40] : memref<80x128xi32, #tpu.memory_space<vmem>> -> memref<1x128xi32, #tpu.memory_space<vmem>>
      %dma_start3A_42 = tpu.memref_squeeze %dma_start3A_41 : memref<1x128xi32, #tpu.memory_space<vmem>> -> memref<128xi32, #tpu.memory_space<vmem>>
      %dma_start3A_43 = arith.constant 0 : i32
      %dma_start3A_44 = arith.constant 0 : i32
      %dma_start3A_45 = tpu.memref_slice %arg8[%dma_start3A_43, %dma_start3A_44] : memref<10240x16xf32, #tpu.memory_space<vmem_shared>> -> memref<10240x16xf32, #tpu.memory_space<vmem_shared>>
      tpu.enqueue_indirect_dma source(%arg7 : memref<128x16xf32, #tpu.memory_space<vmem>>) target(%dma_start3A_45 : memref<10240x16xf32, #tpu.memory_space<vmem_shared>>) offsets(%dma_start3A_42 : memref<128xi32, #tpu.memory_space<vmem>>) semaphore(%arg9 : memref<!tpu.dma_semaphore, #tpu.memory_space<semaphore_mem>>) {add = true}
      %add3A_46 = arith.constant 4 : i32
      %add3A_47 = arith.addi %mul3A_14, %add3A_46 : i32
      %dma_start3A_48 = arith.constant 0 : i32
      %dma_start3A_49 = tpu.memref_slice %arg6[%add3A_47, %dma_start3A_48] : memref<80x128xi32, #tpu.memory_space<vmem>> -> memref<1x128xi32, #tpu.memory_space<vmem>>
      %dma_start3A_50 = tpu.memref_squeeze %dma_start3A_49 : memref<1x128xi32, #tpu.memory_space<vmem>> -> memref<128xi32, #tpu.memory_space<vmem>>
      %dma_start3A_51 = arith.constant 0 : i32
      %dma_start3A_52 = arith.constant 0 : i32
      %dma_start3A_53 = tpu.memref_slice %arg8[%dma_start3A_51, %dma_start3A_52] : memref<10240x16xf32, #tpu.memory_space<vmem_shared>> -> memref<10240x16xf32, #tpu.memory_space<vmem_shared>>
      tpu.enqueue_indirect_dma source(%arg7 : memref<128x16xf32, #tpu.memory_space<vmem>>) target(%dma_start3A_53 : memref<10240x16xf32, #tpu.memory_space<vmem_shared>>) offsets(%dma_start3A_50 : memref<128xi32, #tpu.memory_space<vmem>>) semaphore(%arg9 : memref<!tpu.dma_semaphore, #tpu.memory_space<semaphore_mem>>) {add = true}
      %add3A_54 = arith.constant 5 : i32
      %add3A_55 = arith.addi %mul3A_14, %add3A_54 : i32
      %dma_start3A_56 = arith.constant 0 : i32
      %dma_start3A_57 = tpu.memref_slice %arg6[%add3A_55, %dma_start3A_56] : memref<80x128xi32, #tpu.memory_space<vmem>> -> memref<1x128xi32, #tpu.memory_space<vmem>>
      %dma_start3A_58 = tpu.memref_squeeze %dma_start3A_57 : memref<1x128xi32, #tpu.memory_space<vmem>> -> memref<128xi32, #tpu.memory_space<vmem>>
      %dma_start3A_59 = arith.constant 0 : i32
      %dma_start3A_60 = arith.constant 0 : i32
      %dma_start3A_61 = tpu.memref_slice %arg8[%dma_start3A_59, %dma_start3A_60] : memref<10240x16xf32, #tpu.memory_space<vmem_shared>> -> memref<10240x16xf32, #tpu.memory_space<vmem_shared>>
      tpu.enqueue_indirect_dma source(%arg7 : memref<128x16xf32, #tpu.memory_space<vmem>>) target(%dma_start3A_61 : memref<10240x16xf32, #tpu.memory_space<vmem_shared>>) offsets(%dma_start3A_58 : memref<128xi32, #tpu.memory_space<vmem>>) semaphore(%arg9 : memref<!tpu.dma_semaphore, #tpu.memory_space<semaphore_mem>>) {add = true}
      %add3A_62 = arith.constant 6 : i32
      %add3A_63 = arith.addi %mul3A_14, %add3A_62 : i32
      %dma_start3A_64 = arith.constant 0 : i32
      %dma_start3A_65 = tpu.memref_slice %arg6[%add3A_63, %dma_start3A_64] : memref<80x128xi32, #tpu.memory_space<vmem>> -> memref<1x128xi32, #tpu.memory_space<vmem>>
      %dma_start3A_66 = tpu.memref_squeeze %dma_start3A_65 : memref<1x128xi32, #tpu.memory_space<vmem>> -> memref<128xi32, #tpu.memory_space<vmem>>
      %dma_start3A_67 = arith.constant 0 : i32
      %dma_start3A_68 = arith.constant 0 : i32
      %dma_start3A_69 = tpu.memref_slice %arg8[%dma_start3A_67, %dma_start3A_68] : memref<10240x16xf32, #tpu.memory_space<vmem_shared>> -> memref<10240x16xf32, #tpu.memory_space<vmem_shared>>
      tpu.enqueue_indirect_dma source(%arg7 : memref<128x16xf32, #tpu.memory_space<vmem>>) target(%dma_start3A_69 : memref<10240x16xf32, #tpu.memory_space<vmem_shared>>) offsets(%dma_start3A_66 : memref<128xi32, #tpu.memory_space<vmem>>) semaphore(%arg9 : memref<!tpu.dma_semaphore, #tpu.memory_space<semaphore_mem>>) {add = true}
      %add3A_70 = arith.constant 7 : i32
      %add3A_71 = arith.addi %mul3A_14, %add3A_70 : i32
      %dma_start3A_72 = arith.constant 0 : i32
      %dma_start3A_73 = tpu.memref_slice %arg6[%add3A_71, %dma_start3A_72] : memref<80x128xi32, #tpu.memory_space<vmem>> -> memref<1x128xi32, #tpu.memory_space<vmem>>
      %dma_start3A_74 = tpu.memref_squeeze %dma_start3A_73 : memref<1x128xi32, #tpu.memory_space<vmem>> -> memref<128xi32, #tpu.memory_space<vmem>>
      %dma_start3A_75 = arith.constant 0 : i32
      %dma_start3A_76 = arith.constant 0 : i32
      %dma_start3A_77 = tpu.memref_slice %arg8[%dma_start3A_75, %dma_start3A_76] : memref<10240x16xf32, #tpu.memory_space<vmem_shared>> -> memref<10240x16xf32, #tpu.memory_space<vmem_shared>>
      tpu.enqueue_indirect_dma source(%arg7 : memref<128x16xf32, #tpu.memory_space<vmem>>) target(%dma_start3A_77 : memref<10240x16xf32, #tpu.memory_space<vmem_shared>>) offsets(%dma_start3A_74 : memref<128xi32, #tpu.memory_space<vmem>>) semaphore(%arg9 : memref<!tpu.dma_semaphore, #tpu.memory_space<semaphore_mem>>) {add = true}
      %add3A_78 = arith.constant 0 : i32
      %add3A_79 = arith.addi %mul3A_14, %add3A_78 : i32
      %dma_wait3A = arith.constant 0 : i32
      %dma_wait3A_80 = tpu.memref_slice %arg6[%add3A_79, %dma_wait3A] : memref<80x128xi32, #tpu.memory_space<vmem>> -> memref<1x128xi32, #tpu.memory_space<vmem>>
      %dma_wait3A_81 = tpu.memref_squeeze %dma_wait3A_80 : memref<1x128xi32, #tpu.memory_space<vmem>> -> memref<128xi32, #tpu.memory_space<vmem>>
      %dma_wait3A_82 = arith.constant 0 : i32
      %dma_wait3A_83 = arith.constant 0 : i32
      %dma_wait3A_84 = tpu.memref_slice %arg8[%dma_wait3A_82, %dma_wait3A_83] : memref<10240x16xf32, #tpu.memory_space<vmem_shared>> -> memref<10240x16xf32, #tpu.memory_space<vmem_shared>>
      tpu.wait_indirect_dma semaphore(%arg9 : memref<!tpu.dma_semaphore, #tpu.memory_space<semaphore_mem>>) src(%arg7 : memref<128x16xf32, #tpu.memory_space<vmem>>) dst(%dma_wait3A_84 : memref<10240x16xf32, #tpu.memory_space<vmem_shared>>)
      %add3A_85 = arith.constant 1 : i32
      %add3A_86 = arith.addi %mul3A_14, %add3A_85 : i32
      %dma_wait3A_87 = arith.constant 0 : i32
      %dma_wait3A_88 = tpu.memref_slice %arg6[%add3A_86, %dma_wait3A_87] : memref<80x128xi32, #tpu.memory_space<vmem>> -> memref<1x128xi32, #tpu.memory_space<vmem>>
      %dma_wait3A_89 = tpu.memref_squeeze %dma_wait3A_88 : memref<1x128xi32, #tpu.memory_space<vmem>> -> memref<128xi32, #tpu.memory_space<vmem>>
      %dma_wait3A_90 = arith.constant 0 : i32
      %dma_wait3A_91 = arith.constant 0 : i32
      %dma_wait3A_92 = tpu.memref_slice %arg8[%dma_wait3A_90, %dma_wait3A_91] : memref<10240x16xf32, #tpu.memory_space<vmem_shared>> -> memref<10240x16xf32, #tpu.memory_space<vmem_shared>>
      tpu.wait_indirect_dma semaphore(%arg9 : memref<!tpu.dma_semaphore, #tpu.memory_space<semaphore_mem>>) src(%arg7 : memref<128x16xf32, #tpu.memory_space<vmem>>) dst(%dma_wait3A_92 : memref<10240x16xf32, #tpu.memory_space<vmem_shared>>)
      %add3A_93 = arith.constant 2 : i32
      %add3A_94 = arith.addi %mul3A_14, %add3A_93 : i32
      %dma_wait3A_95 = arith.constant 0 : i32
      %dma_wait3A_96 = tpu.memref_slice %arg6[%add3A_94, %dma_wait3A_95] : memref<80x128xi32, #tpu.memory_space<vmem>> -> memref<1x128xi32, #tpu.memory_space<vmem>>
      %dma_wait3A_97 = tpu.memref_squeeze %dma_wait3A_96 : memref<1x128xi32, #tpu.memory_space<vmem>> -> memref<128xi32, #tpu.memory_space<vmem>>
      %dma_wait3A_98 = arith.constant 0 : i32
      %dma_wait3A_99 = arith.constant 0 : i32
      %dma_wait3A_100 = tpu.memref_slice %arg8[%dma_wait3A_98, %dma_wait3A_99] : memref<10240x16xf32, #tpu.memory_space<vmem_shared>> -> memref<10240x16xf32, #tpu.memory_space<vmem_shared>>
      tpu.wait_indirect_dma semaphore(%arg9 : memref<!tpu.dma_semaphore, #tpu.memory_space<semaphore_mem>>) src(%arg7 : memref<128x16xf32, #tpu.memory_space<vmem>>) dst(%dma_wait3A_100 : memref<10240x16xf32, #tpu.memory_space<vmem_shared>>)
      %add3A_101 = arith.constant 3 : i32
      %add3A_102 = arith.addi %mul3A_14, %add3A_101 : i32
      %dma_wait3A_103 = arith.constant 0 : i32
      %dma_wait3A_104 = tpu.memref_slice %arg6[%add3A_102, %dma_wait3A_103] : memref<80x128xi32, #tpu.memory_space<vmem>> -> memref<1x128xi32, #tpu.memory_space<vmem>>
      %dma_wait3A_105 = tpu.memref_squeeze %dma_wait3A_104 : memref<1x128xi32, #tpu.memory_space<vmem>> -> memref<128xi32, #tpu.memory_space<vmem>>
      %dma_wait3A_106 = arith.constant 0 : i32
      %dma_wait3A_107 = arith.constant 0 : i32
      %dma_wait3A_108 = tpu.memref_slice %arg8[%dma_wait3A_106, %dma_wait3A_107] : memref<10240x16xf32, #tpu.memory_space<vmem_shared>> -> memref<10240x16xf32, #tpu.memory_space<vmem_shared>>
      tpu.wait_indirect_dma semaphore(%arg9 : memref<!tpu.dma_semaphore, #tpu.memory_space<semaphore_mem>>) src(%arg7 : memref<128x16xf32, #tpu.memory_space<vmem>>) dst(%dma_wait3A_108 : memref<10240x16xf32, #tpu.memory_space<vmem_shared>>)
      %add3A_109 = arith.constant 4 : i32
      %add3A_110 = arith.addi %mul3A_14, %add3A_109 : i32
      %dma_wait3A_111 = arith.constant 0 : i32
      %dma_wait3A_112 = tpu.memref_slice %arg6[%add3A_110, %dma_wait3A_111] : memref<80x128xi32, #tpu.memory_space<vmem>> -> memref<1x128xi32, #tpu.memory_space<vmem>>
      %dma_wait3A_113 = tpu.memref_squeeze %dma_wait3A_112 : memref<1x128xi32, #tpu.memory_space<vmem>> -> memref<128xi32, #tpu.memory_space<vmem>>
      %dma_wait3A_114 = arith.constant 0 : i32
      %dma_wait3A_115 = arith.constant 0 : i32
      %dma_wait3A_116 = tpu.memref_slice %arg8[%dma_wait3A_114, %dma_wait3A_115] : memref<10240x16xf32, #tpu.memory_space<vmem_shared>> -> memref<10240x16xf32, #tpu.memory_space<vmem_shared>>
      tpu.wait_indirect_dma semaphore(%arg9 : memref<!tpu.dma_semaphore, #tpu.memory_space<semaphore_mem>>) src(%arg7 : memref<128x16xf32, #tpu.memory_space<vmem>>) dst(%dma_wait3A_116 : memref<10240x16xf32, #tpu.memory_space<vmem_shared>>)
      %add3A_117 = arith.constant 5 : i32
      %add3A_118 = arith.addi %mul3A_14, %add3A_117 : i32
      %dma_wait3A_119 = arith.constant 0 : i32
      %dma_wait3A_120 = tpu.memref_slice %arg6[%add3A_118, %dma_wait3A_119] : memref<80x128xi32, #tpu.memory_space<vmem>> -> memref<1x128xi32, #tpu.memory_space<vmem>>
      %dma_wait3A_121 = tpu.memref_squeeze %dma_wait3A_120 : memref<1x128xi32, #tpu.memory_space<vmem>> -> memref<128xi32, #tpu.memory_space<vmem>>
      %dma_wait3A_122 = arith.constant 0 : i32
      %dma_wait3A_123 = arith.constant 0 : i32
      %dma_wait3A_124 = tpu.memref_slice %arg8[%dma_wait3A_122, %dma_wait3A_123] : memref<10240x16xf32, #tpu.memory_space<vmem_shared>> -> memref<10240x16xf32, #tpu.memory_space<vmem_shared>>
      tpu.wait_indirect_dma semaphore(%arg9 : memref<!tpu.dma_semaphore, #tpu.memory_space<semaphore_mem>>) src(%arg7 : memref<128x16xf32, #tpu.memory_space<vmem>>) dst(%dma_wait3A_124 : memref<10240x16xf32, #tpu.memory_space<vmem_shared>>)
      %add3A_125 = arith.constant 6 : i32
      %add3A_126 = arith.addi %mul3A_14, %add3A_125 : i32
      %dma_wait3A_127 = arith.constant 0 : i32
      %dma_wait3A_128 = tpu.memref_slice %arg6[%add3A_126, %dma_wait3A_127] : memref<80x128xi32, #tpu.memory_space<vmem>> -> memref<1x128xi32, #tpu.memory_space<vmem>>
      %dma_wait3A_129 = tpu.memref_squeeze %dma_wait3A_128 : memref<1x128xi32, #tpu.memory_space<vmem>> -> memref<128xi32, #tpu.memory_space<vmem>>
      %dma_wait3A_130 = arith.constant 0 : i32
      %dma_wait3A_131 = arith.constant 0 : i32
      %dma_wait3A_132 = tpu.memref_slice %arg8[%dma_wait3A_130, %dma_wait3A_131] : memref<10240x16xf32, #tpu.memory_space<vmem_shared>> -> memref<10240x16xf32, #tpu.memory_space<vmem_shared>>
      tpu.wait_indirect_dma semaphore(%arg9 : memref<!tpu.dma_semaphore, #tpu.memory_space<semaphore_mem>>) src(%arg7 : memref<128x16xf32, #tpu.memory_space<vmem>>) dst(%dma_wait3A_132 : memref<10240x16xf32, #tpu.memory_space<vmem_shared>>)
      %add3A_133 = arith.constant 7 : i32
      %add3A_134 = arith.addi %mul3A_14, %add3A_133 : i32
      %dma_wait3A_135 = arith.constant 0 : i32
      %dma_wait3A_136 = tpu.memref_slice %arg6[%add3A_134, %dma_wait3A_135] : memref<80x128xi32, #tpu.memory_space<vmem>> -> memref<1x128xi32, #tpu.memory_space<vmem>>
      %dma_wait3A_137 = tpu.memref_squeeze %dma_wait3A_136 : memref<1x128xi32, #tpu.memory_space<vmem>> -> memref<128xi32, #tpu.memory_space<vmem>>
      %dma_wait3A_138 = arith.constant 0 : i32
      %dma_wait3A_139 = arith.constant 0 : i32
      %dma_wait3A_140 = tpu.memref_slice %arg8[%dma_wait3A_138, %dma_wait3A_139] : memref<10240x16xf32, #tpu.memory_space<vmem_shared>> -> memref<10240x16xf32, #tpu.memory_space<vmem_shared>>
      tpu.wait_indirect_dma semaphore(%arg9 : memref<!tpu.dma_semaphore, #tpu.memory_space<semaphore_mem>>) src(%arg7 : memref<128x16xf32, #tpu.memory_space<vmem>>) dst(%dma_wait3A_140 : memref<10240x16xf32, #tpu.memory_space<vmem_shared>>)
    }
    %scan3A_6 = arith.constant 10 : i32
    %barrier3A_7 = arith.constant 0 : index
    tpu.barrier barrier_id(%barrier3A_7)
    "tpu.region"() ({
      %run_scoped3A = tpu.sem_alloc : memref<!tpu.dma_semaphore, #tpu.memory_space<semaphore_mem>>
      %dma_start3A = arith.constant 0 : i32
      %dma_start3A_8 = tpu.memref_slice %arg5[%arg0, %mul3A_2, %dma_start3A] : memref<2x10240x16xf32, #tpu.memory_space<hbm>> -> memref<1x640x16xf32, #tpu.memory_space<hbm>>
      %dma_start3A_9 = tpu.memref_squeeze %dma_start3A_8 : memref<1x640x16xf32, #tpu.memory_space<hbm>> -> memref<640x16xf32, #tpu.memory_space<hbm>>
      %dma_start3A_10 = arith.constant 0 : i32
      %dma_start3A_11 = tpu.memref_slice %arg8[%mul3A_2, %dma_start3A_10] : memref<10240x16xf32, #tpu.memory_space<vmem_shared>> -> memref<640x16xf32, #tpu.memory_space<vmem_shared>>
      tpu.enqueue_dma source(%dma_start3A_11 : memref<640x16xf32, #tpu.memory_space<vmem_shared>>) target(%dma_start3A_9 : memref<640x16xf32, #tpu.memory_space<hbm>>) target_semaphore(%run_scoped3A : memref<!tpu.dma_semaphore, #tpu.memory_space<semaphore_mem>>)
      %dma_wait3A = arith.constant 0 : i32
      %dma_wait3A_12 = tpu.memref_slice %arg5[%arg0, %mul3A_2, %dma_wait3A] : memref<2x10240x16xf32, #tpu.memory_space<hbm>> -> memref<1x640x16xf32, #tpu.memory_space<hbm>>
      %dma_wait3A_13 = tpu.memref_squeeze %dma_wait3A_12 : memref<1x640x16xf32, #tpu.memory_space<hbm>> -> memref<640x16xf32, #tpu.memory_space<hbm>>
      %dma_wait3A_14 = arith.constant 0 : i32
      %dma_wait3A_15 = tpu.memref_slice %arg8[%mul3A_2, %dma_wait3A_14] : memref<10240x16xf32, #tpu.memory_space<vmem_shared>> -> memref<640x16xf32, #tpu.memory_space<vmem_shared>>
      tpu.wait_dma2 semaphore(%run_scoped3A : memref<!tpu.dma_semaphore, #tpu.memory_space<semaphore_mem>>) src(%dma_wait3A_15 : memref<640x16xf32, #tpu.memory_space<vmem_shared>>) dst(%dma_wait3A_13 : memref<640x16xf32, #tpu.memory_space<hbm>>)
      tpu.yield
    }) : () -> ()
    return
  }
}

#map = affine_map<(d0, d1) -> (0, 0, 0)>
#map1 = affine_map<(d0, d1) -> (0, 0)>
module attributes {stable_mosaic.version = 14 : i64} {
  func.func @_agg_kernel(%arg0: i32, %arg1: i32, %arg2: memref<32x80x128xi32, #tpu.memory_space<hbm>>, %arg3: memref<32x80x128xi32, #tpu.memory_space<hbm>>, %arg4: memref<10000x128xbf16, #tpu.memory_space<hbm>>, %arg5: memref<2x10000x128xbf16, #tpu.memory_space<hbm>>, %arg6: memref<80x128xi32, #tpu.memory_space<vmem>>, %arg7: memref<80x128xi32, #tpu.memory_space<vmem>>, %arg8: memref<128x128xbf16, #tpu.memory_space<vmem>>, %arg9: memref<128x128xbf16, #tpu.memory_space<vmem>>, %arg10: memref<128x128xbf16, #tpu.memory_space<vmem>>, %arg11: memref<128x128xbf16, #tpu.memory_space<vmem>>, %arg12: memref<128x128xbf16, #tpu.memory_space<vmem>>, %arg13: memref<128x128xbf16, #tpu.memory_space<vmem>>, %arg14: memref<128x128xbf16, #tpu.memory_space<vmem>>, %arg15: memref<128x128xbf16, #tpu.memory_space<vmem>>, %arg16: memref<10128x128xbf16, #tpu.memory_space<vmem_shared>>, %arg17: memref<!tpu.dma_semaphore, #tpu.memory_space<semaphore_mem>>, %arg18: memref<!tpu.dma_semaphore, #tpu.memory_space<semaphore_mem>>, %arg19: memref<!tpu.dma_semaphore, #tpu.memory_space<semaphore_mem>>, %arg20: memref<!tpu.dma_semaphore, #tpu.memory_space<semaphore_mem>>, %arg21: memref<!tpu.dma_semaphore, #tpu.memory_space<semaphore_mem>>, %arg22: memref<!tpu.dma_semaphore, #tpu.memory_space<semaphore_mem>>, %arg23: memref<!tpu.dma_semaphore, #tpu.memory_space<semaphore_mem>>, %arg24: memref<!tpu.dma_semaphore, #tpu.memory_space<semaphore_mem>>, %arg25: memref<!tpu.dma_semaphore, #tpu.memory_space<semaphore_mem>>, %arg26: memref<!tpu.dma_semaphore, #tpu.memory_space<semaphore_mem>>, %arg27: memref<!tpu.dma_semaphore, #tpu.memory_space<semaphore_mem>>, %arg28: memref<!tpu.dma_semaphore, #tpu.memory_space<semaphore_mem>>, %arg29: memref<!tpu.dma_semaphore, #tpu.memory_space<semaphore_mem>>, %arg30: memref<!tpu.dma_semaphore, #tpu.memory_space<semaphore_mem>>, %arg31: memref<!tpu.dma_semaphore, #tpu.memory_space<semaphore_mem>>, %arg32: memref<!tpu.dma_semaphore, #tpu.memory_space<semaphore_mem>>) attributes {dimension_semantics = [#tpu.dimension_semantics<core_parallel>, #tpu.dimension_semantics<subcore_parallel>], iteration_bounds = array<i64: 2, 16>, scalar_prefetch = 0 : i64, scratch_operands = 27 : i64, tpu.core_type = #tpu.core_type<sc_vector_subcore>, window_params = [{transform_indices = #map}, {transform_indices = #map}, {transform_indices = #map1}, {transform_indices = #map}]} {
    %mul3A = arith.constant 16 : i32
    %mul3A_0 = arith.muli %arg0, %mul3A : i32
    %add3A = arith.addi %mul3A_0, %arg1 : i32
    %broadcast_in_dim3A = arith.constant 0.000000e+00 : bf16
    %broadcast_in_dim3A_1 = vector.broadcast %broadcast_in_dim3A : bf16 to vector<32xbf16>
    %scan3A = arith.constant 0 : i32
    %scan3A_2 = arith.constant 128 : i32
    %scan3A_3 = arith.addi %scan3A, %scan3A_2 : i32
    %scan3A_4 = arith.constant 1 : i32
    scf.for %scan3A_127 = %scan3A to %scan3A_3 step %scan3A_4  : i32 {
      %mul3A_128 = arith.constant 1 : i32
      %mul3A_129 = arith.muli %scan3A_127, %mul3A_128 : i32
      %add3A_130 = arith.constant 0 : i32
      %add3A_131 = arith.addi %add3A_130, %mul3A_129 : i32
      %swap3A = arith.index_cast %add3A_131 : i32 to index
      %swap3A_132 = arith.constant 0 : index
      %swap3A_133 = tpu.vector_load %arg8[%swap3A, %swap3A_132] {strides = array<i32>} : memref<128x128xbf16, #tpu.memory_space<vmem>>, vector<1x32xbf16>,
      %swap3A_134 = vector.shape_cast %swap3A_133 : vector<1x32xbf16> to vector<32xbf16>
      %swap3A_135 = vector.shape_cast %broadcast_in_dim3A_1 : vector<32xbf16> to vector<1x32xbf16>
      tpu.vector_store %arg8[%swap3A, %swap3A_132], %swap3A_135 {strides = array<i32>} : memref<128x128xbf16, #tpu.memory_space<vmem>>, vector<1x32xbf16>,
      %swap3A_136 = arith.index_cast %add3A_131 : i32 to index
      %swap3A_137 = arith.constant 32 : index
      %swap3A_138 = tpu.vector_load %arg8[%swap3A_136, %swap3A_137] {strides = array<i32>} : memref<128x128xbf16, #tpu.memory_space<vmem>>, vector<1x32xbf16>,
      %swap3A_139 = vector.shape_cast %swap3A_138 : vector<1x32xbf16> to vector<32xbf16>
      %swap3A_140 = vector.shape_cast %broadcast_in_dim3A_1 : vector<32xbf16> to vector<1x32xbf16>
      tpu.vector_store %arg8[%swap3A_136, %swap3A_137], %swap3A_140 {strides = array<i32>} : memref<128x128xbf16, #tpu.memory_space<vmem>>, vector<1x32xbf16>,
      %swap3A_141 = arith.index_cast %add3A_131 : i32 to index
      %swap3A_142 = arith.constant 64 : index
      %swap3A_143 = tpu.vector_load %arg8[%swap3A_141, %swap3A_142] {strides = array<i32>} : memref<128x128xbf16, #tpu.memory_space<vmem>>, vector<1x32xbf16>,
      %swap3A_144 = vector.shape_cast %swap3A_143 : vector<1x32xbf16> to vector<32xbf16>
      %swap3A_145 = vector.shape_cast %broadcast_in_dim3A_1 : vector<32xbf16> to vector<1x32xbf16>
      tpu.vector_store %arg8[%swap3A_141, %swap3A_142], %swap3A_145 {strides = array<i32>} : memref<128x128xbf16, #tpu.memory_space<vmem>>, vector<1x32xbf16>,
      %swap3A_146 = arith.index_cast %add3A_131 : i32 to index
      %swap3A_147 = arith.constant 96 : index
      %swap3A_148 = tpu.vector_load %arg8[%swap3A_146, %swap3A_147] {strides = array<i32>} : memref<128x128xbf16, #tpu.memory_space<vmem>>, vector<1x32xbf16>,
      %swap3A_149 = vector.shape_cast %swap3A_148 : vector<1x32xbf16> to vector<32xbf16>
      %swap3A_150 = vector.shape_cast %broadcast_in_dim3A_1 : vector<32xbf16> to vector<1x32xbf16>
      tpu.vector_store %arg8[%swap3A_146, %swap3A_147], %swap3A_150 {strides = array<i32>} : memref<128x128xbf16, #tpu.memory_space<vmem>>, vector<1x32xbf16>,
    }
    %scan3A_5 = arith.constant 128 : i32
    %mul3A_6 = arith.constant 625 : i32
    %mul3A_7 = arith.muli %arg1, %mul3A_6 : i32
    %add3A_8 = arith.constant 0 : i32
    %add3A_9 = arith.addi %mul3A_7, %add3A_8 : i32
    "tpu.region"() ({
      %run_scoped3A = tpu.sem_alloc : memref<!tpu.dma_semaphore, #tpu.memory_space<semaphore_mem>>
      %dma_start3A_127 = arith.constant 0 : i32
      %dma_start3A_128 = tpu.memref_slice %arg16[%add3A_9, %dma_start3A_127] : memref<10128x128xbf16, #tpu.memory_space<vmem_shared>> -> memref<128x128xbf16, #tpu.memory_space<vmem_shared>>
      %dma_start3A_129 = arith.constant 0 : i32
      %dma_start3A_130 = tpu.memref_slice %arg16[%add3A_9, %dma_start3A_129] : memref<10128x128xbf16, #tpu.memory_space<vmem_shared>> -> memref<128x128xbf16, #tpu.memory_space<vmem_shared>>
      tpu.enqueue_dma source(%arg8 : memref<128x128xbf16, #tpu.memory_space<vmem>>) target(%dma_start3A_130 : memref<128x128xbf16, #tpu.memory_space<vmem_shared>>) target_semaphore(%run_scoped3A : memref<!tpu.dma_semaphore, #tpu.memory_space<semaphore_mem>>)
      %dma_wait3A_131 = arith.constant 0 : i32
      %dma_wait3A_132 = tpu.memref_slice %arg16[%add3A_9, %dma_wait3A_131] : memref<10128x128xbf16, #tpu.memory_space<vmem_shared>> -> memref<128x128xbf16, #tpu.memory_space<vmem_shared>>
      %dma_wait3A_133 = arith.constant 0 : i32
      %dma_wait3A_134 = tpu.memref_slice %arg16[%add3A_9, %dma_wait3A_133] : memref<10128x128xbf16, #tpu.memory_space<vmem_shared>> -> memref<128x128xbf16, #tpu.memory_space<vmem_shared>>
      tpu.wait_dma2 semaphore(%run_scoped3A : memref<!tpu.dma_semaphore, #tpu.memory_space<semaphore_mem>>) src(%arg8 : memref<128x128xbf16, #tpu.memory_space<vmem>>) dst(%dma_wait3A_134 : memref<128x128xbf16, #tpu.memory_space<vmem_shared>>)
      tpu.yield
    }) : () -> ()
    %add3A_10 = arith.constant 128 : i32
    %add3A_11 = arith.addi %mul3A_7, %add3A_10 : i32
    "tpu.region"() ({
      %run_scoped3A = tpu.sem_alloc : memref<!tpu.dma_semaphore, #tpu.memory_space<semaphore_mem>>
      %dma_start3A_127 = arith.constant 0 : i32
      %dma_start3A_128 = tpu.memref_slice %arg16[%add3A_11, %dma_start3A_127] : memref<10128x128xbf16, #tpu.memory_space<vmem_shared>> -> memref<128x128xbf16, #tpu.memory_space<vmem_shared>>
      %dma_start3A_129 = arith.constant 0 : i32
      %dma_start3A_130 = tpu.memref_slice %arg16[%add3A_11, %dma_start3A_129] : memref<10128x128xbf16, #tpu.memory_space<vmem_shared>> -> memref<128x128xbf16, #tpu.memory_space<vmem_shared>>
      tpu.enqueue_dma source(%arg8 : memref<128x128xbf16, #tpu.memory_space<vmem>>) target(%dma_start3A_130 : memref<128x128xbf16, #tpu.memory_space<vmem_shared>>) target_semaphore(%run_scoped3A : memref<!tpu.dma_semaphore, #tpu.memory_space<semaphore_mem>>)
      %dma_wait3A_131 = arith.constant 0 : i32
      %dma_wait3A_132 = tpu.memref_slice %arg16[%add3A_11, %dma_wait3A_131] : memref<10128x128xbf16, #tpu.memory_space<vmem_shared>> -> memref<128x128xbf16, #tpu.memory_space<vmem_shared>>
      %dma_wait3A_133 = arith.constant 0 : i32
      %dma_wait3A_134 = tpu.memref_slice %arg16[%add3A_11, %dma_wait3A_133] : memref<10128x128xbf16, #tpu.memory_space<vmem_shared>> -> memref<128x128xbf16, #tpu.memory_space<vmem_shared>>
      tpu.wait_dma2 semaphore(%run_scoped3A : memref<!tpu.dma_semaphore, #tpu.memory_space<semaphore_mem>>) src(%arg8 : memref<128x128xbf16, #tpu.memory_space<vmem>>) dst(%dma_wait3A_134 : memref<128x128xbf16, #tpu.memory_space<vmem_shared>>)
      tpu.yield
    }) : () -> ()
    %add3A_12 = arith.constant 256 : i32
    %add3A_13 = arith.addi %mul3A_7, %add3A_12 : i32
    "tpu.region"() ({
      %run_scoped3A = tpu.sem_alloc : memref<!tpu.dma_semaphore, #tpu.memory_space<semaphore_mem>>
      %dma_start3A_127 = arith.constant 0 : i32
      %dma_start3A_128 = tpu.memref_slice %arg16[%add3A_13, %dma_start3A_127] : memref<10128x128xbf16, #tpu.memory_space<vmem_shared>> -> memref<128x128xbf16, #tpu.memory_space<vmem_shared>>
      %dma_start3A_129 = arith.constant 0 : i32
      %dma_start3A_130 = tpu.memref_slice %arg16[%add3A_13, %dma_start3A_129] : memref<10128x128xbf16, #tpu.memory_space<vmem_shared>> -> memref<128x128xbf16, #tpu.memory_space<vmem_shared>>
      tpu.enqueue_dma source(%arg8 : memref<128x128xbf16, #tpu.memory_space<vmem>>) target(%dma_start3A_130 : memref<128x128xbf16, #tpu.memory_space<vmem_shared>>) target_semaphore(%run_scoped3A : memref<!tpu.dma_semaphore, #tpu.memory_space<semaphore_mem>>)
      %dma_wait3A_131 = arith.constant 0 : i32
      %dma_wait3A_132 = tpu.memref_slice %arg16[%add3A_13, %dma_wait3A_131] : memref<10128x128xbf16, #tpu.memory_space<vmem_shared>> -> memref<128x128xbf16, #tpu.memory_space<vmem_shared>>
      %dma_wait3A_133 = arith.constant 0 : i32
      %dma_wait3A_134 = tpu.memref_slice %arg16[%add3A_13, %dma_wait3A_133] : memref<10128x128xbf16, #tpu.memory_space<vmem_shared>> -> memref<128x128xbf16, #tpu.memory_space<vmem_shared>>
      tpu.wait_dma2 semaphore(%run_scoped3A : memref<!tpu.dma_semaphore, #tpu.memory_space<semaphore_mem>>) src(%arg8 : memref<128x128xbf16, #tpu.memory_space<vmem>>) dst(%dma_wait3A_134 : memref<128x128xbf16, #tpu.memory_space<vmem_shared>>)
      tpu.yield
    }) : () -> ()
    %add3A_14 = arith.constant 384 : i32
    %add3A_15 = arith.addi %mul3A_7, %add3A_14 : i32
    "tpu.region"() ({
      %run_scoped3A = tpu.sem_alloc : memref<!tpu.dma_semaphore, #tpu.memory_space<semaphore_mem>>
      %dma_start3A_127 = arith.constant 0 : i32
      %dma_start3A_128 = tpu.memref_slice %arg16[%add3A_15, %dma_start3A_127] : memref<10128x128xbf16, #tpu.memory_space<vmem_shared>> -> memref<128x128xbf16, #tpu.memory_space<vmem_shared>>
      %dma_start3A_129 = arith.constant 0 : i32
      %dma_start3A_130 = tpu.memref_slice %arg16[%add3A_15, %dma_start3A_129] : memref<10128x128xbf16, #tpu.memory_space<vmem_shared>> -> memref<128x128xbf16, #tpu.memory_space<vmem_shared>>
      tpu.enqueue_dma source(%arg8 : memref<128x128xbf16, #tpu.memory_space<vmem>>) target(%dma_start3A_130 : memref<128x128xbf16, #tpu.memory_space<vmem_shared>>) target_semaphore(%run_scoped3A : memref<!tpu.dma_semaphore, #tpu.memory_space<semaphore_mem>>)
      %dma_wait3A_131 = arith.constant 0 : i32
      %dma_wait3A_132 = tpu.memref_slice %arg16[%add3A_15, %dma_wait3A_131] : memref<10128x128xbf16, #tpu.memory_space<vmem_shared>> -> memref<128x128xbf16, #tpu.memory_space<vmem_shared>>
      %dma_wait3A_133 = arith.constant 0 : i32
      %dma_wait3A_134 = tpu.memref_slice %arg16[%add3A_15, %dma_wait3A_133] : memref<10128x128xbf16, #tpu.memory_space<vmem_shared>> -> memref<128x128xbf16, #tpu.memory_space<vmem_shared>>
      tpu.wait_dma2 semaphore(%run_scoped3A : memref<!tpu.dma_semaphore, #tpu.memory_space<semaphore_mem>>) src(%arg8 : memref<128x128xbf16, #tpu.memory_space<vmem>>) dst(%dma_wait3A_134 : memref<128x128xbf16, #tpu.memory_space<vmem_shared>>)
      tpu.yield
    }) : () -> ()
    %add3A_16 = arith.constant 512 : i32
    %add3A_17 = arith.addi %mul3A_7, %add3A_16 : i32
    "tpu.region"() ({
      %run_scoped3A = tpu.sem_alloc : memref<!tpu.dma_semaphore, #tpu.memory_space<semaphore_mem>>
      %dma_start3A_127 = arith.constant 0 : i32
      %dma_start3A_128 = arith.constant 0 : i32
      %dma_start3A_129 = tpu.memref_slice %arg8[%dma_start3A_127, %dma_start3A_128] : memref<128x128xbf16, #tpu.memory_space<vmem>> -> memref<113x128xbf16, #tpu.memory_space<vmem>>
      %dma_start3A_130 = arith.constant 0 : i32
      %dma_start3A_131 = tpu.memref_slice %arg16[%add3A_17, %dma_start3A_130] : memref<10128x128xbf16, #tpu.memory_space<vmem_shared>> -> memref<113x128xbf16, #tpu.memory_space<vmem_shared>>
      %dma_start3A_132 = arith.constant 0 : i32
      %dma_start3A_133 = tpu.memref_slice %arg16[%add3A_17, %dma_start3A_132] : memref<10128x128xbf16, #tpu.memory_space<vmem_shared>> -> memref<113x128xbf16, #tpu.memory_space<vmem_shared>>
      %dma_start3A_134 = arith.constant 0 : i32
      %dma_start3A_135 = arith.constant 0 : i32
      %dma_start3A_136 = tpu.memref_slice %arg8[%dma_start3A_134, %dma_start3A_135] : memref<128x128xbf16, #tpu.memory_space<vmem>> -> memref<113x128xbf16, #tpu.memory_space<vmem>>
      tpu.enqueue_dma source(%dma_start3A_136 : memref<113x128xbf16, #tpu.memory_space<vmem>>) target(%dma_start3A_133 : memref<113x128xbf16, #tpu.memory_space<vmem_shared>>) target_semaphore(%run_scoped3A : memref<!tpu.dma_semaphore, #tpu.memory_space<semaphore_mem>>)
      %dma_wait3A_137 = arith.constant 0 : i32
      %dma_wait3A_138 = arith.constant 0 : i32
      %dma_wait3A_139 = tpu.memref_slice %arg8[%dma_wait3A_137, %dma_wait3A_138] : memref<128x128xbf16, #tpu.memory_space<vmem>> -> memref<113x128xbf16, #tpu.memory_space<vmem>>
      %dma_wait3A_140 = arith.constant 0 : i32
      %dma_wait3A_141 = tpu.memref_slice %arg16[%add3A_17, %dma_wait3A_140] : memref<10128x128xbf16, #tpu.memory_space<vmem_shared>> -> memref<113x128xbf16, #tpu.memory_space<vmem_shared>>
      %dma_wait3A_142 = arith.constant 0 : i32
      %dma_wait3A_143 = tpu.memref_slice %arg16[%add3A_17, %dma_wait3A_142] : memref<10128x128xbf16, #tpu.memory_space<vmem_shared>> -> memref<113x128xbf16, #tpu.memory_space<vmem_shared>>
      %dma_wait3A_144 = arith.constant 0 : i32
      %dma_wait3A_145 = arith.constant 0 : i32
      %dma_wait3A_146 = tpu.memref_slice %arg8[%dma_wait3A_144, %dma_wait3A_145] : memref<128x128xbf16, #tpu.memory_space<vmem>> -> memref<113x128xbf16, #tpu.memory_space<vmem>>
      tpu.wait_dma2 semaphore(%run_scoped3A : memref<!tpu.dma_semaphore, #tpu.memory_space<semaphore_mem>>) src(%dma_wait3A_146 : memref<113x128xbf16, #tpu.memory_space<vmem>>) dst(%dma_wait3A_143 : memref<113x128xbf16, #tpu.memory_space<vmem_shared>>)
      tpu.yield
    }) : () -> ()
    "tpu.region"() ({
      %run_scoped3A = tpu.sem_alloc : memref<!tpu.dma_semaphore, #tpu.memory_space<semaphore_mem>>
      %dma_start3A_127 = arith.constant 0 : i32
      %dma_start3A_128 = arith.constant 0 : i32
      %dma_start3A_129 = tpu.memref_slice %arg2[%add3A, %dma_start3A_127, %dma_start3A_128] : memref<32x80x128xi32, #tpu.memory_space<hbm>> -> memref<1x80x128xi32, #tpu.memory_space<hbm>>
      %dma_start3A_130 = tpu.memref_squeeze %dma_start3A_129 : memref<1x80x128xi32, #tpu.memory_space<hbm>> -> memref<80x128xi32, #tpu.memory_space<hbm>>
      %dma_start3A_131 = arith.constant 0 : i32
      %dma_start3A_132 = arith.constant 0 : i32
      %dma_start3A_133 = tpu.memref_slice %arg2[%add3A, %dma_start3A_131, %dma_start3A_132] : memref<32x80x128xi32, #tpu.memory_space<hbm>> -> memref<1x80x128xi32, #tpu.memory_space<hbm>>
      %dma_start3A_134 = tpu.memref_squeeze %dma_start3A_133 : memref<1x80x128xi32, #tpu.memory_space<hbm>> -> memref<80x128xi32, #tpu.memory_space<hbm>>
      tpu.enqueue_dma source(%dma_start3A_134 : memref<80x128xi32, #tpu.memory_space<hbm>>) target(%arg6 : memref<80x128xi32, #tpu.memory_space<vmem>>) target_semaphore(%run_scoped3A : memref<!tpu.dma_semaphore, #tpu.memory_space<semaphore_mem>>)
      %dma_wait3A_135 = arith.constant 0 : i32
      %dma_wait3A_136 = arith.constant 0 : i32
      %dma_wait3A_137 = tpu.memref_slice %arg2[%add3A, %dma_wait3A_135, %dma_wait3A_136] : memref<32x80x128xi32, #tpu.memory_space<hbm>> -> memref<1x80x128xi32, #tpu.memory_space<hbm>>
      %dma_wait3A_138 = tpu.memref_squeeze %dma_wait3A_137 : memref<1x80x128xi32, #tpu.memory_space<hbm>> -> memref<80x128xi32, #tpu.memory_space<hbm>>
      %dma_wait3A_139 = arith.constant 0 : i32
      %dma_wait3A_140 = arith.constant 0 : i32
      %dma_wait3A_141 = tpu.memref_slice %arg2[%add3A, %dma_wait3A_139, %dma_wait3A_140] : memref<32x80x128xi32, #tpu.memory_space<hbm>> -> memref<1x80x128xi32, #tpu.memory_space<hbm>>
      %dma_wait3A_142 = tpu.memref_squeeze %dma_wait3A_141 : memref<1x80x128xi32, #tpu.memory_space<hbm>> -> memref<80x128xi32, #tpu.memory_space<hbm>>
      tpu.wait_dma2 semaphore(%run_scoped3A : memref<!tpu.dma_semaphore, #tpu.memory_space<semaphore_mem>>) src(%dma_wait3A_142 : memref<80x128xi32, #tpu.memory_space<hbm>>) dst(%arg6 : memref<80x128xi32, #tpu.memory_space<vmem>>)
      tpu.yield
    }) : () -> ()
    "tpu.region"() ({
      %run_scoped3A = tpu.sem_alloc : memref<!tpu.dma_semaphore, #tpu.memory_space<semaphore_mem>>
      %dma_start3A_127 = arith.constant 0 : i32
      %dma_start3A_128 = arith.constant 0 : i32
      %dma_start3A_129 = tpu.memref_slice %arg3[%add3A, %dma_start3A_127, %dma_start3A_128] : memref<32x80x128xi32, #tpu.memory_space<hbm>> -> memref<1x80x128xi32, #tpu.memory_space<hbm>>
      %dma_start3A_130 = tpu.memref_squeeze %dma_start3A_129 : memref<1x80x128xi32, #tpu.memory_space<hbm>> -> memref<80x128xi32, #tpu.memory_space<hbm>>
      %dma_start3A_131 = arith.constant 0 : i32
      %dma_start3A_132 = arith.constant 0 : i32
      %dma_start3A_133 = tpu.memref_slice %arg3[%add3A, %dma_start3A_131, %dma_start3A_132] : memref<32x80x128xi32, #tpu.memory_space<hbm>> -> memref<1x80x128xi32, #tpu.memory_space<hbm>>
      %dma_start3A_134 = tpu.memref_squeeze %dma_start3A_133 : memref<1x80x128xi32, #tpu.memory_space<hbm>> -> memref<80x128xi32, #tpu.memory_space<hbm>>
      tpu.enqueue_dma source(%dma_start3A_134 : memref<80x128xi32, #tpu.memory_space<hbm>>) target(%arg7 : memref<80x128xi32, #tpu.memory_space<vmem>>) target_semaphore(%run_scoped3A : memref<!tpu.dma_semaphore, #tpu.memory_space<semaphore_mem>>)
      %dma_wait3A_135 = arith.constant 0 : i32
      %dma_wait3A_136 = arith.constant 0 : i32
      %dma_wait3A_137 = tpu.memref_slice %arg3[%add3A, %dma_wait3A_135, %dma_wait3A_136] : memref<32x80x128xi32, #tpu.memory_space<hbm>> -> memref<1x80x128xi32, #tpu.memory_space<hbm>>
      %dma_wait3A_138 = tpu.memref_squeeze %dma_wait3A_137 : memref<1x80x128xi32, #tpu.memory_space<hbm>> -> memref<80x128xi32, #tpu.memory_space<hbm>>
      %dma_wait3A_139 = arith.constant 0 : i32
      %dma_wait3A_140 = arith.constant 0 : i32
      %dma_wait3A_141 = tpu.memref_slice %arg3[%add3A, %dma_wait3A_139, %dma_wait3A_140] : memref<32x80x128xi32, #tpu.memory_space<hbm>> -> memref<1x80x128xi32, #tpu.memory_space<hbm>>
      %dma_wait3A_142 = tpu.memref_squeeze %dma_wait3A_141 : memref<1x80x128xi32, #tpu.memory_space<hbm>> -> memref<80x128xi32, #tpu.memory_space<hbm>>
      tpu.wait_dma2 semaphore(%run_scoped3A : memref<!tpu.dma_semaphore, #tpu.memory_space<semaphore_mem>>) src(%dma_wait3A_142 : memref<80x128xi32, #tpu.memory_space<hbm>>) dst(%arg7 : memref<80x128xi32, #tpu.memory_space<vmem>>)
      tpu.yield
    }) : () -> ()
    %dma_start3A = arith.constant 0 : i32
    %dma_start3A_18 = arith.constant 0 : i32
    %dma_start3A_19 = tpu.memref_slice %arg6[%dma_start3A, %dma_start3A_18] : memref<80x128xi32, #tpu.memory_space<vmem>> -> memref<1x128xi32, #tpu.memory_space<vmem>>
    %dma_start3A_20 = tpu.memref_squeeze %dma_start3A_19 : memref<1x128xi32, #tpu.memory_space<vmem>> -> memref<128xi32, #tpu.memory_space<vmem>>
    %dma_start3A_21 = arith.constant 0 : i32
    %dma_start3A_22 = arith.constant 0 : i32
    %dma_start3A_23 = tpu.memref_slice %arg4[%dma_start3A_21, %dma_start3A_22] : memref<10000x128xbf16, #tpu.memory_space<hbm>> -> memref<10000x128xbf16, #tpu.memory_space<hbm>>
    tpu.enqueue_indirect_dma source(%dma_start3A_23 : memref<10000x128xbf16, #tpu.memory_space<hbm>>) target(%arg8 : memref<128x128xbf16, #tpu.memory_space<vmem>>) offsets(%dma_start3A_20 : memref<128xi32, #tpu.memory_space<vmem>>) semaphore(%arg17 : memref<!tpu.dma_semaphore, #tpu.memory_space<semaphore_mem>>)
    %dma_start3A_24 = arith.constant 1 : i32
    %dma_start3A_25 = arith.constant 0 : i32
    %dma_start3A_26 = tpu.memref_slice %arg6[%dma_start3A_24, %dma_start3A_25] : memref<80x128xi32, #tpu.memory_space<vmem>> -> memref<1x128xi32, #tpu.memory_space<vmem>>
    %dma_start3A_27 = tpu.memref_squeeze %dma_start3A_26 : memref<1x128xi32, #tpu.memory_space<vmem>> -> memref<128xi32, #tpu.memory_space<vmem>>
    %dma_start3A_28 = arith.constant 0 : i32
    %dma_start3A_29 = arith.constant 0 : i32
    %dma_start3A_30 = tpu.memref_slice %arg4[%dma_start3A_28, %dma_start3A_29] : memref<10000x128xbf16, #tpu.memory_space<hbm>> -> memref<10000x128xbf16, #tpu.memory_space<hbm>>
    tpu.enqueue_indirect_dma source(%dma_start3A_30 : memref<10000x128xbf16, #tpu.memory_space<hbm>>) target(%arg9 : memref<128x128xbf16, #tpu.memory_space<vmem>>) offsets(%dma_start3A_27 : memref<128xi32, #tpu.memory_space<vmem>>) semaphore(%arg18 : memref<!tpu.dma_semaphore, #tpu.memory_space<semaphore_mem>>)
    %dma_start3A_31 = arith.constant 2 : i32
    %dma_start3A_32 = arith.constant 0 : i32
    %dma_start3A_33 = tpu.memref_slice %arg6[%dma_start3A_31, %dma_start3A_32] : memref<80x128xi32, #tpu.memory_space<vmem>> -> memref<1x128xi32, #tpu.memory_space<vmem>>
    %dma_start3A_34 = tpu.memref_squeeze %dma_start3A_33 : memref<1x128xi32, #tpu.memory_space<vmem>> -> memref<128xi32, #tpu.memory_space<vmem>>
    %dma_start3A_35 = arith.constant 0 : i32
    %dma_start3A_36 = arith.constant 0 : i32
    %dma_start3A_37 = tpu.memref_slice %arg4[%dma_start3A_35, %dma_start3A_36] : memref<10000x128xbf16, #tpu.memory_space<hbm>> -> memref<10000x128xbf16, #tpu.memory_space<hbm>>
    tpu.enqueue_indirect_dma source(%dma_start3A_37 : memref<10000x128xbf16, #tpu.memory_space<hbm>>) target(%arg10 : memref<128x128xbf16, #tpu.memory_space<vmem>>) offsets(%dma_start3A_34 : memref<128xi32, #tpu.memory_space<vmem>>) semaphore(%arg19 : memref<!tpu.dma_semaphore, #tpu.memory_space<semaphore_mem>>)
    %dma_start3A_38 = arith.constant 3 : i32
    %dma_start3A_39 = arith.constant 0 : i32
    %dma_start3A_40 = tpu.memref_slice %arg6[%dma_start3A_38, %dma_start3A_39] : memref<80x128xi32, #tpu.memory_space<vmem>> -> memref<1x128xi32, #tpu.memory_space<vmem>>
    %dma_start3A_41 = tpu.memref_squeeze %dma_start3A_40 : memref<1x128xi32, #tpu.memory_space<vmem>> -> memref<128xi32, #tpu.memory_space<vmem>>
    %dma_start3A_42 = arith.constant 0 : i32
    %dma_start3A_43 = arith.constant 0 : i32
    %dma_start3A_44 = tpu.memref_slice %arg4[%dma_start3A_42, %dma_start3A_43] : memref<10000x128xbf16, #tpu.memory_space<hbm>> -> memref<10000x128xbf16, #tpu.memory_space<hbm>>
    tpu.enqueue_indirect_dma source(%dma_start3A_44 : memref<10000x128xbf16, #tpu.memory_space<hbm>>) target(%arg11 : memref<128x128xbf16, #tpu.memory_space<vmem>>) offsets(%dma_start3A_41 : memref<128xi32, #tpu.memory_space<vmem>>) semaphore(%arg20 : memref<!tpu.dma_semaphore, #tpu.memory_space<semaphore_mem>>)
    %dma_start3A_45 = arith.constant 4 : i32
    %dma_start3A_46 = arith.constant 0 : i32
    %dma_start3A_47 = tpu.memref_slice %arg6[%dma_start3A_45, %dma_start3A_46] : memref<80x128xi32, #tpu.memory_space<vmem>> -> memref<1x128xi32, #tpu.memory_space<vmem>>
    %dma_start3A_48 = tpu.memref_squeeze %dma_start3A_47 : memref<1x128xi32, #tpu.memory_space<vmem>> -> memref<128xi32, #tpu.memory_space<vmem>>
    %dma_start3A_49 = arith.constant 0 : i32
    %dma_start3A_50 = arith.constant 0 : i32
    %dma_start3A_51 = tpu.memref_slice %arg4[%dma_start3A_49, %dma_start3A_50] : memref<10000x128xbf16, #tpu.memory_space<hbm>> -> memref<10000x128xbf16, #tpu.memory_space<hbm>>
    tpu.enqueue_indirect_dma source(%dma_start3A_51 : memref<10000x128xbf16, #tpu.memory_space<hbm>>) target(%arg12 : memref<128x128xbf16, #tpu.memory_space<vmem>>) offsets(%dma_start3A_48 : memref<128xi32, #tpu.memory_space<vmem>>) semaphore(%arg21 : memref<!tpu.dma_semaphore, #tpu.memory_space<semaphore_mem>>)
    %dma_start3A_52 = arith.constant 5 : i32
    %dma_start3A_53 = arith.constant 0 : i32
    %dma_start3A_54 = tpu.memref_slice %arg6[%dma_start3A_52, %dma_start3A_53] : memref<80x128xi32, #tpu.memory_space<vmem>> -> memref<1x128xi32, #tpu.memory_space<vmem>>
    %dma_start3A_55 = tpu.memref_squeeze %dma_start3A_54 : memref<1x128xi32, #tpu.memory_space<vmem>> -> memref<128xi32, #tpu.memory_space<vmem>>
    %dma_start3A_56 = arith.constant 0 : i32
    %dma_start3A_57 = arith.constant 0 : i32
    %dma_start3A_58 = tpu.memref_slice %arg4[%dma_start3A_56, %dma_start3A_57] : memref<10000x128xbf16, #tpu.memory_space<hbm>> -> memref<10000x128xbf16, #tpu.memory_space<hbm>>
    tpu.enqueue_indirect_dma source(%dma_start3A_58 : memref<10000x128xbf16, #tpu.memory_space<hbm>>) target(%arg13 : memref<128x128xbf16, #tpu.memory_space<vmem>>) offsets(%dma_start3A_55 : memref<128xi32, #tpu.memory_space<vmem>>) semaphore(%arg22 : memref<!tpu.dma_semaphore, #tpu.memory_space<semaphore_mem>>)
    %dma_start3A_59 = arith.constant 6 : i32
    %dma_start3A_60 = arith.constant 0 : i32
    %dma_start3A_61 = tpu.memref_slice %arg6[%dma_start3A_59, %dma_start3A_60] : memref<80x128xi32, #tpu.memory_space<vmem>> -> memref<1x128xi32, #tpu.memory_space<vmem>>
    %dma_start3A_62 = tpu.memref_squeeze %dma_start3A_61 : memref<1x128xi32, #tpu.memory_space<vmem>> -> memref<128xi32, #tpu.memory_space<vmem>>
    %dma_start3A_63 = arith.constant 0 : i32
    %dma_start3A_64 = arith.constant 0 : i32
    %dma_start3A_65 = tpu.memref_slice %arg4[%dma_start3A_63, %dma_start3A_64] : memref<10000x128xbf16, #tpu.memory_space<hbm>> -> memref<10000x128xbf16, #tpu.memory_space<hbm>>
    tpu.enqueue_indirect_dma source(%dma_start3A_65 : memref<10000x128xbf16, #tpu.memory_space<hbm>>) target(%arg14 : memref<128x128xbf16, #tpu.memory_space<vmem>>) offsets(%dma_start3A_62 : memref<128xi32, #tpu.memory_space<vmem>>) semaphore(%arg23 : memref<!tpu.dma_semaphore, #tpu.memory_space<semaphore_mem>>)
    %barrier3A = arith.constant 0 : index
    tpu.barrier barrier_id(%barrier3A)
    %scan3A_66 = arith.constant 0 : i32
    %scan3A_67 = arith.constant 10 : i32
    %scan3A_68 = arith.addi %scan3A_66, %scan3A_67 : i32
    %scan3A_69 = arith.constant 1 : i32
    scf.for %scan3A_127 = %scan3A_66 to %scan3A_68 step %scan3A_69  : i32 {
      %mul3A_128 = arith.constant 1 : i32
      %mul3A_129 = arith.muli %scan3A_127, %mul3A_128 : i32
      %add3A_130 = arith.constant 0 : i32
      %add3A_131 = arith.addi %add3A_130, %mul3A_129 : i32
      %mul3A_132 = arith.constant 8 : i32
      %mul3A_133 = arith.muli %add3A_131, %mul3A_132 : i32
      %add3A_134 = arith.constant 0 : i32
      %add3A_135 = arith.addi %mul3A_133, %add3A_134 : i32
      %dma_wait3A_136 = arith.constant 0 : i32
      %dma_wait3A_137 = tpu.memref_slice %arg6[%add3A_135, %dma_wait3A_136] : memref<80x128xi32, #tpu.memory_space<vmem>> -> memref<1x128xi32, #tpu.memory_space<vmem>>
      %dma_wait3A_138 = tpu.memref_squeeze %dma_wait3A_137 : memref<1x128xi32, #tpu.memory_space<vmem>> -> memref<128xi32, #tpu.memory_space<vmem>>
      %dma_wait3A_139 = arith.constant 0 : i32
      %dma_wait3A_140 = arith.constant 0 : i32
      %dma_wait3A_141 = tpu.memref_slice %arg4[%dma_wait3A_139, %dma_wait3A_140] : memref<10000x128xbf16, #tpu.memory_space<hbm>> -> memref<10000x128xbf16, #tpu.memory_space<hbm>>
      tpu.wait_indirect_dma semaphore(%arg17 : memref<!tpu.dma_semaphore, #tpu.memory_space<semaphore_mem>>) src(%dma_wait3A_141 : memref<10000x128xbf16, #tpu.memory_space<hbm>>) dst(%arg8 : memref<128x128xbf16, #tpu.memory_space<vmem>>)
      %dma_start3A_142 = arith.constant 0 : i32
      %dma_start3A_143 = tpu.memref_slice %arg7[%add3A_135, %dma_start3A_142] : memref<80x128xi32, #tpu.memory_space<vmem>> -> memref<1x128xi32, #tpu.memory_space<vmem>>
      %dma_start3A_144 = tpu.memref_squeeze %dma_start3A_143 : memref<1x128xi32, #tpu.memory_space<vmem>> -> memref<128xi32, #tpu.memory_space<vmem>>
      %dma_start3A_145 = arith.constant 0 : i32
      %dma_start3A_146 = arith.constant 0 : i32
      %dma_start3A_147 = tpu.memref_slice %arg16[%dma_start3A_145, %dma_start3A_146] : memref<10128x128xbf16, #tpu.memory_space<vmem_shared>> -> memref<10128x128xbf16, #tpu.memory_space<vmem_shared>>
      tpu.enqueue_indirect_dma source(%arg8 : memref<128x128xbf16, #tpu.memory_space<vmem>>) target(%dma_start3A_147 : memref<10128x128xbf16, #tpu.memory_space<vmem_shared>>) offsets(%dma_start3A_144 : memref<128xi32, #tpu.memory_space<vmem>>) semaphore(%arg25 : memref<!tpu.dma_semaphore, #tpu.memory_space<semaphore_mem>>) {add = true}
      %eq3A = arith.constant 0 : i32
      %eq3A_148 = arith.cmpi eq, %add3A_131, %eq3A : i32
      %convert_element_type3A = arith.extui %eq3A_148 : i1 to i32
      %cond3A = arith.constant 0 : i32
      %cond3A_149 = arith.cmpi ne, %convert_element_type3A, %cond3A : i32
      scf.if %cond3A_149 {
        %add3A_319 = arith.constant 8 : i32
        %add3A_320 = arith.addi %add3A_135, %add3A_319 : i32
        %sub3A_321 = arith.constant 1 : i32
        %sub3A_322 = arith.subi %add3A_320, %sub3A_321 : i32
        %dma_start3A_323 = arith.constant 0 : i32
        %dma_start3A_324 = tpu.memref_slice %arg6[%sub3A_322, %dma_start3A_323] : memref<80x128xi32, #tpu.memory_space<vmem>> -> memref<1x128xi32, #tpu.memory_space<vmem>>
        %dma_start3A_325 = tpu.memref_squeeze %dma_start3A_324 : memref<1x128xi32, #tpu.memory_space<vmem>> -> memref<128xi32, #tpu.memory_space<vmem>>
        %dma_start3A_326 = arith.constant 0 : i32
        %dma_start3A_327 = arith.constant 0 : i32
        %dma_start3A_328 = tpu.memref_slice %arg4[%dma_start3A_326, %dma_start3A_327] : memref<10000x128xbf16, #tpu.memory_space<hbm>> -> memref<10000x128xbf16, #tpu.memory_space<hbm>>
        tpu.enqueue_indirect_dma source(%dma_start3A_328 : memref<10000x128xbf16, #tpu.memory_space<hbm>>) target(%arg15 : memref<128x128xbf16, #tpu.memory_space<vmem>>) offsets(%dma_start3A_325 : memref<128xi32, #tpu.memory_space<vmem>>) semaphore(%arg24 : memref<!tpu.dma_semaphore, #tpu.memory_space<semaphore_mem>>)
      } else {
      }
      %gt3A = arith.constant 0 : i32
      %gt3A_150 = arith.cmpi sgt, %add3A_131, %gt3A : i32
      %add3A_151 = arith.constant 8 : i32
      %add3A_152 = arith.addi %add3A_135, %add3A_151 : i32
      %sub3A = arith.constant 1 : i32
      %sub3A_153 = arith.subi %add3A_152, %sub3A : i32
      %lt3A = arith.constant 80 : i32
      %lt3A_154 = arith.cmpi slt, %sub3A_153, %lt3A : i32
      %and3A = arith.andi %gt3A_150, %lt3A_154 : i1
      %convert_element_type3A_155 = arith.extui %and3A : i1 to i32
      %cond3A_156 = arith.constant 0 : i32
      %cond3A_157 = arith.cmpi ne, %convert_element_type3A_155, %cond3A_156 : i32
      scf.if %cond3A_157 {
        %add3A_319 = arith.constant 8 : i32
        %add3A_320 = arith.addi %add3A_135, %add3A_319 : i32
        %sub3A_321 = arith.constant 1 : i32
        %sub3A_322 = arith.subi %add3A_320, %sub3A_321 : i32
        %dma_wait3A_323 = arith.constant 0 : i32
        %dma_wait3A_324 = tpu.memref_slice %arg7[%sub3A_322, %dma_wait3A_323] : memref<80x128xi32, #tpu.memory_space<vmem>> -> memref<1x128xi32, #tpu.memory_space<vmem>>
        %dma_wait3A_325 = tpu.memref_squeeze %dma_wait3A_324 : memref<1x128xi32, #tpu.memory_space<vmem>> -> memref<128xi32, #tpu.memory_space<vmem>>
        %dma_wait3A_326 = arith.constant 0 : i32
        %dma_wait3A_327 = arith.constant 0 : i32
        %dma_wait3A_328 = tpu.memref_slice %arg16[%dma_wait3A_326, %dma_wait3A_327] : memref<10128x128xbf16, #tpu.memory_space<vmem_shared>> -> memref<10128x128xbf16, #tpu.memory_space<vmem_shared>>
        tpu.wait_indirect_dma semaphore(%arg32 : memref<!tpu.dma_semaphore, #tpu.memory_space<semaphore_mem>>) src(%arg15 : memref<128x128xbf16, #tpu.memory_space<vmem>>) dst(%dma_wait3A_328 : memref<10128x128xbf16, #tpu.memory_space<vmem_shared>>)
        %dma_start3A_329 = arith.constant 0 : i32
        %dma_start3A_330 = tpu.memref_slice %arg6[%sub3A_322, %dma_start3A_329] : memref<80x128xi32, #tpu.memory_space<vmem>> -> memref<1x128xi32, #tpu.memory_space<vmem>>
        %dma_start3A_331 = tpu.memref_squeeze %dma_start3A_330 : memref<1x128xi32, #tpu.memory_space<vmem>> -> memref<128xi32, #tpu.memory_space<vmem>>
        %dma_start3A_332 = arith.constant 0 : i32
        %dma_start3A_333 = arith.constant 0 : i32
        %dma_start3A_334 = tpu.memref_slice %arg4[%dma_start3A_332, %dma_start3A_333] : memref<10000x128xbf16, #tpu.memory_space<hbm>> -> memref<10000x128xbf16, #tpu.memory_space<hbm>>
        tpu.enqueue_indirect_dma source(%dma_start3A_334 : memref<10000x128xbf16, #tpu.memory_space<hbm>>) target(%arg15 : memref<128x128xbf16, #tpu.memory_space<vmem>>) offsets(%dma_start3A_331 : memref<128xi32, #tpu.memory_space<vmem>>) semaphore(%arg24 : memref<!tpu.dma_semaphore, #tpu.memory_space<semaphore_mem>>)
      } else {
      }
      %add3A_158 = arith.constant 1 : i32
      %add3A_159 = arith.addi %mul3A_133, %add3A_158 : i32
      %dma_wait3A_160 = arith.constant 0 : i32
      %dma_wait3A_161 = tpu.memref_slice %arg6[%add3A_159, %dma_wait3A_160] : memref<80x128xi32, #tpu.memory_space<vmem>> -> memref<1x128xi32, #tpu.memory_space<vmem>>
      %dma_wait3A_162 = tpu.memref_squeeze %dma_wait3A_161 : memref<1x128xi32, #tpu.memory_space<vmem>> -> memref<128xi32, #tpu.memory_space<vmem>>
      %dma_wait3A_163 = arith.constant 0 : i32
      %dma_wait3A_164 = arith.constant 0 : i32
      %dma_wait3A_165 = tpu.memref_slice %arg4[%dma_wait3A_163, %dma_wait3A_164] : memref<10000x128xbf16, #tpu.memory_space<hbm>> -> memref<10000x128xbf16, #tpu.memory_space<hbm>>
      tpu.wait_indirect_dma semaphore(%arg18 : memref<!tpu.dma_semaphore, #tpu.memory_space<semaphore_mem>>) src(%dma_wait3A_165 : memref<10000x128xbf16, #tpu.memory_space<hbm>>) dst(%arg9 : memref<128x128xbf16, #tpu.memory_space<vmem>>)
      %dma_start3A_166 = arith.constant 0 : i32
      %dma_start3A_167 = tpu.memref_slice %arg7[%add3A_159, %dma_start3A_166] : memref<80x128xi32, #tpu.memory_space<vmem>> -> memref<1x128xi32, #tpu.memory_space<vmem>>
      %dma_start3A_168 = tpu.memref_squeeze %dma_start3A_167 : memref<1x128xi32, #tpu.memory_space<vmem>> -> memref<128xi32, #tpu.memory_space<vmem>>
      %dma_start3A_169 = arith.constant 0 : i32
      %dma_start3A_170 = arith.constant 0 : i32
      %dma_start3A_171 = tpu.memref_slice %arg16[%dma_start3A_169, %dma_start3A_170] : memref<10128x128xbf16, #tpu.memory_space<vmem_shared>> -> memref<10128x128xbf16, #tpu.memory_space<vmem_shared>>
      tpu.enqueue_indirect_dma source(%arg9 : memref<128x128xbf16, #tpu.memory_space<vmem>>) target(%dma_start3A_171 : memref<10128x128xbf16, #tpu.memory_space<vmem_shared>>) offsets(%dma_start3A_168 : memref<128xi32, #tpu.memory_space<vmem>>) semaphore(%arg26 : memref<!tpu.dma_semaphore, #tpu.memory_space<semaphore_mem>>) {add = true}
      %add3A_172 = arith.constant 8 : i32
      %add3A_173 = arith.addi %add3A_159, %add3A_172 : i32
      %sub3A_174 = arith.constant 1 : i32
      %sub3A_175 = arith.subi %add3A_173, %sub3A_174 : i32
      %lt3A_176 = arith.constant 80 : i32
      %lt3A_177 = arith.cmpi slt, %sub3A_175, %lt3A_176 : i32
      %convert_element_type3A_178 = arith.extui %lt3A_177 : i1 to i32
      %cond3A_179 = arith.constant 0 : i32
      %cond3A_180 = arith.cmpi ne, %convert_element_type3A_178, %cond3A_179 : i32
      scf.if %cond3A_180 {
        %add3A_319 = arith.constant 8 : i32
        %add3A_320 = arith.addi %add3A_159, %add3A_319 : i32
        %sub3A_321 = arith.constant 1 : i32
        %sub3A_322 = arith.subi %add3A_320, %sub3A_321 : i32
        %dma_wait3A_323 = arith.constant 0 : i32
        %dma_wait3A_324 = tpu.memref_slice %arg7[%sub3A_322, %dma_wait3A_323] : memref<80x128xi32, #tpu.memory_space<vmem>> -> memref<1x128xi32, #tpu.memory_space<vmem>>
        %dma_wait3A_325 = tpu.memref_squeeze %dma_wait3A_324 : memref<1x128xi32, #tpu.memory_space<vmem>> -> memref<128xi32, #tpu.memory_space<vmem>>
        %dma_wait3A_326 = arith.constant 0 : i32
        %dma_wait3A_327 = arith.constant 0 : i32
        %dma_wait3A_328 = tpu.memref_slice %arg16[%dma_wait3A_326, %dma_wait3A_327] : memref<10128x128xbf16, #tpu.memory_space<vmem_shared>> -> memref<10128x128xbf16, #tpu.memory_space<vmem_shared>>
        tpu.wait_indirect_dma semaphore(%arg25 : memref<!tpu.dma_semaphore, #tpu.memory_space<semaphore_mem>>) src(%arg8 : memref<128x128xbf16, #tpu.memory_space<vmem>>) dst(%dma_wait3A_328 : memref<10128x128xbf16, #tpu.memory_space<vmem_shared>>)
        %dma_start3A_329 = arith.constant 0 : i32
        %dma_start3A_330 = tpu.memref_slice %arg6[%sub3A_322, %dma_start3A_329] : memref<80x128xi32, #tpu.memory_space<vmem>> -> memref<1x128xi32, #tpu.memory_space<vmem>>
        %dma_start3A_331 = tpu.memref_squeeze %dma_start3A_330 : memref<1x128xi32, #tpu.memory_space<vmem>> -> memref<128xi32, #tpu.memory_space<vmem>>
        %dma_start3A_332 = arith.constant 0 : i32
        %dma_start3A_333 = arith.constant 0 : i32
        %dma_start3A_334 = tpu.memref_slice %arg4[%dma_start3A_332, %dma_start3A_333] : memref<10000x128xbf16, #tpu.memory_space<hbm>> -> memref<10000x128xbf16, #tpu.memory_space<hbm>>
        tpu.enqueue_indirect_dma source(%dma_start3A_334 : memref<10000x128xbf16, #tpu.memory_space<hbm>>) target(%arg8 : memref<128x128xbf16, #tpu.memory_space<vmem>>) offsets(%dma_start3A_331 : memref<128xi32, #tpu.memory_space<vmem>>) semaphore(%arg17 : memref<!tpu.dma_semaphore, #tpu.memory_space<semaphore_mem>>)
      } else {
      }
      %add3A_181 = arith.constant 2 : i32
      %add3A_182 = arith.addi %mul3A_133, %add3A_181 : i32
      %dma_wait3A_183 = arith.constant 0 : i32
      %dma_wait3A_184 = tpu.memref_slice %arg6[%add3A_182, %dma_wait3A_183] : memref<80x128xi32, #tpu.memory_space<vmem>> -> memref<1x128xi32, #tpu.memory_space<vmem>>
      %dma_wait3A_185 = tpu.memref_squeeze %dma_wait3A_184 : memref<1x128xi32, #tpu.memory_space<vmem>> -> memref<128xi32, #tpu.memory_space<vmem>>
      %dma_wait3A_186 = arith.constant 0 : i32
      %dma_wait3A_187 = arith.constant 0 : i32
      %dma_wait3A_188 = tpu.memref_slice %arg4[%dma_wait3A_186, %dma_wait3A_187] : memref<10000x128xbf16, #tpu.memory_space<hbm>> -> memref<10000x128xbf16, #tpu.memory_space<hbm>>
      tpu.wait_indirect_dma semaphore(%arg19 : memref<!tpu.dma_semaphore, #tpu.memory_space<semaphore_mem>>) src(%dma_wait3A_188 : memref<10000x128xbf16, #tpu.memory_space<hbm>>) dst(%arg10 : memref<128x128xbf16, #tpu.memory_space<vmem>>)
      %dma_start3A_189 = arith.constant 0 : i32
      %dma_start3A_190 = tpu.memref_slice %arg7[%add3A_182, %dma_start3A_189] : memref<80x128xi32, #tpu.memory_space<vmem>> -> memref<1x128xi32, #tpu.memory_space<vmem>>
      %dma_start3A_191 = tpu.memref_squeeze %dma_start3A_190 : memref<1x128xi32, #tpu.memory_space<vmem>> -> memref<128xi32, #tpu.memory_space<vmem>>
      %dma_start3A_192 = arith.constant 0 : i32
      %dma_start3A_193 = arith.constant 0 : i32
      %dma_start3A_194 = tpu.memref_slice %arg16[%dma_start3A_192, %dma_start3A_193] : memref<10128x128xbf16, #tpu.memory_space<vmem_shared>> -> memref<10128x128xbf16, #tpu.memory_space<vmem_shared>>
      tpu.enqueue_indirect_dma source(%arg10 : memref<128x128xbf16, #tpu.memory_space<vmem>>) target(%dma_start3A_194 : memref<10128x128xbf16, #tpu.memory_space<vmem_shared>>) offsets(%dma_start3A_191 : memref<128xi32, #tpu.memory_space<vmem>>) semaphore(%arg27 : memref<!tpu.dma_semaphore, #tpu.memory_space<semaphore_mem>>) {add = true}
      %add3A_195 = arith.constant 8 : i32
      %add3A_196 = arith.addi %add3A_182, %add3A_195 : i32
      %sub3A_197 = arith.constant 1 : i32
      %sub3A_198 = arith.subi %add3A_196, %sub3A_197 : i32
      %lt3A_199 = arith.constant 80 : i32
      %lt3A_200 = arith.cmpi slt, %sub3A_198, %lt3A_199 : i32
      %convert_element_type3A_201 = arith.extui %lt3A_200 : i1 to i32
      %cond3A_202 = arith.constant 0 : i32
      %cond3A_203 = arith.cmpi ne, %convert_element_type3A_201, %cond3A_202 : i32
      scf.if %cond3A_203 {
        %add3A_319 = arith.constant 8 : i32
        %add3A_320 = arith.addi %add3A_182, %add3A_319 : i32
        %sub3A_321 = arith.constant 1 : i32
        %sub3A_322 = arith.subi %add3A_320, %sub3A_321 : i32
        %dma_wait3A_323 = arith.constant 0 : i32
        %dma_wait3A_324 = tpu.memref_slice %arg7[%sub3A_322, %dma_wait3A_323] : memref<80x128xi32, #tpu.memory_space<vmem>> -> memref<1x128xi32, #tpu.memory_space<vmem>>
        %dma_wait3A_325 = tpu.memref_squeeze %dma_wait3A_324 : memref<1x128xi32, #tpu.memory_space<vmem>> -> memref<128xi32, #tpu.memory_space<vmem>>
        %dma_wait3A_326 = arith.constant 0 : i32
        %dma_wait3A_327 = arith.constant 0 : i32
        %dma_wait3A_328 = tpu.memref_slice %arg16[%dma_wait3A_326, %dma_wait3A_327] : memref<10128x128xbf16, #tpu.memory_space<vmem_shared>> -> memref<10128x128xbf16, #tpu.memory_space<vmem_shared>>
        tpu.wait_indirect_dma semaphore(%arg26 : memref<!tpu.dma_semaphore, #tpu.memory_space<semaphore_mem>>) src(%arg9 : memref<128x128xbf16, #tpu.memory_space<vmem>>) dst(%dma_wait3A_328 : memref<10128x128xbf16, #tpu.memory_space<vmem_shared>>)
        %dma_start3A_329 = arith.constant 0 : i32
        %dma_start3A_330 = tpu.memref_slice %arg6[%sub3A_322, %dma_start3A_329] : memref<80x128xi32, #tpu.memory_space<vmem>> -> memref<1x128xi32, #tpu.memory_space<vmem>>
        %dma_start3A_331 = tpu.memref_squeeze %dma_start3A_330 : memref<1x128xi32, #tpu.memory_space<vmem>> -> memref<128xi32, #tpu.memory_space<vmem>>
        %dma_start3A_332 = arith.constant 0 : i32
        %dma_start3A_333 = arith.constant 0 : i32
        %dma_start3A_334 = tpu.memref_slice %arg4[%dma_start3A_332, %dma_start3A_333] : memref<10000x128xbf16, #tpu.memory_space<hbm>> -> memref<10000x128xbf16, #tpu.memory_space<hbm>>
        tpu.enqueue_indirect_dma source(%dma_start3A_334 : memref<10000x128xbf16, #tpu.memory_space<hbm>>) target(%arg9 : memref<128x128xbf16, #tpu.memory_space<vmem>>) offsets(%dma_start3A_331 : memref<128xi32, #tpu.memory_space<vmem>>) semaphore(%arg18 : memref<!tpu.dma_semaphore, #tpu.memory_space<semaphore_mem>>)
      } else {
      }
      %add3A_204 = arith.constant 3 : i32
      %add3A_205 = arith.addi %mul3A_133, %add3A_204 : i32
      %dma_wait3A_206 = arith.constant 0 : i32
      %dma_wait3A_207 = tpu.memref_slice %arg6[%add3A_205, %dma_wait3A_206] : memref<80x128xi32, #tpu.memory_space<vmem>> -> memref<1x128xi32, #tpu.memory_space<vmem>>
      %dma_wait3A_208 = tpu.memref_squeeze %dma_wait3A_207 : memref<1x128xi32, #tpu.memory_space<vmem>> -> memref<128xi32, #tpu.memory_space<vmem>>
      %dma_wait3A_209 = arith.constant 0 : i32
      %dma_wait3A_210 = arith.constant 0 : i32
      %dma_wait3A_211 = tpu.memref_slice %arg4[%dma_wait3A_209, %dma_wait3A_210] : memref<10000x128xbf16, #tpu.memory_space<hbm>> -> memref<10000x128xbf16, #tpu.memory_space<hbm>>
      tpu.wait_indirect_dma semaphore(%arg20 : memref<!tpu.dma_semaphore, #tpu.memory_space<semaphore_mem>>) src(%dma_wait3A_211 : memref<10000x128xbf16, #tpu.memory_space<hbm>>) dst(%arg11 : memref<128x128xbf16, #tpu.memory_space<vmem>>)
      %dma_start3A_212 = arith.constant 0 : i32
      %dma_start3A_213 = tpu.memref_slice %arg7[%add3A_205, %dma_start3A_212] : memref<80x128xi32, #tpu.memory_space<vmem>> -> memref<1x128xi32, #tpu.memory_space<vmem>>
      %dma_start3A_214 = tpu.memref_squeeze %dma_start3A_213 : memref<1x128xi32, #tpu.memory_space<vmem>> -> memref<128xi32, #tpu.memory_space<vmem>>
      %dma_start3A_215 = arith.constant 0 : i32
      %dma_start3A_216 = arith.constant 0 : i32
      %dma_start3A_217 = tpu.memref_slice %arg16[%dma_start3A_215, %dma_start3A_216] : memref<10128x128xbf16, #tpu.memory_space<vmem_shared>> -> memref<10128x128xbf16, #tpu.memory_space<vmem_shared>>
      tpu.enqueue_indirect_dma source(%arg11 : memref<128x128xbf16, #tpu.memory_space<vmem>>) target(%dma_start3A_217 : memref<10128x128xbf16, #tpu.memory_space<vmem_shared>>) offsets(%dma_start3A_214 : memref<128xi32, #tpu.memory_space<vmem>>) semaphore(%arg28 : memref<!tpu.dma_semaphore, #tpu.memory_space<semaphore_mem>>) {add = true}
      %add3A_218 = arith.constant 8 : i32
      %add3A_219 = arith.addi %add3A_205, %add3A_218 : i32
      %sub3A_220 = arith.constant 1 : i32
      %sub3A_221 = arith.subi %add3A_219, %sub3A_220 : i32
      %lt3A_222 = arith.constant 80 : i32
      %lt3A_223 = arith.cmpi slt, %sub3A_221, %lt3A_222 : i32
      %convert_element_type3A_224 = arith.extui %lt3A_223 : i1 to i32
      %cond3A_225 = arith.constant 0 : i32
      %cond3A_226 = arith.cmpi ne, %convert_element_type3A_224, %cond3A_225 : i32
      scf.if %cond3A_226 {
        %add3A_319 = arith.constant 8 : i32
        %add3A_320 = arith.addi %add3A_205, %add3A_319 : i32
        %sub3A_321 = arith.constant 1 : i32
        %sub3A_322 = arith.subi %add3A_320, %sub3A_321 : i32
        %dma_wait3A_323 = arith.constant 0 : i32
        %dma_wait3A_324 = tpu.memref_slice %arg7[%sub3A_322, %dma_wait3A_323] : memref<80x128xi32, #tpu.memory_space<vmem>> -> memref<1x128xi32, #tpu.memory_space<vmem>>
        %dma_wait3A_325 = tpu.memref_squeeze %dma_wait3A_324 : memref<1x128xi32, #tpu.memory_space<vmem>> -> memref<128xi32, #tpu.memory_space<vmem>>
        %dma_wait3A_326 = arith.constant 0 : i32
        %dma_wait3A_327 = arith.constant 0 : i32
        %dma_wait3A_328 = tpu.memref_slice %arg16[%dma_wait3A_326, %dma_wait3A_327] : memref<10128x128xbf16, #tpu.memory_space<vmem_shared>> -> memref<10128x128xbf16, #tpu.memory_space<vmem_shared>>
        tpu.wait_indirect_dma semaphore(%arg27 : memref<!tpu.dma_semaphore, #tpu.memory_space<semaphore_mem>>) src(%arg10 : memref<128x128xbf16, #tpu.memory_space<vmem>>) dst(%dma_wait3A_328 : memref<10128x128xbf16, #tpu.memory_space<vmem_shared>>)
        %dma_start3A_329 = arith.constant 0 : i32
        %dma_start3A_330 = tpu.memref_slice %arg6[%sub3A_322, %dma_start3A_329] : memref<80x128xi32, #tpu.memory_space<vmem>> -> memref<1x128xi32, #tpu.memory_space<vmem>>
        %dma_start3A_331 = tpu.memref_squeeze %dma_start3A_330 : memref<1x128xi32, #tpu.memory_space<vmem>> -> memref<128xi32, #tpu.memory_space<vmem>>
        %dma_start3A_332 = arith.constant 0 : i32
        %dma_start3A_333 = arith.constant 0 : i32
        %dma_start3A_334 = tpu.memref_slice %arg4[%dma_start3A_332, %dma_start3A_333] : memref<10000x128xbf16, #tpu.memory_space<hbm>> -> memref<10000x128xbf16, #tpu.memory_space<hbm>>
        tpu.enqueue_indirect_dma source(%dma_start3A_334 : memref<10000x128xbf16, #tpu.memory_space<hbm>>) target(%arg10 : memref<128x128xbf16, #tpu.memory_space<vmem>>) offsets(%dma_start3A_331 : memref<128xi32, #tpu.memory_space<vmem>>) semaphore(%arg19 : memref<!tpu.dma_semaphore, #tpu.memory_space<semaphore_mem>>)
      } else {
      }
      %add3A_227 = arith.constant 4 : i32
      %add3A_228 = arith.addi %mul3A_133, %add3A_227 : i32
      %dma_wait3A_229 = arith.constant 0 : i32
      %dma_wait3A_230 = tpu.memref_slice %arg6[%add3A_228, %dma_wait3A_229] : memref<80x128xi32, #tpu.memory_space<vmem>> -> memref<1x128xi32, #tpu.memory_space<vmem>>
      %dma_wait3A_231 = tpu.memref_squeeze %dma_wait3A_230 : memref<1x128xi32, #tpu.memory_space<vmem>> -> memref<128xi32, #tpu.memory_space<vmem>>
      %dma_wait3A_232 = arith.constant 0 : i32
      %dma_wait3A_233 = arith.constant 0 : i32
      %dma_wait3A_234 = tpu.memref_slice %arg4[%dma_wait3A_232, %dma_wait3A_233] : memref<10000x128xbf16, #tpu.memory_space<hbm>> -> memref<10000x128xbf16, #tpu.memory_space<hbm>>
      tpu.wait_indirect_dma semaphore(%arg21 : memref<!tpu.dma_semaphore, #tpu.memory_space<semaphore_mem>>) src(%dma_wait3A_234 : memref<10000x128xbf16, #tpu.memory_space<hbm>>) dst(%arg12 : memref<128x128xbf16, #tpu.memory_space<vmem>>)
      %dma_start3A_235 = arith.constant 0 : i32
      %dma_start3A_236 = tpu.memref_slice %arg7[%add3A_228, %dma_start3A_235] : memref<80x128xi32, #tpu.memory_space<vmem>> -> memref<1x128xi32, #tpu.memory_space<vmem>>
      %dma_start3A_237 = tpu.memref_squeeze %dma_start3A_236 : memref<1x128xi32, #tpu.memory_space<vmem>> -> memref<128xi32, #tpu.memory_space<vmem>>
      %dma_start3A_238 = arith.constant 0 : i32
      %dma_start3A_239 = arith.constant 0 : i32
      %dma_start3A_240 = tpu.memref_slice %arg16[%dma_start3A_238, %dma_start3A_239] : memref<10128x128xbf16, #tpu.memory_space<vmem_shared>> -> memref<10128x128xbf16, #tpu.memory_space<vmem_shared>>
      tpu.enqueue_indirect_dma source(%arg12 : memref<128x128xbf16, #tpu.memory_space<vmem>>) target(%dma_start3A_240 : memref<10128x128xbf16, #tpu.memory_space<vmem_shared>>) offsets(%dma_start3A_237 : memref<128xi32, #tpu.memory_space<vmem>>) semaphore(%arg29 : memref<!tpu.dma_semaphore, #tpu.memory_space<semaphore_mem>>) {add = true}
      %add3A_241 = arith.constant 8 : i32
      %add3A_242 = arith.addi %add3A_228, %add3A_241 : i32
      %sub3A_243 = arith.constant 1 : i32
      %sub3A_244 = arith.subi %add3A_242, %sub3A_243 : i32
      %lt3A_245 = arith.constant 80 : i32
      %lt3A_246 = arith.cmpi slt, %sub3A_244, %lt3A_245 : i32
      %convert_element_type3A_247 = arith.extui %lt3A_246 : i1 to i32
      %cond3A_248 = arith.constant 0 : i32
      %cond3A_249 = arith.cmpi ne, %convert_element_type3A_247, %cond3A_248 : i32
      scf.if %cond3A_249 {
        %add3A_319 = arith.constant 8 : i32
        %add3A_320 = arith.addi %add3A_228, %add3A_319 : i32
        %sub3A_321 = arith.constant 1 : i32
        %sub3A_322 = arith.subi %add3A_320, %sub3A_321 : i32
        %dma_wait3A_323 = arith.constant 0 : i32
        %dma_wait3A_324 = tpu.memref_slice %arg7[%sub3A_322, %dma_wait3A_323] : memref<80x128xi32, #tpu.memory_space<vmem>> -> memref<1x128xi32, #tpu.memory_space<vmem>>
        %dma_wait3A_325 = tpu.memref_squeeze %dma_wait3A_324 : memref<1x128xi32, #tpu.memory_space<vmem>> -> memref<128xi32, #tpu.memory_space<vmem>>
        %dma_wait3A_326 = arith.constant 0 : i32
        %dma_wait3A_327 = arith.constant 0 : i32
        %dma_wait3A_328 = tpu.memref_slice %arg16[%dma_wait3A_326, %dma_wait3A_327] : memref<10128x128xbf16, #tpu.memory_space<vmem_shared>> -> memref<10128x128xbf16, #tpu.memory_space<vmem_shared>>
        tpu.wait_indirect_dma semaphore(%arg28 : memref<!tpu.dma_semaphore, #tpu.memory_space<semaphore_mem>>) src(%arg11 : memref<128x128xbf16, #tpu.memory_space<vmem>>) dst(%dma_wait3A_328 : memref<10128x128xbf16, #tpu.memory_space<vmem_shared>>)
        %dma_start3A_329 = arith.constant 0 : i32
        %dma_start3A_330 = tpu.memref_slice %arg6[%sub3A_322, %dma_start3A_329] : memref<80x128xi32, #tpu.memory_space<vmem>> -> memref<1x128xi32, #tpu.memory_space<vmem>>
        %dma_start3A_331 = tpu.memref_squeeze %dma_start3A_330 : memref<1x128xi32, #tpu.memory_space<vmem>> -> memref<128xi32, #tpu.memory_space<vmem>>
        %dma_start3A_332 = arith.constant 0 : i32
        %dma_start3A_333 = arith.constant 0 : i32
        %dma_start3A_334 = tpu.memref_slice %arg4[%dma_start3A_332, %dma_start3A_333] : memref<10000x128xbf16, #tpu.memory_space<hbm>> -> memref<10000x128xbf16, #tpu.memory_space<hbm>>
        tpu.enqueue_indirect_dma source(%dma_start3A_334 : memref<10000x128xbf16, #tpu.memory_space<hbm>>) target(%arg11 : memref<128x128xbf16, #tpu.memory_space<vmem>>) offsets(%dma_start3A_331 : memref<128xi32, #tpu.memory_space<vmem>>) semaphore(%arg20 : memref<!tpu.dma_semaphore, #tpu.memory_space<semaphore_mem>>)
      } else {
      }
      %add3A_250 = arith.constant 5 : i32
      %add3A_251 = arith.addi %mul3A_133, %add3A_250 : i32
      %dma_wait3A_252 = arith.constant 0 : i32
      %dma_wait3A_253 = tpu.memref_slice %arg6[%add3A_251, %dma_wait3A_252] : memref<80x128xi32, #tpu.memory_space<vmem>> -> memref<1x128xi32, #tpu.memory_space<vmem>>
      %dma_wait3A_254 = tpu.memref_squeeze %dma_wait3A_253 : memref<1x128xi32, #tpu.memory_space<vmem>> -> memref<128xi32, #tpu.memory_space<vmem>>
      %dma_wait3A_255 = arith.constant 0 : i32
      %dma_wait3A_256 = arith.constant 0 : i32
      %dma_wait3A_257 = tpu.memref_slice %arg4[%dma_wait3A_255, %dma_wait3A_256] : memref<10000x128xbf16, #tpu.memory_space<hbm>> -> memref<10000x128xbf16, #tpu.memory_space<hbm>>
      tpu.wait_indirect_dma semaphore(%arg22 : memref<!tpu.dma_semaphore, #tpu.memory_space<semaphore_mem>>) src(%dma_wait3A_257 : memref<10000x128xbf16, #tpu.memory_space<hbm>>) dst(%arg13 : memref<128x128xbf16, #tpu.memory_space<vmem>>)
      %dma_start3A_258 = arith.constant 0 : i32
      %dma_start3A_259 = tpu.memref_slice %arg7[%add3A_251, %dma_start3A_258] : memref<80x128xi32, #tpu.memory_space<vmem>> -> memref<1x128xi32, #tpu.memory_space<vmem>>
      %dma_start3A_260 = tpu.memref_squeeze %dma_start3A_259 : memref<1x128xi32, #tpu.memory_space<vmem>> -> memref<128xi32, #tpu.memory_space<vmem>>
      %dma_start3A_261 = arith.constant 0 : i32
      %dma_start3A_262 = arith.constant 0 : i32
      %dma_start3A_263 = tpu.memref_slice %arg16[%dma_start3A_261, %dma_start3A_262] : memref<10128x128xbf16, #tpu.memory_space<vmem_shared>> -> memref<10128x128xbf16, #tpu.memory_space<vmem_shared>>
      tpu.enqueue_indirect_dma source(%arg13 : memref<128x128xbf16, #tpu.memory_space<vmem>>) target(%dma_start3A_263 : memref<10128x128xbf16, #tpu.memory_space<vmem_shared>>) offsets(%dma_start3A_260 : memref<128xi32, #tpu.memory_space<vmem>>) semaphore(%arg30 : memref<!tpu.dma_semaphore, #tpu.memory_space<semaphore_mem>>) {add = true}
      %add3A_264 = arith.constant 8 : i32
      %add3A_265 = arith.addi %add3A_251, %add3A_264 : i32
      %sub3A_266 = arith.constant 1 : i32
      %sub3A_267 = arith.subi %add3A_265, %sub3A_266 : i32
      %lt3A_268 = arith.constant 80 : i32
      %lt3A_269 = arith.cmpi slt, %sub3A_267, %lt3A_268 : i32
      %convert_element_type3A_270 = arith.extui %lt3A_269 : i1 to i32
      %cond3A_271 = arith.constant 0 : i32
      %cond3A_272 = arith.cmpi ne, %convert_element_type3A_270, %cond3A_271 : i32
      scf.if %cond3A_272 {
        %add3A_319 = arith.constant 8 : i32
        %add3A_320 = arith.addi %add3A_251, %add3A_319 : i32
        %sub3A_321 = arith.constant 1 : i32
        %sub3A_322 = arith.subi %add3A_320, %sub3A_321 : i32
        %dma_wait3A_323 = arith.constant 0 : i32
        %dma_wait3A_324 = tpu.memref_slice %arg7[%sub3A_322, %dma_wait3A_323] : memref<80x128xi32, #tpu.memory_space<vmem>> -> memref<1x128xi32, #tpu.memory_space<vmem>>
        %dma_wait3A_325 = tpu.memref_squeeze %dma_wait3A_324 : memref<1x128xi32, #tpu.memory_space<vmem>> -> memref<128xi32, #tpu.memory_space<vmem>>
        %dma_wait3A_326 = arith.constant 0 : i32
        %dma_wait3A_327 = arith.constant 0 : i32
        %dma_wait3A_328 = tpu.memref_slice %arg16[%dma_wait3A_326, %dma_wait3A_327] : memref<10128x128xbf16, #tpu.memory_space<vmem_shared>> -> memref<10128x128xbf16, #tpu.memory_space<vmem_shared>>
        tpu.wait_indirect_dma semaphore(%arg29 : memref<!tpu.dma_semaphore, #tpu.memory_space<semaphore_mem>>) src(%arg12 : memref<128x128xbf16, #tpu.memory_space<vmem>>) dst(%dma_wait3A_328 : memref<10128x128xbf16, #tpu.memory_space<vmem_shared>>)
        %dma_start3A_329 = arith.constant 0 : i32
        %dma_start3A_330 = tpu.memref_slice %arg6[%sub3A_322, %dma_start3A_329] : memref<80x128xi32, #tpu.memory_space<vmem>> -> memref<1x128xi32, #tpu.memory_space<vmem>>
        %dma_start3A_331 = tpu.memref_squeeze %dma_start3A_330 : memref<1x128xi32, #tpu.memory_space<vmem>> -> memref<128xi32, #tpu.memory_space<vmem>>
        %dma_start3A_332 = arith.constant 0 : i32
        %dma_start3A_333 = arith.constant 0 : i32
        %dma_start3A_334 = tpu.memref_slice %arg4[%dma_start3A_332, %dma_start3A_333] : memref<10000x128xbf16, #tpu.memory_space<hbm>> -> memref<10000x128xbf16, #tpu.memory_space<hbm>>
        tpu.enqueue_indirect_dma source(%dma_start3A_334 : memref<10000x128xbf16, #tpu.memory_space<hbm>>) target(%arg12 : memref<128x128xbf16, #tpu.memory_space<vmem>>) offsets(%dma_start3A_331 : memref<128xi32, #tpu.memory_space<vmem>>) semaphore(%arg21 : memref<!tpu.dma_semaphore, #tpu.memory_space<semaphore_mem>>)
      } else {
      }
      %add3A_273 = arith.constant 6 : i32
      %add3A_274 = arith.addi %mul3A_133, %add3A_273 : i32
      %dma_wait3A_275 = arith.constant 0 : i32
      %dma_wait3A_276 = tpu.memref_slice %arg6[%add3A_274, %dma_wait3A_275] : memref<80x128xi32, #tpu.memory_space<vmem>> -> memref<1x128xi32, #tpu.memory_space<vmem>>
      %dma_wait3A_277 = tpu.memref_squeeze %dma_wait3A_276 : memref<1x128xi32, #tpu.memory_space<vmem>> -> memref<128xi32, #tpu.memory_space<vmem>>
      %dma_wait3A_278 = arith.constant 0 : i32
      %dma_wait3A_279 = arith.constant 0 : i32
      %dma_wait3A_280 = tpu.memref_slice %arg4[%dma_wait3A_278, %dma_wait3A_279] : memref<10000x128xbf16, #tpu.memory_space<hbm>> -> memref<10000x128xbf16, #tpu.memory_space<hbm>>
      tpu.wait_indirect_dma semaphore(%arg23 : memref<!tpu.dma_semaphore, #tpu.memory_space<semaphore_mem>>) src(%dma_wait3A_280 : memref<10000x128xbf16, #tpu.memory_space<hbm>>) dst(%arg14 : memref<128x128xbf16, #tpu.memory_space<vmem>>)
      %dma_start3A_281 = arith.constant 0 : i32
      %dma_start3A_282 = tpu.memref_slice %arg7[%add3A_274, %dma_start3A_281] : memref<80x128xi32, #tpu.memory_space<vmem>> -> memref<1x128xi32, #tpu.memory_space<vmem>>
      %dma_start3A_283 = tpu.memref_squeeze %dma_start3A_282 : memref<1x128xi32, #tpu.memory_space<vmem>> -> memref<128xi32, #tpu.memory_space<vmem>>
      %dma_start3A_284 = arith.constant 0 : i32
      %dma_start3A_285 = arith.constant 0 : i32
      %dma_start3A_286 = tpu.memref_slice %arg16[%dma_start3A_284, %dma_start3A_285] : memref<10128x128xbf16, #tpu.memory_space<vmem_shared>> -> memref<10128x128xbf16, #tpu.memory_space<vmem_shared>>
      tpu.enqueue_indirect_dma source(%arg14 : memref<128x128xbf16, #tpu.memory_space<vmem>>) target(%dma_start3A_286 : memref<10128x128xbf16, #tpu.memory_space<vmem_shared>>) offsets(%dma_start3A_283 : memref<128xi32, #tpu.memory_space<vmem>>) semaphore(%arg31 : memref<!tpu.dma_semaphore, #tpu.memory_space<semaphore_mem>>) {add = true}
      %add3A_287 = arith.constant 8 : i32
      %add3A_288 = arith.addi %add3A_274, %add3A_287 : i32
      %sub3A_289 = arith.constant 1 : i32
      %sub3A_290 = arith.subi %add3A_288, %sub3A_289 : i32
      %lt3A_291 = arith.constant 80 : i32
      %lt3A_292 = arith.cmpi slt, %sub3A_290, %lt3A_291 : i32
      %convert_element_type3A_293 = arith.extui %lt3A_292 : i1 to i32
      %cond3A_294 = arith.constant 0 : i32
      %cond3A_295 = arith.cmpi ne, %convert_element_type3A_293, %cond3A_294 : i32
      scf.if %cond3A_295 {
        %add3A_319 = arith.constant 8 : i32
        %add3A_320 = arith.addi %add3A_274, %add3A_319 : i32
        %sub3A_321 = arith.constant 1 : i32
        %sub3A_322 = arith.subi %add3A_320, %sub3A_321 : i32
        %dma_wait3A_323 = arith.constant 0 : i32
        %dma_wait3A_324 = tpu.memref_slice %arg7[%sub3A_322, %dma_wait3A_323] : memref<80x128xi32, #tpu.memory_space<vmem>> -> memref<1x128xi32, #tpu.memory_space<vmem>>
        %dma_wait3A_325 = tpu.memref_squeeze %dma_wait3A_324 : memref<1x128xi32, #tpu.memory_space<vmem>> -> memref<128xi32, #tpu.memory_space<vmem>>
        %dma_wait3A_326 = arith.constant 0 : i32
        %dma_wait3A_327 = arith.constant 0 : i32
        %dma_wait3A_328 = tpu.memref_slice %arg16[%dma_wait3A_326, %dma_wait3A_327] : memref<10128x128xbf16, #tpu.memory_space<vmem_shared>> -> memref<10128x128xbf16, #tpu.memory_space<vmem_shared>>
        tpu.wait_indirect_dma semaphore(%arg30 : memref<!tpu.dma_semaphore, #tpu.memory_space<semaphore_mem>>) src(%arg13 : memref<128x128xbf16, #tpu.memory_space<vmem>>) dst(%dma_wait3A_328 : memref<10128x128xbf16, #tpu.memory_space<vmem_shared>>)
        %dma_start3A_329 = arith.constant 0 : i32
        %dma_start3A_330 = tpu.memref_slice %arg6[%sub3A_322, %dma_start3A_329] : memref<80x128xi32, #tpu.memory_space<vmem>> -> memref<1x128xi32, #tpu.memory_space<vmem>>
        %dma_start3A_331 = tpu.memref_squeeze %dma_start3A_330 : memref<1x128xi32, #tpu.memory_space<vmem>> -> memref<128xi32, #tpu.memory_space<vmem>>
        %dma_start3A_332 = arith.constant 0 : i32
        %dma_start3A_333 = arith.constant 0 : i32
        %dma_start3A_334 = tpu.memref_slice %arg4[%dma_start3A_332, %dma_start3A_333] : memref<10000x128xbf16, #tpu.memory_space<hbm>> -> memref<10000x128xbf16, #tpu.memory_space<hbm>>
        tpu.enqueue_indirect_dma source(%dma_start3A_334 : memref<10000x128xbf16, #tpu.memory_space<hbm>>) target(%arg13 : memref<128x128xbf16, #tpu.memory_space<vmem>>) offsets(%dma_start3A_331 : memref<128xi32, #tpu.memory_space<vmem>>) semaphore(%arg22 : memref<!tpu.dma_semaphore, #tpu.memory_space<semaphore_mem>>)
      } else {
      }
      %add3A_296 = arith.constant 7 : i32
      %add3A_297 = arith.addi %mul3A_133, %add3A_296 : i32
      %dma_wait3A_298 = arith.constant 0 : i32
      %dma_wait3A_299 = tpu.memref_slice %arg6[%add3A_297, %dma_wait3A_298] : memref<80x128xi32, #tpu.memory_space<vmem>> -> memref<1x128xi32, #tpu.memory_space<vmem>>
      %dma_wait3A_300 = tpu.memref_squeeze %dma_wait3A_299 : memref<1x128xi32, #tpu.memory_space<vmem>> -> memref<128xi32, #tpu.memory_space<vmem>>
      %dma_wait3A_301 = arith.constant 0 : i32
      %dma_wait3A_302 = arith.constant 0 : i32
      %dma_wait3A_303 = tpu.memref_slice %arg4[%dma_wait3A_301, %dma_wait3A_302] : memref<10000x128xbf16, #tpu.memory_space<hbm>> -> memref<10000x128xbf16, #tpu.memory_space<hbm>>
      tpu.wait_indirect_dma semaphore(%arg24 : memref<!tpu.dma_semaphore, #tpu.memory_space<semaphore_mem>>) src(%dma_wait3A_303 : memref<10000x128xbf16, #tpu.memory_space<hbm>>) dst(%arg15 : memref<128x128xbf16, #tpu.memory_space<vmem>>)
      %dma_start3A_304 = arith.constant 0 : i32
      %dma_start3A_305 = tpu.memref_slice %arg7[%add3A_297, %dma_start3A_304] : memref<80x128xi32, #tpu.memory_space<vmem>> -> memref<1x128xi32, #tpu.memory_space<vmem>>
      %dma_start3A_306 = tpu.memref_squeeze %dma_start3A_305 : memref<1x128xi32, #tpu.memory_space<vmem>> -> memref<128xi32, #tpu.memory_space<vmem>>
      %dma_start3A_307 = arith.constant 0 : i32
      %dma_start3A_308 = arith.constant 0 : i32
      %dma_start3A_309 = tpu.memref_slice %arg16[%dma_start3A_307, %dma_start3A_308] : memref<10128x128xbf16, #tpu.memory_space<vmem_shared>> -> memref<10128x128xbf16, #tpu.memory_space<vmem_shared>>
      tpu.enqueue_indirect_dma source(%arg15 : memref<128x128xbf16, #tpu.memory_space<vmem>>) target(%dma_start3A_309 : memref<10128x128xbf16, #tpu.memory_space<vmem_shared>>) offsets(%dma_start3A_306 : memref<128xi32, #tpu.memory_space<vmem>>) semaphore(%arg32 : memref<!tpu.dma_semaphore, #tpu.memory_space<semaphore_mem>>) {add = true}
      %add3A_310 = arith.constant 8 : i32
      %add3A_311 = arith.addi %add3A_297, %add3A_310 : i32
      %sub3A_312 = arith.constant 1 : i32
      %sub3A_313 = arith.subi %add3A_311, %sub3A_312 : i32
      %lt3A_314 = arith.constant 80 : i32
      %lt3A_315 = arith.cmpi slt, %sub3A_313, %lt3A_314 : i32
      %convert_element_type3A_316 = arith.extui %lt3A_315 : i1 to i32
      %cond3A_317 = arith.constant 0 : i32
      %cond3A_318 = arith.cmpi ne, %convert_element_type3A_316, %cond3A_317 : i32
      scf.if %cond3A_318 {
        %add3A_319 = arith.constant 8 : i32
        %add3A_320 = arith.addi %add3A_297, %add3A_319 : i32
        %sub3A_321 = arith.constant 1 : i32
        %sub3A_322 = arith.subi %add3A_320, %sub3A_321 : i32
        %dma_wait3A_323 = arith.constant 0 : i32
        %dma_wait3A_324 = tpu.memref_slice %arg7[%sub3A_322, %dma_wait3A_323] : memref<80x128xi32, #tpu.memory_space<vmem>> -> memref<1x128xi32, #tpu.memory_space<vmem>>
        %dma_wait3A_325 = tpu.memref_squeeze %dma_wait3A_324 : memref<1x128xi32, #tpu.memory_space<vmem>> -> memref<128xi32, #tpu.memory_space<vmem>>
        %dma_wait3A_326 = arith.constant 0 : i32
        %dma_wait3A_327 = arith.constant 0 : i32
        %dma_wait3A_328 = tpu.memref_slice %arg16[%dma_wait3A_326, %dma_wait3A_327] : memref<10128x128xbf16, #tpu.memory_space<vmem_shared>> -> memref<10128x128xbf16, #tpu.memory_space<vmem_shared>>
        tpu.wait_indirect_dma semaphore(%arg31 : memref<!tpu.dma_semaphore, #tpu.memory_space<semaphore_mem>>) src(%arg14 : memref<128x128xbf16, #tpu.memory_space<vmem>>) dst(%dma_wait3A_328 : memref<10128x128xbf16, #tpu.memory_space<vmem_shared>>)
        %dma_start3A_329 = arith.constant 0 : i32
        %dma_start3A_330 = tpu.memref_slice %arg6[%sub3A_322, %dma_start3A_329] : memref<80x128xi32, #tpu.memory_space<vmem>> -> memref<1x128xi32, #tpu.memory_space<vmem>>
        %dma_start3A_331 = tpu.memref_squeeze %dma_start3A_330 : memref<1x128xi32, #tpu.memory_space<vmem>> -> memref<128xi32, #tpu.memory_space<vmem>>
        %dma_start3A_332 = arith.constant 0 : i32
        %dma_start3A_333 = arith.constant 0 : i32
        %dma_start3A_334 = tpu.memref_slice %arg4[%dma_start3A_332, %dma_start3A_333] : memref<10000x128xbf16, #tpu.memory_space<hbm>> -> memref<10000x128xbf16, #tpu.memory_space<hbm>>
        tpu.enqueue_indirect_dma source(%dma_start3A_334 : memref<10000x128xbf16, #tpu.memory_space<hbm>>) target(%arg14 : memref<128x128xbf16, #tpu.memory_space<vmem>>) offsets(%dma_start3A_331 : memref<128xi32, #tpu.memory_space<vmem>>) semaphore(%arg23 : memref<!tpu.dma_semaphore, #tpu.memory_space<semaphore_mem>>)
      } else {
      }
    }
    %scan3A_70 = arith.constant 10 : i32
    %dma_wait3A = arith.constant 0 : i32
    %dma_wait3A_71 = arith.constant 0 : i32
    %dma_wait3A_72 = tpu.memref_slice %arg7[%dma_wait3A, %dma_wait3A_71] : memref<80x128xi32, #tpu.memory_space<vmem>> -> memref<1x128xi32, #tpu.memory_space<vmem>>
    %dma_wait3A_73 = tpu.memref_squeeze %dma_wait3A_72 : memref<1x128xi32, #tpu.memory_space<vmem>> -> memref<128xi32, #tpu.memory_space<vmem>>
    %dma_wait3A_74 = arith.constant 0 : i32
    %dma_wait3A_75 = arith.constant 0 : i32
    %dma_wait3A_76 = tpu.memref_slice %arg16[%dma_wait3A_74, %dma_wait3A_75] : memref<10128x128xbf16, #tpu.memory_space<vmem_shared>> -> memref<10128x128xbf16, #tpu.memory_space<vmem_shared>>
    tpu.wait_indirect_dma semaphore(%arg25 : memref<!tpu.dma_semaphore, #tpu.memory_space<semaphore_mem>>) src(%arg8 : memref<128x128xbf16, #tpu.memory_space<vmem>>) dst(%dma_wait3A_76 : memref<10128x128xbf16, #tpu.memory_space<vmem_shared>>)
    %dma_wait3A_77 = arith.constant 1 : i32
    %dma_wait3A_78 = arith.constant 0 : i32
    %dma_wait3A_79 = tpu.memref_slice %arg7[%dma_wait3A_77, %dma_wait3A_78] : memref<80x128xi32, #tpu.memory_space<vmem>> -> memref<1x128xi32, #tpu.memory_space<vmem>>
    %dma_wait3A_80 = tpu.memref_squeeze %dma_wait3A_79 : memref<1x128xi32, #tpu.memory_space<vmem>> -> memref<128xi32, #tpu.memory_space<vmem>>
    %dma_wait3A_81 = arith.constant 0 : i32
    %dma_wait3A_82 = arith.constant 0 : i32
    %dma_wait3A_83 = tpu.memref_slice %arg16[%dma_wait3A_81, %dma_wait3A_82] : memref<10128x128xbf16, #tpu.memory_space<vmem_shared>> -> memref<10128x128xbf16, #tpu.memory_space<vmem_shared>>
    tpu.wait_indirect_dma semaphore(%arg26 : memref<!tpu.dma_semaphore, #tpu.memory_space<semaphore_mem>>) src(%arg9 : memref<128x128xbf16, #tpu.memory_space<vmem>>) dst(%dma_wait3A_83 : memref<10128x128xbf16, #tpu.memory_space<vmem_shared>>)
    %dma_wait3A_84 = arith.constant 2 : i32
    %dma_wait3A_85 = arith.constant 0 : i32
    %dma_wait3A_86 = tpu.memref_slice %arg7[%dma_wait3A_84, %dma_wait3A_85] : memref<80x128xi32, #tpu.memory_space<vmem>> -> memref<1x128xi32, #tpu.memory_space<vmem>>
    %dma_wait3A_87 = tpu.memref_squeeze %dma_wait3A_86 : memref<1x128xi32, #tpu.memory_space<vmem>> -> memref<128xi32, #tpu.memory_space<vmem>>
    %dma_wait3A_88 = arith.constant 0 : i32
    %dma_wait3A_89 = arith.constant 0 : i32
    %dma_wait3A_90 = tpu.memref_slice %arg16[%dma_wait3A_88, %dma_wait3A_89] : memref<10128x128xbf16, #tpu.memory_space<vmem_shared>> -> memref<10128x128xbf16, #tpu.memory_space<vmem_shared>>
    tpu.wait_indirect_dma semaphore(%arg27 : memref<!tpu.dma_semaphore, #tpu.memory_space<semaphore_mem>>) src(%arg10 : memref<128x128xbf16, #tpu.memory_space<vmem>>) dst(%dma_wait3A_90 : memref<10128x128xbf16, #tpu.memory_space<vmem_shared>>)
    %dma_wait3A_91 = arith.constant 3 : i32
    %dma_wait3A_92 = arith.constant 0 : i32
    %dma_wait3A_93 = tpu.memref_slice %arg7[%dma_wait3A_91, %dma_wait3A_92] : memref<80x128xi32, #tpu.memory_space<vmem>> -> memref<1x128xi32, #tpu.memory_space<vmem>>
    %dma_wait3A_94 = tpu.memref_squeeze %dma_wait3A_93 : memref<1x128xi32, #tpu.memory_space<vmem>> -> memref<128xi32, #tpu.memory_space<vmem>>
    %dma_wait3A_95 = arith.constant 0 : i32
    %dma_wait3A_96 = arith.constant 0 : i32
    %dma_wait3A_97 = tpu.memref_slice %arg16[%dma_wait3A_95, %dma_wait3A_96] : memref<10128x128xbf16, #tpu.memory_space<vmem_shared>> -> memref<10128x128xbf16, #tpu.memory_space<vmem_shared>>
    tpu.wait_indirect_dma semaphore(%arg28 : memref<!tpu.dma_semaphore, #tpu.memory_space<semaphore_mem>>) src(%arg11 : memref<128x128xbf16, #tpu.memory_space<vmem>>) dst(%dma_wait3A_97 : memref<10128x128xbf16, #tpu.memory_space<vmem_shared>>)
    %dma_wait3A_98 = arith.constant 4 : i32
    %dma_wait3A_99 = arith.constant 0 : i32
    %dma_wait3A_100 = tpu.memref_slice %arg7[%dma_wait3A_98, %dma_wait3A_99] : memref<80x128xi32, #tpu.memory_space<vmem>> -> memref<1x128xi32, #tpu.memory_space<vmem>>
    %dma_wait3A_101 = tpu.memref_squeeze %dma_wait3A_100 : memref<1x128xi32, #tpu.memory_space<vmem>> -> memref<128xi32, #tpu.memory_space<vmem>>
    %dma_wait3A_102 = arith.constant 0 : i32
    %dma_wait3A_103 = arith.constant 0 : i32
    %dma_wait3A_104 = tpu.memref_slice %arg16[%dma_wait3A_102, %dma_wait3A_103] : memref<10128x128xbf16, #tpu.memory_space<vmem_shared>> -> memref<10128x128xbf16, #tpu.memory_space<vmem_shared>>
    tpu.wait_indirect_dma semaphore(%arg29 : memref<!tpu.dma_semaphore, #tpu.memory_space<semaphore_mem>>) src(%arg12 : memref<128x128xbf16, #tpu.memory_space<vmem>>) dst(%dma_wait3A_104 : memref<10128x128xbf16, #tpu.memory_space<vmem_shared>>)
    %dma_wait3A_105 = arith.constant 5 : i32
    %dma_wait3A_106 = arith.constant 0 : i32
    %dma_wait3A_107 = tpu.memref_slice %arg7[%dma_wait3A_105, %dma_wait3A_106] : memref<80x128xi32, #tpu.memory_space<vmem>> -> memref<1x128xi32, #tpu.memory_space<vmem>>
    %dma_wait3A_108 = tpu.memref_squeeze %dma_wait3A_107 : memref<1x128xi32, #tpu.memory_space<vmem>> -> memref<128xi32, #tpu.memory_space<vmem>>
    %dma_wait3A_109 = arith.constant 0 : i32
    %dma_wait3A_110 = arith.constant 0 : i32
    %dma_wait3A_111 = tpu.memref_slice %arg16[%dma_wait3A_109, %dma_wait3A_110] : memref<10128x128xbf16, #tpu.memory_space<vmem_shared>> -> memref<10128x128xbf16, #tpu.memory_space<vmem_shared>>
    tpu.wait_indirect_dma semaphore(%arg30 : memref<!tpu.dma_semaphore, #tpu.memory_space<semaphore_mem>>) src(%arg13 : memref<128x128xbf16, #tpu.memory_space<vmem>>) dst(%dma_wait3A_111 : memref<10128x128xbf16, #tpu.memory_space<vmem_shared>>)
    %dma_wait3A_112 = arith.constant 6 : i32
    %dma_wait3A_113 = arith.constant 0 : i32
    %dma_wait3A_114 = tpu.memref_slice %arg7[%dma_wait3A_112, %dma_wait3A_113] : memref<80x128xi32, #tpu.memory_space<vmem>> -> memref<1x128xi32, #tpu.memory_space<vmem>>
    %dma_wait3A_115 = tpu.memref_squeeze %dma_wait3A_114 : memref<1x128xi32, #tpu.memory_space<vmem>> -> memref<128xi32, #tpu.memory_space<vmem>>
    %dma_wait3A_116 = arith.constant 0 : i32
    %dma_wait3A_117 = arith.constant 0 : i32
    %dma_wait3A_118 = tpu.memref_slice %arg16[%dma_wait3A_116, %dma_wait3A_117] : memref<10128x128xbf16, #tpu.memory_space<vmem_shared>> -> memref<10128x128xbf16, #tpu.memory_space<vmem_shared>>
    tpu.wait_indirect_dma semaphore(%arg31 : memref<!tpu.dma_semaphore, #tpu.memory_space<semaphore_mem>>) src(%arg14 : memref<128x128xbf16, #tpu.memory_space<vmem>>) dst(%dma_wait3A_118 : memref<10128x128xbf16, #tpu.memory_space<vmem_shared>>)
    %dma_wait3A_119 = arith.constant 7 : i32
    %dma_wait3A_120 = arith.constant 0 : i32
    %dma_wait3A_121 = tpu.memref_slice %arg7[%dma_wait3A_119, %dma_wait3A_120] : memref<80x128xi32, #tpu.memory_space<vmem>> -> memref<1x128xi32, #tpu.memory_space<vmem>>
    %dma_wait3A_122 = tpu.memref_squeeze %dma_wait3A_121 : memref<1x128xi32, #tpu.memory_space<vmem>> -> memref<128xi32, #tpu.memory_space<vmem>>
    %dma_wait3A_123 = arith.constant 0 : i32
    %dma_wait3A_124 = arith.constant 0 : i32
    %dma_wait3A_125 = tpu.memref_slice %arg16[%dma_wait3A_123, %dma_wait3A_124] : memref<10128x128xbf16, #tpu.memory_space<vmem_shared>> -> memref<10128x128xbf16, #tpu.memory_space<vmem_shared>>
    tpu.wait_indirect_dma semaphore(%arg32 : memref<!tpu.dma_semaphore, #tpu.memory_space<semaphore_mem>>) src(%arg15 : memref<128x128xbf16, #tpu.memory_space<vmem>>) dst(%dma_wait3A_125 : memref<10128x128xbf16, #tpu.memory_space<vmem_shared>>)
    %barrier3A_126 = arith.constant 0 : index
    tpu.barrier barrier_id(%barrier3A_126)
    "tpu.region"() ({
      %run_scoped3A = tpu.sem_alloc : memref<!tpu.dma_semaphore, #tpu.memory_space<semaphore_mem>>
      %dma_start3A_127 = arith.constant 0 : i32
      %dma_start3A_128 = tpu.memref_slice %arg5[%arg0, %mul3A_7, %dma_start3A_127] : memref<2x10000x128xbf16, #tpu.memory_space<hbm>> -> memref<1x625x128xbf16, #tpu.memory_space<hbm>>
      %dma_start3A_129 = tpu.memref_squeeze %dma_start3A_128 : memref<1x625x128xbf16, #tpu.memory_space<hbm>> -> memref<625x128xbf16, #tpu.memory_space<hbm>>
      %dma_start3A_130 = arith.constant 0 : i32
      %dma_start3A_131 = tpu.memref_slice %arg16[%mul3A_7, %dma_start3A_130] : memref<10128x128xbf16, #tpu.memory_space<vmem_shared>> -> memref<625x128xbf16, #tpu.memory_space<vmem_shared>>
      tpu.enqueue_dma source(%dma_start3A_131 : memref<625x128xbf16, #tpu.memory_space<vmem_shared>>) target(%dma_start3A_129 : memref<625x128xbf16, #tpu.memory_space<hbm>>) target_semaphore(%run_scoped3A : memref<!tpu.dma_semaphore, #tpu.memory_space<semaphore_mem>>)
      %dma_wait3A_132 = arith.constant 0 : i32
      %dma_wait3A_133 = tpu.memref_slice %arg5[%arg0, %mul3A_7, %dma_wait3A_132] : memref<2x10000x128xbf16, #tpu.memory_space<hbm>> -> memref<1x625x128xbf16, #tpu.memory_space<hbm>>
      %dma_wait3A_134 = tpu.memref_squeeze %dma_wait3A_133 : memref<1x625x128xbf16, #tpu.memory_space<hbm>> -> memref<625x128xbf16, #tpu.memory_space<hbm>>
      %dma_wait3A_135 = arith.constant 0 : i32
      %dma_wait3A_136 = tpu.memref_slice %arg16[%mul3A_7, %dma_wait3A_135] : memref<10128x128xbf16, #tpu.memory_space<vmem_shared>> -> memref<625x128xbf16, #tpu.memory_space<vmem_shared>>
      tpu.wait_dma2 semaphore(%run_scoped3A : memref<!tpu.dma_semaphore, #tpu.memory_space<semaphore_mem>>) src(%dma_wait3A_136 : memref<625x128xbf16, #tpu.memory_space<vmem_shared>>) dst(%dma_wait3A_134 : memref<625x128xbf16, #tpu.memory_space<hbm>>)
      tpu.yield
    }) : () -> ()
    return
  }
}

#map = affine_map<(d0, d1) -> (0, 0, 0)>
#map1 = affine_map<(d0, d1) -> (0, 0)>
module attributes {stable_mosaic.version = 14 : i64} {
  func.func @_agg_kernel(%arg0: i32, %arg1: i32, %arg2: memref<32x80x128xi32, #tpu.memory_space<hbm>>, %arg3: memref<32x80x128xi32, #tpu.memory_space<hbm>>, %arg4: memref<10000x128xbf16, #tpu.memory_space<hbm>>, %arg5: memref<2x10000x128xbf16, #tpu.memory_space<hbm>>, %arg6: memref<80x128xi32, #tpu.memory_space<vmem>>, %arg7: memref<80x128xi32, #tpu.memory_space<vmem>>, %arg8: memref<128x128xbf16, #tpu.memory_space<vmem>>, %arg9: memref<128x128xbf16, #tpu.memory_space<vmem>>, %arg10: memref<128x128xbf16, #tpu.memory_space<vmem>>, %arg11: memref<128x128xbf16, #tpu.memory_space<vmem>>, %arg12: memref<128x128xbf16, #tpu.memory_space<vmem>>, %arg13: memref<128x128xbf16, #tpu.memory_space<vmem>>, %arg14: memref<128x128xbf16, #tpu.memory_space<vmem>>, %arg15: memref<128x128xbf16, #tpu.memory_space<vmem>>, %arg16: memref<10128x128xbf16, #tpu.memory_space<vmem_shared>>, %arg17: memref<!tpu.dma_semaphore, #tpu.memory_space<semaphore_mem>>, %arg18: memref<!tpu.dma_semaphore, #tpu.memory_space<semaphore_mem>>, %arg19: memref<!tpu.dma_semaphore, #tpu.memory_space<semaphore_mem>>, %arg20: memref<!tpu.dma_semaphore, #tpu.memory_space<semaphore_mem>>, %arg21: memref<!tpu.dma_semaphore, #tpu.memory_space<semaphore_mem>>, %arg22: memref<!tpu.dma_semaphore, #tpu.memory_space<semaphore_mem>>, %arg23: memref<!tpu.dma_semaphore, #tpu.memory_space<semaphore_mem>>, %arg24: memref<!tpu.dma_semaphore, #tpu.memory_space<semaphore_mem>>, %arg25: memref<!tpu.dma_semaphore, #tpu.memory_space<semaphore_mem>>, %arg26: memref<!tpu.dma_semaphore, #tpu.memory_space<semaphore_mem>>, %arg27: memref<!tpu.dma_semaphore, #tpu.memory_space<semaphore_mem>>, %arg28: memref<!tpu.dma_semaphore, #tpu.memory_space<semaphore_mem>>, %arg29: memref<!tpu.dma_semaphore, #tpu.memory_space<semaphore_mem>>, %arg30: memref<!tpu.dma_semaphore, #tpu.memory_space<semaphore_mem>>, %arg31: memref<!tpu.dma_semaphore, #tpu.memory_space<semaphore_mem>>, %arg32: memref<!tpu.dma_semaphore, #tpu.memory_space<semaphore_mem>>) attributes {dimension_semantics = [#tpu.dimension_semantics<core_parallel>, #tpu.dimension_semantics<subcore_parallel>], iteration_bounds = array<i64: 2, 16>, scalar_prefetch = 0 : i64, scratch_operands = 27 : i64, tpu.core_type = #tpu.core_type<sc_vector_subcore>, window_params = [{transform_indices = #map}, {transform_indices = #map}, {transform_indices = #map1}, {transform_indices = #map}]} {
    %mul3A = arith.constant 16 : i32
    %mul3A_0 = arith.muli %arg0, %mul3A : i32
    %add3A = arith.addi %mul3A_0, %arg1 : i32
    %broadcast_in_dim3A = arith.constant 0.000000e+00 : bf16
    %broadcast_in_dim3A_1 = vector.broadcast %broadcast_in_dim3A : bf16 to vector<32xbf16>
    %scan3A = arith.constant 0 : i32
    %scan3A_2 = arith.constant 128 : i32
    %scan3A_3 = arith.addi %scan3A, %scan3A_2 : i32
    %scan3A_4 = arith.constant 1 : i32
    scf.for %scan3A_127 = %scan3A to %scan3A_3 step %scan3A_4  : i32 {
      %mul3A_128 = arith.constant 1 : i32
      %mul3A_129 = arith.muli %scan3A_127, %mul3A_128 : i32
      %add3A_130 = arith.constant 0 : i32
      %add3A_131 = arith.addi %add3A_130, %mul3A_129 : i32
      %swap3A = arith.index_cast %add3A_131 : i32 to index
      %swap3A_132 = arith.constant 0 : index
      %swap3A_133 = tpu.vector_load %arg8[%swap3A, %swap3A_132] {strides = array<i32>} : memref<128x128xbf16, #tpu.memory_space<vmem>>, vector<1x32xbf16>,
      %swap3A_134 = vector.shape_cast %swap3A_133 : vector<1x32xbf16> to vector<32xbf16>
      %swap3A_135 = vector.shape_cast %broadcast_in_dim3A_1 : vector<32xbf16> to vector<1x32xbf16>
      tpu.vector_store %arg8[%swap3A, %swap3A_132], %swap3A_135 {strides = array<i32>} : memref<128x128xbf16, #tpu.memory_space<vmem>>, vector<1x32xbf16>,
      %swap3A_136 = arith.index_cast %add3A_131 : i32 to index
      %swap3A_137 = arith.constant 32 : index
      %swap3A_138 = tpu.vector_load %arg8[%swap3A_136, %swap3A_137] {strides = array<i32>} : memref<128x128xbf16, #tpu.memory_space<vmem>>, vector<1x32xbf16>,
      %swap3A_139 = vector.shape_cast %swap3A_138 : vector<1x32xbf16> to vector<32xbf16>
      %swap3A_140 = vector.shape_cast %broadcast_in_dim3A_1 : vector<32xbf16> to vector<1x32xbf16>
      tpu.vector_store %arg8[%swap3A_136, %swap3A_137], %swap3A_140 {strides = array<i32>} : memref<128x128xbf16, #tpu.memory_space<vmem>>, vector<1x32xbf16>,
      %swap3A_141 = arith.index_cast %add3A_131 : i32 to index
      %swap3A_142 = arith.constant 64 : index
      %swap3A_143 = tpu.vector_load %arg8[%swap3A_141, %swap3A_142] {strides = array<i32>} : memref<128x128xbf16, #tpu.memory_space<vmem>>, vector<1x32xbf16>,
      %swap3A_144 = vector.shape_cast %swap3A_143 : vector<1x32xbf16> to vector<32xbf16>
      %swap3A_145 = vector.shape_cast %broadcast_in_dim3A_1 : vector<32xbf16> to vector<1x32xbf16>
      tpu.vector_store %arg8[%swap3A_141, %swap3A_142], %swap3A_145 {strides = array<i32>} : memref<128x128xbf16, #tpu.memory_space<vmem>>, vector<1x32xbf16>,
      %swap3A_146 = arith.index_cast %add3A_131 : i32 to index
      %swap3A_147 = arith.constant 96 : index
      %swap3A_148 = tpu.vector_load %arg8[%swap3A_146, %swap3A_147] {strides = array<i32>} : memref<128x128xbf16, #tpu.memory_space<vmem>>, vector<1x32xbf16>,
      %swap3A_149 = vector.shape_cast %swap3A_148 : vector<1x32xbf16> to vector<32xbf16>
      %swap3A_150 = vector.shape_cast %broadcast_in_dim3A_1 : vector<32xbf16> to vector<1x32xbf16>
      tpu.vector_store %arg8[%swap3A_146, %swap3A_147], %swap3A_150 {strides = array<i32>} : memref<128x128xbf16, #tpu.memory_space<vmem>>, vector<1x32xbf16>,
    }
    %scan3A_5 = arith.constant 128 : i32
    %mul3A_6 = arith.constant 625 : i32
    %mul3A_7 = arith.muli %arg1, %mul3A_6 : i32
    %add3A_8 = arith.constant 0 : i32
    %add3A_9 = arith.addi %mul3A_7, %add3A_8 : i32
    "tpu.region"() ({
      %run_scoped3A = tpu.sem_alloc : memref<!tpu.dma_semaphore, #tpu.memory_space<semaphore_mem>>
      %dma_start3A_127 = arith.constant 0 : i32
      %dma_start3A_128 = tpu.memref_slice %arg16[%add3A_9, %dma_start3A_127] : memref<10128x128xbf16, #tpu.memory_space<vmem_shared>> -> memref<128x128xbf16, #tpu.memory_space<vmem_shared>>
      %dma_start3A_129 = arith.constant 0 : i32
      %dma_start3A_130 = tpu.memref_slice %arg16[%add3A_9, %dma_start3A_129] : memref<10128x128xbf16, #tpu.memory_space<vmem_shared>> -> memref<128x128xbf16, #tpu.memory_space<vmem_shared>>
      tpu.enqueue_dma source(%arg8 : memref<128x128xbf16, #tpu.memory_space<vmem>>) target(%dma_start3A_130 : memref<128x128xbf16, #tpu.memory_space<vmem_shared>>) target_semaphore(%run_scoped3A : memref<!tpu.dma_semaphore, #tpu.memory_space<semaphore_mem>>)
      %dma_wait3A_131 = arith.constant 0 : i32
      %dma_wait3A_132 = tpu.memref_slice %arg16[%add3A_9, %dma_wait3A_131] : memref<10128x128xbf16, #tpu.memory_space<vmem_shared>> -> memref<128x128xbf16, #tpu.memory_space<vmem_shared>>
      %dma_wait3A_133 = arith.constant 0 : i32
      %dma_wait3A_134 = tpu.memref_slice %arg16[%add3A_9, %dma_wait3A_133] : memref<10128x128xbf16, #tpu.memory_space<vmem_shared>> -> memref<128x128xbf16, #tpu.memory_space<vmem_shared>>
      tpu.wait_dma2 semaphore(%run_scoped3A : memref<!tpu.dma_semaphore, #tpu.memory_space<semaphore_mem>>) src(%arg8 : memref<128x128xbf16, #tpu.memory_space<vmem>>) dst(%dma_wait3A_134 : memref<128x128xbf16, #tpu.memory_space<vmem_shared>>)
      tpu.yield
    }) : () -> ()
    %add3A_10 = arith.constant 128 : i32
    %add3A_11 = arith.addi %mul3A_7, %add3A_10 : i32
    "tpu.region"() ({
      %run_scoped3A = tpu.sem_alloc : memref<!tpu.dma_semaphore, #tpu.memory_space<semaphore_mem>>
      %dma_start3A_127 = arith.constant 0 : i32
      %dma_start3A_128 = tpu.memref_slice %arg16[%add3A_11, %dma_start3A_127] : memref<10128x128xbf16, #tpu.memory_space<vmem_shared>> -> memref<128x128xbf16, #tpu.memory_space<vmem_shared>>
      %dma_start3A_129 = arith.constant 0 : i32
      %dma_start3A_130 = tpu.memref_slice %arg16[%add3A_11, %dma_start3A_129] : memref<10128x128xbf16, #tpu.memory_space<vmem_shared>> -> memref<128x128xbf16, #tpu.memory_space<vmem_shared>>
      tpu.enqueue_dma source(%arg8 : memref<128x128xbf16, #tpu.memory_space<vmem>>) target(%dma_start3A_130 : memref<128x128xbf16, #tpu.memory_space<vmem_shared>>) target_semaphore(%run_scoped3A : memref<!tpu.dma_semaphore, #tpu.memory_space<semaphore_mem>>)
      %dma_wait3A_131 = arith.constant 0 : i32
      %dma_wait3A_132 = tpu.memref_slice %arg16[%add3A_11, %dma_wait3A_131] : memref<10128x128xbf16, #tpu.memory_space<vmem_shared>> -> memref<128x128xbf16, #tpu.memory_space<vmem_shared>>
      %dma_wait3A_133 = arith.constant 0 : i32
      %dma_wait3A_134 = tpu.memref_slice %arg16[%add3A_11, %dma_wait3A_133] : memref<10128x128xbf16, #tpu.memory_space<vmem_shared>> -> memref<128x128xbf16, #tpu.memory_space<vmem_shared>>
      tpu.wait_dma2 semaphore(%run_scoped3A : memref<!tpu.dma_semaphore, #tpu.memory_space<semaphore_mem>>) src(%arg8 : memref<128x128xbf16, #tpu.memory_space<vmem>>) dst(%dma_wait3A_134 : memref<128x128xbf16, #tpu.memory_space<vmem_shared>>)
      tpu.yield
    }) : () -> ()
    %add3A_12 = arith.constant 256 : i32
    %add3A_13 = arith.addi %mul3A_7, %add3A_12 : i32
    "tpu.region"() ({
      %run_scoped3A = tpu.sem_alloc : memref<!tpu.dma_semaphore, #tpu.memory_space<semaphore_mem>>
      %dma_start3A_127 = arith.constant 0 : i32
      %dma_start3A_128 = tpu.memref_slice %arg16[%add3A_13, %dma_start3A_127] : memref<10128x128xbf16, #tpu.memory_space<vmem_shared>> -> memref<128x128xbf16, #tpu.memory_space<vmem_shared>>
      %dma_start3A_129 = arith.constant 0 : i32
      %dma_start3A_130 = tpu.memref_slice %arg16[%add3A_13, %dma_start3A_129] : memref<10128x128xbf16, #tpu.memory_space<vmem_shared>> -> memref<128x128xbf16, #tpu.memory_space<vmem_shared>>
      tpu.enqueue_dma source(%arg8 : memref<128x128xbf16, #tpu.memory_space<vmem>>) target(%dma_start3A_130 : memref<128x128xbf16, #tpu.memory_space<vmem_shared>>) target_semaphore(%run_scoped3A : memref<!tpu.dma_semaphore, #tpu.memory_space<semaphore_mem>>)
      %dma_wait3A_131 = arith.constant 0 : i32
      %dma_wait3A_132 = tpu.memref_slice %arg16[%add3A_13, %dma_wait3A_131] : memref<10128x128xbf16, #tpu.memory_space<vmem_shared>> -> memref<128x128xbf16, #tpu.memory_space<vmem_shared>>
      %dma_wait3A_133 = arith.constant 0 : i32
      %dma_wait3A_134 = tpu.memref_slice %arg16[%add3A_13, %dma_wait3A_133] : memref<10128x128xbf16, #tpu.memory_space<vmem_shared>> -> memref<128x128xbf16, #tpu.memory_space<vmem_shared>>
      tpu.wait_dma2 semaphore(%run_scoped3A : memref<!tpu.dma_semaphore, #tpu.memory_space<semaphore_mem>>) src(%arg8 : memref<128x128xbf16, #tpu.memory_space<vmem>>) dst(%dma_wait3A_134 : memref<128x128xbf16, #tpu.memory_space<vmem_shared>>)
      tpu.yield
    }) : () -> ()
    %add3A_14 = arith.constant 384 : i32
    %add3A_15 = arith.addi %mul3A_7, %add3A_14 : i32
    "tpu.region"() ({
      %run_scoped3A = tpu.sem_alloc : memref<!tpu.dma_semaphore, #tpu.memory_space<semaphore_mem>>
      %dma_start3A_127 = arith.constant 0 : i32
      %dma_start3A_128 = tpu.memref_slice %arg16[%add3A_15, %dma_start3A_127] : memref<10128x128xbf16, #tpu.memory_space<vmem_shared>> -> memref<128x128xbf16, #tpu.memory_space<vmem_shared>>
      %dma_start3A_129 = arith.constant 0 : i32
      %dma_start3A_130 = tpu.memref_slice %arg16[%add3A_15, %dma_start3A_129] : memref<10128x128xbf16, #tpu.memory_space<vmem_shared>> -> memref<128x128xbf16, #tpu.memory_space<vmem_shared>>
      tpu.enqueue_dma source(%arg8 : memref<128x128xbf16, #tpu.memory_space<vmem>>) target(%dma_start3A_130 : memref<128x128xbf16, #tpu.memory_space<vmem_shared>>) target_semaphore(%run_scoped3A : memref<!tpu.dma_semaphore, #tpu.memory_space<semaphore_mem>>)
      %dma_wait3A_131 = arith.constant 0 : i32
      %dma_wait3A_132 = tpu.memref_slice %arg16[%add3A_15, %dma_wait3A_131] : memref<10128x128xbf16, #tpu.memory_space<vmem_shared>> -> memref<128x128xbf16, #tpu.memory_space<vmem_shared>>
      %dma_wait3A_133 = arith.constant 0 : i32
      %dma_wait3A_134 = tpu.memref_slice %arg16[%add3A_15, %dma_wait3A_133] : memref<10128x128xbf16, #tpu.memory_space<vmem_shared>> -> memref<128x128xbf16, #tpu.memory_space<vmem_shared>>
      tpu.wait_dma2 semaphore(%run_scoped3A : memref<!tpu.dma_semaphore, #tpu.memory_space<semaphore_mem>>) src(%arg8 : memref<128x128xbf16, #tpu.memory_space<vmem>>) dst(%dma_wait3A_134 : memref<128x128xbf16, #tpu.memory_space<vmem_shared>>)
      tpu.yield
    }) : () -> ()
    %add3A_16 = arith.constant 512 : i32
    %add3A_17 = arith.addi %mul3A_7, %add3A_16 : i32
    "tpu.region"() ({
      %run_scoped3A = tpu.sem_alloc : memref<!tpu.dma_semaphore, #tpu.memory_space<semaphore_mem>>
      %dma_start3A_127 = arith.constant 0 : i32
      %dma_start3A_128 = arith.constant 0 : i32
      %dma_start3A_129 = tpu.memref_slice %arg8[%dma_start3A_127, %dma_start3A_128] : memref<128x128xbf16, #tpu.memory_space<vmem>> -> memref<113x128xbf16, #tpu.memory_space<vmem>>
      %dma_start3A_130 = arith.constant 0 : i32
      %dma_start3A_131 = tpu.memref_slice %arg16[%add3A_17, %dma_start3A_130] : memref<10128x128xbf16, #tpu.memory_space<vmem_shared>> -> memref<113x128xbf16, #tpu.memory_space<vmem_shared>>
      %dma_start3A_132 = arith.constant 0 : i32
      %dma_start3A_133 = tpu.memref_slice %arg16[%add3A_17, %dma_start3A_132] : memref<10128x128xbf16, #tpu.memory_space<vmem_shared>> -> memref<113x128xbf16, #tpu.memory_space<vmem_shared>>
      %dma_start3A_134 = arith.constant 0 : i32
      %dma_start3A_135 = arith.constant 0 : i32
      %dma_start3A_136 = tpu.memref_slice %arg8[%dma_start3A_134, %dma_start3A_135] : memref<128x128xbf16, #tpu.memory_space<vmem>> -> memref<113x128xbf16, #tpu.memory_space<vmem>>
      tpu.enqueue_dma source(%dma_start3A_136 : memref<113x128xbf16, #tpu.memory_space<vmem>>) target(%dma_start3A_133 : memref<113x128xbf16, #tpu.memory_space<vmem_shared>>) target_semaphore(%run_scoped3A : memref<!tpu.dma_semaphore, #tpu.memory_space<semaphore_mem>>)
      %dma_wait3A_137 = arith.constant 0 : i32
      %dma_wait3A_138 = arith.constant 0 : i32
      %dma_wait3A_139 = tpu.memref_slice %arg8[%dma_wait3A_137, %dma_wait3A_138] : memref<128x128xbf16, #tpu.memory_space<vmem>> -> memref<113x128xbf16, #tpu.memory_space<vmem>>
      %dma_wait3A_140 = arith.constant 0 : i32
      %dma_wait3A_141 = tpu.memref_slice %arg16[%add3A_17, %dma_wait3A_140] : memref<10128x128xbf16, #tpu.memory_space<vmem_shared>> -> memref<113x128xbf16, #tpu.memory_space<vmem_shared>>
      %dma_wait3A_142 = arith.constant 0 : i32
      %dma_wait3A_143 = tpu.memref_slice %arg16[%add3A_17, %dma_wait3A_142] : memref<10128x128xbf16, #tpu.memory_space<vmem_shared>> -> memref<113x128xbf16, #tpu.memory_space<vmem_shared>>
      %dma_wait3A_144 = arith.constant 0 : i32
      %dma_wait3A_145 = arith.constant 0 : i32
      %dma_wait3A_146 = tpu.memref_slice %arg8[%dma_wait3A_144, %dma_wait3A_145] : memref<128x128xbf16, #tpu.memory_space<vmem>> -> memref<113x128xbf16, #tpu.memory_space<vmem>>
      tpu.wait_dma2 semaphore(%run_scoped3A : memref<!tpu.dma_semaphore, #tpu.memory_space<semaphore_mem>>) src(%dma_wait3A_146 : memref<113x128xbf16, #tpu.memory_space<vmem>>) dst(%dma_wait3A_143 : memref<113x128xbf16, #tpu.memory_space<vmem_shared>>)
      tpu.yield
    }) : () -> ()
    "tpu.region"() ({
      %run_scoped3A = tpu.sem_alloc : memref<!tpu.dma_semaphore, #tpu.memory_space<semaphore_mem>>
      %dma_start3A_127 = arith.constant 0 : i32
      %dma_start3A_128 = arith.constant 0 : i32
      %dma_start3A_129 = tpu.memref_slice %arg2[%add3A, %dma_start3A_127, %dma_start3A_128] : memref<32x80x128xi32, #tpu.memory_space<hbm>> -> memref<1x80x128xi32, #tpu.memory_space<hbm>>
      %dma_start3A_130 = tpu.memref_squeeze %dma_start3A_129 : memref<1x80x128xi32, #tpu.memory_space<hbm>> -> memref<80x128xi32, #tpu.memory_space<hbm>>
      %dma_start3A_131 = arith.constant 0 : i32
      %dma_start3A_132 = arith.constant 0 : i32
      %dma_start3A_133 = tpu.memref_slice %arg2[%add3A, %dma_start3A_131, %dma_start3A_132] : memref<32x80x128xi32, #tpu.memory_space<hbm>> -> memref<1x80x128xi32, #tpu.memory_space<hbm>>
      %dma_start3A_134 = tpu.memref_squeeze %dma_start3A_133 : memref<1x80x128xi32, #tpu.memory_space<hbm>> -> memref<80x128xi32, #tpu.memory_space<hbm>>
      tpu.enqueue_dma source(%dma_start3A_134 : memref<80x128xi32, #tpu.memory_space<hbm>>) target(%arg6 : memref<80x128xi32, #tpu.memory_space<vmem>>) target_semaphore(%run_scoped3A : memref<!tpu.dma_semaphore, #tpu.memory_space<semaphore_mem>>)
      %dma_wait3A_135 = arith.constant 0 : i32
      %dma_wait3A_136 = arith.constant 0 : i32
      %dma_wait3A_137 = tpu.memref_slice %arg2[%add3A, %dma_wait3A_135, %dma_wait3A_136] : memref<32x80x128xi32, #tpu.memory_space<hbm>> -> memref<1x80x128xi32, #tpu.memory_space<hbm>>
      %dma_wait3A_138 = tpu.memref_squeeze %dma_wait3A_137 : memref<1x80x128xi32, #tpu.memory_space<hbm>> -> memref<80x128xi32, #tpu.memory_space<hbm>>
      %dma_wait3A_139 = arith.constant 0 : i32
      %dma_wait3A_140 = arith.constant 0 : i32
      %dma_wait3A_141 = tpu.memref_slice %arg2[%add3A, %dma_wait3A_139, %dma_wait3A_140] : memref<32x80x128xi32, #tpu.memory_space<hbm>> -> memref<1x80x128xi32, #tpu.memory_space<hbm>>
      %dma_wait3A_142 = tpu.memref_squeeze %dma_wait3A_141 : memref<1x80x128xi32, #tpu.memory_space<hbm>> -> memref<80x128xi32, #tpu.memory_space<hbm>>
      tpu.wait_dma2 semaphore(%run_scoped3A : memref<!tpu.dma_semaphore, #tpu.memory_space<semaphore_mem>>) src(%dma_wait3A_142 : memref<80x128xi32, #tpu.memory_space<hbm>>) dst(%arg6 : memref<80x128xi32, #tpu.memory_space<vmem>>)
      tpu.yield
    }) : () -> ()
    "tpu.region"() ({
      %run_scoped3A = tpu.sem_alloc : memref<!tpu.dma_semaphore, #tpu.memory_space<semaphore_mem>>
      %dma_start3A_127 = arith.constant 0 : i32
      %dma_start3A_128 = arith.constant 0 : i32
      %dma_start3A_129 = tpu.memref_slice %arg3[%add3A, %dma_start3A_127, %dma_start3A_128] : memref<32x80x128xi32, #tpu.memory_space<hbm>> -> memref<1x80x128xi32, #tpu.memory_space<hbm>>
      %dma_start3A_130 = tpu.memref_squeeze %dma_start3A_129 : memref<1x80x128xi32, #tpu.memory_space<hbm>> -> memref<80x128xi32, #tpu.memory_space<hbm>>
      %dma_start3A_131 = arith.constant 0 : i32
      %dma_start3A_132 = arith.constant 0 : i32
      %dma_start3A_133 = tpu.memref_slice %arg3[%add3A, %dma_start3A_131, %dma_start3A_132] : memref<32x80x128xi32, #tpu.memory_space<hbm>> -> memref<1x80x128xi32, #tpu.memory_space<hbm>>
      %dma_start3A_134 = tpu.memref_squeeze %dma_start3A_133 : memref<1x80x128xi32, #tpu.memory_space<hbm>> -> memref<80x128xi32, #tpu.memory_space<hbm>>
      tpu.enqueue_dma source(%dma_start3A_134 : memref<80x128xi32, #tpu.memory_space<hbm>>) target(%arg7 : memref<80x128xi32, #tpu.memory_space<vmem>>) target_semaphore(%run_scoped3A : memref<!tpu.dma_semaphore, #tpu.memory_space<semaphore_mem>>)
      %dma_wait3A_135 = arith.constant 0 : i32
      %dma_wait3A_136 = arith.constant 0 : i32
      %dma_wait3A_137 = tpu.memref_slice %arg3[%add3A, %dma_wait3A_135, %dma_wait3A_136] : memref<32x80x128xi32, #tpu.memory_space<hbm>> -> memref<1x80x128xi32, #tpu.memory_space<hbm>>
      %dma_wait3A_138 = tpu.memref_squeeze %dma_wait3A_137 : memref<1x80x128xi32, #tpu.memory_space<hbm>> -> memref<80x128xi32, #tpu.memory_space<hbm>>
      %dma_wait3A_139 = arith.constant 0 : i32
      %dma_wait3A_140 = arith.constant 0 : i32
      %dma_wait3A_141 = tpu.memref_slice %arg3[%add3A, %dma_wait3A_139, %dma_wait3A_140] : memref<32x80x128xi32, #tpu.memory_space<hbm>> -> memref<1x80x128xi32, #tpu.memory_space<hbm>>
      %dma_wait3A_142 = tpu.memref_squeeze %dma_wait3A_141 : memref<1x80x128xi32, #tpu.memory_space<hbm>> -> memref<80x128xi32, #tpu.memory_space<hbm>>
      tpu.wait_dma2 semaphore(%run_scoped3A : memref<!tpu.dma_semaphore, #tpu.memory_space<semaphore_mem>>) src(%dma_wait3A_142 : memref<80x128xi32, #tpu.memory_space<hbm>>) dst(%arg7 : memref<80x128xi32, #tpu.memory_space<vmem>>)
      tpu.yield
    }) : () -> ()
    %dma_start3A = arith.constant 0 : i32
    %dma_start3A_18 = arith.constant 0 : i32
    %dma_start3A_19 = tpu.memref_slice %arg6[%dma_start3A, %dma_start3A_18] : memref<80x128xi32, #tpu.memory_space<vmem>> -> memref<1x128xi32, #tpu.memory_space<vmem>>
    %dma_start3A_20 = tpu.memref_squeeze %dma_start3A_19 : memref<1x128xi32, #tpu.memory_space<vmem>> -> memref<128xi32, #tpu.memory_space<vmem>>
    %dma_start3A_21 = arith.constant 0 : i32
    %dma_start3A_22 = arith.constant 0 : i32
    %dma_start3A_23 = tpu.memref_slice %arg4[%dma_start3A_21, %dma_start3A_22] : memref<10000x128xbf16, #tpu.memory_space<hbm>> -> memref<10000x128xbf16, #tpu.memory_space<hbm>>
    tpu.enqueue_indirect_dma source(%dma_start3A_23 : memref<10000x128xbf16, #tpu.memory_space<hbm>>) target(%arg8 : memref<128x128xbf16, #tpu.memory_space<vmem>>) offsets(%dma_start3A_20 : memref<128xi32, #tpu.memory_space<vmem>>) semaphore(%arg17 : memref<!tpu.dma_semaphore, #tpu.memory_space<semaphore_mem>>)
    %dma_start3A_24 = arith.constant 1 : i32
    %dma_start3A_25 = arith.constant 0 : i32
    %dma_start3A_26 = tpu.memref_slice %arg6[%dma_start3A_24, %dma_start3A_25] : memref<80x128xi32, #tpu.memory_space<vmem>> -> memref<1x128xi32, #tpu.memory_space<vmem>>
    %dma_start3A_27 = tpu.memref_squeeze %dma_start3A_26 : memref<1x128xi32, #tpu.memory_space<vmem>> -> memref<128xi32, #tpu.memory_space<vmem>>
    %dma_start3A_28 = arith.constant 0 : i32
    %dma_start3A_29 = arith.constant 0 : i32
    %dma_start3A_30 = tpu.memref_slice %arg4[%dma_start3A_28, %dma_start3A_29] : memref<10000x128xbf16, #tpu.memory_space<hbm>> -> memref<10000x128xbf16, #tpu.memory_space<hbm>>
    tpu.enqueue_indirect_dma source(%dma_start3A_30 : memref<10000x128xbf16, #tpu.memory_space<hbm>>) target(%arg9 : memref<128x128xbf16, #tpu.memory_space<vmem>>) offsets(%dma_start3A_27 : memref<128xi32, #tpu.memory_space<vmem>>) semaphore(%arg18 : memref<!tpu.dma_semaphore, #tpu.memory_space<semaphore_mem>>)
    %dma_start3A_31 = arith.constant 2 : i32
    %dma_start3A_32 = arith.constant 0 : i32
    %dma_start3A_33 = tpu.memref_slice %arg6[%dma_start3A_31, %dma_start3A_32] : memref<80x128xi32, #tpu.memory_space<vmem>> -> memref<1x128xi32, #tpu.memory_space<vmem>>
    %dma_start3A_34 = tpu.memref_squeeze %dma_start3A_33 : memref<1x128xi32, #tpu.memory_space<vmem>> -> memref<128xi32, #tpu.memory_space<vmem>>
    %dma_start3A_35 = arith.constant 0 : i32
    %dma_start3A_36 = arith.constant 0 : i32
    %dma_start3A_37 = tpu.memref_slice %arg4[%dma_start3A_35, %dma_start3A_36] : memref<10000x128xbf16, #tpu.memory_space<hbm>> -> memref<10000x128xbf16, #tpu.memory_space<hbm>>
    tpu.enqueue_indirect_dma source(%dma_start3A_37 : memref<10000x128xbf16, #tpu.memory_space<hbm>>) target(%arg10 : memref<128x128xbf16, #tpu.memory_space<vmem>>) offsets(%dma_start3A_34 : memref<128xi32, #tpu.memory_space<vmem>>) semaphore(%arg19 : memref<!tpu.dma_semaphore, #tpu.memory_space<semaphore_mem>>)
    %dma_start3A_38 = arith.constant 3 : i32
    %dma_start3A_39 = arith.constant 0 : i32
    %dma_start3A_40 = tpu.memref_slice %arg6[%dma_start3A_38, %dma_start3A_39] : memref<80x128xi32, #tpu.memory_space<vmem>> -> memref<1x128xi32, #tpu.memory_space<vmem>>
    %dma_start3A_41 = tpu.memref_squeeze %dma_start3A_40 : memref<1x128xi32, #tpu.memory_space<vmem>> -> memref<128xi32, #tpu.memory_space<vmem>>
    %dma_start3A_42 = arith.constant 0 : i32
    %dma_start3A_43 = arith.constant 0 : i32
    %dma_start3A_44 = tpu.memref_slice %arg4[%dma_start3A_42, %dma_start3A_43] : memref<10000x128xbf16, #tpu.memory_space<hbm>> -> memref<10000x128xbf16, #tpu.memory_space<hbm>>
    tpu.enqueue_indirect_dma source(%dma_start3A_44 : memref<10000x128xbf16, #tpu.memory_space<hbm>>) target(%arg11 : memref<128x128xbf16, #tpu.memory_space<vmem>>) offsets(%dma_start3A_41 : memref<128xi32, #tpu.memory_space<vmem>>) semaphore(%arg20 : memref<!tpu.dma_semaphore, #tpu.memory_space<semaphore_mem>>)
    %dma_start3A_45 = arith.constant 4 : i32
    %dma_start3A_46 = arith.constant 0 : i32
    %dma_start3A_47 = tpu.memref_slice %arg6[%dma_start3A_45, %dma_start3A_46] : memref<80x128xi32, #tpu.memory_space<vmem>> -> memref<1x128xi32, #tpu.memory_space<vmem>>
    %dma_start3A_48 = tpu.memref_squeeze %dma_start3A_47 : memref<1x128xi32, #tpu.memory_space<vmem>> -> memref<128xi32, #tpu.memory_space<vmem>>
    %dma_start3A_49 = arith.constant 0 : i32
    %dma_start3A_50 = arith.constant 0 : i32
    %dma_start3A_51 = tpu.memref_slice %arg4[%dma_start3A_49, %dma_start3A_50] : memref<10000x128xbf16, #tpu.memory_space<hbm>> -> memref<10000x128xbf16, #tpu.memory_space<hbm>>
    tpu.enqueue_indirect_dma source(%dma_start3A_51 : memref<10000x128xbf16, #tpu.memory_space<hbm>>) target(%arg12 : memref<128x128xbf16, #tpu.memory_space<vmem>>) offsets(%dma_start3A_48 : memref<128xi32, #tpu.memory_space<vmem>>) semaphore(%arg21 : memref<!tpu.dma_semaphore, #tpu.memory_space<semaphore_mem>>)
    %dma_start3A_52 = arith.constant 5 : i32
    %dma_start3A_53 = arith.constant 0 : i32
    %dma_start3A_54 = tpu.memref_slice %arg6[%dma_start3A_52, %dma_start3A_53] : memref<80x128xi32, #tpu.memory_space<vmem>> -> memref<1x128xi32, #tpu.memory_space<vmem>>
    %dma_start3A_55 = tpu.memref_squeeze %dma_start3A_54 : memref<1x128xi32, #tpu.memory_space<vmem>> -> memref<128xi32, #tpu.memory_space<vmem>>
    %dma_start3A_56 = arith.constant 0 : i32
    %dma_start3A_57 = arith.constant 0 : i32
    %dma_start3A_58 = tpu.memref_slice %arg4[%dma_start3A_56, %dma_start3A_57] : memref<10000x128xbf16, #tpu.memory_space<hbm>> -> memref<10000x128xbf16, #tpu.memory_space<hbm>>
    tpu.enqueue_indirect_dma source(%dma_start3A_58 : memref<10000x128xbf16, #tpu.memory_space<hbm>>) target(%arg13 : memref<128x128xbf16, #tpu.memory_space<vmem>>) offsets(%dma_start3A_55 : memref<128xi32, #tpu.memory_space<vmem>>) semaphore(%arg22 : memref<!tpu.dma_semaphore, #tpu.memory_space<semaphore_mem>>)
    %dma_start3A_59 = arith.constant 6 : i32
    %dma_start3A_60 = arith.constant 0 : i32
    %dma_start3A_61 = tpu.memref_slice %arg6[%dma_start3A_59, %dma_start3A_60] : memref<80x128xi32, #tpu.memory_space<vmem>> -> memref<1x128xi32, #tpu.memory_space<vmem>>
    %dma_start3A_62 = tpu.memref_squeeze %dma_start3A_61 : memref<1x128xi32, #tpu.memory_space<vmem>> -> memref<128xi32, #tpu.memory_space<vmem>>
    %dma_start3A_63 = arith.constant 0 : i32
    %dma_start3A_64 = arith.constant 0 : i32
    %dma_start3A_65 = tpu.memref_slice %arg4[%dma_start3A_63, %dma_start3A_64] : memref<10000x128xbf16, #tpu.memory_space<hbm>> -> memref<10000x128xbf16, #tpu.memory_space<hbm>>
    tpu.enqueue_indirect_dma source(%dma_start3A_65 : memref<10000x128xbf16, #tpu.memory_space<hbm>>) target(%arg14 : memref<128x128xbf16, #tpu.memory_space<vmem>>) offsets(%dma_start3A_62 : memref<128xi32, #tpu.memory_space<vmem>>) semaphore(%arg23 : memref<!tpu.dma_semaphore, #tpu.memory_space<semaphore_mem>>)
    %barrier3A = arith.constant 0 : index
    tpu.barrier barrier_id(%barrier3A)
    %scan3A_66 = arith.constant 0 : i32
    %scan3A_67 = arith.constant 10 : i32
    %scan3A_68 = arith.addi %scan3A_66, %scan3A_67 : i32
    %scan3A_69 = arith.constant 1 : i32
    scf.for %scan3A_127 = %scan3A_66 to %scan3A_68 step %scan3A_69  : i32 {
      %mul3A_128 = arith.constant 1 : i32
      %mul3A_129 = arith.muli %scan3A_127, %mul3A_128 : i32
      %add3A_130 = arith.constant 0 : i32
      %add3A_131 = arith.addi %add3A_130, %mul3A_129 : i32
      %mul3A_132 = arith.constant 8 : i32
      %mul3A_133 = arith.muli %add3A_131, %mul3A_132 : i32
      %add3A_134 = arith.constant 0 : i32
      %add3A_135 = arith.addi %mul3A_133, %add3A_134 : i32
      %dma_wait3A_136 = arith.constant 0 : i32
      %dma_wait3A_137 = tpu.memref_slice %arg6[%add3A_135, %dma_wait3A_136] : memref<80x128xi32, #tpu.memory_space<vmem>> -> memref<1x128xi32, #tpu.memory_space<vmem>>
      %dma_wait3A_138 = tpu.memref_squeeze %dma_wait3A_137 : memref<1x128xi32, #tpu.memory_space<vmem>> -> memref<128xi32, #tpu.memory_space<vmem>>
      %dma_wait3A_139 = arith.constant 0 : i32
      %dma_wait3A_140 = arith.constant 0 : i32
      %dma_wait3A_141 = tpu.memref_slice %arg4[%dma_wait3A_139, %dma_wait3A_140] : memref<10000x128xbf16, #tpu.memory_space<hbm>> -> memref<10000x128xbf16, #tpu.memory_space<hbm>>
      tpu.wait_indirect_dma semaphore(%arg17 : memref<!tpu.dma_semaphore, #tpu.memory_space<semaphore_mem>>) src(%dma_wait3A_141 : memref<10000x128xbf16, #tpu.memory_space<hbm>>) dst(%arg8 : memref<128x128xbf16, #tpu.memory_space<vmem>>)
      %dma_start3A_142 = arith.constant 0 : i32
      %dma_start3A_143 = tpu.memref_slice %arg7[%add3A_135, %dma_start3A_142] : memref<80x128xi32, #tpu.memory_space<vmem>> -> memref<1x128xi32, #tpu.memory_space<vmem>>
      %dma_start3A_144 = tpu.memref_squeeze %dma_start3A_143 : memref<1x128xi32, #tpu.memory_space<vmem>> -> memref<128xi32, #tpu.memory_space<vmem>>
      %dma_start3A_145 = arith.constant 0 : i32
      %dma_start3A_146 = arith.constant 0 : i32
      %dma_start3A_147 = tpu.memref_slice %arg16[%dma_start3A_145, %dma_start3A_146] : memref<10128x128xbf16, #tpu.memory_space<vmem_shared>> -> memref<10128x128xbf16, #tpu.memory_space<vmem_shared>>
      tpu.enqueue_indirect_dma source(%arg8 : memref<128x128xbf16, #tpu.memory_space<vmem>>) target(%dma_start3A_147 : memref<10128x128xbf16, #tpu.memory_space<vmem_shared>>) offsets(%dma_start3A_144 : memref<128xi32, #tpu.memory_space<vmem>>) semaphore(%arg25 : memref<!tpu.dma_semaphore, #tpu.memory_space<semaphore_mem>>) {add = true}
      %eq3A = arith.constant 0 : i32
      %eq3A_148 = arith.cmpi eq, %add3A_131, %eq3A : i32
      %convert_element_type3A = arith.extui %eq3A_148 : i1 to i32
      %cond3A = arith.constant 0 : i32
      %cond3A_149 = arith.cmpi ne, %convert_element_type3A, %cond3A : i32
      scf.if %cond3A_149 {
        %add3A_319 = arith.constant 8 : i32
        %add3A_320 = arith.addi %add3A_135, %add3A_319 : i32
        %sub3A_321 = arith.constant 1 : i32
        %sub3A_322 = arith.subi %add3A_320, %sub3A_321 : i32
        %dma_start3A_323 = arith.constant 0 : i32
        %dma_start3A_324 = tpu.memref_slice %arg6[%sub3A_322, %dma_start3A_323] : memref<80x128xi32, #tpu.memory_space<vmem>> -> memref<1x128xi32, #tpu.memory_space<vmem>>
        %dma_start3A_325 = tpu.memref_squeeze %dma_start3A_324 : memref<1x128xi32, #tpu.memory_space<vmem>> -> memref<128xi32, #tpu.memory_space<vmem>>
        %dma_start3A_326 = arith.constant 0 : i32
        %dma_start3A_327 = arith.constant 0 : i32
        %dma_start3A_328 = tpu.memref_slice %arg4[%dma_start3A_326, %dma_start3A_327] : memref<10000x128xbf16, #tpu.memory_space<hbm>> -> memref<10000x128xbf16, #tpu.memory_space<hbm>>
        tpu.enqueue_indirect_dma source(%dma_start3A_328 : memref<10000x128xbf16, #tpu.memory_space<hbm>>) target(%arg15 : memref<128x128xbf16, #tpu.memory_space<vmem>>) offsets(%dma_start3A_325 : memref<128xi32, #tpu.memory_space<vmem>>) semaphore(%arg24 : memref<!tpu.dma_semaphore, #tpu.memory_space<semaphore_mem>>)
      } else {
      }
      %gt3A = arith.constant 0 : i32
      %gt3A_150 = arith.cmpi sgt, %add3A_131, %gt3A : i32
      %add3A_151 = arith.constant 8 : i32
      %add3A_152 = arith.addi %add3A_135, %add3A_151 : i32
      %sub3A = arith.constant 1 : i32
      %sub3A_153 = arith.subi %add3A_152, %sub3A : i32
      %lt3A = arith.constant 80 : i32
      %lt3A_154 = arith.cmpi slt, %sub3A_153, %lt3A : i32
      %and3A = arith.andi %gt3A_150, %lt3A_154 : i1
      %convert_element_type3A_155 = arith.extui %and3A : i1 to i32
      %cond3A_156 = arith.constant 0 : i32
      %cond3A_157 = arith.cmpi ne, %convert_element_type3A_155, %cond3A_156 : i32
      scf.if %cond3A_157 {
        %add3A_319 = arith.constant 8 : i32
        %add3A_320 = arith.addi %add3A_135, %add3A_319 : i32
        %sub3A_321 = arith.constant 1 : i32
        %sub3A_322 = arith.subi %add3A_320, %sub3A_321 : i32
        %dma_wait3A_323 = arith.constant 0 : i32
        %dma_wait3A_324 = tpu.memref_slice %arg7[%sub3A_322, %dma_wait3A_323] : memref<80x128xi32, #tpu.memory_space<vmem>> -> memref<1x128xi32, #tpu.memory_space<vmem>>
        %dma_wait3A_325 = tpu.memref_squeeze %dma_wait3A_324 : memref<1x128xi32, #tpu.memory_space<vmem>> -> memref<128xi32, #tpu.memory_space<vmem>>
        %dma_wait3A_326 = arith.constant 0 : i32
        %dma_wait3A_327 = arith.constant 0 : i32
        %dma_wait3A_328 = tpu.memref_slice %arg16[%dma_wait3A_326, %dma_wait3A_327] : memref<10128x128xbf16, #tpu.memory_space<vmem_shared>> -> memref<10128x128xbf16, #tpu.memory_space<vmem_shared>>
        tpu.wait_indirect_dma semaphore(%arg32 : memref<!tpu.dma_semaphore, #tpu.memory_space<semaphore_mem>>) src(%arg15 : memref<128x128xbf16, #tpu.memory_space<vmem>>) dst(%dma_wait3A_328 : memref<10128x128xbf16, #tpu.memory_space<vmem_shared>>)
        %dma_start3A_329 = arith.constant 0 : i32
        %dma_start3A_330 = tpu.memref_slice %arg6[%sub3A_322, %dma_start3A_329] : memref<80x128xi32, #tpu.memory_space<vmem>> -> memref<1x128xi32, #tpu.memory_space<vmem>>
        %dma_start3A_331 = tpu.memref_squeeze %dma_start3A_330 : memref<1x128xi32, #tpu.memory_space<vmem>> -> memref<128xi32, #tpu.memory_space<vmem>>
        %dma_start3A_332 = arith.constant 0 : i32
        %dma_start3A_333 = arith.constant 0 : i32
        %dma_start3A_334 = tpu.memref_slice %arg4[%dma_start3A_332, %dma_start3A_333] : memref<10000x128xbf16, #tpu.memory_space<hbm>> -> memref<10000x128xbf16, #tpu.memory_space<hbm>>
        tpu.enqueue_indirect_dma source(%dma_start3A_334 : memref<10000x128xbf16, #tpu.memory_space<hbm>>) target(%arg15 : memref<128x128xbf16, #tpu.memory_space<vmem>>) offsets(%dma_start3A_331 : memref<128xi32, #tpu.memory_space<vmem>>) semaphore(%arg24 : memref<!tpu.dma_semaphore, #tpu.memory_space<semaphore_mem>>)
      } else {
      }
      %add3A_158 = arith.constant 1 : i32
      %add3A_159 = arith.addi %mul3A_133, %add3A_158 : i32
      %dma_wait3A_160 = arith.constant 0 : i32
      %dma_wait3A_161 = tpu.memref_slice %arg6[%add3A_159, %dma_wait3A_160] : memref<80x128xi32, #tpu.memory_space<vmem>> -> memref<1x128xi32, #tpu.memory_space<vmem>>
      %dma_wait3A_162 = tpu.memref_squeeze %dma_wait3A_161 : memref<1x128xi32, #tpu.memory_space<vmem>> -> memref<128xi32, #tpu.memory_space<vmem>>
      %dma_wait3A_163 = arith.constant 0 : i32
      %dma_wait3A_164 = arith.constant 0 : i32
      %dma_wait3A_165 = tpu.memref_slice %arg4[%dma_wait3A_163, %dma_wait3A_164] : memref<10000x128xbf16, #tpu.memory_space<hbm>> -> memref<10000x128xbf16, #tpu.memory_space<hbm>>
      tpu.wait_indirect_dma semaphore(%arg18 : memref<!tpu.dma_semaphore, #tpu.memory_space<semaphore_mem>>) src(%dma_wait3A_165 : memref<10000x128xbf16, #tpu.memory_space<hbm>>) dst(%arg9 : memref<128x128xbf16, #tpu.memory_space<vmem>>)
      %dma_start3A_166 = arith.constant 0 : i32
      %dma_start3A_167 = tpu.memref_slice %arg7[%add3A_159, %dma_start3A_166] : memref<80x128xi32, #tpu.memory_space<vmem>> -> memref<1x128xi32, #tpu.memory_space<vmem>>
      %dma_start3A_168 = tpu.memref_squeeze %dma_start3A_167 : memref<1x128xi32, #tpu.memory_space<vmem>> -> memref<128xi32, #tpu.memory_space<vmem>>
      %dma_start3A_169 = arith.constant 0 : i32
      %dma_start3A_170 = arith.constant 0 : i32
      %dma_start3A_171 = tpu.memref_slice %arg16[%dma_start3A_169, %dma_start3A_170] : memref<10128x128xbf16, #tpu.memory_space<vmem_shared>> -> memref<10128x128xbf16, #tpu.memory_space<vmem_shared>>
      tpu.enqueue_indirect_dma source(%arg9 : memref<128x128xbf16, #tpu.memory_space<vmem>>) target(%dma_start3A_171 : memref<10128x128xbf16, #tpu.memory_space<vmem_shared>>) offsets(%dma_start3A_168 : memref<128xi32, #tpu.memory_space<vmem>>) semaphore(%arg26 : memref<!tpu.dma_semaphore, #tpu.memory_space<semaphore_mem>>) {add = true}
      %add3A_172 = arith.constant 8 : i32
      %add3A_173 = arith.addi %add3A_159, %add3A_172 : i32
      %sub3A_174 = arith.constant 1 : i32
      %sub3A_175 = arith.subi %add3A_173, %sub3A_174 : i32
      %lt3A_176 = arith.constant 80 : i32
      %lt3A_177 = arith.cmpi slt, %sub3A_175, %lt3A_176 : i32
      %convert_element_type3A_178 = arith.extui %lt3A_177 : i1 to i32
      %cond3A_179 = arith.constant 0 : i32
      %cond3A_180 = arith.cmpi ne, %convert_element_type3A_178, %cond3A_179 : i32
      scf.if %cond3A_180 {
        %add3A_319 = arith.constant 8 : i32
        %add3A_320 = arith.addi %add3A_159, %add3A_319 : i32
        %sub3A_321 = arith.constant 1 : i32
        %sub3A_322 = arith.subi %add3A_320, %sub3A_321 : i32
        %dma_wait3A_323 = arith.constant 0 : i32
        %dma_wait3A_324 = tpu.memref_slice %arg7[%sub3A_322, %dma_wait3A_323] : memref<80x128xi32, #tpu.memory_space<vmem>> -> memref<1x128xi32, #tpu.memory_space<vmem>>
        %dma_wait3A_325 = tpu.memref_squeeze %dma_wait3A_324 : memref<1x128xi32, #tpu.memory_space<vmem>> -> memref<128xi32, #tpu.memory_space<vmem>>
        %dma_wait3A_326 = arith.constant 0 : i32
        %dma_wait3A_327 = arith.constant 0 : i32
        %dma_wait3A_328 = tpu.memref_slice %arg16[%dma_wait3A_326, %dma_wait3A_327] : memref<10128x128xbf16, #tpu.memory_space<vmem_shared>> -> memref<10128x128xbf16, #tpu.memory_space<vmem_shared>>
        tpu.wait_indirect_dma semaphore(%arg25 : memref<!tpu.dma_semaphore, #tpu.memory_space<semaphore_mem>>) src(%arg8 : memref<128x128xbf16, #tpu.memory_space<vmem>>) dst(%dma_wait3A_328 : memref<10128x128xbf16, #tpu.memory_space<vmem_shared>>)
        %dma_start3A_329 = arith.constant 0 : i32
        %dma_start3A_330 = tpu.memref_slice %arg6[%sub3A_322, %dma_start3A_329] : memref<80x128xi32, #tpu.memory_space<vmem>> -> memref<1x128xi32, #tpu.memory_space<vmem>>
        %dma_start3A_331 = tpu.memref_squeeze %dma_start3A_330 : memref<1x128xi32, #tpu.memory_space<vmem>> -> memref<128xi32, #tpu.memory_space<vmem>>
        %dma_start3A_332 = arith.constant 0 : i32
        %dma_start3A_333 = arith.constant 0 : i32
        %dma_start3A_334 = tpu.memref_slice %arg4[%dma_start3A_332, %dma_start3A_333] : memref<10000x128xbf16, #tpu.memory_space<hbm>> -> memref<10000x128xbf16, #tpu.memory_space<hbm>>
        tpu.enqueue_indirect_dma source(%dma_start3A_334 : memref<10000x128xbf16, #tpu.memory_space<hbm>>) target(%arg8 : memref<128x128xbf16, #tpu.memory_space<vmem>>) offsets(%dma_start3A_331 : memref<128xi32, #tpu.memory_space<vmem>>) semaphore(%arg17 : memref<!tpu.dma_semaphore, #tpu.memory_space<semaphore_mem>>)
      } else {
      }
      %add3A_181 = arith.constant 2 : i32
      %add3A_182 = arith.addi %mul3A_133, %add3A_181 : i32
      %dma_wait3A_183 = arith.constant 0 : i32
      %dma_wait3A_184 = tpu.memref_slice %arg6[%add3A_182, %dma_wait3A_183] : memref<80x128xi32, #tpu.memory_space<vmem>> -> memref<1x128xi32, #tpu.memory_space<vmem>>
      %dma_wait3A_185 = tpu.memref_squeeze %dma_wait3A_184 : memref<1x128xi32, #tpu.memory_space<vmem>> -> memref<128xi32, #tpu.memory_space<vmem>>
      %dma_wait3A_186 = arith.constant 0 : i32
      %dma_wait3A_187 = arith.constant 0 : i32
      %dma_wait3A_188 = tpu.memref_slice %arg4[%dma_wait3A_186, %dma_wait3A_187] : memref<10000x128xbf16, #tpu.memory_space<hbm>> -> memref<10000x128xbf16, #tpu.memory_space<hbm>>
      tpu.wait_indirect_dma semaphore(%arg19 : memref<!tpu.dma_semaphore, #tpu.memory_space<semaphore_mem>>) src(%dma_wait3A_188 : memref<10000x128xbf16, #tpu.memory_space<hbm>>) dst(%arg10 : memref<128x128xbf16, #tpu.memory_space<vmem>>)
      %dma_start3A_189 = arith.constant 0 : i32
      %dma_start3A_190 = tpu.memref_slice %arg7[%add3A_182, %dma_start3A_189] : memref<80x128xi32, #tpu.memory_space<vmem>> -> memref<1x128xi32, #tpu.memory_space<vmem>>
      %dma_start3A_191 = tpu.memref_squeeze %dma_start3A_190 : memref<1x128xi32, #tpu.memory_space<vmem>> -> memref<128xi32, #tpu.memory_space<vmem>>
      %dma_start3A_192 = arith.constant 0 : i32
      %dma_start3A_193 = arith.constant 0 : i32
      %dma_start3A_194 = tpu.memref_slice %arg16[%dma_start3A_192, %dma_start3A_193] : memref<10128x128xbf16, #tpu.memory_space<vmem_shared>> -> memref<10128x128xbf16, #tpu.memory_space<vmem_shared>>
      tpu.enqueue_indirect_dma source(%arg10 : memref<128x128xbf16, #tpu.memory_space<vmem>>) target(%dma_start3A_194 : memref<10128x128xbf16, #tpu.memory_space<vmem_shared>>) offsets(%dma_start3A_191 : memref<128xi32, #tpu.memory_space<vmem>>) semaphore(%arg27 : memref<!tpu.dma_semaphore, #tpu.memory_space<semaphore_mem>>) {add = true}
      %add3A_195 = arith.constant 8 : i32
      %add3A_196 = arith.addi %add3A_182, %add3A_195 : i32
      %sub3A_197 = arith.constant 1 : i32
      %sub3A_198 = arith.subi %add3A_196, %sub3A_197 : i32
      %lt3A_199 = arith.constant 80 : i32
      %lt3A_200 = arith.cmpi slt, %sub3A_198, %lt3A_199 : i32
      %convert_element_type3A_201 = arith.extui %lt3A_200 : i1 to i32
      %cond3A_202 = arith.constant 0 : i32
      %cond3A_203 = arith.cmpi ne, %convert_element_type3A_201, %cond3A_202 : i32
      scf.if %cond3A_203 {
        %add3A_319 = arith.constant 8 : i32
        %add3A_320 = arith.addi %add3A_182, %add3A_319 : i32
        %sub3A_321 = arith.constant 1 : i32
        %sub3A_322 = arith.subi %add3A_320, %sub3A_321 : i32
        %dma_wait3A_323 = arith.constant 0 : i32
        %dma_wait3A_324 = tpu.memref_slice %arg7[%sub3A_322, %dma_wait3A_323] : memref<80x128xi32, #tpu.memory_space<vmem>> -> memref<1x128xi32, #tpu.memory_space<vmem>>
        %dma_wait3A_325 = tpu.memref_squeeze %dma_wait3A_324 : memref<1x128xi32, #tpu.memory_space<vmem>> -> memref<128xi32, #tpu.memory_space<vmem>>
        %dma_wait3A_326 = arith.constant 0 : i32
        %dma_wait3A_327 = arith.constant 0 : i32
        %dma_wait3A_328 = tpu.memref_slice %arg16[%dma_wait3A_326, %dma_wait3A_327] : memref<10128x128xbf16, #tpu.memory_space<vmem_shared>> -> memref<10128x128xbf16, #tpu.memory_space<vmem_shared>>
        tpu.wait_indirect_dma semaphore(%arg26 : memref<!tpu.dma_semaphore, #tpu.memory_space<semaphore_mem>>) src(%arg9 : memref<128x128xbf16, #tpu.memory_space<vmem>>) dst(%dma_wait3A_328 : memref<10128x128xbf16, #tpu.memory_space<vmem_shared>>)
        %dma_start3A_329 = arith.constant 0 : i32
        %dma_start3A_330 = tpu.memref_slice %arg6[%sub3A_322, %dma_start3A_329] : memref<80x128xi32, #tpu.memory_space<vmem>> -> memref<1x128xi32, #tpu.memory_space<vmem>>
        %dma_start3A_331 = tpu.memref_squeeze %dma_start3A_330 : memref<1x128xi32, #tpu.memory_space<vmem>> -> memref<128xi32, #tpu.memory_space<vmem>>
        %dma_start3A_332 = arith.constant 0 : i32
        %dma_start3A_333 = arith.constant 0 : i32
        %dma_start3A_334 = tpu.memref_slice %arg4[%dma_start3A_332, %dma_start3A_333] : memref<10000x128xbf16, #tpu.memory_space<hbm>> -> memref<10000x128xbf16, #tpu.memory_space<hbm>>
        tpu.enqueue_indirect_dma source(%dma_start3A_334 : memref<10000x128xbf16, #tpu.memory_space<hbm>>) target(%arg9 : memref<128x128xbf16, #tpu.memory_space<vmem>>) offsets(%dma_start3A_331 : memref<128xi32, #tpu.memory_space<vmem>>) semaphore(%arg18 : memref<!tpu.dma_semaphore, #tpu.memory_space<semaphore_mem>>)
      } else {
      }
      %add3A_204 = arith.constant 3 : i32
      %add3A_205 = arith.addi %mul3A_133, %add3A_204 : i32
      %dma_wait3A_206 = arith.constant 0 : i32
      %dma_wait3A_207 = tpu.memref_slice %arg6[%add3A_205, %dma_wait3A_206] : memref<80x128xi32, #tpu.memory_space<vmem>> -> memref<1x128xi32, #tpu.memory_space<vmem>>
      %dma_wait3A_208 = tpu.memref_squeeze %dma_wait3A_207 : memref<1x128xi32, #tpu.memory_space<vmem>> -> memref<128xi32, #tpu.memory_space<vmem>>
      %dma_wait3A_209 = arith.constant 0 : i32
      %dma_wait3A_210 = arith.constant 0 : i32
      %dma_wait3A_211 = tpu.memref_slice %arg4[%dma_wait3A_209, %dma_wait3A_210] : memref<10000x128xbf16, #tpu.memory_space<hbm>> -> memref<10000x128xbf16, #tpu.memory_space<hbm>>
      tpu.wait_indirect_dma semaphore(%arg20 : memref<!tpu.dma_semaphore, #tpu.memory_space<semaphore_mem>>) src(%dma_wait3A_211 : memref<10000x128xbf16, #tpu.memory_space<hbm>>) dst(%arg11 : memref<128x128xbf16, #tpu.memory_space<vmem>>)
      %dma_start3A_212 = arith.constant 0 : i32
      %dma_start3A_213 = tpu.memref_slice %arg7[%add3A_205, %dma_start3A_212] : memref<80x128xi32, #tpu.memory_space<vmem>> -> memref<1x128xi32, #tpu.memory_space<vmem>>
      %dma_start3A_214 = tpu.memref_squeeze %dma_start3A_213 : memref<1x128xi32, #tpu.memory_space<vmem>> -> memref<128xi32, #tpu.memory_space<vmem>>
      %dma_start3A_215 = arith.constant 0 : i32
      %dma_start3A_216 = arith.constant 0 : i32
      %dma_start3A_217 = tpu.memref_slice %arg16[%dma_start3A_215, %dma_start3A_216] : memref<10128x128xbf16, #tpu.memory_space<vmem_shared>> -> memref<10128x128xbf16, #tpu.memory_space<vmem_shared>>
      tpu.enqueue_indirect_dma source(%arg11 : memref<128x128xbf16, #tpu.memory_space<vmem>>) target(%dma_start3A_217 : memref<10128x128xbf16, #tpu.memory_space<vmem_shared>>) offsets(%dma_start3A_214 : memref<128xi32, #tpu.memory_space<vmem>>) semaphore(%arg28 : memref<!tpu.dma_semaphore, #tpu.memory_space<semaphore_mem>>) {add = true}
      %add3A_218 = arith.constant 8 : i32
      %add3A_219 = arith.addi %add3A_205, %add3A_218 : i32
      %sub3A_220 = arith.constant 1 : i32
      %sub3A_221 = arith.subi %add3A_219, %sub3A_220 : i32
      %lt3A_222 = arith.constant 80 : i32
      %lt3A_223 = arith.cmpi slt, %sub3A_221, %lt3A_222 : i32
      %convert_element_type3A_224 = arith.extui %lt3A_223 : i1 to i32
      %cond3A_225 = arith.constant 0 : i32
      %cond3A_226 = arith.cmpi ne, %convert_element_type3A_224, %cond3A_225 : i32
      scf.if %cond3A_226 {
        %add3A_319 = arith.constant 8 : i32
        %add3A_320 = arith.addi %add3A_205, %add3A_319 : i32
        %sub3A_321 = arith.constant 1 : i32
        %sub3A_322 = arith.subi %add3A_320, %sub3A_321 : i32
        %dma_wait3A_323 = arith.constant 0 : i32
        %dma_wait3A_324 = tpu.memref_slice %arg7[%sub3A_322, %dma_wait3A_323] : memref<80x128xi32, #tpu.memory_space<vmem>> -> memref<1x128xi32, #tpu.memory_space<vmem>>
        %dma_wait3A_325 = tpu.memref_squeeze %dma_wait3A_324 : memref<1x128xi32, #tpu.memory_space<vmem>> -> memref<128xi32, #tpu.memory_space<vmem>>
        %dma_wait3A_326 = arith.constant 0 : i32
        %dma_wait3A_327 = arith.constant 0 : i32
        %dma_wait3A_328 = tpu.memref_slice %arg16[%dma_wait3A_326, %dma_wait3A_327] : memref<10128x128xbf16, #tpu.memory_space<vmem_shared>> -> memref<10128x128xbf16, #tpu.memory_space<vmem_shared>>
        tpu.wait_indirect_dma semaphore(%arg27 : memref<!tpu.dma_semaphore, #tpu.memory_space<semaphore_mem>>) src(%arg10 : memref<128x128xbf16, #tpu.memory_space<vmem>>) dst(%dma_wait3A_328 : memref<10128x128xbf16, #tpu.memory_space<vmem_shared>>)
        %dma_start3A_329 = arith.constant 0 : i32
        %dma_start3A_330 = tpu.memref_slice %arg6[%sub3A_322, %dma_start3A_329] : memref<80x128xi32, #tpu.memory_space<vmem>> -> memref<1x128xi32, #tpu.memory_space<vmem>>
        %dma_start3A_331 = tpu.memref_squeeze %dma_start3A_330 : memref<1x128xi32, #tpu.memory_space<vmem>> -> memref<128xi32, #tpu.memory_space<vmem>>
        %dma_start3A_332 = arith.constant 0 : i32
        %dma_start3A_333 = arith.constant 0 : i32
        %dma_start3A_334 = tpu.memref_slice %arg4[%dma_start3A_332, %dma_start3A_333] : memref<10000x128xbf16, #tpu.memory_space<hbm>> -> memref<10000x128xbf16, #tpu.memory_space<hbm>>
        tpu.enqueue_indirect_dma source(%dma_start3A_334 : memref<10000x128xbf16, #tpu.memory_space<hbm>>) target(%arg10 : memref<128x128xbf16, #tpu.memory_space<vmem>>) offsets(%dma_start3A_331 : memref<128xi32, #tpu.memory_space<vmem>>) semaphore(%arg19 : memref<!tpu.dma_semaphore, #tpu.memory_space<semaphore_mem>>)
      } else {
      }
      %add3A_227 = arith.constant 4 : i32
      %add3A_228 = arith.addi %mul3A_133, %add3A_227 : i32
      %dma_wait3A_229 = arith.constant 0 : i32
      %dma_wait3A_230 = tpu.memref_slice %arg6[%add3A_228, %dma_wait3A_229] : memref<80x128xi32, #tpu.memory_space<vmem>> -> memref<1x128xi32, #tpu.memory_space<vmem>>
      %dma_wait3A_231 = tpu.memref_squeeze %dma_wait3A_230 : memref<1x128xi32, #tpu.memory_space<vmem>> -> memref<128xi32, #tpu.memory_space<vmem>>
      %dma_wait3A_232 = arith.constant 0 : i32
      %dma_wait3A_233 = arith.constant 0 : i32
      %dma_wait3A_234 = tpu.memref_slice %arg4[%dma_wait3A_232, %dma_wait3A_233] : memref<10000x128xbf16, #tpu.memory_space<hbm>> -> memref<10000x128xbf16, #tpu.memory_space<hbm>>
      tpu.wait_indirect_dma semaphore(%arg21 : memref<!tpu.dma_semaphore, #tpu.memory_space<semaphore_mem>>) src(%dma_wait3A_234 : memref<10000x128xbf16, #tpu.memory_space<hbm>>) dst(%arg12 : memref<128x128xbf16, #tpu.memory_space<vmem>>)
      %dma_start3A_235 = arith.constant 0 : i32
      %dma_start3A_236 = tpu.memref_slice %arg7[%add3A_228, %dma_start3A_235] : memref<80x128xi32, #tpu.memory_space<vmem>> -> memref<1x128xi32, #tpu.memory_space<vmem>>
      %dma_start3A_237 = tpu.memref_squeeze %dma_start3A_236 : memref<1x128xi32, #tpu.memory_space<vmem>> -> memref<128xi32, #tpu.memory_space<vmem>>
      %dma_start3A_238 = arith.constant 0 : i32
      %dma_start3A_239 = arith.constant 0 : i32
      %dma_start3A_240 = tpu.memref_slice %arg16[%dma_start3A_238, %dma_start3A_239] : memref<10128x128xbf16, #tpu.memory_space<vmem_shared>> -> memref<10128x128xbf16, #tpu.memory_space<vmem_shared>>
      tpu.enqueue_indirect_dma source(%arg12 : memref<128x128xbf16, #tpu.memory_space<vmem>>) target(%dma_start3A_240 : memref<10128x128xbf16, #tpu.memory_space<vmem_shared>>) offsets(%dma_start3A_237 : memref<128xi32, #tpu.memory_space<vmem>>) semaphore(%arg29 : memref<!tpu.dma_semaphore, #tpu.memory_space<semaphore_mem>>) {add = true}
      %add3A_241 = arith.constant 8 : i32
      %add3A_242 = arith.addi %add3A_228, %add3A_241 : i32
      %sub3A_243 = arith.constant 1 : i32
      %sub3A_244 = arith.subi %add3A_242, %sub3A_243 : i32
      %lt3A_245 = arith.constant 80 : i32
      %lt3A_246 = arith.cmpi slt, %sub3A_244, %lt3A_245 : i32
      %convert_element_type3A_247 = arith.extui %lt3A_246 : i1 to i32
      %cond3A_248 = arith.constant 0 : i32
      %cond3A_249 = arith.cmpi ne, %convert_element_type3A_247, %cond3A_248 : i32
      scf.if %cond3A_249 {
        %add3A_319 = arith.constant 8 : i32
        %add3A_320 = arith.addi %add3A_228, %add3A_319 : i32
        %sub3A_321 = arith.constant 1 : i32
        %sub3A_322 = arith.subi %add3A_320, %sub3A_321 : i32
        %dma_wait3A_323 = arith.constant 0 : i32
        %dma_wait3A_324 = tpu.memref_slice %arg7[%sub3A_322, %dma_wait3A_323] : memref<80x128xi32, #tpu.memory_space<vmem>> -> memref<1x128xi32, #tpu.memory_space<vmem>>
        %dma_wait3A_325 = tpu.memref_squeeze %dma_wait3A_324 : memref<1x128xi32, #tpu.memory_space<vmem>> -> memref<128xi32, #tpu.memory_space<vmem>>
        %dma_wait3A_326 = arith.constant 0 : i32
        %dma_wait3A_327 = arith.constant 0 : i32
        %dma_wait3A_328 = tpu.memref_slice %arg16[%dma_wait3A_326, %dma_wait3A_327] : memref<10128x128xbf16, #tpu.memory_space<vmem_shared>> -> memref<10128x128xbf16, #tpu.memory_space<vmem_shared>>
        tpu.wait_indirect_dma semaphore(%arg28 : memref<!tpu.dma_semaphore, #tpu.memory_space<semaphore_mem>>) src(%arg11 : memref<128x128xbf16, #tpu.memory_space<vmem>>) dst(%dma_wait3A_328 : memref<10128x128xbf16, #tpu.memory_space<vmem_shared>>)
        %dma_start3A_329 = arith.constant 0 : i32
        %dma_start3A_330 = tpu.memref_slice %arg6[%sub3A_322, %dma_start3A_329] : memref<80x128xi32, #tpu.memory_space<vmem>> -> memref<1x128xi32, #tpu.memory_space<vmem>>
        %dma_start3A_331 = tpu.memref_squeeze %dma_start3A_330 : memref<1x128xi32, #tpu.memory_space<vmem>> -> memref<128xi32, #tpu.memory_space<vmem>>
        %dma_start3A_332 = arith.constant 0 : i32
        %dma_start3A_333 = arith.constant 0 : i32
        %dma_start3A_334 = tpu.memref_slice %arg4[%dma_start3A_332, %dma_start3A_333] : memref<10000x128xbf16, #tpu.memory_space<hbm>> -> memref<10000x128xbf16, #tpu.memory_space<hbm>>
        tpu.enqueue_indirect_dma source(%dma_start3A_334 : memref<10000x128xbf16, #tpu.memory_space<hbm>>) target(%arg11 : memref<128x128xbf16, #tpu.memory_space<vmem>>) offsets(%dma_start3A_331 : memref<128xi32, #tpu.memory_space<vmem>>) semaphore(%arg20 : memref<!tpu.dma_semaphore, #tpu.memory_space<semaphore_mem>>)
      } else {
      }
      %add3A_250 = arith.constant 5 : i32
      %add3A_251 = arith.addi %mul3A_133, %add3A_250 : i32
      %dma_wait3A_252 = arith.constant 0 : i32
      %dma_wait3A_253 = tpu.memref_slice %arg6[%add3A_251, %dma_wait3A_252] : memref<80x128xi32, #tpu.memory_space<vmem>> -> memref<1x128xi32, #tpu.memory_space<vmem>>
      %dma_wait3A_254 = tpu.memref_squeeze %dma_wait3A_253 : memref<1x128xi32, #tpu.memory_space<vmem>> -> memref<128xi32, #tpu.memory_space<vmem>>
      %dma_wait3A_255 = arith.constant 0 : i32
      %dma_wait3A_256 = arith.constant 0 : i32
      %dma_wait3A_257 = tpu.memref_slice %arg4[%dma_wait3A_255, %dma_wait3A_256] : memref<10000x128xbf16, #tpu.memory_space<hbm>> -> memref<10000x128xbf16, #tpu.memory_space<hbm>>
      tpu.wait_indirect_dma semaphore(%arg22 : memref<!tpu.dma_semaphore, #tpu.memory_space<semaphore_mem>>) src(%dma_wait3A_257 : memref<10000x128xbf16, #tpu.memory_space<hbm>>) dst(%arg13 : memref<128x128xbf16, #tpu.memory_space<vmem>>)
      %dma_start3A_258 = arith.constant 0 : i32
      %dma_start3A_259 = tpu.memref_slice %arg7[%add3A_251, %dma_start3A_258] : memref<80x128xi32, #tpu.memory_space<vmem>> -> memref<1x128xi32, #tpu.memory_space<vmem>>
      %dma_start3A_260 = tpu.memref_squeeze %dma_start3A_259 : memref<1x128xi32, #tpu.memory_space<vmem>> -> memref<128xi32, #tpu.memory_space<vmem>>
      %dma_start3A_261 = arith.constant 0 : i32
      %dma_start3A_262 = arith.constant 0 : i32
      %dma_start3A_263 = tpu.memref_slice %arg16[%dma_start3A_261, %dma_start3A_262] : memref<10128x128xbf16, #tpu.memory_space<vmem_shared>> -> memref<10128x128xbf16, #tpu.memory_space<vmem_shared>>
      tpu.enqueue_indirect_dma source(%arg13 : memref<128x128xbf16, #tpu.memory_space<vmem>>) target(%dma_start3A_263 : memref<10128x128xbf16, #tpu.memory_space<vmem_shared>>) offsets(%dma_start3A_260 : memref<128xi32, #tpu.memory_space<vmem>>) semaphore(%arg30 : memref<!tpu.dma_semaphore, #tpu.memory_space<semaphore_mem>>) {add = true}
      %add3A_264 = arith.constant 8 : i32
      %add3A_265 = arith.addi %add3A_251, %add3A_264 : i32
      %sub3A_266 = arith.constant 1 : i32
      %sub3A_267 = arith.subi %add3A_265, %sub3A_266 : i32
      %lt3A_268 = arith.constant 80 : i32
      %lt3A_269 = arith.cmpi slt, %sub3A_267, %lt3A_268 : i32
      %convert_element_type3A_270 = arith.extui %lt3A_269 : i1 to i32
      %cond3A_271 = arith.constant 0 : i32
      %cond3A_272 = arith.cmpi ne, %convert_element_type3A_270, %cond3A_271 : i32
      scf.if %cond3A_272 {
        %add3A_319 = arith.constant 8 : i32
        %add3A_320 = arith.addi %add3A_251, %add3A_319 : i32
        %sub3A_321 = arith.constant 1 : i32
        %sub3A_322 = arith.subi %add3A_320, %sub3A_321 : i32
        %dma_wait3A_323 = arith.constant 0 : i32
        %dma_wait3A_324 = tpu.memref_slice %arg7[%sub3A_322, %dma_wait3A_323] : memref<80x128xi32, #tpu.memory_space<vmem>> -> memref<1x128xi32, #tpu.memory_space<vmem>>
        %dma_wait3A_325 = tpu.memref_squeeze %dma_wait3A_324 : memref<1x128xi32, #tpu.memory_space<vmem>> -> memref<128xi32, #tpu.memory_space<vmem>>
        %dma_wait3A_326 = arith.constant 0 : i32
        %dma_wait3A_327 = arith.constant 0 : i32
        %dma_wait3A_328 = tpu.memref_slice %arg16[%dma_wait3A_326, %dma_wait3A_327] : memref<10128x128xbf16, #tpu.memory_space<vmem_shared>> -> memref<10128x128xbf16, #tpu.memory_space<vmem_shared>>
        tpu.wait_indirect_dma semaphore(%arg29 : memref<!tpu.dma_semaphore, #tpu.memory_space<semaphore_mem>>) src(%arg12 : memref<128x128xbf16, #tpu.memory_space<vmem>>) dst(%dma_wait3A_328 : memref<10128x128xbf16, #tpu.memory_space<vmem_shared>>)
        %dma_start3A_329 = arith.constant 0 : i32
        %dma_start3A_330 = tpu.memref_slice %arg6[%sub3A_322, %dma_start3A_329] : memref<80x128xi32, #tpu.memory_space<vmem>> -> memref<1x128xi32, #tpu.memory_space<vmem>>
        %dma_start3A_331 = tpu.memref_squeeze %dma_start3A_330 : memref<1x128xi32, #tpu.memory_space<vmem>> -> memref<128xi32, #tpu.memory_space<vmem>>
        %dma_start3A_332 = arith.constant 0 : i32
        %dma_start3A_333 = arith.constant 0 : i32
        %dma_start3A_334 = tpu.memref_slice %arg4[%dma_start3A_332, %dma_start3A_333] : memref<10000x128xbf16, #tpu.memory_space<hbm>> -> memref<10000x128xbf16, #tpu.memory_space<hbm>>
        tpu.enqueue_indirect_dma source(%dma_start3A_334 : memref<10000x128xbf16, #tpu.memory_space<hbm>>) target(%arg12 : memref<128x128xbf16, #tpu.memory_space<vmem>>) offsets(%dma_start3A_331 : memref<128xi32, #tpu.memory_space<vmem>>) semaphore(%arg21 : memref<!tpu.dma_semaphore, #tpu.memory_space<semaphore_mem>>)
      } else {
      }
      %add3A_273 = arith.constant 6 : i32
      %add3A_274 = arith.addi %mul3A_133, %add3A_273 : i32
      %dma_wait3A_275 = arith.constant 0 : i32
      %dma_wait3A_276 = tpu.memref_slice %arg6[%add3A_274, %dma_wait3A_275] : memref<80x128xi32, #tpu.memory_space<vmem>> -> memref<1x128xi32, #tpu.memory_space<vmem>>
      %dma_wait3A_277 = tpu.memref_squeeze %dma_wait3A_276 : memref<1x128xi32, #tpu.memory_space<vmem>> -> memref<128xi32, #tpu.memory_space<vmem>>
      %dma_wait3A_278 = arith.constant 0 : i32
      %dma_wait3A_279 = arith.constant 0 : i32
      %dma_wait3A_280 = tpu.memref_slice %arg4[%dma_wait3A_278, %dma_wait3A_279] : memref<10000x128xbf16, #tpu.memory_space<hbm>> -> memref<10000x128xbf16, #tpu.memory_space<hbm>>
      tpu.wait_indirect_dma semaphore(%arg23 : memref<!tpu.dma_semaphore, #tpu.memory_space<semaphore_mem>>) src(%dma_wait3A_280 : memref<10000x128xbf16, #tpu.memory_space<hbm>>) dst(%arg14 : memref<128x128xbf16, #tpu.memory_space<vmem>>)
      %dma_start3A_281 = arith.constant 0 : i32
      %dma_start3A_282 = tpu.memref_slice %arg7[%add3A_274, %dma_start3A_281] : memref<80x128xi32, #tpu.memory_space<vmem>> -> memref<1x128xi32, #tpu.memory_space<vmem>>
      %dma_start3A_283 = tpu.memref_squeeze %dma_start3A_282 : memref<1x128xi32, #tpu.memory_space<vmem>> -> memref<128xi32, #tpu.memory_space<vmem>>
      %dma_start3A_284 = arith.constant 0 : i32
      %dma_start3A_285 = arith.constant 0 : i32
      %dma_start3A_286 = tpu.memref_slice %arg16[%dma_start3A_284, %dma_start3A_285] : memref<10128x128xbf16, #tpu.memory_space<vmem_shared>> -> memref<10128x128xbf16, #tpu.memory_space<vmem_shared>>
      tpu.enqueue_indirect_dma source(%arg14 : memref<128x128xbf16, #tpu.memory_space<vmem>>) target(%dma_start3A_286 : memref<10128x128xbf16, #tpu.memory_space<vmem_shared>>) offsets(%dma_start3A_283 : memref<128xi32, #tpu.memory_space<vmem>>) semaphore(%arg31 : memref<!tpu.dma_semaphore, #tpu.memory_space<semaphore_mem>>) {add = true}
      %add3A_287 = arith.constant 8 : i32
      %add3A_288 = arith.addi %add3A_274, %add3A_287 : i32
      %sub3A_289 = arith.constant 1 : i32
      %sub3A_290 = arith.subi %add3A_288, %sub3A_289 : i32
      %lt3A_291 = arith.constant 80 : i32
      %lt3A_292 = arith.cmpi slt, %sub3A_290, %lt3A_291 : i32
      %convert_element_type3A_293 = arith.extui %lt3A_292 : i1 to i32
      %cond3A_294 = arith.constant 0 : i32
      %cond3A_295 = arith.cmpi ne, %convert_element_type3A_293, %cond3A_294 : i32
      scf.if %cond3A_295 {
        %add3A_319 = arith.constant 8 : i32
        %add3A_320 = arith.addi %add3A_274, %add3A_319 : i32
        %sub3A_321 = arith.constant 1 : i32
        %sub3A_322 = arith.subi %add3A_320, %sub3A_321 : i32
        %dma_wait3A_323 = arith.constant 0 : i32
        %dma_wait3A_324 = tpu.memref_slice %arg7[%sub3A_322, %dma_wait3A_323] : memref<80x128xi32, #tpu.memory_space<vmem>> -> memref<1x128xi32, #tpu.memory_space<vmem>>
        %dma_wait3A_325 = tpu.memref_squeeze %dma_wait3A_324 : memref<1x128xi32, #tpu.memory_space<vmem>> -> memref<128xi32, #tpu.memory_space<vmem>>
        %dma_wait3A_326 = arith.constant 0 : i32
        %dma_wait3A_327 = arith.constant 0 : i32
        %dma_wait3A_328 = tpu.memref_slice %arg16[%dma_wait3A_326, %dma_wait3A_327] : memref<10128x128xbf16, #tpu.memory_space<vmem_shared>> -> memref<10128x128xbf16, #tpu.memory_space<vmem_shared>>
        tpu.wait_indirect_dma semaphore(%arg30 : memref<!tpu.dma_semaphore, #tpu.memory_space<semaphore_mem>>) src(%arg13 : memref<128x128xbf16, #tpu.memory_space<vmem>>) dst(%dma_wait3A_328 : memref<10128x128xbf16, #tpu.memory_space<vmem_shared>>)
        %dma_start3A_329 = arith.constant 0 : i32
        %dma_start3A_330 = tpu.memref_slice %arg6[%sub3A_322, %dma_start3A_329] : memref<80x128xi32, #tpu.memory_space<vmem>> -> memref<1x128xi32, #tpu.memory_space<vmem>>
        %dma_start3A_331 = tpu.memref_squeeze %dma_start3A_330 : memref<1x128xi32, #tpu.memory_space<vmem>> -> memref<128xi32, #tpu.memory_space<vmem>>
        %dma_start3A_332 = arith.constant 0 : i32
        %dma_start3A_333 = arith.constant 0 : i32
        %dma_start3A_334 = tpu.memref_slice %arg4[%dma_start3A_332, %dma_start3A_333] : memref<10000x128xbf16, #tpu.memory_space<hbm>> -> memref<10000x128xbf16, #tpu.memory_space<hbm>>
        tpu.enqueue_indirect_dma source(%dma_start3A_334 : memref<10000x128xbf16, #tpu.memory_space<hbm>>) target(%arg13 : memref<128x128xbf16, #tpu.memory_space<vmem>>) offsets(%dma_start3A_331 : memref<128xi32, #tpu.memory_space<vmem>>) semaphore(%arg22 : memref<!tpu.dma_semaphore, #tpu.memory_space<semaphore_mem>>)
      } else {
      }
      %add3A_296 = arith.constant 7 : i32
      %add3A_297 = arith.addi %mul3A_133, %add3A_296 : i32
      %dma_wait3A_298 = arith.constant 0 : i32
      %dma_wait3A_299 = tpu.memref_slice %arg6[%add3A_297, %dma_wait3A_298] : memref<80x128xi32, #tpu.memory_space<vmem>> -> memref<1x128xi32, #tpu.memory_space<vmem>>
      %dma_wait3A_300 = tpu.memref_squeeze %dma_wait3A_299 : memref<1x128xi32, #tpu.memory_space<vmem>> -> memref<128xi32, #tpu.memory_space<vmem>>
      %dma_wait3A_301 = arith.constant 0 : i32
      %dma_wait3A_302 = arith.constant 0 : i32
      %dma_wait3A_303 = tpu.memref_slice %arg4[%dma_wait3A_301, %dma_wait3A_302] : memref<10000x128xbf16, #tpu.memory_space<hbm>> -> memref<10000x128xbf16, #tpu.memory_space<hbm>>
      tpu.wait_indirect_dma semaphore(%arg24 : memref<!tpu.dma_semaphore, #tpu.memory_space<semaphore_mem>>) src(%dma_wait3A_303 : memref<10000x128xbf16, #tpu.memory_space<hbm>>) dst(%arg15 : memref<128x128xbf16, #tpu.memory_space<vmem>>)
      %dma_start3A_304 = arith.constant 0 : i32
      %dma_start3A_305 = tpu.memref_slice %arg7[%add3A_297, %dma_start3A_304] : memref<80x128xi32, #tpu.memory_space<vmem>> -> memref<1x128xi32, #tpu.memory_space<vmem>>
      %dma_start3A_306 = tpu.memref_squeeze %dma_start3A_305 : memref<1x128xi32, #tpu.memory_space<vmem>> -> memref<128xi32, #tpu.memory_space<vmem>>
      %dma_start3A_307 = arith.constant 0 : i32
      %dma_start3A_308 = arith.constant 0 : i32
      %dma_start3A_309 = tpu.memref_slice %arg16[%dma_start3A_307, %dma_start3A_308] : memref<10128x128xbf16, #tpu.memory_space<vmem_shared>> -> memref<10128x128xbf16, #tpu.memory_space<vmem_shared>>
      tpu.enqueue_indirect_dma source(%arg15 : memref<128x128xbf16, #tpu.memory_space<vmem>>) target(%dma_start3A_309 : memref<10128x128xbf16, #tpu.memory_space<vmem_shared>>) offsets(%dma_start3A_306 : memref<128xi32, #tpu.memory_space<vmem>>) semaphore(%arg32 : memref<!tpu.dma_semaphore, #tpu.memory_space<semaphore_mem>>) {add = true}
      %add3A_310 = arith.constant 8 : i32
      %add3A_311 = arith.addi %add3A_297, %add3A_310 : i32
      %sub3A_312 = arith.constant 1 : i32
      %sub3A_313 = arith.subi %add3A_311, %sub3A_312 : i32
      %lt3A_314 = arith.constant 80 : i32
      %lt3A_315 = arith.cmpi slt, %sub3A_313, %lt3A_314 : i32
      %convert_element_type3A_316 = arith.extui %lt3A_315 : i1 to i32
      %cond3A_317 = arith.constant 0 : i32
      %cond3A_318 = arith.cmpi ne, %convert_element_type3A_316, %cond3A_317 : i32
      scf.if %cond3A_318 {
        %add3A_319 = arith.constant 8 : i32
        %add3A_320 = arith.addi %add3A_297, %add3A_319 : i32
        %sub3A_321 = arith.constant 1 : i32
        %sub3A_322 = arith.subi %add3A_320, %sub3A_321 : i32
        %dma_wait3A_323 = arith.constant 0 : i32
        %dma_wait3A_324 = tpu.memref_slice %arg7[%sub3A_322, %dma_wait3A_323] : memref<80x128xi32, #tpu.memory_space<vmem>> -> memref<1x128xi32, #tpu.memory_space<vmem>>
        %dma_wait3A_325 = tpu.memref_squeeze %dma_wait3A_324 : memref<1x128xi32, #tpu.memory_space<vmem>> -> memref<128xi32, #tpu.memory_space<vmem>>
        %dma_wait3A_326 = arith.constant 0 : i32
        %dma_wait3A_327 = arith.constant 0 : i32
        %dma_wait3A_328 = tpu.memref_slice %arg16[%dma_wait3A_326, %dma_wait3A_327] : memref<10128x128xbf16, #tpu.memory_space<vmem_shared>> -> memref<10128x128xbf16, #tpu.memory_space<vmem_shared>>
        tpu.wait_indirect_dma semaphore(%arg31 : memref<!tpu.dma_semaphore, #tpu.memory_space<semaphore_mem>>) src(%arg14 : memref<128x128xbf16, #tpu.memory_space<vmem>>) dst(%dma_wait3A_328 : memref<10128x128xbf16, #tpu.memory_space<vmem_shared>>)
        %dma_start3A_329 = arith.constant 0 : i32
        %dma_start3A_330 = tpu.memref_slice %arg6[%sub3A_322, %dma_start3A_329] : memref<80x128xi32, #tpu.memory_space<vmem>> -> memref<1x128xi32, #tpu.memory_space<vmem>>
        %dma_start3A_331 = tpu.memref_squeeze %dma_start3A_330 : memref<1x128xi32, #tpu.memory_space<vmem>> -> memref<128xi32, #tpu.memory_space<vmem>>
        %dma_start3A_332 = arith.constant 0 : i32
        %dma_start3A_333 = arith.constant 0 : i32
        %dma_start3A_334 = tpu.memref_slice %arg4[%dma_start3A_332, %dma_start3A_333] : memref<10000x128xbf16, #tpu.memory_space<hbm>> -> memref<10000x128xbf16, #tpu.memory_space<hbm>>
        tpu.enqueue_indirect_dma source(%dma_start3A_334 : memref<10000x128xbf16, #tpu.memory_space<hbm>>) target(%arg14 : memref<128x128xbf16, #tpu.memory_space<vmem>>) offsets(%dma_start3A_331 : memref<128xi32, #tpu.memory_space<vmem>>) semaphore(%arg23 : memref<!tpu.dma_semaphore, #tpu.memory_space<semaphore_mem>>)
      } else {
      }
    }
    %scan3A_70 = arith.constant 10 : i32
    %dma_wait3A = arith.constant 0 : i32
    %dma_wait3A_71 = arith.constant 0 : i32
    %dma_wait3A_72 = tpu.memref_slice %arg7[%dma_wait3A, %dma_wait3A_71] : memref<80x128xi32, #tpu.memory_space<vmem>> -> memref<1x128xi32, #tpu.memory_space<vmem>>
    %dma_wait3A_73 = tpu.memref_squeeze %dma_wait3A_72 : memref<1x128xi32, #tpu.memory_space<vmem>> -> memref<128xi32, #tpu.memory_space<vmem>>
    %dma_wait3A_74 = arith.constant 0 : i32
    %dma_wait3A_75 = arith.constant 0 : i32
    %dma_wait3A_76 = tpu.memref_slice %arg16[%dma_wait3A_74, %dma_wait3A_75] : memref<10128x128xbf16, #tpu.memory_space<vmem_shared>> -> memref<10128x128xbf16, #tpu.memory_space<vmem_shared>>
    tpu.wait_indirect_dma semaphore(%arg25 : memref<!tpu.dma_semaphore, #tpu.memory_space<semaphore_mem>>) src(%arg8 : memref<128x128xbf16, #tpu.memory_space<vmem>>) dst(%dma_wait3A_76 : memref<10128x128xbf16, #tpu.memory_space<vmem_shared>>)
    %dma_wait3A_77 = arith.constant 1 : i32
    %dma_wait3A_78 = arith.constant 0 : i32
    %dma_wait3A_79 = tpu.memref_slice %arg7[%dma_wait3A_77, %dma_wait3A_78] : memref<80x128xi32, #tpu.memory_space<vmem>> -> memref<1x128xi32, #tpu.memory_space<vmem>>
    %dma_wait3A_80 = tpu.memref_squeeze %dma_wait3A_79 : memref<1x128xi32, #tpu.memory_space<vmem>> -> memref<128xi32, #tpu.memory_space<vmem>>
    %dma_wait3A_81 = arith.constant 0 : i32
    %dma_wait3A_82 = arith.constant 0 : i32
    %dma_wait3A_83 = tpu.memref_slice %arg16[%dma_wait3A_81, %dma_wait3A_82] : memref<10128x128xbf16, #tpu.memory_space<vmem_shared>> -> memref<10128x128xbf16, #tpu.memory_space<vmem_shared>>
    tpu.wait_indirect_dma semaphore(%arg26 : memref<!tpu.dma_semaphore, #tpu.memory_space<semaphore_mem>>) src(%arg9 : memref<128x128xbf16, #tpu.memory_space<vmem>>) dst(%dma_wait3A_83 : memref<10128x128xbf16, #tpu.memory_space<vmem_shared>>)
    %dma_wait3A_84 = arith.constant 2 : i32
    %dma_wait3A_85 = arith.constant 0 : i32
    %dma_wait3A_86 = tpu.memref_slice %arg7[%dma_wait3A_84, %dma_wait3A_85] : memref<80x128xi32, #tpu.memory_space<vmem>> -> memref<1x128xi32, #tpu.memory_space<vmem>>
    %dma_wait3A_87 = tpu.memref_squeeze %dma_wait3A_86 : memref<1x128xi32, #tpu.memory_space<vmem>> -> memref<128xi32, #tpu.memory_space<vmem>>
    %dma_wait3A_88 = arith.constant 0 : i32
    %dma_wait3A_89 = arith.constant 0 : i32
    %dma_wait3A_90 = tpu.memref_slice %arg16[%dma_wait3A_88, %dma_wait3A_89] : memref<10128x128xbf16, #tpu.memory_space<vmem_shared>> -> memref<10128x128xbf16, #tpu.memory_space<vmem_shared>>
    tpu.wait_indirect_dma semaphore(%arg27 : memref<!tpu.dma_semaphore, #tpu.memory_space<semaphore_mem>>) src(%arg10 : memref<128x128xbf16, #tpu.memory_space<vmem>>) dst(%dma_wait3A_90 : memref<10128x128xbf16, #tpu.memory_space<vmem_shared>>)
    %dma_wait3A_91 = arith.constant 3 : i32
    %dma_wait3A_92 = arith.constant 0 : i32
    %dma_wait3A_93 = tpu.memref_slice %arg7[%dma_wait3A_91, %dma_wait3A_92] : memref<80x128xi32, #tpu.memory_space<vmem>> -> memref<1x128xi32, #tpu.memory_space<vmem>>
    %dma_wait3A_94 = tpu.memref_squeeze %dma_wait3A_93 : memref<1x128xi32, #tpu.memory_space<vmem>> -> memref<128xi32, #tpu.memory_space<vmem>>
    %dma_wait3A_95 = arith.constant 0 : i32
    %dma_wait3A_96 = arith.constant 0 : i32
    %dma_wait3A_97 = tpu.memref_slice %arg16[%dma_wait3A_95, %dma_wait3A_96] : memref<10128x128xbf16, #tpu.memory_space<vmem_shared>> -> memref<10128x128xbf16, #tpu.memory_space<vmem_shared>>
    tpu.wait_indirect_dma semaphore(%arg28 : memref<!tpu.dma_semaphore, #tpu.memory_space<semaphore_mem>>) src(%arg11 : memref<128x128xbf16, #tpu.memory_space<vmem>>) dst(%dma_wait3A_97 : memref<10128x128xbf16, #tpu.memory_space<vmem_shared>>)
    %dma_wait3A_98 = arith.constant 4 : i32
    %dma_wait3A_99 = arith.constant 0 : i32
    %dma_wait3A_100 = tpu.memref_slice %arg7[%dma_wait3A_98, %dma_wait3A_99] : memref<80x128xi32, #tpu.memory_space<vmem>> -> memref<1x128xi32, #tpu.memory_space<vmem>>
    %dma_wait3A_101 = tpu.memref_squeeze %dma_wait3A_100 : memref<1x128xi32, #tpu.memory_space<vmem>> -> memref<128xi32, #tpu.memory_space<vmem>>
    %dma_wait3A_102 = arith.constant 0 : i32
    %dma_wait3A_103 = arith.constant 0 : i32
    %dma_wait3A_104 = tpu.memref_slice %arg16[%dma_wait3A_102, %dma_wait3A_103] : memref<10128x128xbf16, #tpu.memory_space<vmem_shared>> -> memref<10128x128xbf16, #tpu.memory_space<vmem_shared>>
    tpu.wait_indirect_dma semaphore(%arg29 : memref<!tpu.dma_semaphore, #tpu.memory_space<semaphore_mem>>) src(%arg12 : memref<128x128xbf16, #tpu.memory_space<vmem>>) dst(%dma_wait3A_104 : memref<10128x128xbf16, #tpu.memory_space<vmem_shared>>)
    %dma_wait3A_105 = arith.constant 5 : i32
    %dma_wait3A_106 = arith.constant 0 : i32
    %dma_wait3A_107 = tpu.memref_slice %arg7[%dma_wait3A_105, %dma_wait3A_106] : memref<80x128xi32, #tpu.memory_space<vmem>> -> memref<1x128xi32, #tpu.memory_space<vmem>>
    %dma_wait3A_108 = tpu.memref_squeeze %dma_wait3A_107 : memref<1x128xi32, #tpu.memory_space<vmem>> -> memref<128xi32, #tpu.memory_space<vmem>>
    %dma_wait3A_109 = arith.constant 0 : i32
    %dma_wait3A_110 = arith.constant 0 : i32
    %dma_wait3A_111 = tpu.memref_slice %arg16[%dma_wait3A_109, %dma_wait3A_110] : memref<10128x128xbf16, #tpu.memory_space<vmem_shared>> -> memref<10128x128xbf16, #tpu.memory_space<vmem_shared>>
    tpu.wait_indirect_dma semaphore(%arg30 : memref<!tpu.dma_semaphore, #tpu.memory_space<semaphore_mem>>) src(%arg13 : memref<128x128xbf16, #tpu.memory_space<vmem>>) dst(%dma_wait3A_111 : memref<10128x128xbf16, #tpu.memory_space<vmem_shared>>)
    %dma_wait3A_112 = arith.constant 6 : i32
    %dma_wait3A_113 = arith.constant 0 : i32
    %dma_wait3A_114 = tpu.memref_slice %arg7[%dma_wait3A_112, %dma_wait3A_113] : memref<80x128xi32, #tpu.memory_space<vmem>> -> memref<1x128xi32, #tpu.memory_space<vmem>>
    %dma_wait3A_115 = tpu.memref_squeeze %dma_wait3A_114 : memref<1x128xi32, #tpu.memory_space<vmem>> -> memref<128xi32, #tpu.memory_space<vmem>>
    %dma_wait3A_116 = arith.constant 0 : i32
    %dma_wait3A_117 = arith.constant 0 : i32
    %dma_wait3A_118 = tpu.memref_slice %arg16[%dma_wait3A_116, %dma_wait3A_117] : memref<10128x128xbf16, #tpu.memory_space<vmem_shared>> -> memref<10128x128xbf16, #tpu.memory_space<vmem_shared>>
    tpu.wait_indirect_dma semaphore(%arg31 : memref<!tpu.dma_semaphore, #tpu.memory_space<semaphore_mem>>) src(%arg14 : memref<128x128xbf16, #tpu.memory_space<vmem>>) dst(%dma_wait3A_118 : memref<10128x128xbf16, #tpu.memory_space<vmem_shared>>)
    %dma_wait3A_119 = arith.constant 7 : i32
    %dma_wait3A_120 = arith.constant 0 : i32
    %dma_wait3A_121 = tpu.memref_slice %arg7[%dma_wait3A_119, %dma_wait3A_120] : memref<80x128xi32, #tpu.memory_space<vmem>> -> memref<1x128xi32, #tpu.memory_space<vmem>>
    %dma_wait3A_122 = tpu.memref_squeeze %dma_wait3A_121 : memref<1x128xi32, #tpu.memory_space<vmem>> -> memref<128xi32, #tpu.memory_space<vmem>>
    %dma_wait3A_123 = arith.constant 0 : i32
    %dma_wait3A_124 = arith.constant 0 : i32
    %dma_wait3A_125 = tpu.memref_slice %arg16[%dma_wait3A_123, %dma_wait3A_124] : memref<10128x128xbf16, #tpu.memory_space<vmem_shared>> -> memref<10128x128xbf16, #tpu.memory_space<vmem_shared>>
    tpu.wait_indirect_dma semaphore(%arg32 : memref<!tpu.dma_semaphore, #tpu.memory_space<semaphore_mem>>) src(%arg15 : memref<128x128xbf16, #tpu.memory_space<vmem>>) dst(%dma_wait3A_125 : memref<10128x128xbf16, #tpu.memory_space<vmem_shared>>)
    %barrier3A_126 = arith.constant 0 : index
    tpu.barrier barrier_id(%barrier3A_126)
    "tpu.region"() ({
      %run_scoped3A = tpu.sem_alloc : memref<!tpu.dma_semaphore, #tpu.memory_space<semaphore_mem>>
      %dma_start3A_127 = arith.constant 0 : i32
      %dma_start3A_128 = tpu.memref_slice %arg5[%arg0, %mul3A_7, %dma_start3A_127] : memref<2x10000x128xbf16, #tpu.memory_space<hbm>> -> memref<1x625x128xbf16, #tpu.memory_space<hbm>>
      %dma_start3A_129 = tpu.memref_squeeze %dma_start3A_128 : memref<1x625x128xbf16, #tpu.memory_space<hbm>> -> memref<625x128xbf16, #tpu.memory_space<hbm>>
      %dma_start3A_130 = arith.constant 0 : i32
      %dma_start3A_131 = tpu.memref_slice %arg16[%mul3A_7, %dma_start3A_130] : memref<10128x128xbf16, #tpu.memory_space<vmem_shared>> -> memref<625x128xbf16, #tpu.memory_space<vmem_shared>>
      tpu.enqueue_dma source(%dma_start3A_131 : memref<625x128xbf16, #tpu.memory_space<vmem_shared>>) target(%dma_start3A_129 : memref<625x128xbf16, #tpu.memory_space<hbm>>) target_semaphore(%run_scoped3A : memref<!tpu.dma_semaphore, #tpu.memory_space<semaphore_mem>>)
      %dma_wait3A_132 = arith.constant 0 : i32
      %dma_wait3A_133 = tpu.memref_slice %arg5[%arg0, %mul3A_7, %dma_wait3A_132] : memref<2x10000x128xbf16, #tpu.memory_space<hbm>> -> memref<1x625x128xbf16, #tpu.memory_space<hbm>>
      %dma_wait3A_134 = tpu.memref_squeeze %dma_wait3A_133 : memref<1x625x128xbf16, #tpu.memory_space<hbm>> -> memref<625x128xbf16, #tpu.memory_space<hbm>>
      %dma_wait3A_135 = arith.constant 0 : i32
      %dma_wait3A_136 = tpu.memref_slice %arg16[%mul3A_7, %dma_wait3A_135] : memref<10128x128xbf16, #tpu.memory_space<vmem_shared>> -> memref<625x128xbf16, #tpu.memory_space<vmem_shared>>
      tpu.wait_dma2 semaphore(%run_scoped3A : memref<!tpu.dma_semaphore, #tpu.memory_space<semaphore_mem>>) src(%dma_wait3A_136 : memref<625x128xbf16, #tpu.memory_space<vmem_shared>>) dst(%dma_wait3A_134 : memref<625x128xbf16, #tpu.memory_space<hbm>>)
      tpu.yield
    }) : () -> ()
    return
  }
}

module attributes {stable_mosaic.version = 14 : i64} {
  func.func @_mm_body(%arg0: i32, %arg1: memref<2000x128xf32, #tpu.memory_space<vmem>>, %arg2: memref<128x128xf32, #tpu.memory_space<vmem>>, %arg3: memref<2000x128xf32, #tpu.memory_space<vmem>>) attributes {dimension_semantics = [#tpu.dimension_semantics<arbitrary>], iteration_bounds = array<i64: 5>, scalar_prefetch = 0 : i64, scratch_operands = 0 : i64, tpu.core_type = #tpu.core_type<tc>, window_params = [{transform_indices = @transform_0, window_bounds = array<i64: 2000, 128>}, {pipeline_mode = #tpu.pipeline_mode<synchronous>, transform_indices = @transform_1, window_bounds = array<i64: 128, 128>}, {transform_indices = @transform_2, window_bounds = array<i64: 2000, 128>}]} {
    %get3A = arith.constant 0 : index
    %get3A_0 = arith.constant 0 : index
    %get3A_1 = vector.load %arg1[%get3A, %get3A_0] : memref<2000x128xf32, #tpu.memory_space<vmem>>, vector<2000x128xf32>
    %get3A_2 = arith.constant 0 : index
    %get3A_3 = arith.constant 0 : index
    %get3A_4 = vector.load %arg2[%get3A_2, %get3A_3] : memref<128x128xf32, #tpu.memory_space<vmem>>, vector<128x128xf32>
    %dot_general3A = arith.constant dense<0.000000e+00> : vector<2000x128xf32>
    %dot_general3A_5 = tpu.matmul %get3A_1, %get3A_4, %dot_general3A {dimension_numbers = #tpu.dot_dimension_numbers<[1], [0], [0], [1], [0, 0, 1, 1], [], []>, transpose_lhs_hint = false} : vector<2000x128xf32>, vector<128x128xf32>, vector<2000x128xf32> -> vector<2000x128xf32>
    %swap3A = arith.constant 0 : index
    %swap3A_6 = arith.constant 0 : index
    %swap3A_7 = vector.load %arg3[%swap3A, %swap3A_6] : memref<2000x128xf32, #tpu.memory_space<vmem>>, vector<2000x128xf32>
    tpu.vector_store %arg3[%swap3A, %swap3A_6], %dot_general3A_5 {strides = array<i32>} : memref<2000x128xf32, #tpu.memory_space<vmem>>, vector<2000x128xf32>,
    return
  }
  func.func @transform_0(%arg0: i32) -> (i32, i32) {
    %c0_i32 = arith.constant 0 : i32
    %c0_i32_0 = arith.constant 0 : i32
    return %arg0, %c0_i32 : i32, i32
  }
  func.func @transform_1(%arg0: i32) -> (i32, i32) {
    %c0_i32 = arith.constant 0 : i32
    %c0_i32_0 = arith.constant 0 : i32
    %c0_i32_1 = arith.constant 0 : i32
    return %c0_i32, %c0_i32_0 : i32, i32
  }
  func.func @transform_2(%arg0: i32) -> (i32, i32) {
    %c0_i32 = arith.constant 0 : i32
    %c0_i32_0 = arith.constant 0 : i32
    return %arg0, %c0_i32 : i32, i32
  }
}

module attributes {stable_mosaic.version = 14 : i64} {
  func.func @_prep_body(%arg0: i32, %arg1: memref<2x2000x16xf32, #tpu.memory_space<vmem>>, %arg2: memref<2000x128xf32, #tpu.memory_space<vmem>>, %arg3: memref<2000x128xf32, #tpu.memory_space<vmem>>, %arg4: memref<2000x128xbf16, #tpu.memory_space<vmem>>) attributes {dimension_semantics = [#tpu.dimension_semantics<arbitrary>], iteration_bounds = array<i64: 5>, scalar_prefetch = 0 : i64, scratch_operands = 0 : i64, tpu.core_type = #tpu.core_type<tc>, window_params = [{transform_indices = @transform_0, window_bounds = array<i64: 2, 2000, 16>}, {transform_indices = @transform_1, window_bounds = array<i64: 2000, 128>}, {transform_indices = @transform_2, window_bounds = array<i64: 2000, 128>}, {transform_indices = @transform_3, window_bounds = array<i64: 2000, 128>}]} {
    %get3A = arith.constant 0 : index
    %get3A_0 = arith.constant 0 : index
    %get3A_1 = arith.constant 0 : index
    %get3A_2 = vector.load %arg1[%get3A, %get3A_0, %get3A_1] : memref<2x2000x16xf32, #tpu.memory_space<vmem>>, vector<2x2000x16xf32>
    %slice3A = vector.extract_strided_slice %get3A_2 {offsets = [0, 0, 0], sizes = [1, 2000, 1], strides = [1, 1, 1]} : vector<2x2000x16xf32> to vector<1x2000x1xf32>
    %squeeze3A = vector.shape_cast %slice3A : vector<1x2000x1xf32> to vector<2000x1xf32>
    %slice3A_3 = vector.extract_strided_slice %get3A_2 {offsets = [1, 0, 0], sizes = [1, 2000, 1], strides = [1, 1, 1]} : vector<2x2000x16xf32> to vector<1x2000x1xf32>
    %squeeze3A_4 = vector.shape_cast %slice3A_3 : vector<1x2000x1xf32> to vector<2000x1xf32>
    %add3A = arith.addf %squeeze3A, %squeeze3A_4 : vector<2000x1xf32>
    %add3A_5 = arith.constant 1.000000e+00 : f32
    %add3A_6 = vector.broadcast %add3A_5 : f32 to vector<2000x1xf32>
    %add3A_7 = arith.addf %add3A, %add3A_6 : vector<2000x1xf32>
    %rsqrt3A = math.rsqrt %add3A_7 : vector<2000x1xf32>
    %broadcast_in_dim3A = vector.shape_cast %rsqrt3A : vector<2000x1xf32> to vector<2000x1xf32>
    %broadcast_in_dim3A_8 = vector.broadcast %broadcast_in_dim3A : vector<2000x1xf32> to vector<2000x128xf32>
    %swap3A = arith.constant 0 : index
    %swap3A_9 = arith.constant 0 : index
    %swap3A_10 = vector.load %arg3[%swap3A, %swap3A_9] : memref<2000x128xf32, #tpu.memory_space<vmem>>, vector<2000x128xf32>
    tpu.vector_store %arg3[%swap3A, %swap3A_9], %broadcast_in_dim3A_8 {strides = array<i32>} : memref<2000x128xf32, #tpu.memory_space<vmem>>, vector<2000x128xf32>,
    %get3A_11 = arith.constant 0 : index
    %get3A_12 = arith.constant 0 : index
    %get3A_13 = vector.load %arg2[%get3A_11, %get3A_12] : memref<2000x128xf32, #tpu.memory_space<vmem>>, vector<2000x128xf32>
    %mul3A = vector.broadcast %rsqrt3A : vector<2000x1xf32> to vector<2000x128xf32>
    %mul3A_14 = arith.mulf %get3A_13, %mul3A : vector<2000x128xf32>
    %convert_element_type3A = arith.truncf %mul3A_14 : vector<2000x128xf32> to vector<2000x128xbf16>
    %swap3A_15 = arith.constant 0 : index
    %swap3A_16 = arith.constant 0 : index
    %swap3A_17 = vector.load %arg4[%swap3A_15, %swap3A_16] : memref<2000x128xbf16, #tpu.memory_space<vmem>>, vector<2000x128xbf16>
    tpu.vector_store %arg4[%swap3A_15, %swap3A_16], %convert_element_type3A {strides = array<i32>} : memref<2000x128xbf16, #tpu.memory_space<vmem>>, vector<2000x128xbf16>,
    return
  }
  func.func @transform_0(%arg0: i32) -> (i32, i32, i32) {
    %c0_i32 = arith.constant 0 : i32
    %c0_i32_0 = arith.constant 0 : i32
    %c0_i32_1 = arith.constant 0 : i32
    return %c0_i32, %arg0, %c0_i32_0 : i32, i32, i32
  }
  func.func @transform_1(%arg0: i32) -> (i32, i32) {
    %c0_i32 = arith.constant 0 : i32
    %c0_i32_0 = arith.constant 0 : i32
    return %arg0, %c0_i32 : i32, i32
  }
  func.func @transform_2(%arg0: i32) -> (i32, i32) {
    %c0_i32 = arith.constant 0 : i32
    %c0_i32_0 = arith.constant 0 : i32
    return %arg0, %c0_i32 : i32, i32
  }
  func.func @transform_3(%arg0: i32) -> (i32, i32) {
    %c0_i32 = arith.constant 0 : i32
    %c0_i32_0 = arith.constant 0 : i32
    return %arg0, %c0_i32 : i32, i32
  }
}

module attributes {stable_mosaic.version = 14 : i64} {
  func.func @_mid_body(%arg0: i32, %arg1: memref<2x2000x128xbf16, #tpu.memory_space<vmem>>, %arg2: memref<2000x128xbf16, #tpu.memory_space<vmem>>, %arg3: memref<2000x128xf32, #tpu.memory_space<vmem>>, %arg4: memref<2000x128xf32, #tpu.memory_space<vmem>>, %arg5: memref<1x128xf32, #tpu.memory_space<vmem>>, %arg6: memref<1x128xf32, #tpu.memory_space<vmem>>, %arg7: memref<1x128xf32, #tpu.memory_space<vmem>>, %arg8: memref<128x128xf32, #tpu.memory_space<vmem>>, %arg9: memref<2000x128xf32, #tpu.memory_space<vmem>>, %arg10: memref<2000x128xbf16, #tpu.memory_space<vmem>>) attributes {dimension_semantics = [#tpu.dimension_semantics<arbitrary>], iteration_bounds = array<i64: 5>, scalar_prefetch = 0 : i64, scratch_operands = 0 : i64, tpu.core_type = #tpu.core_type<tc>, window_params = [{transform_indices = @transform_0, window_bounds = array<i64: 2, 2000, 128>}, {transform_indices = @transform_1, window_bounds = array<i64: 2000, 128>}, {transform_indices = @transform_2, window_bounds = array<i64: 2000, 128>}, {transform_indices = @transform_3, window_bounds = array<i64: 2000, 128>}, {pipeline_mode = #tpu.pipeline_mode<synchronous>, transform_indices = @transform_4, window_bounds = array<i64: 1, 128>}, {pipeline_mode = #tpu.pipeline_mode<synchronous>, transform_indices = @transform_5, window_bounds = array<i64: 1, 128>}, {pipeline_mode = #tpu.pipeline_mode<synchronous>, transform_indices = @transform_6, window_bounds = array<i64: 1, 128>}, {pipeline_mode = #tpu.pipeline_mode<synchronous>, transform_indices = @transform_7, window_bounds = array<i64: 128, 128>}, {transform_indices = @transform_8, window_bounds = array<i64: 2000, 128>}, {transform_indices = @transform_9, window_bounds = array<i64: 2000, 128>}]} {
    %get3A = arith.constant 0 : index
    %get3A_0 = arith.constant 0 : index
    %get3A_1 = arith.constant 0 : index
    %get3A_2 = vector.load %arg1[%get3A, %get3A_0, %get3A_1] : memref<2x2000x128xbf16, #tpu.memory_space<vmem>>, vector<2x2000x128xbf16>
    %get3A_3 = arith.constant 0 : index
    %get3A_4 = arith.constant 0 : index
    %get3A_5 = vector.load %arg4[%get3A_3, %get3A_4] : memref<2000x128xf32, #tpu.memory_space<vmem>>, vector<2000x128xf32>
    %slice3A = vector.extract_strided_slice %get3A_2 {offsets = [0, 0, 0], sizes = [1, 2000, 128], strides = [1, 1, 1]} : vector<2x2000x128xbf16> to vector<1x2000x128xbf16>
    %squeeze3A = vector.shape_cast %slice3A : vector<1x2000x128xbf16> to vector<2000x128xbf16>
    %convert_element_type3A = arith.extf %squeeze3A : vector<2000x128xbf16> to vector<2000x128xf32>
    %slice3A_6 = vector.extract_strided_slice %get3A_2 {offsets = [1, 0, 0], sizes = [1, 2000, 128], strides = [1, 1, 1]} : vector<2x2000x128xbf16> to vector<1x2000x128xbf16>
    %squeeze3A_7 = vector.shape_cast %slice3A_6 : vector<1x2000x128xbf16> to vector<2000x128xbf16>
    %convert_element_type3A_8 = arith.extf %squeeze3A_7 : vector<2000x128xbf16> to vector<2000x128xf32>
    %add3A = arith.addf %convert_element_type3A, %convert_element_type3A_8 : vector<2000x128xf32>
    %get3A_9 = arith.constant 0 : index
    %get3A_10 = arith.constant 0 : index
    %get3A_11 = vector.load %arg2[%get3A_9, %get3A_10] : memref<2000x128xbf16, #tpu.memory_space<vmem>>, vector<2000x128xbf16>
    %convert_element_type3A_12 = arith.extf %get3A_11 : vector<2000x128xbf16> to vector<2000x128xf32>
    %add3A_13 = arith.addf %add3A, %convert_element_type3A_12 : vector<2000x128xf32>
    %mul3A = arith.mulf %get3A_5, %add3A_13 : vector<2000x128xf32>
    %get3A_14 = arith.constant 0 : index
    %get3A_15 = arith.constant 0 : index
    %get3A_16 = vector.load %arg5[%get3A_14, %get3A_15] : memref<1x128xf32, #tpu.memory_space<vmem>>, vector<1x128xf32>
    %add3A_17 = vector.broadcast %get3A_16 : vector<1x128xf32> to vector<2000x128xf32>
    %add3A_18 = arith.addf %mul3A, %add3A_17 : vector<2000x128xf32>
    %get3A_19 = arith.constant 0 : index
    %get3A_20 = arith.constant 0 : index
    %get3A_21 = vector.load %arg6[%get3A_19, %get3A_20] : memref<1x128xf32, #tpu.memory_space<vmem>>, vector<1x128xf32>
    %mul3A_22 = arith.constant 0.999994993 : f32
    %mul3A_23 = vector.broadcast %mul3A_22 : f32 to vector<1x128xf32>
    %mul3A_24 = arith.mulf %get3A_21, %mul3A_23 : vector<1x128xf32>
    %mul3A_25 = vector.broadcast %mul3A_24 : vector<1x128xf32> to vector<2000x128xf32>
    %mul3A_26 = arith.mulf %add3A_18, %mul3A_25 : vector<2000x128xf32>
    %get3A_27 = arith.constant 0 : index
    %get3A_28 = arith.constant 0 : index
    %get3A_29 = vector.load %arg7[%get3A_27, %get3A_28] : memref<1x128xf32, #tpu.memory_space<vmem>>, vector<1x128xf32>
    %add3A_30 = vector.broadcast %get3A_29 : vector<1x128xf32> to vector<2000x128xf32>
    %add3A_31 = arith.addf %mul3A_26, %add3A_30 : vector<2000x128xf32>
    %max3A = arith.constant 0.000000e+00 : f32
    %max3A_32 = vector.broadcast %max3A : f32 to vector<2000x128xf32>
    %max3A_33 = arith.maximumf %add3A_31, %max3A_32 : vector<2000x128xf32>
    %get3A_34 = arith.constant 0 : index
    %get3A_35 = arith.constant 0 : index
    %get3A_36 = vector.load %arg3[%get3A_34, %get3A_35] : memref<2000x128xf32, #tpu.memory_space<vmem>>, vector<2000x128xf32>
    %add3A_37 = arith.addf %max3A_33, %get3A_36 : vector<2000x128xf32>
    %swap3A = arith.constant 0 : index
    %swap3A_38 = arith.constant 0 : index
    %swap3A_39 = vector.load %arg9[%swap3A, %swap3A_38] : memref<2000x128xf32, #tpu.memory_space<vmem>>, vector<2000x128xf32>
    tpu.vector_store %arg9[%swap3A, %swap3A_38], %add3A_37 {strides = array<i32>} : memref<2000x128xf32, #tpu.memory_space<vmem>>, vector<2000x128xf32>,
    %get3A_40 = arith.constant 0 : index
    %get3A_41 = arith.constant 0 : index
    %get3A_42 = vector.load %arg8[%get3A_40, %get3A_41] : memref<128x128xf32, #tpu.memory_space<vmem>>, vector<128x128xf32>
    %dot_general3A = arith.constant dense<0.000000e+00> : vector<2000x128xf32>
    %dot_general3A_43 = tpu.matmul %add3A_37, %get3A_42, %dot_general3A {dimension_numbers = #tpu.dot_dimension_numbers<[1], [0], [0], [1], [0, 0, 1, 1], [], []>, transpose_lhs_hint = false} : vector<2000x128xf32>, vector<128x128xf32>, vector<2000x128xf32> -> vector<2000x128xf32>
    %mul3A_44 = arith.mulf %get3A_5, %dot_general3A_43 : vector<2000x128xf32>
    %convert_element_type3A_45 = arith.truncf %mul3A_44 : vector<2000x128xf32> to vector<2000x128xbf16>
    %swap3A_46 = arith.constant 0 : index
    %swap3A_47 = arith.constant 0 : index
    %swap3A_48 = vector.load %arg10[%swap3A_46, %swap3A_47] : memref<2000x128xbf16, #tpu.memory_space<vmem>>, vector<2000x128xbf16>
    tpu.vector_store %arg10[%swap3A_46, %swap3A_47], %convert_element_type3A_45 {strides = array<i32>} : memref<2000x128xbf16, #tpu.memory_space<vmem>>, vector<2000x128xbf16>,
    return
  }
  func.func @transform_0(%arg0: i32) -> (i32, i32, i32) {
    %c0_i32 = arith.constant 0 : i32
    %c0_i32_0 = arith.constant 0 : i32
    %c0_i32_1 = arith.constant 0 : i32
    return %c0_i32, %arg0, %c0_i32_0 : i32, i32, i32
  }
  func.func @transform_1(%arg0: i32) -> (i32, i32) {
    %c0_i32 = arith.constant 0 : i32
    %c0_i32_0 = arith.constant 0 : i32
    return %arg0, %c0_i32 : i32, i32
  }
  func.func @transform_2(%arg0: i32) -> (i32, i32) {
    %c0_i32 = arith.constant 0 : i32
    %c0_i32_0 = arith.constant 0 : i32
    return %arg0, %c0_i32 : i32, i32
  }
  func.func @transform_3(%arg0: i32) -> (i32, i32) {
    %c0_i32 = arith.constant 0 : i32
    %c0_i32_0 = arith.constant 0 : i32
    return %arg0, %c0_i32 : i32, i32
  }
  func.func @transform_4(%arg0: i32) -> (i32, i32) {
    %c0_i32 = arith.constant 0 : i32
    %c0_i32_0 = arith.constant 0 : i32
    %c0_i32_1 = arith.constant 0 : i32
    return %c0_i32, %c0_i32_0 : i32, i32
  }
  func.func @transform_5(%arg0: i32) -> (i32, i32) {
    %c0_i32 = arith.constant 0 : i32
    %c0_i32_0 = arith.constant 0 : i32
    %c0_i32_1 = arith.constant 0 : i32
    return %c0_i32, %c0_i32_0 : i32, i32
  }
  func.func @transform_6(%arg0: i32) -> (i32, i32) {
    %c0_i32 = arith.constant 0 : i32
    %c0_i32_0 = arith.constant 0 : i32
    %c0_i32_1 = arith.constant 0 : i32
    return %c0_i32, %c0_i32_0 : i32, i32
  }
  func.func @transform_7(%arg0: i32) -> (i32, i32) {
    %c0_i32 = arith.constant 0 : i32
    %c0_i32_0 = arith.constant 0 : i32
    %c0_i32_1 = arith.constant 0 : i32
    return %c0_i32, %c0_i32_0 : i32, i32
  }
  func.func @transform_8(%arg0: i32) -> (i32, i32) {
    %c0_i32 = arith.constant 0 : i32
    %c0_i32_0 = arith.constant 0 : i32
    return %arg0, %c0_i32 : i32, i32
  }
  func.func @transform_9(%arg0: i32) -> (i32, i32) {
    %c0_i32 = arith.constant 0 : i32
    %c0_i32_0 = arith.constant 0 : i32
    return %arg0, %c0_i32 : i32, i32
  }
}

module attributes {stable_mosaic.version = 14 : i64} {
  func.func @_mid_body(%arg0: i32, %arg1: memref<2x2000x128xbf16, #tpu.memory_space<vmem>>, %arg2: memref<2000x128xbf16, #tpu.memory_space<vmem>>, %arg3: memref<2000x128xf32, #tpu.memory_space<vmem>>, %arg4: memref<2000x128xf32, #tpu.memory_space<vmem>>, %arg5: memref<1x128xf32, #tpu.memory_space<vmem>>, %arg6: memref<1x128xf32, #tpu.memory_space<vmem>>, %arg7: memref<1x128xf32, #tpu.memory_space<vmem>>, %arg8: memref<128x128xf32, #tpu.memory_space<vmem>>, %arg9: memref<2000x128xf32, #tpu.memory_space<vmem>>, %arg10: memref<2000x128xbf16, #tpu.memory_space<vmem>>) attributes {dimension_semantics = [#tpu.dimension_semantics<arbitrary>], iteration_bounds = array<i64: 5>, scalar_prefetch = 0 : i64, scratch_operands = 0 : i64, tpu.core_type = #tpu.core_type<tc>, window_params = [{transform_indices = @transform_0, window_bounds = array<i64: 2, 2000, 128>}, {transform_indices = @transform_1, window_bounds = array<i64: 2000, 128>}, {transform_indices = @transform_2, window_bounds = array<i64: 2000, 128>}, {transform_indices = @transform_3, window_bounds = array<i64: 2000, 128>}, {pipeline_mode = #tpu.pipeline_mode<synchronous>, transform_indices = @transform_4, window_bounds = array<i64: 1, 128>}, {pipeline_mode = #tpu.pipeline_mode<synchronous>, transform_indices = @transform_5, window_bounds = array<i64: 1, 128>}, {pipeline_mode = #tpu.pipeline_mode<synchronous>, transform_indices = @transform_6, window_bounds = array<i64: 1, 128>}, {pipeline_mode = #tpu.pipeline_mode<synchronous>, transform_indices = @transform_7, window_bounds = array<i64: 128, 128>}, {transform_indices = @transform_8, window_bounds = array<i64: 2000, 128>}, {transform_indices = @transform_9, window_bounds = array<i64: 2000, 128>}]} {
    %get3A = arith.constant 0 : index
    %get3A_0 = arith.constant 0 : index
    %get3A_1 = arith.constant 0 : index
    %get3A_2 = vector.load %arg1[%get3A, %get3A_0, %get3A_1] : memref<2x2000x128xbf16, #tpu.memory_space<vmem>>, vector<2x2000x128xbf16>
    %get3A_3 = arith.constant 0 : index
    %get3A_4 = arith.constant 0 : index
    %get3A_5 = vector.load %arg4[%get3A_3, %get3A_4] : memref<2000x128xf32, #tpu.memory_space<vmem>>, vector<2000x128xf32>
    %slice3A = vector.extract_strided_slice %get3A_2 {offsets = [0, 0, 0], sizes = [1, 2000, 128], strides = [1, 1, 1]} : vector<2x2000x128xbf16> to vector<1x2000x128xbf16>
    %squeeze3A = vector.shape_cast %slice3A : vector<1x2000x128xbf16> to vector<2000x128xbf16>
    %convert_element_type3A = arith.extf %squeeze3A : vector<2000x128xbf16> to vector<2000x128xf32>
    %slice3A_6 = vector.extract_strided_slice %get3A_2 {offsets = [1, 0, 0], sizes = [1, 2000, 128], strides = [1, 1, 1]} : vector<2x2000x128xbf16> to vector<1x2000x128xbf16>
    %squeeze3A_7 = vector.shape_cast %slice3A_6 : vector<1x2000x128xbf16> to vector<2000x128xbf16>
    %convert_element_type3A_8 = arith.extf %squeeze3A_7 : vector<2000x128xbf16> to vector<2000x128xf32>
    %add3A = arith.addf %convert_element_type3A, %convert_element_type3A_8 : vector<2000x128xf32>
    %get3A_9 = arith.constant 0 : index
    %get3A_10 = arith.constant 0 : index
    %get3A_11 = vector.load %arg2[%get3A_9, %get3A_10] : memref<2000x128xbf16, #tpu.memory_space<vmem>>, vector<2000x128xbf16>
    %convert_element_type3A_12 = arith.extf %get3A_11 : vector<2000x128xbf16> to vector<2000x128xf32>
    %add3A_13 = arith.addf %add3A, %convert_element_type3A_12 : vector<2000x128xf32>
    %mul3A = arith.mulf %get3A_5, %add3A_13 : vector<2000x128xf32>
    %get3A_14 = arith.constant 0 : index
    %get3A_15 = arith.constant 0 : index
    %get3A_16 = vector.load %arg5[%get3A_14, %get3A_15] : memref<1x128xf32, #tpu.memory_space<vmem>>, vector<1x128xf32>
    %add3A_17 = vector.broadcast %get3A_16 : vector<1x128xf32> to vector<2000x128xf32>
    %add3A_18 = arith.addf %mul3A, %add3A_17 : vector<2000x128xf32>
    %get3A_19 = arith.constant 0 : index
    %get3A_20 = arith.constant 0 : index
    %get3A_21 = vector.load %arg6[%get3A_19, %get3A_20] : memref<1x128xf32, #tpu.memory_space<vmem>>, vector<1x128xf32>
    %mul3A_22 = arith.constant 0.999994993 : f32
    %mul3A_23 = vector.broadcast %mul3A_22 : f32 to vector<1x128xf32>
    %mul3A_24 = arith.mulf %get3A_21, %mul3A_23 : vector<1x128xf32>
    %mul3A_25 = vector.broadcast %mul3A_24 : vector<1x128xf32> to vector<2000x128xf32>
    %mul3A_26 = arith.mulf %add3A_18, %mul3A_25 : vector<2000x128xf32>
    %get3A_27 = arith.constant 0 : index
    %get3A_28 = arith.constant 0 : index
    %get3A_29 = vector.load %arg7[%get3A_27, %get3A_28] : memref<1x128xf32, #tpu.memory_space<vmem>>, vector<1x128xf32>
    %add3A_30 = vector.broadcast %get3A_29 : vector<1x128xf32> to vector<2000x128xf32>
    %add3A_31 = arith.addf %mul3A_26, %add3A_30 : vector<2000x128xf32>
    %max3A = arith.constant 0.000000e+00 : f32
    %max3A_32 = vector.broadcast %max3A : f32 to vector<2000x128xf32>
    %max3A_33 = arith.maximumf %add3A_31, %max3A_32 : vector<2000x128xf32>
    %get3A_34 = arith.constant 0 : index
    %get3A_35 = arith.constant 0 : index
    %get3A_36 = vector.load %arg3[%get3A_34, %get3A_35] : memref<2000x128xf32, #tpu.memory_space<vmem>>, vector<2000x128xf32>
    %add3A_37 = arith.addf %max3A_33, %get3A_36 : vector<2000x128xf32>
    %swap3A = arith.constant 0 : index
    %swap3A_38 = arith.constant 0 : index
    %swap3A_39 = vector.load %arg9[%swap3A, %swap3A_38] : memref<2000x128xf32, #tpu.memory_space<vmem>>, vector<2000x128xf32>
    tpu.vector_store %arg9[%swap3A, %swap3A_38], %add3A_37 {strides = array<i32>} : memref<2000x128xf32, #tpu.memory_space<vmem>>, vector<2000x128xf32>,
    %get3A_40 = arith.constant 0 : index
    %get3A_41 = arith.constant 0 : index
    %get3A_42 = vector.load %arg8[%get3A_40, %get3A_41] : memref<128x128xf32, #tpu.memory_space<vmem>>, vector<128x128xf32>
    %dot_general3A = arith.constant dense<0.000000e+00> : vector<2000x128xf32>
    %dot_general3A_43 = tpu.matmul %add3A_37, %get3A_42, %dot_general3A {dimension_numbers = #tpu.dot_dimension_numbers<[1], [0], [0], [1], [0, 0, 1, 1], [], []>, transpose_lhs_hint = false} : vector<2000x128xf32>, vector<128x128xf32>, vector<2000x128xf32> -> vector<2000x128xf32>
    %mul3A_44 = arith.mulf %get3A_5, %dot_general3A_43 : vector<2000x128xf32>
    %convert_element_type3A_45 = arith.truncf %mul3A_44 : vector<2000x128xf32> to vector<2000x128xbf16>
    %swap3A_46 = arith.constant 0 : index
    %swap3A_47 = arith.constant 0 : index
    %swap3A_48 = vector.load %arg10[%swap3A_46, %swap3A_47] : memref<2000x128xbf16, #tpu.memory_space<vmem>>, vector<2000x128xbf16>
    tpu.vector_store %arg10[%swap3A_46, %swap3A_47], %convert_element_type3A_45 {strides = array<i32>} : memref<2000x128xbf16, #tpu.memory_space<vmem>>, vector<2000x128xbf16>,
    return
  }
  func.func @transform_0(%arg0: i32) -> (i32, i32, i32) {
    %c0_i32 = arith.constant 0 : i32
    %c0_i32_0 = arith.constant 0 : i32
    %c0_i32_1 = arith.constant 0 : i32
    return %c0_i32, %arg0, %c0_i32_0 : i32, i32, i32
  }
  func.func @transform_1(%arg0: i32) -> (i32, i32) {
    %c0_i32 = arith.constant 0 : i32
    %c0_i32_0 = arith.constant 0 : i32
    return %arg0, %c0_i32 : i32, i32
  }
  func.func @transform_2(%arg0: i32) -> (i32, i32) {
    %c0_i32 = arith.constant 0 : i32
    %c0_i32_0 = arith.constant 0 : i32
    return %arg0, %c0_i32 : i32, i32
  }
  func.func @transform_3(%arg0: i32) -> (i32, i32) {
    %c0_i32 = arith.constant 0 : i32
    %c0_i32_0 = arith.constant 0 : i32
    return %arg0, %c0_i32 : i32, i32
  }
  func.func @transform_4(%arg0: i32) -> (i32, i32) {
    %c0_i32 = arith.constant 0 : i32
    %c0_i32_0 = arith.constant 0 : i32
    %c0_i32_1 = arith.constant 0 : i32
    return %c0_i32, %c0_i32_0 : i32, i32
  }
  func.func @transform_5(%arg0: i32) -> (i32, i32) {
    %c0_i32 = arith.constant 0 : i32
    %c0_i32_0 = arith.constant 0 : i32
    %c0_i32_1 = arith.constant 0 : i32
    return %c0_i32, %c0_i32_0 : i32, i32
  }
  func.func @transform_6(%arg0: i32) -> (i32, i32) {
    %c0_i32 = arith.constant 0 : i32
    %c0_i32_0 = arith.constant 0 : i32
    %c0_i32_1 = arith.constant 0 : i32
    return %c0_i32, %c0_i32_0 : i32, i32
  }
  func.func @transform_7(%arg0: i32) -> (i32, i32) {
    %c0_i32 = arith.constant 0 : i32
    %c0_i32_0 = arith.constant 0 : i32
    %c0_i32_1 = arith.constant 0 : i32
    return %c0_i32, %c0_i32_0 : i32, i32
  }
  func.func @transform_8(%arg0: i32) -> (i32, i32) {
    %c0_i32 = arith.constant 0 : i32
    %c0_i32_0 = arith.constant 0 : i32
    return %arg0, %c0_i32 : i32, i32
  }
  func.func @transform_9(%arg0: i32) -> (i32, i32) {
    %c0_i32 = arith.constant 0 : i32
    %c0_i32_0 = arith.constant 0 : i32
    return %arg0, %c0_i32 : i32, i32
  }
}

module attributes {stable_mosaic.version = 14 : i64} {
  func.func @_final_body(%arg0: i32, %arg1: memref<2x2000x128xbf16, #tpu.memory_space<vmem>>, %arg2: memref<2000x128xbf16, #tpu.memory_space<vmem>>, %arg3: memref<2000x128xf32, #tpu.memory_space<vmem>>, %arg4: memref<1x128xf32, #tpu.memory_space<vmem>>, %arg5: memref<2000x128xf32, #tpu.memory_space<vmem>>) attributes {dimension_semantics = [#tpu.dimension_semantics<arbitrary>], iteration_bounds = array<i64: 5>, scalar_prefetch = 0 : i64, scratch_operands = 0 : i64, tpu.core_type = #tpu.core_type<tc>, window_params = [{transform_indices = @transform_0, window_bounds = array<i64: 2, 2000, 128>}, {transform_indices = @transform_1, window_bounds = array<i64: 2000, 128>}, {transform_indices = @transform_2, window_bounds = array<i64: 2000, 128>}, {pipeline_mode = #tpu.pipeline_mode<synchronous>, transform_indices = @transform_3, window_bounds = array<i64: 1, 128>}, {transform_indices = @transform_4, window_bounds = array<i64: 2000, 128>}]} {
    %get3A = arith.constant 0 : index
    %get3A_0 = arith.constant 0 : index
    %get3A_1 = arith.constant 0 : index
    %get3A_2 = vector.load %arg1[%get3A, %get3A_0, %get3A_1] : memref<2x2000x128xbf16, #tpu.memory_space<vmem>>, vector<2x2000x128xbf16>
    %slice3A = vector.extract_strided_slice %get3A_2 {offsets = [0, 0, 0], sizes = [1, 2000, 128], strides = [1, 1, 1]} : vector<2x2000x128xbf16> to vector<1x2000x128xbf16>
    %squeeze3A = vector.shape_cast %slice3A : vector<1x2000x128xbf16> to vector<2000x128xbf16>
    %convert_element_type3A = arith.extf %squeeze3A : vector<2000x128xbf16> to vector<2000x128xf32>
    %slice3A_3 = vector.extract_strided_slice %get3A_2 {offsets = [1, 0, 0], sizes = [1, 2000, 128], strides = [1, 1, 1]} : vector<2x2000x128xbf16> to vector<1x2000x128xbf16>
    %squeeze3A_4 = vector.shape_cast %slice3A_3 : vector<1x2000x128xbf16> to vector<2000x128xbf16>
    %convert_element_type3A_5 = arith.extf %squeeze3A_4 : vector<2000x128xbf16> to vector<2000x128xf32>
    %add3A = arith.addf %convert_element_type3A, %convert_element_type3A_5 : vector<2000x128xf32>
    %get3A_6 = arith.constant 0 : index
    %get3A_7 = arith.constant 0 : index
    %get3A_8 = vector.load %arg3[%get3A_6, %get3A_7] : memref<2000x128xf32, #tpu.memory_space<vmem>>, vector<2000x128xf32>
    %get3A_9 = arith.constant 0 : index
    %get3A_10 = arith.constant 0 : index
    %get3A_11 = vector.load %arg2[%get3A_9, %get3A_10] : memref<2000x128xbf16, #tpu.memory_space<vmem>>, vector<2000x128xbf16>
    %convert_element_type3A_12 = arith.extf %get3A_11 : vector<2000x128xbf16> to vector<2000x128xf32>
    %add3A_13 = arith.addf %add3A, %convert_element_type3A_12 : vector<2000x128xf32>
    %mul3A = arith.mulf %get3A_8, %add3A_13 : vector<2000x128xf32>
    %get3A_14 = arith.constant 0 : index
    %get3A_15 = arith.constant 0 : index
    %get3A_16 = vector.load %arg4[%get3A_14, %get3A_15] : memref<1x128xf32, #tpu.memory_space<vmem>>, vector<1x128xf32>
    %add3A_17 = vector.broadcast %get3A_16 : vector<1x128xf32> to vector<2000x128xf32>
    %add3A_18 = arith.addf %mul3A, %add3A_17 : vector<2000x128xf32>
    %swap3A = arith.constant 0 : index
    %swap3A_19 = arith.constant 0 : index
    %swap3A_20 = vector.load %arg5[%swap3A, %swap3A_19] : memref<2000x128xf32, #tpu.memory_space<vmem>>, vector<2000x128xf32>
    tpu.vector_store %arg5[%swap3A, %swap3A_19], %add3A_18 {strides = array<i32>} : memref<2000x128xf32, #tpu.memory_space<vmem>>, vector<2000x128xf32>,
    return
  }
  func.func @transform_0(%arg0: i32) -> (i32, i32, i32) {
    %c0_i32 = arith.constant 0 : i32
    %c0_i32_0 = arith.constant 0 : i32
    %c0_i32_1 = arith.constant 0 : i32
    return %c0_i32, %arg0, %c0_i32_0 : i32, i32, i32
  }
  func.func @transform_1(%arg0: i32) -> (i32, i32) {
    %c0_i32 = arith.constant 0 : i32
    %c0_i32_0 = arith.constant 0 : i32
    return %arg0, %c0_i32 : i32, i32
  }
  func.func @transform_2(%arg0: i32) -> (i32, i32) {
    %c0_i32 = arith.constant 0 : i32
    %c0_i32_0 = arith.constant 0 : i32
    return %arg0, %c0_i32 : i32, i32
  }
  func.func @transform_3(%arg0: i32) -> (i32, i32) {
    %c0_i32 = arith.constant 0 : i32
    %c0_i32_0 = arith.constant 0 : i32
    %c0_i32_1 = arith.constant 0 : i32
    return %c0_i32, %c0_i32_0 : i32, i32
  }
  func.func @transform_4(%arg0: i32) -> (i32, i32) {
    %c0_i32 = arith.constant 0 : i32
    %c0_i32_0 = arith.constant 0 : i32
    return %arg0, %c0_i32 : i32, i32
  }
}

</mosaic_0001>

<sc_bundles>
// kernel: kernel.11.cloned.1.call-start
scs
__scs_entry_jumppad:
0x0: {  	(pc) =	sbr.rel $0x88, $3  }
0x1: {  	(tag) =	ssettag $0x0;
	lr =	simm.s32 $0x1  }
0x2: {  	[smem:$0x3F95] =	sst lr;
	_ =	strace $0xD0000000  }
0x3: {  	_ = 	snop  }
0x4: {  	_ = 	snop  }
0x5: {  	_ = 	snop  }
0x6: {  	_ = 	snop  }
0x7: {  	_ = 	snop  }
__scs_overlays_trampoline_lowered:
0x8: {  	[smem:$0x3FA4] =	sst s0  }
0x9: {  	[smem:$0x3FA5] =	sst s1  }
0xa: {  	[smem:$0x3FA6] =	sst s2  }
0xb: {  	[smem:$0x3FA7] =	sst s3  }
0xc: {  	[smem:$0x3FA8] =	sst s4  }
0xd: {  	[smem:$0x3FA9] =	sst s5  }
0xe: {  	[smem:$0x3FAA] =	sst s6  }
0xf: {  	[smem:$0x3FAB] =	sst s7  }
0x10: {  	[smem:$0x3FAC] =	sst s8  }
0x11: {  	[smem:$0x3FAD] =	sst s9;
	s0 =	simm.s32 @!p0 $0x0  }
0x12: {  	s1 =	sld [smem:$0x3F93];
	s0 =	simm.s32 @p0 $0x1  }
0x13: {  	[smem:$0x3FAE] =	sst s0;
	s0 =	simm.s32 @!p1 $0x0  }
0x14: {  	s2 =	sld [smem:$0x3F92];
	s0 =	simm.s32 @p1 $0x1  }
0x15: {  	[smem:$0x3FAF] =	sst s0;
	s0 =	simm.s32 @!p2 $0x0  }
0x16: {  	s3 =	sld [smem:$0x3FDB];
	s0 =	simm.s32 @p2 $0x1  }
0x17: {  	s4 =	simm.s32 $0x1BF5;
	[smem:$0x3FB1] =	sst s0  }
0x18: {  	s0 =	sld [smem:$0x3F94];
	_ =	swait.ge [sflag:s4], $0x0  }
0x19: {  	s7 =	sld [smem:$0x3F95]  }
0x1a: {  	s8 =	sadd.s32 $0xFFFFE003, lr  }
0x1b: {  	s9 =	sadd.s32 $0xFFFFFEF7, lr;
	s5 =	simm.s32 $0xFFFFFFFF;
	p2 =	slt.u32 s8, $0xFFFFF086  }
0x1c: {  	p1 =	slt.u32 s9, $0xF7A;
	s5 =	simm.s32 @!p2 $0x0  }
0x1d: {  	s5 =	simm.s32 @p1 $0x1;
	p0 =	seq.s32 s7, s2  }
0x1e: {  	s7 =	smul.u32 @!p0 $0xF7A, s2;
	p2 =	seq.s32 @!p0 s5, $0x0  }
0x1f: {  	s9 =	smul.u32 $0xF7A, s1;
	s8 =	simm.s32 @!p0 $0x1BF5;
	p2 =	por !p2, p0  }
0x20: {  	[sflag:s8] =	ssyncset.s32 @!p0 $0xFFFFF086;
	s6 =	sadd.s32 @!p0 s3, s7;
	s7 =	simm.s32 @!p0 $0x108  }
0x21: {  	s3 =	sadd.s32 s3, s9;
	s6 =	sadd.s32 @!p0 $0x88, s6;
	s7 =	simm.s32 @p2 $0x1082  }
0x22: {  	[simem:s7], [sflag:s8] =	dma.local @!p0 [hbm:s6], $0xF7A  }
0x23: {  	s9 =	sor.u32 $0xD0000000, s2;
	s6 =	simm.s32 $0x108;
	_ =	swait.ge @!p0 [sflag:s8], $0x0  }
0x24: {  	s3 =	sadd.s32 $0x88, s3;
	s6 =	simm.s32 @!p1 $0x1082;
	[sflag:s4] =	ssyncset.s32 $0xFFFFF086  }
0x25: {  	[simem:s6], [sflag:s4] =	dma.local [hbm:s3], $0xF7A  }
0x26: {  	[smem:$0x3F95] =	sst s1;
	(tag) =	ssettag s2;
	_ =	strace s9  }
0x27: {  	s1 =	sld [smem:$0x3FA5]  }
0x28: {  	s2 =	sld [smem:$0x3FA6]  }
0x29: {  	s4 =	sld [smem:$0x3FA8]  }
0x2a: {  	p0 =	seq.s32 s5, $0x0;
	s5 =	sld [smem:$0x3FA9]  }
0x2b: {  	s6 =	sld [smem:$0x3FAA]  }
0x2c: {  	s7 =	sld [smem:$0x3FAB]  }
0x2d: {  	s3 =	simm.s32 $0x108;
	s8 =	sld [smem:$0x3FAC]  }
0x2e: {  	s3 =	simm.s32 @!p0 $0x1082;
	s9 =	sld [smem:$0x3FAD]  }
0x2f: {  	lr =	sadd.s32 s0, s3;
	s0 =	sld [smem:$0x3FA4]  }
0x30: {  	s3 =	sld [smem:$0x3FA7]  }
0x31: {  	[smem:$0x3FB0] =	sst s10  }
0x32: {  	s10 =	sld [smem:$0x3FAE];
	_ =	sdelay $0x3  }
0x33: {  	p0 =	seq.s32 s10, $0x1;
	s10 =	sld [smem:$0x3FB0];
	_ =	sdelay $0x3  }
0x34: {  	[smem:$0x3FB0] =	sst s10  }
0x35: {  	s10 =	sld [smem:$0x3FAF];
	_ =	sdelay $0x3  }
0x36: {  	p1 =	seq.s32 s10, $0x1;
	s10 =	sld [smem:$0x3FB0];
	_ =	sdelay $0x3  }
0x37: {  	[smem:$0x3FB0] =	sst s10  }
0x38: {  	s10 =	sld [smem:$0x3FB1]  }
0x39: {  	_ = 	snop;
	(pc) =	sbr.ind lr, $3  }
0x3a: {  	_ = 	snop  }
0x3b: {  	_ = 	snop  }
0x3c: {  	p2 =	seq.s32 s10, $0x1;
	s10 =	sld [smem:$0x3FB0]  }
0x3d: {  	_ =	shalt  }
0x3e: {  	_ =	shalt  }
0x3f: {  	_ =	shalt  }
0x40: {  	_ =	shalt  }
0x41: {  	_ =	shalt  }
0x42: {  	_ =	shalt  }
0x43: {  	_ =	shalt  }
0x44: {  	_ =	shalt  }
0x45: {  	_ =	shalt  }
0x46: {  	_ =	shalt  }
0x47: {  	_ =	shalt  }
0x48: {  	_ =	shalt  }
0x49: {  	_ =	shalt  }
0x4a: {  	_ =	shalt  }
0x4b: {  	_ =	shalt  }
0x4c: {  	_ =	shalt  }
0x4d: {  	_ =	shalt  }
0x4e: {  	_ =	shalt  }
0x4f: {  	_ =	shalt  }
0x50: {  	_ =	shalt  }
0x51: {  	_ =	shalt  }
0x52: {  	_ =	shalt  }
0x53: {  	_ =	shalt  }
0x54: {  	_ =	shalt  }
0x55: {  	_ =	shalt  }
0x56: {  	_ =	shalt  }
0x57: {  	_ =	shalt  }
0x58: {  	_ =	shalt  }
0x59: {  	_ =	shalt  }
0x5a: {  	_ =	shalt  }
0x5b: {  	_ =	shalt  }
0x5c: {  	_ =	shalt  }
0x5d: {  	_ =	shalt  }
0x5e: {  	_ =	shalt  }
0x5f: {  	_ =	shalt  }
0x60: {  	_ =	shalt  }
0x61: {  	_ =	shalt  }
0x62: {  	_ =	shalt  }
0x63: {  	_ =	shalt  }
0x64: {  	_ =	shalt  }
0x65: {  	_ =	shalt  }
0x66: {  	_ =	shalt  }
0x67: {  	_ =	shalt  }
0x68: {  	_ =	shalt  }
0x69: {  	_ =	shalt  }
0x6a: {  	_ =	shalt  }
0x6b: {  	_ =	shalt  }
0x6c: {  	_ =	shalt  }
0x6d: {  	_ =	shalt  }
0x6e: {  	_ =	shalt  }
0x6f: {  	_ =	shalt  }
0x70: {  	_ =	shalt  }
0x71: {  	_ =	shalt  }
0x72: {  	_ =	shalt  }
0x73: {  	_ =	shalt  }
0x74: {  	_ =	shalt  }
0x75: {  	_ =	shalt  }
0x76: {  	_ =	shalt  }
0x77: {  	_ =	shalt  }
0x78: {  	_ =	shalt  }
0x79: {  	_ =	shalt  }
0x7a: {  	_ =	shalt  }
0x7b: {  	_ =	shalt  }
0x7c: {  	_ =	shalt  }
0x7d: {  	_ =	shalt  }
0x7e: {  	_ =	shalt  }
0x7f: {  	_ =	shalt  }
0x80: {  	_ =	shalt  }
0x81: {  	_ =	shalt  }
0x82: {  	_ =	shalt  }
0x83: {  	_ =	shalt  }
0x84: {  	_ =	shalt  }
0x85: {  	_ =	shalt  }
0x86: {  	_ =	shalt  }
0x87: {  	_ =	shalt  }
.Lfunc_end0:
.L_simem_size_0:
called_computation_lowered:
.L_overlay_start_0:
0x88: {  	s2 =	sld [smem:$0x3FD9]  }
0x89: {  	s3 =	sld [smem:$0x3FFE];
	_ =	sdelay $0x1  }
0x8a: {  	s1 =	srdreg.scid  }
0x8b: {  	s0 =	sand.u32 $0x1, s1  }
0x8c: {  	s17 =	sshll.u32 s0, $0xA;
	s2 =	sadd.s32 s3, s2  }
0x8d: {  	s2 =	sadd.s32 s2, s17  }
0x8e: {  	[smem:$0x3FBC] =	sst s2  }
0x8f: {  	_ = 	snop  }
0x90: {  	s2 =	sld [smem:$0x3FD0];
	(tm) =	ssettm $0x1  }
0x91: {  	s18 =	sld [smem:$0x3FFB];
	_ =	sdelay $0x3  }
0x92: {  	_ =	strace s18  }
0x93: {  	s3 =	sld [smem:$0x3FFC];
	_ =	sdelay $0x3  }
0x94: {  	_ =	strace s3  }
0x95: {  	s3 =	sld [smem:$0x3FFD];
	_ =	sdelay $0x3  }
0x96: {  	_ =	strace s3  }
0x97: {  	_ =	strace $0x8FFFFFFF  }
0x98: {  	s19 =	sld [smem:$0x3FDB];
	_ =	sdelay $0x1  }
0x99: {  	s4 =	simm.s32 $_scs_section_size  }
0x9a: {  	s5 =	simm.s32 $_size__tile_overlayer_lowered;
	s6 =	simm.s32 $_tile_overlayer_lowered  }
0x9b: {  	s22 =	simm.s32 $0x1BFF;
	s21 =	sshll.u32 s6, $0x1;
	s3 =	sadd.s32 s4, s19  }
0x9c: {  	s7 =	simm.s32 $0x0;
	s20 =	sshll.u32 s5, $0x1;
	s5 =	sadd.s32 s21, s3  }
0x9d: {  	[timem:s7], [sflag:s22] =	dma.local [hbm:s5], s20  }
0x9e: {  	_ =	swait.ge [sflag:s22], s20  }
0x9f: {  	s4 =	ssub.s32 $0x0, s20;
	[sflag:s22] =	ssyncset.done $0x0  }
0xa0: {  	[sflag:s22] =	ssyncadd.s32 s4;
	_ =	sdelay $0x1  }
0xa1: {  	s23 =	simm.s32 $0x1B8B  }
0xa2: {  	_ =	swait.ge [sflag:s23], $0x1  }
0xa3: {  	[sflag:s23] =	ssyncset.done $0x0  }
0xa4: {  	s25 =	simm.s32 $0x1B8E;
	s24 =	sld [smem:$0x3FFE];
	[sflag:s23] =	ssyncadd.s32 $0xFFFFFFFF  }
0xa5: {  	s26 =	simm.s32 $execute0_lowered;
	[smem:$0x3FD2] =	sst s25  }
0xa6: {  	s5 =	sshll.u32 s26, $0x1;
	_ =	strace $0x80000046;
	[dreg:$0x1] =	wrdreg $0xFFFFFFFF  }
0xa7: {  	s28 =	simm.s32 $_size_execute0_lowered;
	s3 =	sadd.s32 s3, s5;
	[dreg:$0x0] =	wrdreg $0x0  }
0xa8: {  	s5 =	sshll.u32 s28, $0x1;
	[dreg:$0x2] =	wrdreg s3  }
0xa9: {  	[dreg:$0x3] =	wrdreg s5  }
0xaa: {  	[dreg:$0x4] =	wrdreg $0xC0  }
0xab: {  	_ =	task [dreg:s7], $0x5FFFF  }
0xac: {  	[dreg:$0x1] =	wrdreg $0xFFFFFFFF  }
0xad: {  	[dreg:$0x0] =	wrdreg $0x60  }
0xae: {  	[dreg:$0x2] =	wrdreg s24  }
0xaf: {  	[dreg:$0x3] =	wrdreg s2  }
0xb0: {  	[dreg:$0x4] =	wrdreg $0x30000  }
0xb1: {  	[dreg:$0x5] =	wrdreg $0x9  }
0xb2: {  	_ =	task.clear_ibuf [dreg:s7], $0x6FFFF;
	_ =	strace $0x90000046  }
0xb3: {  	s29 =	simm.s32 $0x9;
	_ =	strace $0x80000048  }
0xb4: {  	_ =	swait.ge [sflag:s29], $0x1  }
0xb5: {  	[sflag:s29] =	ssyncadd.s32 $0xFFFFFFFF  }
0xb6: {  	_ =	strace $0x90000048  }
0xb7: {  	_ =	sfence  }
0xb8: {  	s30 =	sld [smem:$0x0];
	_ =	sdelay $0x2  }
0xb9: {  	s31 =	sshll.u32 s1, $0xD;
	s1 =	sshrl.u32 s1, $0x2  }
0xba: {  	s3 =	sand.u32 $0x4000, s31;
	s1 =	sadd.s32 s1, s30  }
0xbb: {  	s0 =	sor.u32 s3, s0;
	s1 =	sshll.u32 s1, $0x11  }
0xbc: {  	s0 =	sor.u32 s1, s0  }
0xbd: {  	s0 =	sadd.s32 $0x8F2B, s0  }
0xbe: {  	[sflag:s0] =	ssyncadd.remote.s32 $0x1  }
0xbf: {  	_ =	sfence.sel $0xFFFF  }
0xc0: {  	[dreg:$0x0] =	wrdreg $0xFFFFFFFF;
	(pc) =	sbr.abs _section_cstart, $3  }
0xc1: {  	[dreg:$0x1] =	wrdreg $0xFFFFFFFF  }
0xc2: {  	_ =	task.clear_ibuf [dreg:s7], $0x2FFFF;
	_ =	strace $0x9FFFFFFF  }
0xc3: {  	(tm) =	ssettm $0x7FFFFFFF  }
tec
execute0_lowered:
.L_overlay_start_1:
0x0: {  	(tag) =	ssettag $0x1  }
0x1: {  	s5 =	rddreg [dreg:$0x0]  }
0x2: {  	s7 =	rddreg [dreg:$0x1]  }
0x3: {  	s0 =	srdreg.scid;
	s2 =	rddreg [dreg:$0x2]  }
0x4: {  	s3 =	simm.s32 $0x0;
	s6 =	sand.u32 $0x1, s0;
	s0 =	stileid.u32  }
0x5: {  	s14 =	simm.s32 $0x1;
	s15 =	simm.s32 $0x0;
	s8 =	smul.u32 $0x2800, s0  }
0x6: {  	[smem:$0x7FF] =	sst s3;
	s1 =	sshll.u32 s6, $0x4;
	s10 =	smul.u32 $0x28000, s6  }
0x7: {  	s6 =	ssub.s32 $0x2, s6;
	s31 =	sshll.u32 s0, $0x6;
	s4 =	sor.u32 s0, s1  }
0x8: {  	s1 =	rddreg [dreg:$0x3];
	_ =	strace $0x80000047;
	s29 =	sshrl.u32 s6, $0x1  }
0x9: {  	s4 =	smul.u32 $0x500, s4;
	s11 =	sshrl.u32 s8, $0x3;
	s10 =	sadd.s32 s8, s10  }
0xa: {  	s12 =	ssub.s32 s6, s29;
	s13 =	sadd.s32 s8, s2;
	s11 =	sadd.s32 s11, s5  }
0xb: {  	s30 =	sshrl.u32 s10, $0x3;
	s8 =	smax.u32 s12, $0x1;
	s10 =	simm.s32 $0x2  }
0xc: {  	s12 =	sshrl.u32 s13, $0x3;
	s13 =	simm.s32 $0x80;
	s9 =	sadd.s32 s4, s5  }
0xd: {  	s4 =	sadd.s32 $0x17600, s5;
	s6 =	sadd.s32 $0x17800, s11;
	s7 =	sadd.s32 s7, s30  }
0xe: {  	s11 =	sor.u32 $0x1C02, s31;
	s5 =	sadd.s32 $0xD600, s9;
	s9 =	simm.s32 $0x2800  }
.LBB2_1:
0xf: {  	[tilespmem:s9], [sflag:$0x2] =	stream.linear.gather [hbm4b:s4+s3], $0x800, $0x38;
	[tilespmem:$0x5800] =	vst v63  }
0x10: {  	_ =	swait.ge [sflag:s10], $0x800  }
0x11: {  	[sflag:s10] =	ssyncset.done $0x0  }
0x12: {  	[sflag:s10] =	ssyncadd.s32 $0xFFFFF800  }
0x13: {  	[tilespmem:s3], [sflag:$0x2] =	stream.linear.gather [hbm4b:s5+s3], $0x2800, $0x38;
	[tilespmem:$0x5800] =	vst v63  }
0x14: {  	_ =	swait.ge [sflag:s10], $0x2800  }
0x15: {  	[sflag:s10] =	ssyncset.done $0x0  }
0x16: {  	[sflag:s10] =	ssyncadd.s32 $0xFFFFD800  }
0x17: {  	[spmem:s12], [sflag:s11] =	dma.local [hbm:s6], $0x500  }
0x18: {  	_ =	swait.ge [sflag:s10], $0x500  }
0x19: {  	[sflag:s10] =	ssyncset.done $0x0  }
0x1a: {  	[sflag:s10] =	ssyncadd.s32 $0xFFFFFB00  }
0x1b: {  	s16 =	simm.s32 $0x0;
	[bflag:$0x0] =	sbarrier.arrive $0xFFFF  }
0x1c: {  	[spmem:s2] =	stream.indirect.scatter.add.f32 [tilespmem:s9], [sflag:$0x1], $0x10, s16, s13, $0xb8;
	[tilespmem:$0x5800] =	vst v63  }
0x1d: {  	s24 =	simm.s32 $0x80  }
0x1e: {  	[spmem:s2] =	stream.indirect.scatter.add.f32 [tilespmem:s9], [sflag:$0x1], $0x10, s24, s13, $0xb8;
	[tilespmem:$0x5800] =	vst v63  }
0x1f: {  	s25 =	simm.s32 $0x100  }
0x20: {  	[spmem:s2] =	stream.indirect.scatter.add.f32 [tilespmem:s9], [sflag:$0x1], $0x10, s25, s13, $0xb8;
	[tilespmem:$0x5800] =	vst v63  }
0x21: {  	s26 =	simm.s32 $0x180  }
0x22: {  	[spmem:s2] =	stream.indirect.scatter.add.f32 [tilespmem:s9], [sflag:$0x1], $0x10, s26, s13, $0xb8;
	[tilespmem:$0x5800] =	vst v63  }
0x23: {  	s28 =	simm.s32 $0x200  }
0x24: {  	[spmem:s2] =	stream.indirect.scatter.add.f32 [tilespmem:s9], [sflag:$0x1], $0x10, s28, s13, $0xb8;
	[tilespmem:$0x5800] =	vst v63  }
0x25: {  	s29 =	simm.s32 $0x280  }
0x26: {  	[spmem:s2] =	stream.indirect.scatter.add.f32 [tilespmem:s9], [sflag:$0x1], $0x10, s29, s13, $0xb8;
	[tilespmem:$0x5800] =	vst v63  }
0x27: {  	s30 =	simm.s32 $0x300  }
0x28: {  	[spmem:s2] =	stream.indirect.scatter.add.f32 [tilespmem:s9], [sflag:$0x1], $0x10, s30, s13, $0xb8;
	[tilespmem:$0x5800] =	vst v63  }
0x29: {  	s31 =	simm.s32 $0x380  }
0x2a: {  	[spmem:s2] =	stream.indirect.scatter.add.f32 [tilespmem:s9], [sflag:$0x1], $0x10, s31, s13, $0xb8;
	[tilespmem:$0x5800] =	vst v63  }
0x2b: {  	_ =	swait.ge [sflag:s14], $0x800  }
0x2c: {  	[sflag:s14] =	ssyncset.done $0x0  }
0x2d: {  	[sflag:s14] =	ssyncadd.s32 $0xFFFFF800  }
0x2e: {  	_ =	swait.ge [sflag:s14], $0x800  }
0x2f: {  	[sflag:s14] =	ssyncset.done $0x0  }
0x30: {  	[sflag:s14] =	ssyncadd.s32 $0xFFFFF800  }
0x31: {  	_ =	swait.ge [sflag:s14], $0x800  }
0x32: {  	[sflag:s14] =	ssyncset.done $0x0  }
0x33: {  	[sflag:s14] =	ssyncadd.s32 $0xFFFFF800  }
0x34: {  	_ =	swait.ge [sflag:s14], $0x800  }
0x35: {  	[sflag:s14] =	ssyncset.done $0x0  }
0x36: {  	[sflag:s14] =	ssyncadd.s32 $0xFFFFF800  }
0x37: {  	_ =	swait.ge [sflag:s14], $0x800  }
0x38: {  	[sflag:s14] =	ssyncset.done $0x0  }
0x39: {  	[sflag:s14] =	ssyncadd.s32 $0xFFFFF800  }
0x3a: {  	_ =	swait.ge [sflag:s14], $0x800  }
0x3b: {  	[sflag:s14] =	ssyncset.done $0x0  }
0x3c: {  	[sflag:s14] =	ssyncadd.s32 $0xFFFFF800  }
0x3d: {  	_ =	swait.ge [sflag:s14], $0x800  }
0x3e: {  	[sflag:s14] =	ssyncset.done $0x0  }
0x3f: {  	[sflag:s14] =	ssyncadd.s32 $0xFFFFF800  }
0x40: {  	_ =	swait.ge [sflag:s14], $0x800  }
0x41: {  	s18 =	simm.s32 $0x2000;
	s16 =	simm.s32 $0x1000;
	[sflag:s14] =	ssyncset.done $0x0  }
.LBB2_2:
0x42: {  	s19 =	sshra.s32 s16, $0x2  }
0x43: {  	[sflag:s14] =	ssyncadd.s32 $0xFFFFF800;
	s16 =	smov.u32 s18;
	s17 =	sadd.s32 $0x1000, s18  }
0x44: {  	[spmem:s2] =	stream.indirect.scatter.add.f32 [tilespmem:s9], [sflag:$0x1], $0x10, s19, s13, $0xb8;
	[tilespmem:$0x5800] =	vst v63  }
0x45: {  	p0 =	sne.s32 s18, $0x9000;
	s18 =	sadd.s32 $0x80, s19  }
0x46: {  	[spmem:s2] =	stream.indirect.scatter.add.f32 [tilespmem:s9], [sflag:$0x1], $0x10, s18, s13, $0xb8;
	[tilespmem:$0x5800] =	vst v63  }
0x47: {  	s18 =	sadd.s32 $0x100, s19  }
0x48: {  	[spmem:s2] =	stream.indirect.scatter.add.f32 [tilespmem:s9], [sflag:$0x1], $0x10, s18, s13, $0xb8;
	[tilespmem:$0x5800] =	vst v63  }
0x49: {  	s18 =	sadd.s32 $0x180, s19  }
0x4a: {  	[spmem:s2] =	stream.indirect.scatter.add.f32 [tilespmem:s9], [sflag:$0x1], $0x10, s18, s13, $0xb8;
	[tilespmem:$0x5800] =	vst v63  }
0x4b: {  	s18 =	sadd.s32 $0x200, s19  }
0x4c: {  	[spmem:s2] =	stream.indirect.scatter.add.f32 [tilespmem:s9], [sflag:$0x1], $0x10, s18, s13, $0xb8;
	[tilespmem:$0x5800] =	vst v63  }
0x4d: {  	s18 =	sadd.s32 $0x280, s19  }
0x4e: {  	[spmem:s2] =	stream.indirect.scatter.add.f32 [tilespmem:s9], [sflag:$0x1], $0x10, s18, s13, $0xb8;
	[tilespmem:$0x5800] =	vst v63  }
0x4f: {  	s18 =	sadd.s32 $0x300, s19  }
0x50: {  	[spmem:s2] =	stream.indirect.scatter.add.f32 [tilespmem:s9], [sflag:$0x1], $0x10, s18, s13, $0xb8;
	[tilespmem:$0x5800] =	vst v63  }
0x51: {  	s18 =	sadd.s32 $0x380, s19  }
0x52: {  	[spmem:s2] =	stream.indirect.scatter.add.f32 [tilespmem:s9], [sflag:$0x1], $0x10, s18, s13, $0xb8;
	[tilespmem:$0x5800] =	vst v63  }
0x53: {  	_ =	swait.ge [sflag:s14], $0x800  }
0x54: {  	[sflag:s14] =	ssyncset.done $0x0  }
0x55: {  	[sflag:s14] =	ssyncadd.s32 $0xFFFFF800  }
0x56: {  	_ =	swait.ge [sflag:s14], $0x800  }
0x57: {  	[sflag:s14] =	ssyncset.done $0x0  }
0x58: {  	[sflag:s14] =	ssyncadd.s32 $0xFFFFF800  }
0x59: {  	_ =	swait.ge [sflag:s14], $0x800  }
0x5a: {  	[sflag:s14] =	ssyncset.done $0x0  }
0x5b: {  	[sflag:s14] =	ssyncadd.s32 $0xFFFFF800  }
0x5c: {  	_ =	swait.ge [sflag:s14], $0x800  }
0x5d: {  	[sflag:s14] =	ssyncset.done $0x0  }
0x5e: {  	[sflag:s14] =	ssyncadd.s32 $0xFFFFF800  }
0x5f: {  	_ =	swait.ge [sflag:s14], $0x800  }
0x60: {  	[sflag:s14] =	ssyncset.done $0x0  }
0x61: {  	[sflag:s14] =	ssyncadd.s32 $0xFFFFF800  }
0x62: {  	_ =	swait.ge [sflag:s14], $0x800  }
0x63: {  	[sflag:s14] =	ssyncset.done $0x0  }
0x64: {  	[sflag:s14] =	ssyncadd.s32 $0xFFFFF800  }
.Ltmp0:
0x65: {  	_ =	swait.ge [sflag:s14], $0x800;
	(pc) =	sbr.rel @p0 .LBB2_2-.Ltmp0, $4  }
0x66: {  	[sflag:s14] =	ssyncset.done $0x0  }
0x67: {  	[sflag:s14] =	ssyncadd.s32 $0xFFFFF800  }
0x68: {  	_ =	swait.ge [sflag:s14], $0x800  }
0x69: {  	s18 =	smov.u32 s17;
	[sflag:s14] =	ssyncset.done $0x0  }
0x6a: {  	s16 =	sshra.s32 s16, $0x2;
	[sflag:s14] =	ssyncadd.s32 $0xFFFFF800  }
0x6b: {  	[spmem:s2] =	stream.indirect.scatter.add.f32 [tilespmem:s9], [sflag:$0x1], $0x10, s16, s13, $0xb8;
	[tilespmem:$0x5800] =	vst v63  }
0x6c: {  	s17 =	sadd.s32 $0x80, s16  }
0x6d: {  	[spmem:s2] =	stream.indirect.scatter.add.f32 [tilespmem:s9], [sflag:$0x1], $0x10, s17, s13, $0xb8;
	[tilespmem:$0x5800] =	vst v63  }
0x6e: {  	s26 =	sadd.s32 $0x100, s16  }
0x6f: {  	[spmem:s2] =	stream.indirect.scatter.add.f32 [tilespmem:s9], [sflag:$0x1], $0x10, s26, s13, $0xb8;
	[tilespmem:$0x5800] =	vst v63  }
0x70: {  	s28 =	sadd.s32 $0x180, s16  }
0x71: {  	[spmem:s2] =	stream.indirect.scatter.add.f32 [tilespmem:s9], [sflag:$0x1], $0x10, s28, s13, $0xb8;
	[tilespmem:$0x5800] =	vst v63  }
0x72: {  	s29 =	sadd.s32 $0x200, s16  }
0x73: {  	[spmem:s2] =	stream.indirect.scatter.add.f32 [tilespmem:s9], [sflag:$0x1], $0x10, s29, s13, $0xb8;
	[tilespmem:$0x5800] =	vst v63  }
0x74: {  	s30 =	sadd.s32 $0x280, s16  }
0x75: {  	[spmem:s2] =	stream.indirect.scatter.add.f32 [tilespmem:s9], [sflag:$0x1], $0x10, s30, s13, $0xb8;
	[tilespmem:$0x5800] =	vst v63  }
0x76: {  	s31 =	sadd.s32 $0x300, s16  }
0x77: {  	[spmem:s2] =	stream.indirect.scatter.add.f32 [tilespmem:s9], [sflag:$0x1], $0x10, s31, s13, $0xb8;
	[tilespmem:$0x5800] =	vst v63  }
0x78: {  	s16 =	sadd.s32 $0x380, s16  }
0x79: {  	[spmem:s2] =	stream.indirect.scatter.add.f32 [tilespmem:s9], [sflag:$0x1], $0x10, s16, s13, $0xb8;
	[tilespmem:$0x5800] =	vst v63  }
0x7a: {  	_ =	swait.ge [sflag:s14], $0x800  }
0x7b: {  	[sflag:s14] =	ssyncset.done $0x0  }
0x7c: {  	[sflag:s14] =	ssyncadd.s32 $0xFFFFF800  }
0x7d: {  	_ =	swait.ge [sflag:s14], $0x800  }
0x7e: {  	[sflag:s14] =	ssyncset.done $0x0  }
0x7f: {  	[sflag:s14] =	ssyncadd.s32 $0xFFFFF800  }
0x80: {  	_ =	swait.ge [sflag:s14], $0x800  }
0x81: {  	[sflag:s14] =	ssyncset.done $0x0  }
0x82: {  	[sflag:s14] =	ssyncadd.s32 $0xFFFFF800  }
0x83: {  	_ =	swait.ge [sflag:s14], $0x800  }
0x84: {  	[sflag:s14] =	ssyncset.done $0x0  }
0x85: {  	[sflag:s14] =	ssyncadd.s32 $0xFFFFF800  }
0x86: {  	_ =	swait.ge [sflag:s14], $0x800  }
0x87: {  	[sflag:s14] =	ssyncset.done $0x0  }
0x88: {  	[sflag:s14] =	ssyncadd.s32 $0xFFFFF800  }
0x89: {  	_ =	swait.ge [sflag:s14], $0x800  }
0x8a: {  	[sflag:s14] =	ssyncset.done $0x0  }
0x8b: {  	[sflag:s14] =	ssyncadd.s32 $0xFFFFF800  }
0x8c: {  	_ =	swait.ge [sflag:s14], $0x800  }
0x8d: {  	[sflag:s14] =	ssyncset.done $0x0  }
0x8e: {  	[sflag:s14] =	ssyncadd.s32 $0xFFFFF800  }
0x8f: {  	_ =	swait.ge [sflag:s14], $0x800  }
0x90: {  	s15 =	sadd.s32 $0x1, s15;
	[sflag:s14] =	ssyncset.done $0x0  }
0x91: {  	p0 =	sne.s32 s15, s8;
	[sflag:s14] =	ssyncadd.s32 $0xFFFFF800  }
.Ltmp1:
0x92: {  	[bflag:$0x0] =	sbarrier.arrive $0xFFFF;
	(pc) =	sbr.rel @p0 .LBB2_1-.Ltmp1, $4  }
0x93: {  	[hbm:s7], [sflag:s11] =	dma.local [spmem:s12], $0x500  }
0x94: {  	_ =	swait.ge [sflag:s10], $0x500  }
0x95: {  	[sflag:s10] =	ssyncset.done $0x0  }
0x96: {  	[sflag:s10] =	ssyncadd.s32 $0xFFFFFB00  }
0x97: {  	_ =	sfence.sel $0x180000  }
0x98: {  	[bflag:$0x0] =	sbarrier.arrive $0xFFFF  }
0x99: {  	p0 =	sne.s32 s0, $0x0;
	_ =	strace $0x90000047  }
0x9a: {  	s0 =	sadd.s32 @!p0 $0x100000, s1;
	[bflag:$0x2] =	sbarrier.arrive $0xFFFF  }
0x9b: {  	[sflag:s0] =	ssyncadd.tile.s32 @!p0 $0x1;
	_ =	shalt  }
.Lfunc_end2:
_tile_overlayer_lowered:
.L_overlay_start_2:
0x9c: {  	(tag) =	ssettag $0x2  }
0x9d: {  	s0 =	rddreg [dreg:$0x0];
	s2 =	stileid.u32  }
0x9e: {  	s1 =	rddreg [dreg:$0x1];
	p0 =	sne.s32 s2, $0x0  }
0x9f: {  	s3 =	rddreg [dreg:$0x2];
	[bflag:$0x3] =	sbarrier.arrive $0xFFFF;
	s2 =	simm.s32 @!p0 $0x1C02  }
0xa0: {  	[timem:s3], [sflag:s2] =	dma.local @!p0 [hbm:s0], s1  }
0xa1: {  	s0 =	simm.s32 @!p0 $0x2  }
0xa2: {  	_ =	swait.ge @!p0 [sflag:s0], s1  }
0xa3: {  	s1 =	ssub.s32 @!p0 $0x0, s1;
	[sflag:s0] =	ssyncset.done @!p0 $0x0  }
0xa4: {  	[sflag:s0] =	ssyncadd.s32 @!p0 s1  }
0xa5: {  	[bflag:$0x3] =	sbarrier.arrive $0xFFFF  }
0xa6: {  	_ =	shalt  }

// kernel: kernel.14.cloned.1.call-start
scs
__scs_entry_jumppad:
0x0: {  	(pc) =	sbr.rel $0x88, $3  }
0x1: {  	(tag) =	ssettag $0x0;
	lr =	simm.s32 $0x1  }
0x2: {  	[smem:$0x3F95] =	sst lr;
	_ =	strace $0xD0000000  }
0x3: {  	_ = 	snop  }
0x4: {  	_ = 	snop  }
0x5: {  	_ = 	snop  }
0x6: {  	_ = 	snop  }
0x7: {  	_ = 	snop  }
__scs_overlays_trampoline_lowered:
0x8: {  	[smem:$0x3FA4] =	sst s0  }
0x9: {  	[smem:$0x3FA5] =	sst s1  }
0xa: {  	[smem:$0x3FA6] =	sst s2  }
0xb: {  	[smem:$0x3FA7] =	sst s3  }
0xc: {  	[smem:$0x3FA8] =	sst s4  }
0xd: {  	[smem:$0x3FA9] =	sst s5  }
0xe: {  	[smem:$0x3FAA] =	sst s6  }
0xf: {  	[smem:$0x3FAB] =	sst s7  }
0x10: {  	[smem:$0x3FAC] =	sst s8  }
0x11: {  	[smem:$0x3FAD] =	sst s9;
	s0 =	simm.s32 @!p0 $0x0  }
0x12: {  	s1 =	sld [smem:$0x3F93];
	s0 =	simm.s32 @p0 $0x1  }
0x13: {  	[smem:$0x3FAE] =	sst s0;
	s0 =	simm.s32 @!p1 $0x0  }
0x14: {  	s2 =	sld [smem:$0x3F92];
	s0 =	simm.s32 @p1 $0x1  }
0x15: {  	[smem:$0x3FAF] =	sst s0;
	s0 =	simm.s32 @!p2 $0x0  }
0x16: {  	s3 =	sld [smem:$0x3FDB];
	s0 =	simm.s32 @p2 $0x1  }
0x17: {  	s4 =	simm.s32 $0x1BF5;
	[smem:$0x3FB1] =	sst s0  }
0x18: {  	s0 =	sld [smem:$0x3F94];
	_ =	swait.ge [sflag:s4], $0x0  }
0x19: {  	s7 =	sld [smem:$0x3F95]  }
0x1a: {  	s8 =	sadd.s32 $0xFFFFE003, lr  }
0x1b: {  	s9 =	sadd.s32 $0xFFFFFEF7, lr;
	s5 =	simm.s32 $0xFFFFFFFF;
	p2 =	slt.u32 s8, $0xFFFFF086  }
0x1c: {  	p1 =	slt.u32 s9, $0xF7A;
	s5 =	simm.s32 @!p2 $0x0  }
0x1d: {  	s5 =	simm.s32 @p1 $0x1;
	p0 =	seq.s32 s7, s2  }
0x1e: {  	s7 =	smul.u32 @!p0 $0xF7A, s2;
	p2 =	seq.s32 @!p0 s5, $0x0  }
0x1f: {  	s9 =	smul.u32 $0xF7A, s1;
	s8 =	simm.s32 @!p0 $0x1BF5;
	p2 =	por !p2, p0  }
0x20: {  	[sflag:s8] =	ssyncset.s32 @!p0 $0xFFFFF086;
	s6 =	sadd.s32 @!p0 s3, s7;
	s7 =	simm.s32 @!p0 $0x108  }
0x21: {  	s3 =	sadd.s32 s3, s9;
	s6 =	sadd.s32 @!p0 $0x88, s6;
	s7 =	simm.s32 @p2 $0x1082  }
0x22: {  	[simem:s7], [sflag:s8] =	dma.local @!p0 [hbm:s6], $0xF7A  }
0x23: {  	s9 =	sor.u32 $0xD0000000, s2;
	s6 =	simm.s32 $0x108;
	_ =	swait.ge @!p0 [sflag:s8], $0x0  }
0x24: {  	s3 =	sadd.s32 $0x88, s3;
	s6 =	simm.s32 @!p1 $0x1082;
	[sflag:s4] =	ssyncset.s32 $0xFFFFF086  }
0x25: {  	[simem:s6], [sflag:s4] =	dma.local [hbm:s3], $0xF7A  }
0x26: {  	[smem:$0x3F95] =	sst s1;
	(tag) =	ssettag s2;
	_ =	strace s9  }
0x27: {  	s1 =	sld [smem:$0x3FA5]  }
0x28: {  	s2 =	sld [smem:$0x3FA6]  }
0x29: {  	s4 =	sld [smem:$0x3FA8]  }
0x2a: {  	p0 =	seq.s32 s5, $0x0;
	s5 =	sld [smem:$0x3FA9]  }
0x2b: {  	s6 =	sld [smem:$0x3FAA]  }
0x2c: {  	s7 =	sld [smem:$0x3FAB]  }
0x2d: {  	s3 =	simm.s32 $0x108;
	s8 =	sld [smem:$0x3FAC]  }
0x2e: {  	s3 =	simm.s32 @!p0 $0x1082;
	s9 =	sld [smem:$0x3FAD]  }
0x2f: {  	lr =	sadd.s32 s0, s3;
	s0 =	sld [smem:$0x3FA4]  }
0x30: {  	s3 =	sld [smem:$0x3FA7]  }
0x31: {  	[smem:$0x3FB0] =	sst s10  }
0x32: {  	s10 =	sld [smem:$0x3FAE];
	_ =	sdelay $0x3  }
0x33: {  	p0 =	seq.s32 s10, $0x1;
	s10 =	sld [smem:$0x3FB0];
	_ =	sdelay $0x3  }
0x34: {  	[smem:$0x3FB0] =	sst s10  }
0x35: {  	s10 =	sld [smem:$0x3FAF];
	_ =	sdelay $0x3  }
0x36: {  	p1 =	seq.s32 s10, $0x1;
	s10 =	sld [smem:$0x3FB0];
	_ =	sdelay $0x3  }
0x37: {  	[smem:$0x3FB0] =	sst s10  }
0x38: {  	s10 =	sld [smem:$0x3FB1]  }
0x39: {  	_ = 	snop;
	(pc) =	sbr.ind lr, $3  }
0x3a: {  	_ = 	snop  }
0x3b: {  	_ = 	snop  }
0x3c: {  	p2 =	seq.s32 s10, $0x1;
	s10 =	sld [smem:$0x3FB0]  }
0x3d: {  	_ =	shalt  }
0x3e: {  	_ =	shalt  }
0x3f: {  	_ =	shalt  }
0x40: {  	_ =	shalt  }
0x41: {  	_ =	shalt  }
0x42: {  	_ =	shalt  }
0x43: {  	_ =	shalt  }
0x44: {  	_ =	shalt  }
0x45: {  	_ =	shalt  }
0x46: {  	_ =	shalt  }
0x47: {  	_ =	shalt  }
0x48: {  	_ =	shalt  }
0x49: {  	_ =	shalt  }
0x4a: {  	_ =	shalt  }
0x4b: {  	_ =	shalt  }
0x4c: {  	_ =	shalt  }
0x4d: {  	_ =	shalt  }
0x4e: {  	_ =	shalt  }
0x4f: {  	_ =	shalt  }
0x50: {  	_ =	shalt  }
0x51: {  	_ =	shalt  }
0x52: {  	_ =	shalt  }
0x53: {  	_ =	shalt  }
0x54: {  	_ =	shalt  }
0x55: {  	_ =	shalt  }
0x56: {  	_ =	shalt  }
0x57: {  	_ =	shalt  }
0x58: {  	_ =	shalt  }
0x59: {  	_ =	shalt  }
0x5a: {  	_ =	shalt  }
0x5b: {  	_ =	shalt  }
0x5c: {  	_ =	shalt  }
0x5d: {  	_ =	shalt  }
0x5e: {  	_ =	shalt  }
0x5f: {  	_ =	shalt  }
0x60: {  	_ =	shalt  }
0x61: {  	_ =	shalt  }
0x62: {  	_ =	shalt  }
0x63: {  	_ =	shalt  }
0x64: {  	_ =	shalt  }
0x65: {  	_ =	shalt  }
0x66: {  	_ =	shalt  }
0x67: {  	_ =	shalt  }
0x68: {  	_ =	shalt  }
0x69: {  	_ =	shalt  }
0x6a: {  	_ =	shalt  }
0x6b: {  	_ =	shalt  }
0x6c: {  	_ =	shalt  }
0x6d: {  	_ =	shalt  }
0x6e: {  	_ =	shalt  }
0x6f: {  	_ =	shalt  }
0x70: {  	_ =	shalt  }
0x71: {  	_ =	shalt  }
0x72: {  	_ =	shalt  }
0x73: {  	_ =	shalt  }
0x74: {  	_ =	shalt  }
0x75: {  	_ =	shalt  }
0x76: {  	_ =	shalt  }
0x77: {  	_ =	shalt  }
0x78: {  	_ =	shalt  }
0x79: {  	_ =	shalt  }
0x7a: {  	_ =	shalt  }
0x7b: {  	_ =	shalt  }
0x7c: {  	_ =	shalt  }
0x7d: {  	_ =	shalt  }
0x7e: {  	_ =	shalt  }
0x7f: {  	_ =	shalt  }
0x80: {  	_ =	shalt  }
0x81: {  	_ =	shalt  }
0x82: {  	_ =	shalt  }
0x83: {  	_ =	shalt  }
0x84: {  	_ =	shalt  }
0x85: {  	_ =	shalt  }
0x86: {  	_ =	shalt  }
0x87: {  	_ =	shalt  }
.Lfunc_end0:
.L_simem_size_0:
called_computation.1_lowered:
.L_overlay_start_0:
0x88: {  	s2 =	sld [smem:$0x3FD9]  }
0x89: {  	s3 =	sld [smem:$0x3FFE];
	_ =	sdelay $0x1  }
0x8a: {  	s1 =	srdreg.scid  }
0x8b: {  	s0 =	sand.u32 $0x1, s1  }
0x8c: {  	s16 =	sshll.u32 s0, $0xA;
	s2 =	sadd.s32 s3, s2  }
0x8d: {  	s2 =	sadd.s32 s2, s16  }
0x8e: {  	[smem:$0x3FBC] =	sst s2  }
0x8f: {  	_ = 	snop  }
0x90: {  	(tm) =	ssettm $0x1  }
0x91: {  	s17 =	sld [smem:$0x3FFB];
	_ =	sdelay $0x3  }
0x92: {  	_ =	strace s17  }
0x93: {  	s2 =	sld [smem:$0x3FFC];
	_ =	sdelay $0x3  }
0x94: {  	_ =	strace s2  }
0x95: {  	s2 =	sld [smem:$0x3FFD];
	_ =	sdelay $0x3  }
0x96: {  	_ =	strace s2  }
0x97: {  	_ =	strace $0x8FFFFFFF  }
0x98: {  	s18 =	sld [smem:$0x3FDB];
	_ =	sdelay $0x1  }
0x99: {  	s19 =	simm.s32 $_scs_section_size  }
0x9a: {  	s4 =	simm.s32 $_size__tile_overlayer_lowered;
	s5 =	simm.s32 $_tile_overlayer_lowered  }
0x9b: {  	s22 =	simm.s32 $0x1BFF;
	s21 =	sshll.u32 s5, $0x1;
	s2 =	sadd.s32 s19, s18  }
0x9c: {  	s6 =	simm.s32 $0x0;
	s20 =	sshll.u32 s4, $0x1;
	s4 =	sadd.s32 s21, s2  }
0x9d: {  	[timem:s6], [sflag:s22] =	dma.local [hbm:s4], s20  }
0x9e: {  	_ =	swait.ge [sflag:s22], s20  }
0x9f: {  	s3 =	ssub.s32 $0x0, s20;
	[sflag:s22] =	ssyncset.done $0x0  }
0xa0: {  	[sflag:s22] =	ssyncadd.s32 s3;
	_ =	sdelay $0x1  }
0xa1: {  	s23 =	simm.s32 $0x1B8B  }
0xa2: {  	_ =	swait.ge [sflag:s23], $0x1  }
0xa3: {  	[sflag:s23] =	ssyncset.done $0x0  }
0xa4: {  	s25 =	simm.s32 $0x1B8E;
	s24 =	sld [smem:$0x3FFE];
	[sflag:s23] =	ssyncadd.s32 $0xFFFFFFFF  }
0xa5: {  	s26 =	simm.s32 $execute0_lowered;
	[smem:$0x3FD2] =	sst s25  }
0xa6: {  	s4 =	sshll.u32 s26, $0x1;
	_ =	strace $0x80000049;
	[dreg:$0x1] =	wrdreg $0xFFFFFFFF  }
0xa7: {  	s28 =	simm.s32 $_size_execute0_lowered;
	s2 =	sadd.s32 s2, s4;
	[dreg:$0x0] =	wrdreg $0x0  }
0xa8: {  	s4 =	sshll.u32 s28, $0x1;
	[dreg:$0x2] =	wrdreg s2  }
0xa9: {  	[dreg:$0x3] =	wrdreg s4  }
0xaa: {  	[dreg:$0x4] =	wrdreg $0xC0  }
0xab: {  	_ =	task [dreg:s6], $0x5FFFF  }
0xac: {  	[dreg:$0x1] =	wrdreg $0xFFFFFFFF  }
0xad: {  	[dreg:$0x0] =	wrdreg $0x60  }
0xae: {  	[dreg:$0x2] =	wrdreg s24  }
0xaf: {  	[dreg:$0x3] =	wrdreg $0x150000  }
0xb0: {  	[dreg:$0x4] =	wrdreg $0x9  }
0xb1: {  	_ =	task.clear_ibuf [dreg:s6], $0x5FFFF;
	_ =	strace $0x90000049  }
0xb2: {  	s29 =	simm.s32 $0x9;
	_ =	strace $0x8000004B  }
0xb3: {  	_ =	swait.ge [sflag:s29], $0x1  }
0xb4: {  	[sflag:s29] =	ssyncadd.s32 $0xFFFFFFFF  }
0xb5: {  	_ =	strace $0x9000004B  }
0xb6: {  	_ =	sfence  }
0xb7: {  	s30 =	sld [smem:$0x0];
	_ =	sdelay $0x2  }
0xb8: {  	s31 =	sshll.u32 s1, $0xD;
	s1 =	sshrl.u32 s1, $0x2  }
0xb9: {  	s3 =	sand.u32 $0x4000, s31;
	s1 =	sadd.s32 s1, s30  }
0xba: {  	s0 =	sor.u32 s3, s0;
	s1 =	sshll.u32 s1, $0x11  }
0xbb: {  	s0 =	sor.u32 s1, s0  }
0xbc: {  	s0 =	sadd.s32 $0x8F2B, s0  }
0xbd: {  	[sflag:s0] =	ssyncadd.remote.s32 $0x1  }
0xbe: {  	_ =	sfence.sel $0xFFFF  }
0xbf: {  	[dreg:$0x0] =	wrdreg $0xFFFFFFFF;
	(pc) =	sbr.abs _section_cstart, $3  }
0xc0: {  	[dreg:$0x1] =	wrdreg $0xFFFFFFFF  }
0xc1: {  	_ =	task.clear_ibuf [dreg:s6], $0x2FFFF;
	_ =	strace $0x9FFFFFFF  }
0xc2: {  	(tm) =	ssettm $0x7FFFFFFF  }
0xc3: {  	_ =	shalt  }
tec
execute0_lowered:
.L_overlay_start_1:
0x0: {  	(tag) =	ssettag $0x1  }
0x1: {  	s0 =	rddreg [dreg:$0x0];
	s1 =	srdreg.scid  }
0x2: {  	s2 =	rddreg [dreg:$0x1];
	s7 =	stileid.u32  }
0x3: {  	s3 =	simm.s32 $0x0;
	s14 =	simm.s32 $0x5000;
	s15 =	simm.s32 $0x11  }
0x4: {  	s17 =	simm.s32 $0x80;
	s18 =	simm.s32 $0x7000;
	s29 =	simm.s32 $0x11000  }
0x5: {  	s30 =	simm.s32 $0x1;
	s31 =	simm.s32 $0x13000;
	s16 =	simm.s32 $0x6  }
0x6: {  	s28 =	simm.s32 $0xE;
	s1 =	sand.u32 $0x1, s1;
	s5 =	smul.u32 $0x13880, s7  }
0x7: {  	[smem:$0x7FF] =	sst s3;
	s4 =	sshll.u32 s1, $0x4;
	s6 =	smul.u32 $0x138800, s1  }
0x8: {  	s1 =	ssub.s32 $0x2, s1;
	s4 =	sor.u32 s7, s4;
	s7 =	smul.u32 $0x27100, s7  }
0x9: {  	s20 =	sshrl.u32 s1, $0x1;
	s4 =	smul.u32 $0x500, s4;
	s6 =	sadd.s32 s5, s6  }
0xa: {  	_ =	strace $0x8000004A;
	s1 =	ssub.s32 s1, s20;
	s6 =	sshrl.u32 s6, $0x4  }
0xb: {  	s19 =	sshrl.u32 s7, $0x2;
	s26 =	smax.u32 s1, $0x1;
	s8 =	sadd.s32 s4, s0  }
0xc: {  	s4 =	sadd.s32 $0x17600, s0;
	s0 =	sadd.s32 s6, s0;
	s6 =	sadd.s32 s19, s2  }
0xd: {  	s5 =	sshrl.u32 s5, $0x1;
	[dreg:$0xa] =	wrdreg s26;
	s21 =	sadd.s32 $0x2000, s6  }
0xe: {  	s5 =	sadd.s32 s5, s2;
	s22 =	sadd.s32 $0x4000, s6;
	[dreg:$0x3] =	wrdreg s21  }
0xf: {  	s1 =	simm.s32 $0x4;
	s23 =	sadd.s32 $0x6000, s6;
	[dreg:$0x4] =	wrdreg s22  }
0x10: {  	s7 =	simm.s32 $0x10;
	s6 =	sadd.s32 $0x8000, s6;
	[dreg:$0x5] =	wrdreg s23  }
.Ltmp0:
0x11: {  	s24 =	sadd.s32 $0x3600, s8;
	[dreg:$0x6] =	wrdreg s6;
	(pc) =	sbr.rel .LBB2_1-.Ltmp0, $4  }
0x12: {  	s26 =	simm.s32 $0xF000;
	s25 =	sadd.s32 $0xD600, s8;
	[dreg:$0x7] =	wrdreg s24  }
0x13: {  	s19 =	simm.s32 $0x8;
	s0 =	sadd.s32 $0x2B000, s0;
	[dreg:$0x8] =	wrdreg s25  }
0x14: {  	[dreg:$0x9] =	wrdreg s0;
	s22 =	simm.s32 $0xB000;
	s0 =	simm.s32 $0x2  }
0x15: {  	v0 =	vimm.bf16 $0.0e+00;
	s24 =	simm.s32 $0xC;
	s25 =	simm.s32 $0xD;
	s6 =	simm.s32 $0xF  }
.LBB2_6:
0x16: {  	s8 =	simm.s32 $0x9  }
0x17: {  	_ =	swait.ge [sflag:s8], $0x2000  }
0x18: {  	[sflag:s8] =	ssyncset.done $0x0  }
0x19: {  	s13 =	simm.s32 $0xA;
	[sflag:s8] =	ssyncadd.s32 $0xFFFFE000  }
0x1a: {  	_ =	swait.ge [sflag:s13], $0x2000  }
0x1b: {  	[sflag:s13] =	ssyncset.done $0x0  }
0x1c: {  	s20 =	simm.s32 $0xB;
	[sflag:s13] =	ssyncadd.s32 $0xFFFFE000  }
0x1d: {  	_ =	swait.ge [sflag:s20], $0x2000  }
0x1e: {  	[sflag:s20] =	ssyncset.done $0x0  }
0x1f: {  	[sflag:s20] =	ssyncadd.s32 $0xFFFFE000  }
0x20: {  	_ =	swait.ge [sflag:s24], $0x2000  }
0x21: {  	[sflag:s24] =	ssyncset.done $0x0  }
0x22: {  	[sflag:s24] =	ssyncadd.s32 $0xFFFFE000  }
0x23: {  	_ =	swait.ge [sflag:s25], $0x2000  }
0x24: {  	[sflag:s25] =	ssyncset.done $0x0  }
0x25: {  	[sflag:s25] =	ssyncadd.s32 $0xFFFFE000  }
0x26: {  	_ =	swait.ge [sflag:s28], $0x2000  }
0x27: {  	[sflag:s28] =	ssyncset.done $0x0  }
0x28: {  	[sflag:s28] =	ssyncadd.s32 $0xFFFFE000  }
0x29: {  	_ =	swait.ge [sflag:s6], $0x2000  }
0x2a: {  	[sflag:s6] =	ssyncset.done $0x0  }
0x2b: {  	[sflag:s6] =	ssyncadd.s32 $0xFFFFE000  }
0x2c: {  	_ =	swait.ge [sflag:s7], $0x2000  }
0x2d: {  	[sflag:s7] =	ssyncset.done $0x0  }
0x2e: {  	s21 =	stileid.u32;
	[sflag:s7] =	ssyncadd.s32 $0xFFFFE000  }
0x2f: {  	s8 =	sshll.u32 s21, $0x6;
	[bflag:$0x0] =	sbarrier.arrive $0xFFFF  }
0x30: {  	s9 =	sshrl.u32 s5, $0x3;
	s8 =	sor.u32 $0x1C11, s8;
	s10 =	rddreg [dreg:$0x9]  }
0x31: {  	[hbm:s10], [sflag:s8] =	dma.local [spmem:s9], $0x1388  }
0x32: {  	_ =	swait.ge [sflag:s15], $0x1388  }
0x33: {  	s3 =	sadd.s32 $0x1, s3;
	s23 =	rddreg [dreg:$0xa]  }
0x34: {  	p0 =	sne.s32 s3, s23  }
.Ltmp1:
0x35: {  	_ = 	snop;
	(pc) =	sbr.rel @!p0 .LBB2_7-.Ltmp1, $3  }
0x36: {  	_ =	sdelay $0x1  }
0x37: {  	[sflag:s15] =	ssyncset.done $0x0  }
0x38: {  	[sflag:s15] =	ssyncadd.s32 $0xFFFFEC78  }
.LBB2_1:
0x39: {  	s9 =	simm.s32 $0x100;
	s8 =	simm.s32 $0x0  }
.LBB2_2:
0x3a: {  	p0 =	sne.s32 s9, $0x7F00;
	[tilespmem:s8+$0x5030] =	vst v0;
	s10 =	smov.u32 s9;
	s9 =	sadd.s32 $0x100, s9  }
.Ltmp2:
0x3b: {  	[tilespmem:s8+$0x5020] =	vst v0;
	(pc) =	sbr.rel @p0 .LBB2_2-.Ltmp2, $3  }
0x3c: {  	[tilespmem:s8+$0x5000] =	vst v0  }
0x3d: {  	[tilespmem:s8+$0x5010] =	vst v0;
	_ =	sdelay $0x1  }
0x3e: {  	s8 =	sshra.s32 s10, $0x2  }
0x3f: {  	[tilespmem:s8+$0x5030] =	vst v0  }
0x40: {  	[tilespmem:s8+$0x5020] =	vst v0  }
0x41: {  	[tilespmem:s8+$0x5000] =	vst v0  }
0x42: {  	[tilespmem:s8+$0x5010] =	vst v0  }
0x43: {  	[spmem:s5] =	stream.linear.scatter [tilespmem:s14], [sflag:$0x11], $0x2000, $0x38;
	[tilespmem:$0x1EE40] =	vst v63  }
0x44: {  	_ =	swait.ge [sflag:s15], $0x2000  }
0x45: {  	[sflag:s15] =	ssyncset.done $0x0  }
0x46: {  	s12 =	rddreg [dreg:$0x3];
	[sflag:s15] =	ssyncadd.s32 $0xFFFFE000  }
0x47: {  	[spmem:s12] =	stream.linear.scatter [tilespmem:s14], [sflag:$0x11], $0x2000, $0x38;
	[tilespmem:$0x1EE40] =	vst v63  }
0x48: {  	_ =	swait.ge [sflag:s15], $0x2000  }
0x49: {  	[sflag:s15] =	ssyncset.done $0x0  }
0x4a: {  	s13 =	rddreg [dreg:$0x4];
	[sflag:s15] =	ssyncadd.s32 $0xFFFFE000  }
0x4b: {  	[spmem:s13] =	stream.linear.scatter [tilespmem:s14], [sflag:$0x11], $0x2000, $0x38;
	[tilespmem:$0x1EE40] =	vst v63  }
0x4c: {  	_ =	swait.ge [sflag:s15], $0x2000  }
0x4d: {  	[sflag:s15] =	ssyncset.done $0x0  }
0x4e: {  	s20 =	rddreg [dreg:$0x5];
	[sflag:s15] =	ssyncadd.s32 $0xFFFFE000  }
0x4f: {  	[spmem:s20] =	stream.linear.scatter [tilespmem:s14], [sflag:$0x11], $0x2000, $0x38;
	[tilespmem:$0x1EE40] =	vst v63  }
0x50: {  	_ =	swait.ge [sflag:s15], $0x2000  }
0x51: {  	[sflag:s15] =	ssyncset.done $0x0  }
0x52: {  	s21 =	rddreg [dreg:$0x6];
	[sflag:s15] =	ssyncadd.s32 $0xFFFFE000  }
0x53: {  	[spmem:s21] =	stream.linear.scatter [tilespmem:s14], [sflag:$0x11], $0x1C40, $0x38;
	[tilespmem:$0x1EE40] =	vst v63  }
0x54: {  	_ =	swait.ge [sflag:s15], $0x1C40  }
0x55: {  	[sflag:s15] =	ssyncset.done $0x0  }
0x56: {  	s8 =	simm.s32 $0x0;
	s9 =	rddreg [dreg:$0x7];
	[sflag:s15] =	ssyncadd.s32 $0xFFFFE3C0  }
0x57: {  	[tilespmem:s8], [sflag:$0x11] =	stream.linear.gather [hbm4b:s9+s8], $0x2800, $0x38;
	[tilespmem:$0x1EE40] =	vst v63  }
0x58: {  	_ =	swait.ge [sflag:s15], $0x2800  }
0x59: {  	[sflag:s15] =	ssyncset.done $0x0  }
0x5a: {  	s10 =	simm.s32 $0x2800;
	s23 =	rddreg [dreg:$0x8];
	[sflag:s15] =	ssyncadd.s32 $0xFFFFD800  }
0x5b: {  	[tilespmem:s10], [sflag:$0x11] =	stream.linear.gather [hbm4b:s23+s8], $0x2800, $0x38;
	[tilespmem:$0x1EE40] =	vst v63  }
0x5c: {  	_ =	swait.ge [sflag:s15], $0x2800  }
0x5d: {  	[sflag:s15] =	ssyncset.done $0x0  }
0x5e: {  	[sflag:s15] =	ssyncadd.s32 $0xFFFFD800  }
0x5f: {  	[tilespmem:s14], [sflag:$0x1] =	stream.indirect.gather [hbm4b:s4+s17], $0x40, s8, s17, $0xb8;
	[tilespmem:$0x1EE40] =	vst v63  }
0x60: {  	_ = 	snop  }
0x61: {  	[tilespmem:s18], [sflag:$0x2] =	stream.indirect.gather [hbm4b:s4+s17], $0x40, s17, s17, $0xb8;
	[tilespmem:$0x1EE40] =	vst v63  }
0x62: {  	s11 =	simm.s32 $0x9000;
	s10 =	simm.s32 $0x100  }
0x63: {  	[tilespmem:s11], [sflag:$0x3] =	stream.indirect.gather [hbm4b:s4+s17], $0x40, s10, s17, $0xb8;
	[tilespmem:$0x1EE40] =	vst v63  }
0x64: {  	s12 =	simm.s32 $0x180  }
0x65: {  	[tilespmem:s22], [sflag:$0x4] =	stream.indirect.gather [hbm4b:s4+s17], $0x40, s12, s17, $0xb8;
	[tilespmem:$0x1EE40] =	vst v63  }
0x66: {  	s13 =	simm.s32 $0x200;
	s20 =	simm.s32 $0xD000  }
0x67: {  	[tilespmem:s20], [sflag:$0x5] =	stream.indirect.gather [hbm4b:s4+s17], $0x40, s13, s17, $0xb8;
	[tilespmem:$0x1EE40] =	vst v63  }
0x68: {  	s21 =	simm.s32 $0x280  }
0x69: {  	[tilespmem:s26], [sflag:$0x6] =	stream.indirect.gather [hbm4b:s4+s17], $0x40, s21, s17, $0xb8;
	[tilespmem:$0x1EE40] =	vst v63  }
0x6a: {  	s23 =	simm.s32 $0x300  }
0x6b: {  	[tilespmem:s29], [sflag:$0x7] =	stream.indirect.gather [hbm4b:s4+s17], $0x40, s23, s17, $0xb8;
	[tilespmem:$0x1EE40] =	vst v63  }
0x6c: {  	[bflag:$0x0] =	sbarrier.arrive $0xFFFF  }
.LBB2_4:
0x6d: {  	_ =	swait.ge [sflag:s30], $0x2000  }
0x6e: {  	s9 =	sshra.s32 s8, $0x2;
	[sflag:s30] =	ssyncset.done $0x0  }
0x6f: {  	p0 =	seq.s32 s8, $0x0;
	s10 =	sadd.s32 $0x2800, s9;
	[sflag:s30] =	ssyncadd.s32 $0xFFFFE000  }
0x70: {  	[spmem:s2] =	stream.indirect.scatter.add.bf16 [tilespmem:s14], [sflag:$0x9], $0x40, s10, s17, $0xb8;
	[tilespmem:$0x1EE40] =	vst v63  }
0x71: {  	s10 =	simm.s32 @!p0 $0x10  }
0x72: {  	s11 =	sshra.s32 @!p0 s8, $0x2;
	_ =	swait.ge @!p0 [sflag:s10], $0x2000  }
0x73: {  	s11 =	sadd.s32 @!p0 $0x380, s11;
	[sflag:s10] =	ssyncset.done @!p0 $0x0  }
0x74: {  	s11 =	simm.s32 @p0 $0x380;
	[sflag:s10] =	ssyncadd.s32 @!p0 $0xFFFFE000  }
0x75: {  	[tilespmem:s31], [sflag:$0x8] =	stream.indirect.gather [hbm4b:s4+s17], $0x40, s11, s17, $0xb8;
	[tilespmem:$0x1EE40] =	vst v63  }
0x76: {  	_ =	swait.ge [sflag:s0], $0x2000  }
0x77: {  	p1 =	seq.s32 s8, $0x9000;
	[sflag:s0] =	ssyncset.done $0x0  }
0x78: {  	s21 =	sadd.s32 $0x2880, s9;
	s10 =	simm.s32 @p1 $0x3;
	[sflag:s0] =	ssyncadd.s32 $0xFFFFE000  }
0x79: {  	[spmem:s2] =	stream.indirect.scatter.add.bf16 [tilespmem:s18], [sflag:$0xA], $0x40, s21, s17, $0xb8;
	[tilespmem:$0x1EE40] =	vst v63  }
0x7a: {  	_ =	swait.ge @p1 [sflag:s10], $0x2000  }
0x7b: {  	s12 =	sshra.s32 @p1 s8, $0x2;
	s13 =	simm.s32 @p1 $0x80;
	[sflag:s10] =	ssyncset.done @p1 $0x0  }
0x7c: {  	s11 =	simm.s32 @p1 $0x9000;
	[sflag:s10] =	ssyncadd.s32 @p1 $0xFFFFE000;
	s10 =	sadd.s32 @p1 $0x2900, s12  }
0x7d: {  	[spmem:s2] =	stream.indirect.scatter.add.bf16 @p1 [tilespmem:s11], [sflag:$0xB], $0x40, s10, s13, $0xb8;
	[tilespmem:$0x1EE40] =	vst v63  }
0x7e: {  	s10 =	simm.s32 @!p1 $0x9  }
0x7f: {  	_ =	swait.ge @!p1 [sflag:s10], $0x2000  }
0x80: {  	[sflag:s10] =	ssyncset.done @!p1 $0x0  }
0x81: {  	[sflag:s10] =	ssyncadd.s32 @!p1 $0xFFFFE000;
	s10 =	sshra.s32 @!p1 s8, $0x2  }
0x82: {  	s21 =	simm.s32 @!p1 $0x5000;
	s11 =	simm.s32 @!p1 $0x80;
	s20 =	sadd.s32 @!p1 $0x400, s10  }
0x83: {  	[tilespmem:s21], [sflag:$0x1] =	stream.indirect.gather @!p1 [hbm4b:s4+s11], $0x40, s20, s11, $0xb8;
	[tilespmem:$0x1EE40] =	vst v63  }
0x84: {  	s20 =	simm.s32 @!p1 $0x3  }
0x85: {  	_ =	swait.ge @!p1 [sflag:s20], $0x2000  }
0x86: {  	[sflag:s20] =	ssyncset.done @!p1 $0x0  }
0x87: {  	s21 =	simm.s32 @!p1 $0x9000;
	[sflag:s20] =	ssyncadd.s32 @!p1 $0xFFFFE000;
	s20 =	sadd.s32 @!p1 $0x2900, s10  }
0x88: {  	[spmem:s2] =	stream.indirect.scatter.add.bf16 @!p1 [tilespmem:s21], [sflag:$0xB], $0x40, s20, s11, $0xb8;
	[tilespmem:$0x1EE40] =	vst v63  }
0x89: {  	s20 =	simm.s32 @!p1 $0xA  }
0x8a: {  	_ =	swait.ge @!p1 [sflag:s20], $0x2000  }
0x8b: {  	[sflag:s20] =	ssyncset.done @!p1 $0x0  }
0x8c: {  	s23 =	simm.s32 @!p1 $0x7000;
	[sflag:s20] =	ssyncadd.s32 @!p1 $0xFFFFE000;
	s20 =	sadd.s32 @!p1 $0x480, s10  }
0x8d: {  	[tilespmem:s23], [sflag:$0x2] =	stream.indirect.gather @!p1 [hbm4b:s4+s11], $0x40, s20, s11, $0xb8;
	[tilespmem:$0x1EE40] =	vst v63  }
0x8e: {  	_ =	swait.ge [sflag:s1], $0x2000  }
0x8f: {  	[sflag:s1] =	ssyncset.done $0x0  }
0x90: {  	s23 =	sadd.s32 $0x2980, s9;
	s20 =	simm.s32 @p1 $0x5;
	[sflag:s1] =	ssyncadd.s32 $0xFFFFE000  }
0x91: {  	[spmem:s2] =	stream.indirect.scatter.add.bf16 [tilespmem:s22], [sflag:$0xC], $0x40, s23, s17, $0xb8;
	[tilespmem:$0x1EE40] =	vst v63  }
0x92: {  	_ =	swait.ge @p1 [sflag:s20], $0x2000  }
0x93: {  	[sflag:s20] =	ssyncset.done @p1 $0x0  }
0x94: {  	s23 =	simm.s32 @p1 $0xD000;
	[sflag:s20] =	ssyncadd.s32 @p1 $0xFFFFE000;
	s20 =	sadd.s32 @p1 $0x2A00, s12  }
0x95: {  	[spmem:s2] =	stream.indirect.scatter.add.bf16 @p1 [tilespmem:s23], [sflag:$0xD], $0x40, s20, s13, $0xb8;
	[tilespmem:$0x1EE40] =	vst v63  }
0x96: {  	s20 =	simm.s32 @!p1 $0xB  }
0x97: {  	_ =	swait.ge @!p1 [sflag:s20], $0x2000  }
0x98: {  	[sflag:s20] =	ssyncset.done @!p1 $0x0  }
0x99: {  	[sflag:s20] =	ssyncadd.s32 @!p1 $0xFFFFE000;
	s20 =	sadd.s32 @!p1 $0x500, s10  }
0x9a: {  	[tilespmem:s21], [sflag:$0x3] =	stream.indirect.gather @!p1 [hbm4b:s4+s11], $0x40, s20, s11, $0xb8;
	[tilespmem:$0x1EE40] =	vst v63  }
0x9b: {  	s20 =	simm.s32 @!p1 $0x5  }
0x9c: {  	_ =	swait.ge @!p1 [sflag:s20], $0x2000  }
0x9d: {  	[sflag:s20] =	ssyncset.done @!p1 $0x0  }
0x9e: {  	s21 =	simm.s32 @!p1 $0xD000;
	[sflag:s20] =	ssyncadd.s32 @!p1 $0xFFFFE000;
	s20 =	sadd.s32 @!p1 $0x2A00, s10  }
0x9f: {  	[spmem:s2] =	stream.indirect.scatter.add.bf16 @!p1 [tilespmem:s21], [sflag:$0xD], $0x40, s20, s11, $0xb8;
	[tilespmem:$0x1EE40] =	vst v63  }
0xa0: {  	s20 =	simm.s32 @!p1 $0xC  }
0xa1: {  	_ =	swait.ge @!p1 [sflag:s20], $0x2000  }
0xa2: {  	[sflag:s20] =	ssyncset.done @!p1 $0x0  }
0xa3: {  	s23 =	simm.s32 @!p1 $0xB000;
	[sflag:s20] =	ssyncadd.s32 @!p1 $0xFFFFE000;
	s20 =	sadd.s32 @!p1 $0x580, s10  }
0xa4: {  	[tilespmem:s23], [sflag:$0x4] =	stream.indirect.gather @!p1 [hbm4b:s4+s11], $0x40, s20, s11, $0xb8;
	[tilespmem:$0x1EE40] =	vst v63  }
0xa5: {  	_ =	swait.ge [sflag:s16], $0x2000  }
0xa6: {  	[sflag:s16] =	ssyncset.done $0x0  }
0xa7: {  	s23 =	sadd.s32 $0x2A80, s9;
	s20 =	simm.s32 @p1 $0x7;
	[sflag:s16] =	ssyncadd.s32 $0xFFFFE000  }
0xa8: {  	[spmem:s2] =	stream.indirect.scatter.add.bf16 [tilespmem:s26], [sflag:$0xE], $0x40, s23, s17, $0xb8;
	[tilespmem:$0x1EE40] =	vst v63  }
0xa9: {  	_ =	swait.ge @p1 [sflag:s20], $0x2000  }
0xaa: {  	[sflag:s20] =	ssyncset.done @p1 $0x0  }
0xab: {  	s12 =	sadd.s32 @p1 $0x2B00, s12;
	[sflag:s20] =	ssyncadd.s32 @p1 $0xFFFFE000;
	s20 =	simm.s32 @p1 $0x11000  }
0xac: {  	[spmem:s2] =	stream.indirect.scatter.add.bf16 @p1 [tilespmem:s20], [sflag:$0xF], $0x40, s12, s13, $0xb8;
	[tilespmem:$0x1EE40] =	vst v63  }
0xad: {  	s12 =	simm.s32 @!p1 $0xD  }
0xae: {  	_ =	swait.ge @!p1 [sflag:s12], $0x2000  }
0xaf: {  	[sflag:s12] =	ssyncset.done @!p1 $0x0  }
0xb0: {  	[sflag:s12] =	ssyncadd.s32 @!p1 $0xFFFFE000;
	s12 =	sadd.s32 @!p1 $0x600, s10  }
0xb1: {  	[tilespmem:s21], [sflag:$0x5] =	stream.indirect.gather @!p1 [hbm4b:s4+s11], $0x40, s12, s11, $0xb8;
	[tilespmem:$0x1EE40] =	vst v63  }
0xb2: {  	s12 =	simm.s32 @!p1 $0x7  }
0xb3: {  	_ =	swait.ge @!p1 [sflag:s12], $0x2000  }
0xb4: {  	[sflag:s12] =	ssyncset.done @!p1 $0x0  }
0xb5: {  	s13 =	simm.s32 @!p1 $0x11000;
	[sflag:s12] =	ssyncadd.s32 @!p1 $0xFFFFE000;
	s12 =	sadd.s32 @!p1 $0x2B00, s10  }
0xb6: {  	[spmem:s2] =	stream.indirect.scatter.add.bf16 @!p1 [tilespmem:s13], [sflag:$0xF], $0x40, s12, s11, $0xb8;
	[tilespmem:$0x1EE40] =	vst v63  }
0xb7: {  	s12 =	simm.s32 @!p1 $0xE  }
0xb8: {  	_ =	swait.ge @!p1 [sflag:s12], $0x2000  }
0xb9: {  	[sflag:s12] =	ssyncset.done @!p1 $0x0  }
0xba: {  	s10 =	sadd.s32 @!p1 $0x680, s10;
	[sflag:s12] =	ssyncadd.s32 @!p1 $0xFFFFE000;
	s12 =	simm.s32 @!p1 $0xF000  }
0xbb: {  	[tilespmem:s12], [sflag:$0x6] =	stream.indirect.gather @!p1 [hbm4b:s4+s11], $0x40, s10, s11, $0xb8;
	[tilespmem:$0x1EE40] =	vst v63  }
.Ltmp3:
0xbc: {  	s13 =	sadd.s32 @!p0 $0xE00, s8;
	(pc) =	sbr.rel @p1 .LBB2_6-.Ltmp3, $4  }
0xbd: {  	s13 =	simm.s32 @p0 $0xE00;
	_ =	swait.ge [sflag:s19], $0x2000  }
0xbe: {  	s23 =	sshra.s32 s13, $0x2;
	[sflag:s19] =	ssyncset.done $0x0  }
0xbf: {  	s10 =	sadd.s32 $0x2800, s23;
	[sflag:s19] =	ssyncadd.s32 $0xFFFFE000  }
0xc0: {  	[spmem:s2] =	stream.indirect.scatter.add.bf16 [tilespmem:s31], [sflag:$0x10], $0x40, s10, s17, $0xb8;
	[tilespmem:$0x1EE40] =	vst v63  }
.Ltmp4:
0xc1: {  	(pc) =	sbr.rel .LBB2_4-.Ltmp4, $4  }
0xc2: {  	_ =	swait.ge [sflag:s6], $0x2000  }
0xc3: {  	[sflag:s6] =	ssyncset.done $0x0  }
0xc4: {  	s9 =	sadd.s32 $0x700, s9;
	s8 =	sadd.s32 $0x1000, s8;
	[sflag:s6] =	ssyncadd.s32 $0xFFFFE000  }
0xc5: {  	[tilespmem:s29], [sflag:$0x7] =	stream.indirect.gather [hbm4b:s4+s17], $0x40, s9, s17, $0xb8;
	[tilespmem:$0x1EE40] =	vst v63  }
.LBB2_7:
0xc6: {  	_ =	sfence.sel $0x180000  }
0xc7: {  	[bflag:$0x0] =	sbarrier.arrive $0xFFFF  }
0xc8: {  	_ =	strace $0x9000004A  }
0xc9: {  	s0 =	stileid.u32;
	[bflag:$0x2] =	sbarrier.arrive $0xFFFF  }
0xca: {  	p0 =	sne.s32 s0, $0x0;
	s0 =	rddreg [dreg:$0x2]  }
0xcb: {  	s0 =	sadd.s32 @!p0 $0x100000, s0  }
0xcc: {  	[sflag:s0] =	ssyncadd.tile.s32 @!p0 $0x1;
	_ =	shalt  }
.Lfunc_end2:
_tile_overlayer_lowered:
.L_overlay_start_2:
0xcd: {  	(tag) =	ssettag $0x2  }
0xce: {  	s0 =	rddreg [dreg:$0x0];
	s2 =	stileid.u32  }
0xcf: {  	s1 =	rddreg [dreg:$0x1];
	p0 =	sne.s32 s2, $0x0  }
0xd0: {  	s3 =	rddreg [dreg:$0x2];
	[bflag:$0x3] =	sbarrier.arrive $0xFFFF;
	s2 =	simm.s32 @!p0 $0x1C11  }
0xd1: {  	[timem:s3], [sflag:s2] =	dma.local @!p0 [hbm:s0], s1  }
0xd2: {  	s0 =	simm.s32 @!p0 $0x11  }
0xd3: {  	_ =	swait.ge @!p0 [sflag:s0], s1  }
0xd4: {  	s1 =	ssub.s32 @!p0 $0x0, s1;
	[sflag:s0] =	ssyncset.done @!p0 $0x0  }
0xd5: {  	[sflag:s0] =	ssyncadd.s32 @!p0 s1  }
0xd6: {  	[bflag:$0x3] =	sbarrier.arrive $0xFFFF  }
0xd7: {  	_ =	shalt  }

// kernel: kernel.17.cloned.1.call-start
scs
__scs_entry_jumppad:
0x0: {  	(pc) =	sbr.rel $0x88, $3  }
0x1: {  	(tag) =	ssettag $0x0;
	lr =	simm.s32 $0x1  }
0x2: {  	[smem:$0x3F95] =	sst lr;
	_ =	strace $0xD0000000  }
0x3: {  	_ = 	snop  }
0x4: {  	_ = 	snop  }
0x5: {  	_ = 	snop  }
0x6: {  	_ = 	snop  }
0x7: {  	_ = 	snop  }
__scs_overlays_trampoline_lowered:
0x8: {  	[smem:$0x3FA4] =	sst s0  }
0x9: {  	[smem:$0x3FA5] =	sst s1  }
0xa: {  	[smem:$0x3FA6] =	sst s2  }
0xb: {  	[smem:$0x3FA7] =	sst s3  }
0xc: {  	[smem:$0x3FA8] =	sst s4  }
0xd: {  	[smem:$0x3FA9] =	sst s5  }
0xe: {  	[smem:$0x3FAA] =	sst s6  }
0xf: {  	[smem:$0x3FAB] =	sst s7  }
0x10: {  	[smem:$0x3FAC] =	sst s8  }
0x11: {  	[smem:$0x3FAD] =	sst s9;
	s0 =	simm.s32 @!p0 $0x0  }
0x12: {  	s1 =	sld [smem:$0x3F93];
	s0 =	simm.s32 @p0 $0x1  }
0x13: {  	[smem:$0x3FAE] =	sst s0;
	s0 =	simm.s32 @!p1 $0x0  }
0x14: {  	s2 =	sld [smem:$0x3F92];
	s0 =	simm.s32 @p1 $0x1  }
0x15: {  	[smem:$0x3FAF] =	sst s0;
	s0 =	simm.s32 @!p2 $0x0  }
0x16: {  	s3 =	sld [smem:$0x3FDB];
	s0 =	simm.s32 @p2 $0x1  }
0x17: {  	s4 =	simm.s32 $0x1BF5;
	[smem:$0x3FB1] =	sst s0  }
0x18: {  	s0 =	sld [smem:$0x3F94];
	_ =	swait.ge [sflag:s4], $0x0  }
0x19: {  	s7 =	sld [smem:$0x3F95]  }
0x1a: {  	s8 =	sadd.s32 $0xFFFFE003, lr  }
0x1b: {  	s9 =	sadd.s32 $0xFFFFFEF7, lr;
	s5 =	simm.s32 $0xFFFFFFFF;
	p2 =	slt.u32 s8, $0xFFFFF086  }
0x1c: {  	p1 =	slt.u32 s9, $0xF7A;
	s5 =	simm.s32 @!p2 $0x0  }
0x1d: {  	s5 =	simm.s32 @p1 $0x1;
	p0 =	seq.s32 s7, s2  }
0x1e: {  	s7 =	smul.u32 @!p0 $0xF7A, s2;
	p2 =	seq.s32 @!p0 s5, $0x0  }
0x1f: {  	s9 =	smul.u32 $0xF7A, s1;
	s8 =	simm.s32 @!p0 $0x1BF5;
	p2 =	por !p2, p0  }
0x20: {  	[sflag:s8] =	ssyncset.s32 @!p0 $0xFFFFF086;
	s6 =	sadd.s32 @!p0 s3, s7;
	s7 =	simm.s32 @!p0 $0x108  }
0x21: {  	s3 =	sadd.s32 s3, s9;
	s6 =	sadd.s32 @!p0 $0x88, s6;
	s7 =	simm.s32 @p2 $0x1082  }
0x22: {  	[simem:s7], [sflag:s8] =	dma.local @!p0 [hbm:s6], $0xF7A  }
0x23: {  	s9 =	sor.u32 $0xD0000000, s2;
	s6 =	simm.s32 $0x108;
	_ =	swait.ge @!p0 [sflag:s8], $0x0  }
0x24: {  	s3 =	sadd.s32 $0x88, s3;
	s6 =	simm.s32 @!p1 $0x1082;
	[sflag:s4] =	ssyncset.s32 $0xFFFFF086  }
0x25: {  	[simem:s6], [sflag:s4] =	dma.local [hbm:s3], $0xF7A  }
0x26: {  	[smem:$0x3F95] =	sst s1;
	(tag) =	ssettag s2;
	_ =	strace s9  }
0x27: {  	s1 =	sld [smem:$0x3FA5]  }
0x28: {  	s2 =	sld [smem:$0x3FA6]  }
0x29: {  	s4 =	sld [smem:$0x3FA8]  }
0x2a: {  	p0 =	seq.s32 s5, $0x0;
	s5 =	sld [smem:$0x3FA9]  }
0x2b: {  	s6 =	sld [smem:$0x3FAA]  }
0x2c: {  	s7 =	sld [smem:$0x3FAB]  }
0x2d: {  	s3 =	simm.s32 $0x108;
	s8 =	sld [smem:$0x3FAC]  }
0x2e: {  	s3 =	simm.s32 @!p0 $0x1082;
	s9 =	sld [smem:$0x3FAD]  }
0x2f: {  	lr =	sadd.s32 s0, s3;
	s0 =	sld [smem:$0x3FA4]  }
0x30: {  	s3 =	sld [smem:$0x3FA7]  }
0x31: {  	[smem:$0x3FB0] =	sst s10  }
0x32: {  	s10 =	sld [smem:$0x3FAE];
	_ =	sdelay $0x3  }
0x33: {  	p0 =	seq.s32 s10, $0x1;
	s10 =	sld [smem:$0x3FB0];
	_ =	sdelay $0x3  }
0x34: {  	[smem:$0x3FB0] =	sst s10  }
0x35: {  	s10 =	sld [smem:$0x3FAF];
	_ =	sdelay $0x3  }
0x36: {  	p1 =	seq.s32 s10, $0x1;
	s10 =	sld [smem:$0x3FB0];
	_ =	sdelay $0x3  }
0x37: {  	[smem:$0x3FB0] =	sst s10  }
0x38: {  	s10 =	sld [smem:$0x3FB1]  }
0x39: {  	_ = 	snop;
	(pc) =	sbr.ind lr, $3  }
0x3a: {  	_ = 	snop  }
0x3b: {  	_ = 	snop  }
0x3c: {  	p2 =	seq.s32 s10, $0x1;
	s10 =	sld [smem:$0x3FB0]  }
0x3d: {  	_ =	shalt  }
0x3e: {  	_ =	shalt  }
0x3f: {  	_ =	shalt  }
0x40: {  	_ =	shalt  }
0x41: {  	_ =	shalt  }
0x42: {  	_ =	shalt  }
0x43: {  	_ =	shalt  }
0x44: {  	_ =	shalt  }
0x45: {  	_ =	shalt  }
0x46: {  	_ =	shalt  }
0x47: {  	_ =	shalt  }
0x48: {  	_ =	shalt  }
0x49: {  	_ =	shalt  }
0x4a: {  	_ =	shalt  }
0x4b: {  	_ =	shalt  }
0x4c: {  	_ =	shalt  }
0x4d: {  	_ =	shalt  }
0x4e: {  	_ =	shalt  }
0x4f: {  	_ =	shalt  }
0x50: {  	_ =	shalt  }
0x51: {  	_ =	shalt  }
0x52: {  	_ =	shalt  }
0x53: {  	_ =	shalt  }
0x54: {  	_ =	shalt  }
0x55: {  	_ =	shalt  }
0x56: {  	_ =	shalt  }
0x57: {  	_ =	shalt  }
0x58: {  	_ =	shalt  }
0x59: {  	_ =	shalt  }
0x5a: {  	_ =	shalt  }
0x5b: {  	_ =	shalt  }
0x5c: {  	_ =	shalt  }
0x5d: {  	_ =	shalt  }
0x5e: {  	_ =	shalt  }
0x5f: {  	_ =	shalt  }
0x60: {  	_ =	shalt  }
0x61: {  	_ =	shalt  }
0x62: {  	_ =	shalt  }
0x63: {  	_ =	shalt  }
0x64: {  	_ =	shalt  }
0x65: {  	_ =	shalt  }
0x66: {  	_ =	shalt  }
0x67: {  	_ =	shalt  }
0x68: {  	_ =	shalt  }
0x69: {  	_ =	shalt  }
0x6a: {  	_ =	shalt  }
0x6b: {  	_ =	shalt  }
0x6c: {  	_ =	shalt  }
0x6d: {  	_ =	shalt  }
0x6e: {  	_ =	shalt  }
0x6f: {  	_ =	shalt  }
0x70: {  	_ =	shalt  }
0x71: {  	_ =	shalt  }
0x72: {  	_ =	shalt  }
0x73: {  	_ =	shalt  }
0x74: {  	_ =	shalt  }
0x75: {  	_ =	shalt  }
0x76: {  	_ =	shalt  }
0x77: {  	_ =	shalt  }
0x78: {  	_ =	shalt  }
0x79: {  	_ =	shalt  }
0x7a: {  	_ =	shalt  }
0x7b: {  	_ =	shalt  }
0x7c: {  	_ =	shalt  }
0x7d: {  	_ =	shalt  }
0x7e: {  	_ =	shalt  }
0x7f: {  	_ =	shalt  }
0x80: {  	_ =	shalt  }
0x81: {  	_ =	shalt  }
0x82: {  	_ =	shalt  }
0x83: {  	_ =	shalt  }
0x84: {  	_ =	shalt  }
0x85: {  	_ =	shalt  }
0x86: {  	_ =	shalt  }
0x87: {  	_ =	shalt  }
.Lfunc_end0:
.L_simem_size_0:
called_computation.2_lowered:
.L_overlay_start_0:
0x88: {  	s2 =	sld [smem:$0x3FD9]  }
0x89: {  	s3 =	sld [smem:$0x3FFE];
	_ =	sdelay $0x1  }
0x8a: {  	s1 =	srdreg.scid  }
0x8b: {  	s0 =	sand.u32 $0x1, s1  }
0x8c: {  	s16 =	sshll.u32 s0, $0xA;
	s2 =	sadd.s32 s3, s2  }
0x8d: {  	s2 =	sadd.s32 s2, s16  }
0x8e: {  	[smem:$0x3FBC] =	sst s2  }
0x8f: {  	_ = 	snop  }
0x90: {  	(tm) =	ssettm $0x1  }
0x91: {  	s17 =	sld [smem:$0x3FFB];
	_ =	sdelay $0x3  }
0x92: {  	_ =	strace s17  }
0x93: {  	s2 =	sld [smem:$0x3FFC];
	_ =	sdelay $0x3  }
0x94: {  	_ =	strace s2  }
0x95: {  	s2 =	sld [smem:$0x3FFD];
	_ =	sdelay $0x3  }
0x96: {  	_ =	strace s2  }
0x97: {  	_ =	strace $0x8FFFFFFF  }
0x98: {  	s18 =	sld [smem:$0x3FDB];
	_ =	sdelay $0x1  }
0x99: {  	s19 =	simm.s32 $_scs_section_size  }
0x9a: {  	s4 =	simm.s32 $_size__tile_overlayer_lowered;
	s5 =	simm.s32 $_tile_overlayer_lowered  }
0x9b: {  	s22 =	simm.s32 $0x1BFF;
	s21 =	sshll.u32 s5, $0x1;
	s2 =	sadd.s32 s19, s18  }
0x9c: {  	s6 =	simm.s32 $0x0;
	s20 =	sshll.u32 s4, $0x1;
	s4 =	sadd.s32 s21, s2  }
0x9d: {  	[timem:s6], [sflag:s22] =	dma.local [hbm:s4], s20  }
0x9e: {  	_ =	swait.ge [sflag:s22], s20  }
0x9f: {  	s3 =	ssub.s32 $0x0, s20;
	[sflag:s22] =	ssyncset.done $0x0  }
0xa0: {  	[sflag:s22] =	ssyncadd.s32 s3;
	_ =	sdelay $0x1  }
0xa1: {  	s23 =	simm.s32 $0x1B8B  }
0xa2: {  	_ =	swait.ge [sflag:s23], $0x1  }
0xa3: {  	[sflag:s23] =	ssyncset.done $0x0  }
0xa4: {  	s25 =	simm.s32 $0x1B8E;
	s24 =	sld [smem:$0x3FFE];
	[sflag:s23] =	ssyncadd.s32 $0xFFFFFFFF  }
0xa5: {  	s26 =	simm.s32 $execute0_lowered;
	[smem:$0x3FD2] =	sst s25  }
0xa6: {  	s4 =	sshll.u32 s26, $0x1;
	_ =	strace $0x8000004C;
	[dreg:$0x1] =	wrdreg $0xFFFFFFFF  }
0xa7: {  	s28 =	simm.s32 $_size_execute0_lowered;
	s2 =	sadd.s32 s2, s4;
	[dreg:$0x0] =	wrdreg $0x0  }
0xa8: {  	s4 =	sshll.u32 s28, $0x1;
	[dreg:$0x2] =	wrdreg s2  }
0xa9: {  	[dreg:$0x3] =	wrdreg s4  }
0xaa: {  	[dreg:$0x4] =	wrdreg $0xC0  }
0xab: {  	_ =	task [dreg:s6], $0x5FFFF  }
0xac: {  	[dreg:$0x1] =	wrdreg $0xFFFFFFFF  }
0xad: {  	[dreg:$0x0] =	wrdreg $0x60  }
0xae: {  	[dreg:$0x2] =	wrdreg s24  }
0xaf: {  	[dreg:$0x3] =	wrdreg $0x150000  }
0xb0: {  	[dreg:$0x4] =	wrdreg $0x9  }
0xb1: {  	_ =	task.clear_ibuf [dreg:s6], $0x5FFFF;
	_ =	strace $0x9000004C  }
0xb2: {  	s29 =	simm.s32 $0x9;
	_ =	strace $0x8000004E  }
0xb3: {  	_ =	swait.ge [sflag:s29], $0x1  }
0xb4: {  	[sflag:s29] =	ssyncadd.s32 $0xFFFFFFFF  }
0xb5: {  	_ =	strace $0x9000004E  }
0xb6: {  	_ =	sfence  }
0xb7: {  	s30 =	sld [smem:$0x0];
	_ =	sdelay $0x2  }
0xb8: {  	s31 =	sshll.u32 s1, $0xD;
	s1 =	sshrl.u32 s1, $0x2  }
0xb9: {  	s3 =	sand.u32 $0x4000, s31;
	s1 =	sadd.s32 s1, s30  }
0xba: {  	s0 =	sor.u32 s3, s0;
	s1 =	sshll.u32 s1, $0x11  }
0xbb: {  	s0 =	sor.u32 s1, s0  }
0xbc: {  	s0 =	sadd.s32 $0x8F2B, s0  }
0xbd: {  	[sflag:s0] =	ssyncadd.remote.s32 $0x1  }
0xbe: {  	_ =	sfence.sel $0xFFFF  }
0xbf: {  	[dreg:$0x0] =	wrdreg $0xFFFFFFFF;
	(pc) =	sbr.abs _section_cstart, $3  }
0xc0: {  	[dreg:$0x1] =	wrdreg $0xFFFFFFFF  }
0xc1: {  	_ =	task.clear_ibuf [dreg:s6], $0x2FFFF;
	_ =	strace $0x9FFFFFFF  }
0xc2: {  	(tm) =	ssettm $0x7FFFFFFF  }
0xc3: {  	_ =	shalt  }
tec
execute0_lowered:
.L_overlay_start_1:
0x0: {  	(tag) =	ssettag $0x1  }
0x1: {  	s0 =	rddreg [dreg:$0x0];
	s1 =	srdreg.scid  }
0x2: {  	s2 =	rddreg [dreg:$0x1];
	s7 =	stileid.u32  }
0x3: {  	s3 =	simm.s32 $0x0;
	s14 =	simm.s32 $0x5000;
	s15 =	simm.s32 $0x11  }
0x4: {  	s17 =	simm.s32 $0x80;
	s18 =	simm.s32 $0x7000;
	s29 =	simm.s32 $0x11000  }
0x5: {  	s30 =	simm.s32 $0x1;
	s31 =	simm.s32 $0x13000;
	s16 =	simm.s32 $0x6  }
0x6: {  	s28 =	simm.s32 $0xE;
	s1 =	sand.u32 $0x1, s1;
	s5 =	smul.u32 $0x13880, s7  }
0x7: {  	[smem:$0x7FF] =	sst s3;
	s4 =	sshll.u32 s1, $0x4;
	s6 =	smul.u32 $0x138800, s1  }
0x8: {  	s1 =	ssub.s32 $0x2, s1;
	s4 =	sor.u32 s7, s4;
	s7 =	smul.u32 $0x27100, s7  }
0x9: {  	s20 =	sshrl.u32 s1, $0x1;
	s4 =	smul.u32 $0x500, s4;
	s6 =	sadd.s32 s5, s6  }
0xa: {  	_ =	strace $0x8000004D;
	s1 =	ssub.s32 s1, s20;
	s6 =	sshrl.u32 s6, $0x4  }
0xb: {  	s19 =	sshrl.u32 s7, $0x2;
	s26 =	smax.u32 s1, $0x1;
	s8 =	sadd.s32 s4, s0  }
0xc: {  	s4 =	sadd.s32 $0x17600, s0;
	s0 =	sadd.s32 s6, s0;
	s6 =	sadd.s32 s19, s2  }
0xd: {  	s5 =	sshrl.u32 s5, $0x1;
	[dreg:$0xa] =	wrdreg s26;
	s21 =	sadd.s32 $0x2000, s6  }
0xe: {  	s5 =	sadd.s32 s5, s2;
	s22 =	sadd.s32 $0x4000, s6;
	[dreg:$0x3] =	wrdreg s21  }
0xf: {  	s1 =	simm.s32 $0x4;
	s23 =	sadd.s32 $0x6000, s6;
	[dreg:$0x4] =	wrdreg s22  }
0x10: {  	s7 =	simm.s32 $0x10;
	s6 =	sadd.s32 $0x8000, s6;
	[dreg:$0x5] =	wrdreg s23  }
.Ltmp0:
0x11: {  	s24 =	sadd.s32 $0x3600, s8;
	[dreg:$0x6] =	wrdreg s6;
	(pc) =	sbr.rel .LBB2_1-.Ltmp0, $4  }
0x12: {  	s26 =	simm.s32 $0xF000;
	s25 =	sadd.s32 $0xD600, s8;
	[dreg:$0x7] =	wrdreg s24  }
0x13: {  	s19 =	simm.s32 $0x8;
	s0 =	sadd.s32 $0x2B000, s0;
	[dreg:$0x8] =	wrdreg s25  }
0x14: {  	[dreg:$0x9] =	wrdreg s0;
	s22 =	simm.s32 $0xB000;
	s0 =	simm.s32 $0x2  }
0x15: {  	v0 =	vimm.bf16 $0.0e+00;
	s24 =	simm.s32 $0xC;
	s25 =	simm.s32 $0xD;
	s6 =	simm.s32 $0xF  }
.LBB2_6:
0x16: {  	s8 =	simm.s32 $0x9  }
0x17: {  	_ =	swait.ge [sflag:s8], $0x2000  }
0x18: {  	[sflag:s8] =	ssyncset.done $0x0  }
0x19: {  	s13 =	simm.s32 $0xA;
	[sflag:s8] =	ssyncadd.s32 $0xFFFFE000  }
0x1a: {  	_ =	swait.ge [sflag:s13], $0x2000  }
0x1b: {  	[sflag:s13] =	ssyncset.done $0x0  }
0x1c: {  	s20 =	simm.s32 $0xB;
	[sflag:s13] =	ssyncadd.s32 $0xFFFFE000  }
0x1d: {  	_ =	swait.ge [sflag:s20], $0x2000  }
0x1e: {  	[sflag:s20] =	ssyncset.done $0x0  }
0x1f: {  	[sflag:s20] =	ssyncadd.s32 $0xFFFFE000  }
0x20: {  	_ =	swait.ge [sflag:s24], $0x2000  }
0x21: {  	[sflag:s24] =	ssyncset.done $0x0  }
0x22: {  	[sflag:s24] =	ssyncadd.s32 $0xFFFFE000  }
0x23: {  	_ =	swait.ge [sflag:s25], $0x2000  }
0x24: {  	[sflag:s25] =	ssyncset.done $0x0  }
0x25: {  	[sflag:s25] =	ssyncadd.s32 $0xFFFFE000  }
0x26: {  	_ =	swait.ge [sflag:s28], $0x2000  }
0x27: {  	[sflag:s28] =	ssyncset.done $0x0  }
0x28: {  	[sflag:s28] =	ssyncadd.s32 $0xFFFFE000  }
0x29: {  	_ =	swait.ge [sflag:s6], $0x2000  }
0x2a: {  	[sflag:s6] =	ssyncset.done $0x0  }
0x2b: {  	[sflag:s6] =	ssyncadd.s32 $0xFFFFE000  }
0x2c: {  	_ =	swait.ge [sflag:s7], $0x2000  }
0x2d: {  	[sflag:s7] =	ssyncset.done $0x0  }
0x2e: {  	s21 =	stileid.u32;
	[sflag:s7] =	ssyncadd.s32 $0xFFFFE000  }
0x2f: {  	s8 =	sshll.u32 s21, $0x6;
	[bflag:$0x0] =	sbarrier.arrive $0xFFFF  }
0x30: {  	s9 =	sshrl.u32 s5, $0x3;
	s8 =	sor.u32 $0x1C11, s8;
	s10 =	rddreg [dreg:$0x9]  }
0x31: {  	[hbm:s10], [sflag:s8] =	dma.local [spmem:s9], $0x1388  }
0x32: {  	_ =	swait.ge [sflag:s15], $0x1388  }
0x33: {  	s3 =	sadd.s32 $0x1, s3;
	s23 =	rddreg [dreg:$0xa]  }
0x34: {  	p0 =	sne.s32 s3, s23  }
.Ltmp1:
0x35: {  	_ = 	snop;
	(pc) =	sbr.rel @!p0 .LBB2_7-.Ltmp1, $3  }
0x36: {  	_ =	sdelay $0x1  }
0x37: {  	[sflag:s15] =	ssyncset.done $0x0  }
0x38: {  	[sflag:s15] =	ssyncadd.s32 $0xFFFFEC78  }
.LBB2_1:
0x39: {  	s9 =	simm.s32 $0x100;
	s8 =	simm.s32 $0x0  }
.LBB2_2:
0x3a: {  	p0 =	sne.s32 s9, $0x7F00;
	[tilespmem:s8+$0x5030] =	vst v0;
	s10 =	smov.u32 s9;
	s9 =	sadd.s32 $0x100, s9  }
.Ltmp2:
0x3b: {  	[tilespmem:s8+$0x5020] =	vst v0;
	(pc) =	sbr.rel @p0 .LBB2_2-.Ltmp2, $3  }
0x3c: {  	[tilespmem:s8+$0x5000] =	vst v0  }
0x3d: {  	[tilespmem:s8+$0x5010] =	vst v0;
	_ =	sdelay $0x1  }
0x3e: {  	s8 =	sshra.s32 s10, $0x2  }
0x3f: {  	[tilespmem:s8+$0x5030] =	vst v0  }
0x40: {  	[tilespmem:s8+$0x5020] =	vst v0  }
0x41: {  	[tilespmem:s8+$0x5000] =	vst v0  }
0x42: {  	[tilespmem:s8+$0x5010] =	vst v0  }
0x43: {  	[spmem:s5] =	stream.linear.scatter [tilespmem:s14], [sflag:$0x11], $0x2000, $0x38;
	[tilespmem:$0x1EE40] =	vst v63  }
0x44: {  	_ =	swait.ge [sflag:s15], $0x2000  }
0x45: {  	[sflag:s15] =	ssyncset.done $0x0  }
0x46: {  	s12 =	rddreg [dreg:$0x3];
	[sflag:s15] =	ssyncadd.s32 $0xFFFFE000  }
0x47: {  	[spmem:s12] =	stream.linear.scatter [tilespmem:s14], [sflag:$0x11], $0x2000, $0x38;
	[tilespmem:$0x1EE40] =	vst v63  }
0x48: {  	_ =	swait.ge [sflag:s15], $0x2000  }
0x49: {  	[sflag:s15] =	ssyncset.done $0x0  }
0x4a: {  	s13 =	rddreg [dreg:$0x4];
	[sflag:s15] =	ssyncadd.s32 $0xFFFFE000  }
0x4b: {  	[spmem:s13] =	stream.linear.scatter [tilespmem:s14], [sflag:$0x11], $0x2000, $0x38;
	[tilespmem:$0x1EE40] =	vst v63  }
0x4c: {  	_ =	swait.ge [sflag:s15], $0x2000  }
0x4d: {  	[sflag:s15] =	ssyncset.done $0x0  }
0x4e: {  	s20 =	rddreg [dreg:$0x5];
	[sflag:s15] =	ssyncadd.s32 $0xFFFFE000  }
0x4f: {  	[spmem:s20] =	stream.linear.scatter [tilespmem:s14], [sflag:$0x11], $0x2000, $0x38;
	[tilespmem:$0x1EE40] =	vst v63  }
0x50: {  	_ =	swait.ge [sflag:s15], $0x2000  }
0x51: {  	[sflag:s15] =	ssyncset.done $0x0  }
0x52: {  	s21 =	rddreg [dreg:$0x6];
	[sflag:s15] =	ssyncadd.s32 $0xFFFFE000  }
0x53: {  	[spmem:s21] =	stream.linear.scatter [tilespmem:s14], [sflag:$0x11], $0x1C40, $0x38;
	[tilespmem:$0x1EE40] =	vst v63  }
0x54: {  	_ =	swait.ge [sflag:s15], $0x1C40  }
0x55: {  	[sflag:s15] =	ssyncset.done $0x0  }
0x56: {  	s8 =	simm.s32 $0x0;
	s9 =	rddreg [dreg:$0x7];
	[sflag:s15] =	ssyncadd.s32 $0xFFFFE3C0  }
0x57: {  	[tilespmem:s8], [sflag:$0x11] =	stream.linear.gather [hbm4b:s9+s8], $0x2800, $0x38;
	[tilespmem:$0x1EE40] =	vst v63  }
0x58: {  	_ =	swait.ge [sflag:s15], $0x2800  }
0x59: {  	[sflag:s15] =	ssyncset.done $0x0  }
0x5a: {  	s10 =	simm.s32 $0x2800;
	s23 =	rddreg [dreg:$0x8];
	[sflag:s15] =	ssyncadd.s32 $0xFFFFD800  }
0x5b: {  	[tilespmem:s10], [sflag:$0x11] =	stream.linear.gather [hbm4b:s23+s8], $0x2800, $0x38;
	[tilespmem:$0x1EE40] =	vst v63  }
0x5c: {  	_ =	swait.ge [sflag:s15], $0x2800  }
0x5d: {  	[sflag:s15] =	ssyncset.done $0x0  }
0x5e: {  	[sflag:s15] =	ssyncadd.s32 $0xFFFFD800  }
0x5f: {  	[tilespmem:s14], [sflag:$0x1] =	stream.indirect.gather [hbm4b:s4+s17], $0x40, s8, s17, $0xb8;
	[tilespmem:$0x1EE40] =	vst v63  }
0x60: {  	_ = 	snop  }
0x61: {  	[tilespmem:s18], [sflag:$0x2] =	stream.indirect.gather [hbm4b:s4+s17], $0x40, s17, s17, $0xb8;
	[tilespmem:$0x1EE40] =	vst v63  }
0x62: {  	s11 =	simm.s32 $0x9000;
	s10 =	simm.s32 $0x100  }
0x63: {  	[tilespmem:s11], [sflag:$0x3] =	stream.indirect.gather [hbm4b:s4+s17], $0x40, s10, s17, $0xb8;
	[tilespmem:$0x1EE40] =	vst v63  }
0x64: {  	s12 =	simm.s32 $0x180  }
0x65: {  	[tilespmem:s22], [sflag:$0x4] =	stream.indirect.gather [hbm4b:s4+s17], $0x40, s12, s17, $0xb8;
	[tilespmem:$0x1EE40] =	vst v63  }
0x66: {  	s13 =	simm.s32 $0x200;
	s20 =	simm.s32 $0xD000  }
0x67: {  	[tilespmem:s20], [sflag:$0x5] =	stream.indirect.gather [hbm4b:s4+s17], $0x40, s13, s17, $0xb8;
	[tilespmem:$0x1EE40] =	vst v63  }
0x68: {  	s21 =	simm.s32 $0x280  }
0x69: {  	[tilespmem:s26], [sflag:$0x6] =	stream.indirect.gather [hbm4b:s4+s17], $0x40, s21, s17, $0xb8;
	[tilespmem:$0x1EE40] =	vst v63  }
0x6a: {  	s23 =	simm.s32 $0x300  }
0x6b: {  	[tilespmem:s29], [sflag:$0x7] =	stream.indirect.gather [hbm4b:s4+s17], $0x40, s23, s17, $0xb8;
	[tilespmem:$0x1EE40] =	vst v63  }
0x6c: {  	[bflag:$0x0] =	sbarrier.arrive $0xFFFF  }
.LBB2_4:
0x6d: {  	_ =	swait.ge [sflag:s30], $0x2000  }
0x6e: {  	s9 =	sshra.s32 s8, $0x2;
	[sflag:s30] =	ssyncset.done $0x0  }
0x6f: {  	p0 =	seq.s32 s8, $0x0;
	s10 =	sadd.s32 $0x2800, s9;
	[sflag:s30] =	ssyncadd.s32 $0xFFFFE000  }
0x70: {  	[spmem:s2] =	stream.indirect.scatter.add.bf16 [tilespmem:s14], [sflag:$0x9], $0x40, s10, s17, $0xb8;
	[tilespmem:$0x1EE40] =	vst v63  }
0x71: {  	s10 =	simm.s32 @!p0 $0x10  }
0x72: {  	s11 =	sshra.s32 @!p0 s8, $0x2;
	_ =	swait.ge @!p0 [sflag:s10], $0x2000  }
0x73: {  	s11 =	sadd.s32 @!p0 $0x380, s11;
	[sflag:s10] =	ssyncset.done @!p0 $0x0  }
0x74: {  	s11 =	simm.s32 @p0 $0x380;
	[sflag:s10] =	ssyncadd.s32 @!p0 $0xFFFFE000  }
0x75: {  	[tilespmem:s31], [sflag:$0x8] =	stream.indirect.gather [hbm4b:s4+s17], $0x40, s11, s17, $0xb8;
	[tilespmem:$0x1EE40] =	vst v63  }
0x76: {  	_ =	swait.ge [sflag:s0], $0x2000  }
0x77: {  	p1 =	seq.s32 s8, $0x9000;
	[sflag:s0] =	ssyncset.done $0x0  }
0x78: {  	s21 =	sadd.s32 $0x2880, s9;
	s10 =	simm.s32 @p1 $0x3;
	[sflag:s0] =	ssyncadd.s32 $0xFFFFE000  }
0x79: {  	[spmem:s2] =	stream.indirect.scatter.add.bf16 [tilespmem:s18], [sflag:$0xA], $0x40, s21, s17, $0xb8;
	[tilespmem:$0x1EE40] =	vst v63  }
0x7a: {  	_ =	swait.ge @p1 [sflag:s10], $0x2000  }
0x7b: {  	s12 =	sshra.s32 @p1 s8, $0x2;
	s13 =	simm.s32 @p1 $0x80;
	[sflag:s10] =	ssyncset.done @p1 $0x0  }
0x7c: {  	s11 =	simm.s32 @p1 $0x9000;
	[sflag:s10] =	ssyncadd.s32 @p1 $0xFFFFE000;
	s10 =	sadd.s32 @p1 $0x2900, s12  }
0x7d: {  	[spmem:s2] =	stream.indirect.scatter.add.bf16 @p1 [tilespmem:s11], [sflag:$0xB], $0x40, s10, s13, $0xb8;
	[tilespmem:$0x1EE40] =	vst v63  }
0x7e: {  	s10 =	simm.s32 @!p1 $0x9  }
0x7f: {  	_ =	swait.ge @!p1 [sflag:s10], $0x2000  }
0x80: {  	[sflag:s10] =	ssyncset.done @!p1 $0x0  }
0x81: {  	[sflag:s10] =	ssyncadd.s32 @!p1 $0xFFFFE000;
	s10 =	sshra.s32 @!p1 s8, $0x2  }
0x82: {  	s21 =	simm.s32 @!p1 $0x5000;
	s11 =	simm.s32 @!p1 $0x80;
	s20 =	sadd.s32 @!p1 $0x400, s10  }
0x83: {  	[tilespmem:s21], [sflag:$0x1] =	stream.indirect.gather @!p1 [hbm4b:s4+s11], $0x40, s20, s11, $0xb8;
	[tilespmem:$0x1EE40] =	vst v63  }
0x84: {  	s20 =	simm.s32 @!p1 $0x3  }
0x85: {  	_ =	swait.ge @!p1 [sflag:s20], $0x2000  }
0x86: {  	[sflag:s20] =	ssyncset.done @!p1 $0x0  }
0x87: {  	s21 =	simm.s32 @!p1 $0x9000;
	[sflag:s20] =	ssyncadd.s32 @!p1 $0xFFFFE000;
	s20 =	sadd.s32 @!p1 $0x2900, s10  }
0x88: {  	[spmem:s2] =	stream.indirect.scatter.add.bf16 @!p1 [tilespmem:s21], [sflag:$0xB], $0x40, s20, s11, $0xb8;
	[tilespmem:$0x1EE40] =	vst v63  }
0x89: {  	s20 =	simm.s32 @!p1 $0xA  }
0x8a: {  	_ =	swait.ge @!p1 [sflag:s20], $0x2000  }
0x8b: {  	[sflag:s20] =	ssyncset.done @!p1 $0x0  }
0x8c: {  	s23 =	simm.s32 @!p1 $0x7000;
	[sflag:s20] =	ssyncadd.s32 @!p1 $0xFFFFE000;
	s20 =	sadd.s32 @!p1 $0x480, s10  }
0x8d: {  	[tilespmem:s23], [sflag:$0x2] =	stream.indirect.gather @!p1 [hbm4b:s4+s11], $0x40, s20, s11, $0xb8;
	[tilespmem:$0x1EE40] =	vst v63  }
0x8e: {  	_ =	swait.ge [sflag:s1], $0x2000  }
0x8f: {  	[sflag:s1] =	ssyncset.done $0x0  }
0x90: {  	s23 =	sadd.s32 $0x2980, s9;
	s20 =	simm.s32 @p1 $0x5;
	[sflag:s1] =	ssyncadd.s32 $0xFFFFE000  }
0x91: {  	[spmem:s2] =	stream.indirect.scatter.add.bf16 [tilespmem:s22], [sflag:$0xC], $0x40, s23, s17, $0xb8;
	[tilespmem:$0x1EE40] =	vst v63  }
0x92: {  	_ =	swait.ge @p1 [sflag:s20], $0x2000  }
0x93: {  	[sflag:s20] =	ssyncset.done @p1 $0x0  }
0x94: {  	s23 =	simm.s32 @p1 $0xD000;
	[sflag:s20] =	ssyncadd.s32 @p1 $0xFFFFE000;
	s20 =	sadd.s32 @p1 $0x2A00, s12  }
0x95: {  	[spmem:s2] =	stream.indirect.scatter.add.bf16 @p1 [tilespmem:s23], [sflag:$0xD], $0x40, s20, s13, $0xb8;
	[tilespmem:$0x1EE40] =	vst v63  }
0x96: {  	s20 =	simm.s32 @!p1 $0xB  }
0x97: {  	_ =	swait.ge @!p1 [sflag:s20], $0x2000  }
0x98: {  	[sflag:s20] =	ssyncset.done @!p1 $0x0  }
0x99: {  	[sflag:s20] =	ssyncadd.s32 @!p1 $0xFFFFE000;
	s20 =	sadd.s32 @!p1 $0x500, s10  }
0x9a: {  	[tilespmem:s21], [sflag:$0x3] =	stream.indirect.gather @!p1 [hbm4b:s4+s11], $0x40, s20, s11, $0xb8;
	[tilespmem:$0x1EE40] =	vst v63  }
0x9b: {  	s20 =	simm.s32 @!p1 $0x5  }
0x9c: {  	_ =	swait.ge @!p1 [sflag:s20], $0x2000  }
0x9d: {  	[sflag:s20] =	ssyncset.done @!p1 $0x0  }
0x9e: {  	s21 =	simm.s32 @!p1 $0xD000;
	[sflag:s20] =	ssyncadd.s32 @!p1 $0xFFFFE000;
	s20 =	sadd.s32 @!p1 $0x2A00, s10  }
0x9f: {  	[spmem:s2] =	stream.indirect.scatter.add.bf16 @!p1 [tilespmem:s21], [sflag:$0xD], $0x40, s20, s11, $0xb8;
	[tilespmem:$0x1EE40] =	vst v63  }
0xa0: {  	s20 =	simm.s32 @!p1 $0xC  }
0xa1: {  	_ =	swait.ge @!p1 [sflag:s20], $0x2000  }
0xa2: {  	[sflag:s20] =	ssyncset.done @!p1 $0x0  }
0xa3: {  	s23 =	simm.s32 @!p1 $0xB000;
	[sflag:s20] =	ssyncadd.s32 @!p1 $0xFFFFE000;
	s20 =	sadd.s32 @!p1 $0x580, s10  }
0xa4: {  	[tilespmem:s23], [sflag:$0x4] =	stream.indirect.gather @!p1 [hbm4b:s4+s11], $0x40, s20, s11, $0xb8;
	[tilespmem:$0x1EE40] =	vst v63  }
0xa5: {  	_ =	swait.ge [sflag:s16], $0x2000  }
0xa6: {  	[sflag:s16] =	ssyncset.done $0x0  }
0xa7: {  	s23 =	sadd.s32 $0x2A80, s9;
	s20 =	simm.s32 @p1 $0x7;
	[sflag:s16] =	ssyncadd.s32 $0xFFFFE000  }
0xa8: {  	[spmem:s2] =	stream.indirect.scatter.add.bf16 [tilespmem:s26], [sflag:$0xE], $0x40, s23, s17, $0xb8;
	[tilespmem:$0x1EE40] =	vst v63  }
0xa9: {  	_ =	swait.ge @p1 [sflag:s20], $0x2000  }
0xaa: {  	[sflag:s20] =	ssyncset.done @p1 $0x0  }
0xab: {  	s12 =	sadd.s32 @p1 $0x2B00, s12;
	[sflag:s20] =	ssyncadd.s32 @p1 $0xFFFFE000;
	s20 =	simm.s32 @p1 $0x11000  }
0xac: {  	[spmem:s2] =	stream.indirect.scatter.add.bf16 @p1 [tilespmem:s20], [sflag:$0xF], $0x40, s12, s13, $0xb8;
	[tilespmem:$0x1EE40] =	vst v63  }
0xad: {  	s12 =	simm.s32 @!p1 $0xD  }
0xae: {  	_ =	swait.ge @!p1 [sflag:s12], $0x2000  }
0xaf: {  	[sflag:s12] =	ssyncset.done @!p1 $0x0  }
0xb0: {  	[sflag:s12] =	ssyncadd.s32 @!p1 $0xFFFFE000;
	s12 =	sadd.s32 @!p1 $0x600, s10  }
0xb1: {  	[tilespmem:s21], [sflag:$0x5] =	stream.indirect.gather @!p1 [hbm4b:s4+s11], $0x40, s12, s11, $0xb8;
	[tilespmem:$0x1EE40] =	vst v63  }
0xb2: {  	s12 =	simm.s32 @!p1 $0x7  }
0xb3: {  	_ =	swait.ge @!p1 [sflag:s12], $0x2000  }
0xb4: {  	[sflag:s12] =	ssyncset.done @!p1 $0x0  }
0xb5: {  	s13 =	simm.s32 @!p1 $0x11000;
	[sflag:s12] =	ssyncadd.s32 @!p1 $0xFFFFE000;
	s12 =	sadd.s32 @!p1 $0x2B00, s10  }
0xb6: {  	[spmem:s2] =	stream.indirect.scatter.add.bf16 @!p1 [tilespmem:s13], [sflag:$0xF], $0x40, s12, s11, $0xb8;
	[tilespmem:$0x1EE40] =	vst v63  }
0xb7: {  	s12 =	simm.s32 @!p1 $0xE  }
0xb8: {  	_ =	swait.ge @!p1 [sflag:s12], $0x2000  }
0xb9: {  	[sflag:s12] =	ssyncset.done @!p1 $0x0  }
0xba: {  	s10 =	sadd.s32 @!p1 $0x680, s10;
	[sflag:s12] =	ssyncadd.s32 @!p1 $0xFFFFE000;
	s12 =	simm.s32 @!p1 $0xF000  }
0xbb: {  	[tilespmem:s12], [sflag:$0x6] =	stream.indirect.gather @!p1 [hbm4b:s4+s11], $0x40, s10, s11, $0xb8;
	[tilespmem:$0x1EE40] =	vst v63  }
.Ltmp3:
0xbc: {  	s13 =	sadd.s32 @!p0 $0xE00, s8;
	(pc) =	sbr.rel @p1 .LBB2_6-.Ltmp3, $4  }
0xbd: {  	s13 =	simm.s32 @p0 $0xE00;
	_ =	swait.ge [sflag:s19], $0x2000  }
0xbe: {  	s23 =	sshra.s32 s13, $0x2;
	[sflag:s19] =	ssyncset.done $0x0  }
0xbf: {  	s10 =	sadd.s32 $0x2800, s23;
	[sflag:s19] =	ssyncadd.s32 $0xFFFFE000  }
0xc0: {  	[spmem:s2] =	stream.indirect.scatter.add.bf16 [tilespmem:s31], [sflag:$0x10], $0x40, s10, s17, $0xb8;
	[tilespmem:$0x1EE40] =	vst v63  }
.Ltmp4:
0xc1: {  	(pc) =	sbr.rel .LBB2_4-.Ltmp4, $4  }
0xc2: {  	_ =	swait.ge [sflag:s6], $0x2000  }
0xc3: {  	[sflag:s6] =	ssyncset.done $0x0  }
0xc4: {  	s9 =	sadd.s32 $0x700, s9;
	s8 =	sadd.s32 $0x1000, s8;
	[sflag:s6] =	ssyncadd.s32 $0xFFFFE000  }
0xc5: {  	[tilespmem:s29], [sflag:$0x7] =	stream.indirect.gather [hbm4b:s4+s17], $0x40, s9, s17, $0xb8;
	[tilespmem:$0x1EE40] =	vst v63  }
.LBB2_7:
0xc6: {  	_ =	sfence.sel $0x180000  }
0xc7: {  	[bflag:$0x0] =	sbarrier.arrive $0xFFFF  }
0xc8: {  	_ =	strace $0x9000004D  }
0xc9: {  	s0 =	stileid.u32;
	[bflag:$0x2] =	sbarrier.arrive $0xFFFF  }
0xca: {  	p0 =	sne.s32 s0, $0x0;
	s0 =	rddreg [dreg:$0x2]  }
0xcb: {  	s0 =	sadd.s32 @!p0 $0x100000, s0  }
0xcc: {  	[sflag:s0] =	ssyncadd.tile.s32 @!p0 $0x1;
	_ =	shalt  }
.Lfunc_end2:
_tile_overlayer_lowered:
.L_overlay_start_2:
0xcd: {  	(tag) =	ssettag $0x2  }
0xce: {  	s0 =	rddreg [dreg:$0x0];
	s2 =	stileid.u32  }
0xcf: {  	s1 =	rddreg [dreg:$0x1];
	p0 =	sne.s32 s2, $0x0  }
0xd0: {  	s3 =	rddreg [dreg:$0x2];
	[bflag:$0x3] =	sbarrier.arrive $0xFFFF;
	s2 =	simm.s32 @!p0 $0x1C11  }
0xd1: {  	[timem:s3], [sflag:s2] =	dma.local @!p0 [hbm:s0], s1  }
0xd2: {  	s0 =	simm.s32 @!p0 $0x11  }
0xd3: {  	_ =	swait.ge @!p0 [sflag:s0], s1  }
0xd4: {  	s1 =	ssub.s32 @!p0 $0x0, s1;
	[sflag:s0] =	ssyncset.done @!p0 $0x0  }
0xd5: {  	[sflag:s0] =	ssyncadd.s32 @!p0 s1  }
0xd6: {  	[bflag:$0x3] =	sbarrier.arrive $0xFFFF  }
0xd7: {  	_ =	shalt  }

// kernel: kernel.20.cloned.1.call-start
scs
__scs_entry_jumppad:
0x0: {  	(pc) =	sbr.rel $0x88, $3  }
0x1: {  	(tag) =	ssettag $0x0;
	lr =	simm.s32 $0x1  }
0x2: {  	[smem:$0x3F95] =	sst lr;
	_ =	strace $0xD0000000  }
0x3: {  	_ = 	snop  }
0x4: {  	_ = 	snop  }
0x5: {  	_ = 	snop  }
0x6: {  	_ = 	snop  }
0x7: {  	_ = 	snop  }
__scs_overlays_trampoline_lowered:
0x8: {  	[smem:$0x3FA4] =	sst s0  }
0x9: {  	[smem:$0x3FA5] =	sst s1  }
0xa: {  	[smem:$0x3FA6] =	sst s2  }
0xb: {  	[smem:$0x3FA7] =	sst s3  }
0xc: {  	[smem:$0x3FA8] =	sst s4  }
0xd: {  	[smem:$0x3FA9] =	sst s5  }
0xe: {  	[smem:$0x3FAA] =	sst s6  }
0xf: {  	[smem:$0x3FAB] =	sst s7  }
0x10: {  	[smem:$0x3FAC] =	sst s8  }
0x11: {  	[smem:$0x3FAD] =	sst s9;
	s0 =	simm.s32 @!p0 $0x0  }
0x12: {  	s1 =	sld [smem:$0x3F93];
	s0 =	simm.s32 @p0 $0x1  }
0x13: {  	[smem:$0x3FAE] =	sst s0;
	s0 =	simm.s32 @!p1 $0x0  }
0x14: {  	s2 =	sld [smem:$0x3F92];
	s0 =	simm.s32 @p1 $0x1  }
0x15: {  	[smem:$0x3FAF] =	sst s0;
	s0 =	simm.s32 @!p2 $0x0  }
0x16: {  	s3 =	sld [smem:$0x3FDB];
	s0 =	simm.s32 @p2 $0x1  }
0x17: {  	s4 =	simm.s32 $0x1BF5;
	[smem:$0x3FB1] =	sst s0  }
0x18: {  	s0 =	sld [smem:$0x3F94];
	_ =	swait.ge [sflag:s4], $0x0  }
0x19: {  	s7 =	sld [smem:$0x3F95]  }
0x1a: {  	s8 =	sadd.s32 $0xFFFFE003, lr  }
0x1b: {  	s9 =	sadd.s32 $0xFFFFFEF7, lr;
	s5 =	simm.s32 $0xFFFFFFFF;
	p2 =	slt.u32 s8, $0xFFFFF086  }
0x1c: {  	p1 =	slt.u32 s9, $0xF7A;
	s5 =	simm.s32 @!p2 $0x0  }
0x1d: {  	s5 =	simm.s32 @p1 $0x1;
	p0 =	seq.s32 s7, s2  }
0x1e: {  	s7 =	smul.u32 @!p0 $0xF7A, s2;
	p2 =	seq.s32 @!p0 s5, $0x0  }
0x1f: {  	s9 =	smul.u32 $0xF7A, s1;
	s8 =	simm.s32 @!p0 $0x1BF5;
	p2 =	por !p2, p0  }
0x20: {  	[sflag:s8] =	ssyncset.s32 @!p0 $0xFFFFF086;
	s6 =	sadd.s32 @!p0 s3, s7;
	s7 =	simm.s32 @!p0 $0x108  }
0x21: {  	s3 =	sadd.s32 s3, s9;
	s6 =	sadd.s32 @!p0 $0x88, s6;
	s7 =	simm.s32 @p2 $0x1082  }
0x22: {  	[simem:s7], [sflag:s8] =	dma.local @!p0 [hbm:s6], $0xF7A  }
0x23: {  	s9 =	sor.u32 $0xD0000000, s2;
	s6 =	simm.s32 $0x108;
	_ =	swait.ge @!p0 [sflag:s8], $0x0  }
0x24: {  	s3 =	sadd.s32 $0x88, s3;
	s6 =	simm.s32 @!p1 $0x1082;
	[sflag:s4] =	ssyncset.s32 $0xFFFFF086  }
0x25: {  	[simem:s6], [sflag:s4] =	dma.local [hbm:s3], $0xF7A  }
0x26: {  	[smem:$0x3F95] =	sst s1;
	(tag) =	ssettag s2;
	_ =	strace s9  }
0x27: {  	s1 =	sld [smem:$0x3FA5]  }
0x28: {  	s2 =	sld [smem:$0x3FA6]  }
0x29: {  	s4 =	sld [smem:$0x3FA8]  }
0x2a: {  	p0 =	seq.s32 s5, $0x0;
	s5 =	sld [smem:$0x3FA9]  }
0x2b: {  	s6 =	sld [smem:$0x3FAA]  }
0x2c: {  	s7 =	sld [smem:$0x3FAB]  }
0x2d: {  	s3 =	simm.s32 $0x108;
	s8 =	sld [smem:$0x3FAC]  }
0x2e: {  	s3 =	simm.s32 @!p0 $0x1082;
	s9 =	sld [smem:$0x3FAD]  }
0x2f: {  	lr =	sadd.s32 s0, s3;
	s0 =	sld [smem:$0x3FA4]  }
0x30: {  	s3 =	sld [smem:$0x3FA7]  }
0x31: {  	[smem:$0x3FB0] =	sst s10  }
0x32: {  	s10 =	sld [smem:$0x3FAE];
	_ =	sdelay $0x3  }
0x33: {  	p0 =	seq.s32 s10, $0x1;
	s10 =	sld [smem:$0x3FB0];
	_ =	sdelay $0x3  }
0x34: {  	[smem:$0x3FB0] =	sst s10  }
0x35: {  	s10 =	sld [smem:$0x3FAF];
	_ =	sdelay $0x3  }
0x36: {  	p1 =	seq.s32 s10, $0x1;
	s10 =	sld [smem:$0x3FB0];
	_ =	sdelay $0x3  }
0x37: {  	[smem:$0x3FB0] =	sst s10  }
0x38: {  	s10 =	sld [smem:$0x3FB1]  }
0x39: {  	_ = 	snop;
	(pc) =	sbr.ind lr, $3  }
0x3a: {  	_ = 	snop  }
0x3b: {  	_ = 	snop  }
0x3c: {  	p2 =	seq.s32 s10, $0x1;
	s10 =	sld [smem:$0x3FB0]  }
0x3d: {  	_ =	shalt  }
0x3e: {  	_ =	shalt  }
0x3f: {  	_ =	shalt  }
0x40: {  	_ =	shalt  }
0x41: {  	_ =	shalt  }
0x42: {  	_ =	shalt  }
0x43: {  	_ =	shalt  }
0x44: {  	_ =	shalt  }
0x45: {  	_ =	shalt  }
0x46: {  	_ =	shalt  }
0x47: {  	_ =	shalt  }
0x48: {  	_ =	shalt  }
0x49: {  	_ =	shalt  }
0x4a: {  	_ =	shalt  }
0x4b: {  	_ =	shalt  }
0x4c: {  	_ =	shalt  }
0x4d: {  	_ =	shalt  }
0x4e: {  	_ =	shalt  }
0x4f: {  	_ =	shalt  }
0x50: {  	_ =	shalt  }
0x51: {  	_ =	shalt  }
0x52: {  	_ =	shalt  }
0x53: {  	_ =	shalt  }
0x54: {  	_ =	shalt  }
0x55: {  	_ =	shalt  }
0x56: {  	_ =	shalt  }
0x57: {  	_ =	shalt  }
0x58: {  	_ =	shalt  }
0x59: {  	_ =	shalt  }
0x5a: {  	_ =	shalt  }
0x5b: {  	_ =	shalt  }
0x5c: {  	_ =	shalt  }
0x5d: {  	_ =	shalt  }
0x5e: {  	_ =	shalt  }
0x5f: {  	_ =	shalt  }
0x60: {  	_ =	shalt  }
0x61: {  	_ =	shalt  }
0x62: {  	_ =	shalt  }
0x63: {  	_ =	shalt  }
0x64: {  	_ =	shalt  }
0x65: {  	_ =	shalt  }
0x66: {  	_ =	shalt  }
0x67: {  	_ =	shalt  }
0x68: {  	_ =	shalt  }
0x69: {  	_ =	shalt  }
0x6a: {  	_ =	shalt  }
0x6b: {  	_ =	shalt  }
0x6c: {  	_ =	shalt  }
0x6d: {  	_ =	shalt  }
0x6e: {  	_ =	shalt  }
0x6f: {  	_ =	shalt  }
0x70: {  	_ =	shalt  }
0x71: {  	_ =	shalt  }
0x72: {  	_ =	shalt  }
0x73: {  	_ =	shalt  }
0x74: {  	_ =	shalt  }
0x75: {  	_ =	shalt  }
0x76: {  	_ =	shalt  }
0x77: {  	_ =	shalt  }
0x78: {  	_ =	shalt  }
0x79: {  	_ =	shalt  }
0x7a: {  	_ =	shalt  }
0x7b: {  	_ =	shalt  }
0x7c: {  	_ =	shalt  }
0x7d: {  	_ =	shalt  }
0x7e: {  	_ =	shalt  }
0x7f: {  	_ =	shalt  }
0x80: {  	_ =	shalt  }
0x81: {  	_ =	shalt  }
0x82: {  	_ =	shalt  }
0x83: {  	_ =	shalt  }
0x84: {  	_ =	shalt  }
0x85: {  	_ =	shalt  }
0x86: {  	_ =	shalt  }
0x87: {  	_ =	shalt  }
.Lfunc_end0:
.L_simem_size_0:
called_computation.3_lowered:
.L_overlay_start_0:
0x88: {  	s2 =	sld [smem:$0x3FD9]  }
0x89: {  	s3 =	sld [smem:$0x3FFE];
	_ =	sdelay $0x1  }
0x8a: {  	s1 =	srdreg.scid  }
0x8b: {  	s0 =	sand.u32 $0x1, s1  }
0x8c: {  	s16 =	sshll.u32 s0, $0xA;
	s2 =	sadd.s32 s3, s2  }
0x8d: {  	s2 =	sadd.s32 s2, s16  }
0x8e: {  	[smem:$0x3FBC] =	sst s2  }
0x8f: {  	_ = 	snop  }
0x90: {  	(tm) =	ssettm $0x1  }
0x91: {  	s17 =	sld [smem:$0x3FFB];
	_ =	sdelay $0x3  }
0x92: {  	_ =	strace s17  }
0x93: {  	s2 =	sld [smem:$0x3FFC];
	_ =	sdelay $0x3  }
0x94: {  	_ =	strace s2  }
0x95: {  	s2 =	sld [smem:$0x3FFD];
	_ =	sdelay $0x3  }
0x96: {  	_ =	strace s2  }
0x97: {  	_ =	strace $0x8FFFFFFF  }
0x98: {  	s18 =	sld [smem:$0x3FDB];
	_ =	sdelay $0x1  }
0x99: {  	s19 =	simm.s32 $_scs_section_size  }
0x9a: {  	s4 =	simm.s32 $_size__tile_overlayer_lowered;
	s5 =	simm.s32 $_tile_overlayer_lowered  }
0x9b: {  	s22 =	simm.s32 $0x1BFF;
	s21 =	sshll.u32 s5, $0x1;
	s2 =	sadd.s32 s19, s18  }
0x9c: {  	s6 =	simm.s32 $0x0;
	s20 =	sshll.u32 s4, $0x1;
	s4 =	sadd.s32 s21, s2  }
0x9d: {  	[timem:s6], [sflag:s22] =	dma.local [hbm:s4], s20  }
0x9e: {  	_ =	swait.ge [sflag:s22], s20  }
0x9f: {  	s3 =	ssub.s32 $0x0, s20;
	[sflag:s22] =	ssyncset.done $0x0  }
0xa0: {  	[sflag:s22] =	ssyncadd.s32 s3;
	_ =	sdelay $0x1  }
0xa1: {  	s23 =	simm.s32 $0x1B8B  }
0xa2: {  	_ =	swait.ge [sflag:s23], $0x1  }
0xa3: {  	[sflag:s23] =	ssyncset.done $0x0  }
0xa4: {  	s25 =	simm.s32 $0x1B8E;
	s24 =	sld [smem:$0x3FFE];
	[sflag:s23] =	ssyncadd.s32 $0xFFFFFFFF  }
0xa5: {  	s26 =	simm.s32 $execute0_lowered;
	[smem:$0x3FD2] =	sst s25  }
0xa6: {  	s4 =	sshll.u32 s26, $0x1;
	_ =	strace $0x8000004F;
	[dreg:$0x1] =	wrdreg $0xFFFFFFFF  }
0xa7: {  	s28 =	simm.s32 $_size_execute0_lowered;
	s2 =	sadd.s32 s2, s4;
	[dreg:$0x0] =	wrdreg $0x0  }
0xa8: {  	s4 =	sshll.u32 s28, $0x1;
	[dreg:$0x2] =	wrdreg s2  }
0xa9: {  	[dreg:$0x3] =	wrdreg s4  }
0xaa: {  	[dreg:$0x4] =	wrdreg $0xC0  }
0xab: {  	_ =	task [dreg:s6], $0x5FFFF  }
0xac: {  	[dreg:$0x1] =	wrdreg $0xFFFFFFFF  }
0xad: {  	[dreg:$0x0] =	wrdreg $0x60  }
0xae: {  	[dreg:$0x2] =	wrdreg s24  }
0xaf: {  	[dreg:$0x3] =	wrdreg $0x150000  }
0xb0: {  	[dreg:$0x4] =	wrdreg $0x9  }
0xb1: {  	_ =	task.clear_ibuf [dreg:s6], $0x5FFFF;
	_ =	strace $0x9000004F  }
0xb2: {  	s29 =	simm.s32 $0x9;
	_ =	strace $0x80000051  }
0xb3: {  	_ =	swait.ge [sflag:s29], $0x1  }
0xb4: {  	[sflag:s29] =	ssyncadd.s32 $0xFFFFFFFF  }
0xb5: {  	_ =	strace $0x90000051  }
0xb6: {  	_ =	sfence  }
0xb7: {  	s30 =	sld [smem:$0x0];
	_ =	sdelay $0x2  }
0xb8: {  	s31 =	sshll.u32 s1, $0xD;
	s1 =	sshrl.u32 s1, $0x2  }
0xb9: {  	s3 =	sand.u32 $0x4000, s31;
	s1 =	sadd.s32 s1, s30  }
0xba: {  	s0 =	sor.u32 s3, s0;
	s1 =	sshll.u32 s1, $0x11  }
0xbb: {  	s0 =	sor.u32 s1, s0  }
0xbc: {  	s0 =	sadd.s32 $0x8F2B, s0  }
0xbd: {  	[sflag:s0] =	ssyncadd.remote.s32 $0x1  }
0xbe: {  	_ =	sfence.sel $0xFFFF  }
0xbf: {  	[dreg:$0x0] =	wrdreg $0xFFFFFFFF;
	(pc) =	sbr.abs _section_cstart, $3  }
0xc0: {  	[dreg:$0x1] =	wrdreg $0xFFFFFFFF  }
0xc1: {  	_ =	task.clear_ibuf [dreg:s6], $0x2FFFF;
	_ =	strace $0x9FFFFFFF  }
0xc2: {  	(tm) =	ssettm $0x7FFFFFFF  }
0xc3: {  	_ =	shalt  }
tec
execute0_lowered:
.L_overlay_start_1:
0x0: {  	(tag) =	ssettag $0x1  }
0x1: {  	s0 =	rddreg [dreg:$0x0];
	s1 =	srdreg.scid  }
0x2: {  	s2 =	rddreg [dreg:$0x1];
	s7 =	stileid.u32  }
0x3: {  	s3 =	simm.s32 $0x0;
	s14 =	simm.s32 $0x5000;
	s15 =	simm.s32 $0x11  }
0x4: {  	s17 =	simm.s32 $0x80;
	s18 =	simm.s32 $0x7000;
	s29 =	simm.s32 $0x11000  }
0x5: {  	s30 =	simm.s32 $0x1;
	s31 =	simm.s32 $0x13000;
	s16 =	simm.s32 $0x6  }
0x6: {  	s28 =	simm.s32 $0xE;
	s1 =	sand.u32 $0x1, s1;
	s5 =	smul.u32 $0x13880, s7  }
0x7: {  	[smem:$0x7FF] =	sst s3;
	s4 =	sshll.u32 s1, $0x4;
	s6 =	smul.u32 $0x138800, s1  }
0x8: {  	s1 =	ssub.s32 $0x2, s1;
	s4 =	sor.u32 s7, s4;
	s7 =	smul.u32 $0x27100, s7  }
0x9: {  	s20 =	sshrl.u32 s1, $0x1;
	s4 =	smul.u32 $0x500, s4;
	s6 =	sadd.s32 s5, s6  }
0xa: {  	_ =	strace $0x80000050;
	s1 =	ssub.s32 s1, s20;
	s6 =	sshrl.u32 s6, $0x4  }
0xb: {  	s19 =	sshrl.u32 s7, $0x2;
	s26 =	smax.u32 s1, $0x1;
	s8 =	sadd.s32 s4, s0  }
0xc: {  	s4 =	sadd.s32 $0x17600, s0;
	s0 =	sadd.s32 s6, s0;
	s6 =	sadd.s32 s19, s2  }
0xd: {  	s5 =	sshrl.u32 s5, $0x1;
	[dreg:$0xa] =	wrdreg s26;
	s21 =	sadd.s32 $0x2000, s6  }
0xe: {  	s5 =	sadd.s32 s5, s2;
	s22 =	sadd.s32 $0x4000, s6;
	[dreg:$0x3] =	wrdreg s21  }
0xf: {  	s1 =	simm.s32 $0x4;
	s23 =	sadd.s32 $0x6000, s6;
	[dreg:$0x4] =	wrdreg s22  }
0x10: {  	s7 =	simm.s32 $0x10;
	s6 =	sadd.s32 $0x8000, s6;
	[dreg:$0x5] =	wrdreg s23  }
.Ltmp0:
0x11: {  	s24 =	sadd.s32 $0x3600, s8;
	[dreg:$0x6] =	wrdreg s6;
	(pc) =	sbr.rel .LBB2_1-.Ltmp0, $4  }
0x12: {  	s26 =	simm.s32 $0xF000;
	s25 =	sadd.s32 $0xD600, s8;
	[dreg:$0x7] =	wrdreg s24  }
0x13: {  	s19 =	simm.s32 $0x8;
	s0 =	sadd.s32 $0x2B000, s0;
	[dreg:$0x8] =	wrdreg s25  }
0x14: {  	[dreg:$0x9] =	wrdreg s0;
	s22 =	simm.s32 $0xB000;
	s0 =	simm.s32 $0x2  }
0x15: {  	v0 =	vimm.bf16 $0.0e+00;
	s24 =	simm.s32 $0xC;
	s25 =	simm.s32 $0xD;
	s6 =	simm.s32 $0xF  }
.LBB2_6:
0x16: {  	s8 =	simm.s32 $0x9  }
0x17: {  	_ =	swait.ge [sflag:s8], $0x2000  }
0x18: {  	[sflag:s8] =	ssyncset.done $0x0  }
0x19: {  	s13 =	simm.s32 $0xA;
	[sflag:s8] =	ssyncadd.s32 $0xFFFFE000  }
0x1a: {  	_ =	swait.ge [sflag:s13], $0x2000  }
0x1b: {  	[sflag:s13] =	ssyncset.done $0x0  }
0x1c: {  	s20 =	simm.s32 $0xB;
	[sflag:s13] =	ssyncadd.s32 $0xFFFFE000  }
0x1d: {  	_ =	swait.ge [sflag:s20], $0x2000  }
0x1e: {  	[sflag:s20] =	ssyncset.done $0x0  }
0x1f: {  	[sflag:s20] =	ssyncadd.s32 $0xFFFFE000  }
0x20: {  	_ =	swait.ge [sflag:s24], $0x2000  }
0x21: {  	[sflag:s24] =	ssyncset.done $0x0  }
0x22: {  	[sflag:s24] =	ssyncadd.s32 $0xFFFFE000  }
0x23: {  	_ =	swait.ge [sflag:s25], $0x2000  }
0x24: {  	[sflag:s25] =	ssyncset.done $0x0  }
0x25: {  	[sflag:s25] =	ssyncadd.s32 $0xFFFFE000  }
0x26: {  	_ =	swait.ge [sflag:s28], $0x2000  }
0x27: {  	[sflag:s28] =	ssyncset.done $0x0  }
0x28: {  	[sflag:s28] =	ssyncadd.s32 $0xFFFFE000  }
0x29: {  	_ =	swait.ge [sflag:s6], $0x2000  }
0x2a: {  	[sflag:s6] =	ssyncset.done $0x0  }
0x2b: {  	[sflag:s6] =	ssyncadd.s32 $0xFFFFE000  }
0x2c: {  	_ =	swait.ge [sflag:s7], $0x2000  }
0x2d: {  	[sflag:s7] =	ssyncset.done $0x0  }
0x2e: {  	s21 =	stileid.u32;
	[sflag:s7] =	ssyncadd.s32 $0xFFFFE000  }
0x2f: {  	s8 =	sshll.u32 s21, $0x6;
	[bflag:$0x0] =	sbarrier.arrive $0xFFFF  }
0x30: {  	s9 =	sshrl.u32 s5, $0x3;
	s8 =	sor.u32 $0x1C11, s8;
	s10 =	rddreg [dreg:$0x9]  }
0x31: {  	[hbm:s10], [sflag:s8] =	dma.local [spmem:s9], $0x1388  }
0x32: {  	_ =	swait.ge [sflag:s15], $0x1388  }
0x33: {  	s3 =	sadd.s32 $0x1, s3;
	s23 =	rddreg [dreg:$0xa]  }
0x34: {  	p0 =	sne.s32 s3, s23  }
.Ltmp1:
0x35: {  	_ = 	snop;
	(pc) =	sbr.rel @!p0 .LBB2_7-.Ltmp1, $3  }
0x36: {  	_ =	sdelay $0x1  }
0x37: {  	[sflag:s15] =	ssyncset.done $0x0  }
0x38: {  	[sflag:s15] =	ssyncadd.s32 $0xFFFFEC78  }
.LBB2_1:
0x39: {  	s9 =	simm.s32 $0x100;
	s8 =	simm.s32 $0x0  }
.LBB2_2:
0x3a: {  	p0 =	sne.s32 s9, $0x7F00;
	[tilespmem:s8+$0x5030] =	vst v0;
	s10 =	smov.u32 s9;
	s9 =	sadd.s32 $0x100, s9  }
.Ltmp2:
0x3b: {  	[tilespmem:s8+$0x5020] =	vst v0;
	(pc) =	sbr.rel @p0 .LBB2_2-.Ltmp2, $3  }
0x3c: {  	[tilespmem:s8+$0x5000] =	vst v0  }
0x3d: {  	[tilespmem:s8+$0x5010] =	vst v0;
	_ =	sdelay $0x1  }
0x3e: {  	s8 =	sshra.s32 s10, $0x2  }
0x3f: {  	[tilespmem:s8+$0x5030] =	vst v0  }
0x40: {  	[tilespmem:s8+$0x5020] =	vst v0  }
0x41: {  	[tilespmem:s8+$0x5000] =	vst v0  }
0x42: {  	[tilespmem:s8+$0x5010] =	vst v0  }
0x43: {  	[spmem:s5] =	stream.linear.scatter [tilespmem:s14], [sflag:$0x11], $0x2000, $0x38;
	[tilespmem:$0x1EE40] =	vst v63  }
0x44: {  	_ =	swait.ge [sflag:s15], $0x2000  }
0x45: {  	[sflag:s15] =	ssyncset.done $0x0  }
0x46: {  	s12 =	rddreg [dreg:$0x3];
	[sflag:s15] =	ssyncadd.s32 $0xFFFFE000  }
0x47: {  	[spmem:s12] =	stream.linear.scatter [tilespmem:s14], [sflag:$0x11], $0x2000, $0x38;
	[tilespmem:$0x1EE40] =	vst v63  }
0x48: {  	_ =	swait.ge [sflag:s15], $0x2000  }
0x49: {  	[sflag:s15] =	ssyncset.done $0x0  }
0x4a: {  	s13 =	rddreg [dreg:$0x4];
	[sflag:s15] =	ssyncadd.s32 $0xFFFFE000  }
0x4b: {  	[spmem:s13] =	stream.linear.scatter [tilespmem:s14], [sflag:$0x11], $0x2000, $0x38;
	[tilespmem:$0x1EE40] =	vst v63  }
0x4c: {  	_ =	swait.ge [sflag:s15], $0x2000  }
0x4d: {  	[sflag:s15] =	ssyncset.done $0x0  }
0x4e: {  	s20 =	rddreg [dreg:$0x5];
	[sflag:s15] =	ssyncadd.s32 $0xFFFFE000  }
0x4f: {  	[spmem:s20] =	stream.linear.scatter [tilespmem:s14], [sflag:$0x11], $0x2000, $0x38;
	[tilespmem:$0x1EE40] =	vst v63  }
0x50: {  	_ =	swait.ge [sflag:s15], $0x2000  }
0x51: {  	[sflag:s15] =	ssyncset.done $0x0  }
0x52: {  	s21 =	rddreg [dreg:$0x6];
	[sflag:s15] =	ssyncadd.s32 $0xFFFFE000  }
0x53: {  	[spmem:s21] =	stream.linear.scatter [tilespmem:s14], [sflag:$0x11], $0x1C40, $0x38;
	[tilespmem:$0x1EE40] =	vst v63  }
0x54: {  	_ =	swait.ge [sflag:s15], $0x1C40  }
0x55: {  	[sflag:s15] =	ssyncset.done $0x0  }
0x56: {  	s8 =	simm.s32 $0x0;
	s9 =	rddreg [dreg:$0x7];
	[sflag:s15] =	ssyncadd.s32 $0xFFFFE3C0  }
0x57: {  	[tilespmem:s8], [sflag:$0x11] =	stream.linear.gather [hbm4b:s9+s8], $0x2800, $0x38;
	[tilespmem:$0x1EE40] =	vst v63  }
0x58: {  	_ =	swait.ge [sflag:s15], $0x2800  }
0x59: {  	[sflag:s15] =	ssyncset.done $0x0  }
0x5a: {  	s10 =	simm.s32 $0x2800;
	s23 =	rddreg [dreg:$0x8];
	[sflag:s15] =	ssyncadd.s32 $0xFFFFD800  }
0x5b: {  	[tilespmem:s10], [sflag:$0x11] =	stream.linear.gather [hbm4b:s23+s8], $0x2800, $0x38;
	[tilespmem:$0x1EE40] =	vst v63  }
0x5c: {  	_ =	swait.ge [sflag:s15], $0x2800  }
0x5d: {  	[sflag:s15] =	ssyncset.done $0x0  }
0x5e: {  	[sflag:s15] =	ssyncadd.s32 $0xFFFFD800  }
0x5f: {  	[tilespmem:s14], [sflag:$0x1] =	stream.indirect.gather [hbm4b:s4+s17], $0x40, s8, s17, $0xb8;
	[tilespmem:$0x1EE40] =	vst v63  }
0x60: {  	_ = 	snop  }
0x61: {  	[tilespmem:s18], [sflag:$0x2] =	stream.indirect.gather [hbm4b:s4+s17], $0x40, s17, s17, $0xb8;
	[tilespmem:$0x1EE40] =	vst v63  }
0x62: {  	s11 =	simm.s32 $0x9000;
	s10 =	simm.s32 $0x100  }
0x63: {  	[tilespmem:s11], [sflag:$0x3] =	stream.indirect.gather [hbm4b:s4+s17], $0x40, s10, s17, $0xb8;
	[tilespmem:$0x1EE40] =	vst v63  }
0x64: {  	s12 =	simm.s32 $0x180  }
0x65: {  	[tilespmem:s22], [sflag:$0x4] =	stream.indirect.gather [hbm4b:s4+s17], $0x40, s12, s17, $0xb8;
	[tilespmem:$0x1EE40] =	vst v63  }
0x66: {  	s13 =	simm.s32 $0x200;
	s20 =	simm.s32 $0xD000  }
0x67: {  	[tilespmem:s20], [sflag:$0x5] =	stream.indirect.gather [hbm4b:s4+s17], $0x40, s13, s17, $0xb8;
	[tilespmem:$0x1EE40] =	vst v63  }
0x68: {  	s21 =	simm.s32 $0x280  }
0x69: {  	[tilespmem:s26], [sflag:$0x6] =	stream.indirect.gather [hbm4b:s4+s17], $0x40, s21, s17, $0xb8;
	[tilespmem:$0x1EE40] =	vst v63  }
0x6a: {  	s23 =	simm.s32 $0x300  }
0x6b: {  	[tilespmem:s29], [sflag:$0x7] =	stream.indirect.gather [hbm4b:s4+s17], $0x40, s23, s17, $0xb8;
	[tilespmem:$0x1EE40] =	vst v63  }
0x6c: {  	[bflag:$0x0] =	sbarrier.arrive $0xFFFF  }
.LBB2_4:
0x6d: {  	_ =	swait.ge [sflag:s30], $0x2000  }
0x6e: {  	s9 =	sshra.s32 s8, $0x2;
	[sflag:s30] =	ssyncset.done $0x0  }
0x6f: {  	p0 =	seq.s32 s8, $0x0;
	s10 =	sadd.s32 $0x2800, s9;
	[sflag:s30] =	ssyncadd.s32 $0xFFFFE000  }
0x70: {  	[spmem:s2] =	stream.indirect.scatter.add.bf16 [tilespmem:s14], [sflag:$0x9], $0x40, s10, s17, $0xb8;
	[tilespmem:$0x1EE40] =	vst v63  }
0x71: {  	s10 =	simm.s32 @!p0 $0x10  }
0x72: {  	s11 =	sshra.s32 @!p0 s8, $0x2;
	_ =	swait.ge @!p0 [sflag:s10], $0x2000  }
0x73: {  	s11 =	sadd.s32 @!p0 $0x380, s11;
	[sflag:s10] =	ssyncset.done @!p0 $0x0  }
0x74: {  	s11 =	simm.s32 @p0 $0x380;
	[sflag:s10] =	ssyncadd.s32 @!p0 $0xFFFFE000  }
0x75: {  	[tilespmem:s31], [sflag:$0x8] =	stream.indirect.gather [hbm4b:s4+s17], $0x40, s11, s17, $0xb8;
	[tilespmem:$0x1EE40] =	vst v63  }
0x76: {  	_ =	swait.ge [sflag:s0], $0x2000  }
0x77: {  	p1 =	seq.s32 s8, $0x9000;
	[sflag:s0] =	ssyncset.done $0x0  }
0x78: {  	s21 =	sadd.s32 $0x2880, s9;
	s10 =	simm.s32 @p1 $0x3;
	[sflag:s0] =	ssyncadd.s32 $0xFFFFE000  }
0x79: {  	[spmem:s2] =	stream.indirect.scatter.add.bf16 [tilespmem:s18], [sflag:$0xA], $0x40, s21, s17, $0xb8;
	[tilespmem:$0x1EE40] =	vst v63  }
0x7a: {  	_ =	swait.ge @p1 [sflag:s10], $0x2000  }
0x7b: {  	s12 =	sshra.s32 @p1 s8, $0x2;
	s13 =	simm.s32 @p1 $0x80;
	[sflag:s10] =	ssyncset.done @p1 $0x0  }
0x7c: {  	s11 =	simm.s32 @p1 $0x9000;
	[sflag:s10] =	ssyncadd.s32 @p1 $0xFFFFE000;
	s10 =	sadd.s32 @p1 $0x2900, s12  }
0x7d: {  	[spmem:s2] =	stream.indirect.scatter.add.bf16 @p1 [tilespmem:s11], [sflag:$0xB], $0x40, s10, s13, $0xb8;
	[tilespmem:$0x1EE40] =	vst v63  }
0x7e: {  	s10 =	simm.s32 @!p1 $0x9  }
0x7f: {  	_ =	swait.ge @!p1 [sflag:s10], $0x2000  }
0x80: {  	[sflag:s10] =	ssyncset.done @!p1 $0x0  }
0x81: {  	[sflag:s10] =	ssyncadd.s32 @!p1 $0xFFFFE000;
	s10 =	sshra.s32 @!p1 s8, $0x2  }
0x82: {  	s21 =	simm.s32 @!p1 $0x5000;
	s11 =	simm.s32 @!p1 $0x80;
	s20 =	sadd.s32 @!p1 $0x400, s10  }
0x83: {  	[tilespmem:s21], [sflag:$0x1] =	stream.indirect.gather @!p1 [hbm4b:s4+s11], $0x40, s20, s11, $0xb8;
	[tilespmem:$0x1EE40] =	vst v63  }
0x84: {  	s20 =	simm.s32 @!p1 $0x3  }
0x85: {  	_ =	swait.ge @!p1 [sflag:s20], $0x2000  }
0x86: {  	[sflag:s20] =	ssyncset.done @!p1 $0x0  }
0x87: {  	s21 =	simm.s32 @!p1 $0x9000;
	[sflag:s20] =	ssyncadd.s32 @!p1 $0xFFFFE000;
	s20 =	sadd.s32 @!p1 $0x2900, s10  }
0x88: {  	[spmem:s2] =	stream.indirect.scatter.add.bf16 @!p1 [tilespmem:s21], [sflag:$0xB], $0x40, s20, s11, $0xb8;
	[tilespmem:$0x1EE40] =	vst v63  }
0x89: {  	s20 =	simm.s32 @!p1 $0xA  }
0x8a: {  	_ =	swait.ge @!p1 [sflag:s20], $0x2000  }
0x8b: {  	[sflag:s20] =	ssyncset.done @!p1 $0x0  }
0x8c: {  	s23 =	simm.s32 @!p1 $0x7000;
	[sflag:s20] =	ssyncadd.s32 @!p1 $0xFFFFE000;
	s20 =	sadd.s32 @!p1 $0x480, s10  }
0x8d: {  	[tilespmem:s23], [sflag:$0x2] =	stream.indirect.gather @!p1 [hbm4b:s4+s11], $0x40, s20, s11, $0xb8;
	[tilespmem:$0x1EE40] =	vst v63  }
0x8e: {  	_ =	swait.ge [sflag:s1], $0x2000  }
0x8f: {  	[sflag:s1] =	ssyncset.done $0x0  }
0x90: {  	s23 =	sadd.s32 $0x2980, s9;
	s20 =	simm.s32 @p1 $0x5;
	[sflag:s1] =	ssyncadd.s32 $0xFFFFE000  }
0x91: {  	[spmem:s2] =	stream.indirect.scatter.add.bf16 [tilespmem:s22], [sflag:$0xC], $0x40, s23, s17, $0xb8;
	[tilespmem:$0x1EE40] =	vst v63  }
0x92: {  	_ =	swait.ge @p1 [sflag:s20], $0x2000  }
0x93: {  	[sflag:s20] =	ssyncset.done @p1 $0x0  }
0x94: {  	s23 =	simm.s32 @p1 $0xD000;
	[sflag:s20] =	ssyncadd.s32 @p1 $0xFFFFE000;
	s20 =	sadd.s32 @p1 $0x2A00, s12  }
0x95: {  	[spmem:s2] =	stream.indirect.scatter.add.bf16 @p1 [tilespmem:s23], [sflag:$0xD], $0x40, s20, s13, $0xb8;
	[tilespmem:$0x1EE40] =	vst v63  }
0x96: {  	s20 =	simm.s32 @!p1 $0xB  }
0x97: {  	_ =	swait.ge @!p1 [sflag:s20], $0x2000  }
0x98: {  	[sflag:s20] =	ssyncset.done @!p1 $0x0  }
0x99: {  	[sflag:s20] =	ssyncadd.s32 @!p1 $0xFFFFE000;
	s20 =	sadd.s32 @!p1 $0x500, s10  }
0x9a: {  	[tilespmem:s21], [sflag:$0x3] =	stream.indirect.gather @!p1 [hbm4b:s4+s11], $0x40, s20, s11, $0xb8;
	[tilespmem:$0x1EE40] =	vst v63  }
0x9b: {  	s20 =	simm.s32 @!p1 $0x5  }
0x9c: {  	_ =	swait.ge @!p1 [sflag:s20], $0x2000  }
0x9d: {  	[sflag:s20] =	ssyncset.done @!p1 $0x0  }
0x9e: {  	s21 =	simm.s32 @!p1 $0xD000;
	[sflag:s20] =	ssyncadd.s32 @!p1 $0xFFFFE000;
	s20 =	sadd.s32 @!p1 $0x2A00, s10  }
0x9f: {  	[spmem:s2] =	stream.indirect.scatter.add.bf16 @!p1 [tilespmem:s21], [sflag:$0xD], $0x40, s20, s11, $0xb8;
	[tilespmem:$0x1EE40] =	vst v63  }
0xa0: {  	s20 =	simm.s32 @!p1 $0xC  }
0xa1: {  	_ =	swait.ge @!p1 [sflag:s20], $0x2000  }
0xa2: {  	[sflag:s20] =	ssyncset.done @!p1 $0x0  }
0xa3: {  	s23 =	simm.s32 @!p1 $0xB000;
	[sflag:s20] =	ssyncadd.s32 @!p1 $0xFFFFE000;
	s20 =	sadd.s32 @!p1 $0x580, s10  }
0xa4: {  	[tilespmem:s23], [sflag:$0x4] =	stream.indirect.gather @!p1 [hbm4b:s4+s11], $0x40, s20, s11, $0xb8;
	[tilespmem:$0x1EE40] =	vst v63  }
0xa5: {  	_ =	swait.ge [sflag:s16], $0x2000  }
0xa6: {  	[sflag:s16] =	ssyncset.done $0x0  }
0xa7: {  	s23 =	sadd.s32 $0x2A80, s9;
	s20 =	simm.s32 @p1 $0x7;
	[sflag:s16] =	ssyncadd.s32 $0xFFFFE000  }
0xa8: {  	[spmem:s2] =	stream.indirect.scatter.add.bf16 [tilespmem:s26], [sflag:$0xE], $0x40, s23, s17, $0xb8;
	[tilespmem:$0x1EE40] =	vst v63  }
0xa9: {  	_ =	swait.ge @p1 [sflag:s20], $0x2000  }
0xaa: {  	[sflag:s20] =	ssyncset.done @p1 $0x0  }
0xab: {  	s12 =	sadd.s32 @p1 $0x2B00, s12;
	[sflag:s20] =	ssyncadd.s32 @p1 $0xFFFFE000;
	s20 =	simm.s32 @p1 $0x11000  }
0xac: {  	[spmem:s2] =	stream.indirect.scatter.add.bf16 @p1 [tilespmem:s20], [sflag:$0xF], $0x40, s12, s13, $0xb8;
	[tilespmem:$0x1EE40] =	vst v63  }
0xad: {  	s12 =	simm.s32 @!p1 $0xD  }
0xae: {  	_ =	swait.ge @!p1 [sflag:s12], $0x2000  }
0xaf: {  	[sflag:s12] =	ssyncset.done @!p1 $0x0  }
0xb0: {  	[sflag:s12] =	ssyncadd.s32 @!p1 $0xFFFFE000;
	s12 =	sadd.s32 @!p1 $0x600, s10  }
0xb1: {  	[tilespmem:s21], [sflag:$0x5] =	stream.indirect.gather @!p1 [hbm4b:s4+s11], $0x40, s12, s11, $0xb8;
	[tilespmem:$0x1EE40] =	vst v63  }
0xb2: {  	s12 =	simm.s32 @!p1 $0x7  }
0xb3: {  	_ =	swait.ge @!p1 [sflag:s12], $0x2000  }
0xb4: {  	[sflag:s12] =	ssyncset.done @!p1 $0x0  }
0xb5: {  	s13 =	simm.s32 @!p1 $0x11000;
	[sflag:s12] =	ssyncadd.s32 @!p1 $0xFFFFE000;
	s12 =	sadd.s32 @!p1 $0x2B00, s10  }
0xb6: {  	[spmem:s2] =	stream.indirect.scatter.add.bf16 @!p1 [tilespmem:s13], [sflag:$0xF], $0x40, s12, s11, $0xb8;
	[tilespmem:$0x1EE40] =	vst v63  }
0xb7: {  	s12 =	simm.s32 @!p1 $0xE  }
0xb8: {  	_ =	swait.ge @!p1 [sflag:s12], $0x2000  }
0xb9: {  	[sflag:s12] =	ssyncset.done @!p1 $0x0  }
0xba: {  	s10 =	sadd.s32 @!p1 $0x680, s10;
	[sflag:s12] =	ssyncadd.s32 @!p1 $0xFFFFE000;
	s12 =	simm.s32 @!p1 $0xF000  }
0xbb: {  	[tilespmem:s12], [sflag:$0x6] =	stream.indirect.gather @!p1 [hbm4b:s4+s11], $0x40, s10, s11, $0xb8;
	[tilespmem:$0x1EE40] =	vst v63  }
.Ltmp3:
0xbc: {  	s13 =	sadd.s32 @!p0 $0xE00, s8;
	(pc) =	sbr.rel @p1 .LBB2_6-.Ltmp3, $4  }
0xbd: {  	s13 =	simm.s32 @p0 $0xE00;
	_ =	swait.ge [sflag:s19], $0x2000  }
0xbe: {  	s23 =	sshra.s32 s13, $0x2;
	[sflag:s19] =	ssyncset.done $0x0  }
0xbf: {  	s10 =	sadd.s32 $0x2800, s23;
	[sflag:s19] =	ssyncadd.s32 $0xFFFFE000  }
0xc0: {  	[spmem:s2] =	stream.indirect.scatter.add.bf16 [tilespmem:s31], [sflag:$0x10], $0x40, s10, s17, $0xb8;
	[tilespmem:$0x1EE40] =	vst v63  }
.Ltmp4:
0xc1: {  	(pc) =	sbr.rel .LBB2_4-.Ltmp4, $4  }
0xc2: {  	_ =	swait.ge [sflag:s6], $0x2000  }
0xc3: {  	[sflag:s6] =	ssyncset.done $0x0  }
0xc4: {  	s9 =	sadd.s32 $0x700, s9;
	s8 =	sadd.s32 $0x1000, s8;
	[sflag:s6] =	ssyncadd.s32 $0xFFFFE000  }
0xc5: {  	[tilespmem:s29], [sflag:$0x7] =	stream.indirect.gather [hbm4b:s4+s17], $0x40, s9, s17, $0xb8;
	[tilespmem:$0x1EE40] =	vst v63  }
.LBB2_7:
0xc6: {  	_ =	sfence.sel $0x180000  }
0xc7: {  	[bflag:$0x0] =	sbarrier.arrive $0xFFFF  }
0xc8: {  	_ =	strace $0x90000050  }
0xc9: {  	s0 =	stileid.u32;
	[bflag:$0x2] =	sbarrier.arrive $0xFFFF  }
0xca: {  	p0 =	sne.s32 s0, $0x0;
	s0 =	rddreg [dreg:$0x2]  }
0xcb: {  	s0 =	sadd.s32 @!p0 $0x100000, s0  }
0xcc: {  	[sflag:s0] =	ssyncadd.tile.s32 @!p0 $0x1;
	_ =	shalt  }
.Lfunc_end2:
_tile_overlayer_lowered:
.L_overlay_start_2:
0xcd: {  	(tag) =	ssettag $0x2  }
0xce: {  	s0 =	rddreg [dreg:$0x0];
	s2 =	stileid.u32  }
0xcf: {  	s1 =	rddreg [dreg:$0x1];
	p0 =	sne.s32 s2, $0x0  }
0xd0: {  	s3 =	rddreg [dreg:$0x2];
	[bflag:$0x3] =	sbarrier.arrive $0xFFFF;
	s2 =	simm.s32 @!p0 $0x1C11  }
0xd1: {  	[timem:s3], [sflag:s2] =	dma.local @!p0 [hbm:s0], s1  }
0xd2: {  	s0 =	simm.s32 @!p0 $0x11  }
0xd3: {  	_ =	swait.ge @!p0 [sflag:s0], s1  }
0xd4: {  	s1 =	ssub.s32 @!p0 $0x0, s1;
	[sflag:s0] =	ssyncset.done @!p0 $0x0  }
0xd5: {  	[sflag:s0] =	ssyncadd.s32 @!p0 s1  }
0xd6: {  	[bflag:$0x3] =	sbarrier.arrive $0xFFFF  }
0xd7: {  	_ =	shalt  }

</sc_bundles>
